<compile_context>
chip_gen: v7x
topology: tpu7x:2x2x1
jax: 0.10.2.dev20260603
libtpu: 0.0.44.dev20260713+nightly
codegen_flags: <defaults>
</compile_context>

<pallas_src>
import functools

import jax
import jax.numpy as jnp
from jax import lax
from jax.experimental import pallas as pl
from jax.experimental.pallas import tpu as pltpu
from jax.experimental.pallas import tpu_sc as plsc

NBINS = 2048
NC = 2
NS = 16
L = 16
NW = NC * NS
N = 16777216
PER_W = N // NW
CHUNK = 32768
NCHUNK = PER_W // CHUNK

_MM_MAJ = N // (8 * 128)
_MM_BLK = 1024
_MM_GRID = _MM_MAJ // _MM_BLK


def _mm_body(x_ref, mm_ref, mn_ref, mx_ref, amn_ref, amx_ref):
    i = pl.program_id(0)

    @pl.when(i == 0)
    def _init():
        amn_ref[...] = jnp.full((8, 128), jnp.inf, jnp.float32)
        amx_ref[...] = jnp.full((8, 128), -jnp.inf, jnp.float32)

    v = x_ref[...]
    amn_ref[...] = jnp.minimum(amn_ref[...], jnp.min(v, axis=0))
    amx_ref[...] = jnp.maximum(amx_ref[...], jnp.max(v, axis=0))

    @pl.when(i == _MM_GRID - 1)
    def _fini():
        mn = jnp.min(amn_ref[...])
        mx = jnp.max(amx_ref[...])
        mm_ref[...] = jnp.stack(
            [jnp.full((L,), mn, jnp.float32), jnp.full((L,), mx, jnp.float32)])
        mn_ref[0, 0] = mn
        mx_ref[0, 0] = mx


_minmax = pl.pallas_call(
    _mm_body,
    grid=(_MM_GRID,),
    in_specs=[pl.BlockSpec((_MM_BLK, 8, 128), lambda i: (i, 0, 0))],
    out_specs=(
        pl.BlockSpec((2, L), lambda i: (0, 0)),
        pl.BlockSpec(memory_space=pltpu.SMEM),
        pl.BlockSpec(memory_space=pltpu.SMEM),
    ),
    out_shape=(
        jax.ShapeDtypeStruct((2, L), jnp.float32),
        jax.ShapeDtypeStruct((1, 1), jnp.float32),
        jax.ShapeDtypeStruct((1, 1), jnp.float32),
    ),
    scratch_shapes=[
        pltpu.VMEM((8, 128), jnp.float32),
        pltpu.VMEM((8, 128), jnp.float32),
    ],
)

_mesh = plsc.VectorSubcoreMesh(core_axis_name="c", subcore_axis_name="s")


@functools.partial(
    pl.kernel,
    out_type=jax.ShapeDtypeStruct((NW, NBINS), jnp.float32),
    mesh=_mesh,
    compiler_params=pltpu.CompilerParams(needs_layout_passes=False),
    scratch_types=[
        pltpu.VMEM((2, CHUNK), jnp.float32),
        pltpu.VMEM((L * NBINS,), jnp.float32),
        pltpu.VMEM((NBINS,), jnp.float32),
        pltpu.VMEM((2, L), jnp.float32),
        pltpu.SemaphoreType.DMA,
        pltpu.SemaphoreType.DMA,
    ],
)
def _hist_k(x_hbm, mm_hbm, hists_hbm, buf, hist, hrow, mmv, sem0, sem1):
    wid = lax.axis_index("s") * NC + lax.axis_index("c")
    base = wid * PER_W
    sems = [sem0, sem1]
    cps = [None, None]
    cps[0] = pltpu.async_copy(x_hbm.at[pl.ds(base, CHUNK)], buf.at[0], sem0)

    pltpu.sync_copy(mm_hbm, mmv)
    mn_vec = mmv[0, :]
    mx_vec = mmv[1, :]
    bw = (mx_vec - mn_vec) * jnp.float32(1.0 / NBINS)
    safe_bw = jnp.where(bw <= 0, jnp.float32(1.0), bw)
    inv_vec = jnp.float32(1.0) / safe_bw
    noff_vec = -(mn_vec * inv_vec)

    zero = jnp.zeros((L,), jnp.float32)

    @plsc.parallel_loop(0, (L * NBINS) // L, 1, unroll=8)
    def _zero(j):
        hist[pl.ds(j * L, L)] = zero

    lane = lax.iota(jnp.int32, L)
    ones = jnp.ones((L,), jnp.float32)
    for c in range(NCHUNK):
        b = c % 2
        if c + 1 < NCHUNK:
            cps[1 - b] = pltpu.async_copy(
                x_hbm.at[pl.ds(base + (c + 1) * CHUNK, CHUNK)],
                buf.at[1 - b], sems[1 - b])
        cps[b].wait()

        @plsc.parallel_loop(0, CHUNK // L, 1, unroll=16)
        def _scan(i, b=b):
            v = buf[b, pl.ds(i * L, L)]
            q = jnp.minimum(v * inv_vec + noff_vec, jnp.float32(NBINS - 1))
            plsc.addupdate_scatter(
                hist, [(q.astype(jnp.int32) << 4) | lane], ones)

    perms = [(lane << 4) | ((lane + k) & (L - 1)) for k in range(L)]

    @plsc.parallel_loop(0, NBINS // L, 1, unroll=2)
    def _comb(j):
        bb = j * (L * L)
        acc = plsc.load_gather(hist, [bb + perms[0]])
        for k in range(1, L):
            acc = acc + plsc.load_gather(hist, [bb + perms[k]])
        hrow[pl.ds(j * L, L)] = acc
    pltpu.sync_copy(hrow, hists_hbm.at[wid])


def _fin_body(hists_ref, hist_ref):
    hist_ref[...] = jnp.sum(hists_ref[...], axis=0, keepdims=True)


_fin = pl.pallas_call(
    _fin_body,
    out_shape=jax.ShapeDtypeStruct((1, NBINS), jnp.float32),
)


def kernel(x):
    mm, mn, mx = _minmax(x.reshape(_MM_MAJ, 8, 128))
    hists = _hist_k(x, mm)
    hist2d = _fin(hists)
    return hist2d.reshape(NBINS), mn.reshape(()), mx.reshape(())

# --- scband reference (transcript-rebuilt; emitter-appended) ---
"""Pipeline reference for scband-histogram-observer-32521492365329 (READ-ONLY COPY).

The authoritative reference and input builder live on the scoring server;
editing this copy changes nothing except your own understanding.
"""

import jax, jax.numpy as jnp
import numpy as np

BINS = 2048

def setup_inputs(seed: int = 0) -> dict:
    key = jax.random.key(seed)
    x = jax.random.normal(key, (16777216,), dtype=jnp.float32)
    return {"x": x}

def reference(x):
    # First call of HistogramObserver.forward: histogram is None, so it
    # records min/max and computes torch.histc(x, bins, min=min_val, max=max_val).
    bins = BINS
    min_val = jnp.min(x)
    max_val = jnp.max(x)
    bin_width = (max_val - min_val) / bins
    # guard against degenerate range (matches histc behavior of putting all in one bin)
    safe_bw = jnp.where(bin_width <= 0, jnp.float32(1.0), bin_width)
    idx = jnp.floor((x - min_val) / safe_bw).astype(jnp.int32)
    idx = jnp.clip(idx, 0, bins - 1)
    histogram = jnp.zeros((bins,), dtype=jnp.float32).at[idx].add(1.0)
    return (histogram, min_val, max_val)

if __name__ == "__main__":
    import jax
    _d = setup_inputs()
    print(jax.jit(kernel)(*tuple(_d.values())))

</pallas_src>

<mosaic_0001>
#map = affine_map<(d0, d1) -> (0)>
#map1 = affine_map<(d0, d1) -> (0, 0)>
module attributes {stable_mosaic.version = 14 : i64} {
  func.func @_hist_k(%arg0: i32, %arg1: i32, %arg2: memref<16777216xf32, #tpu.memory_space<hbm>>, %arg3: memref<2x16xf32, #tpu.memory_space<hbm>>, %arg4: memref<32x2048xf32, #tpu.memory_space<hbm>>, %arg5: memref<2x32768xf32, #tpu.memory_space<vmem>>, %arg6: memref<32768xf32, #tpu.memory_space<vmem>>, %arg7: memref<2048xf32, #tpu.memory_space<vmem>>, %arg8: memref<2x16xf32, #tpu.memory_space<vmem>>, %arg9: memref<!tpu.dma_semaphore, #tpu.memory_space<semaphore_mem>>, %arg10: memref<!tpu.dma_semaphore, #tpu.memory_space<semaphore_mem>>) attributes {dimension_semantics = [#tpu.dimension_semantics<core_parallel>, #tpu.dimension_semantics<subcore_parallel>], iteration_bounds = array<i64: 2, 16>, scalar_prefetch = 0 : i64, scratch_operands = 6 : i64, tpu.core_type = #tpu.core_type<sc_vector_subcore>, window_params = [{transform_indices = #map}, {transform_indices = #map1}, {transform_indices = #map1}]} {
    %mul3A = arith.constant 2 : i32
    %mul3A_0 = arith.muli %arg1, %mul3A : i32
    %add3A = arith.addi %mul3A_0, %arg0 : i32
    %mul3A_1 = arith.constant 524288 : i32
    %mul3A_2 = arith.muli %add3A, %mul3A_1 : i32
    %dma_start3A = arith.constant 0 : i32
    %dma_start3A_3 = arith.constant 0 : i32
    %dma_start3A_4 = tpu.memref_slice %arg5[%dma_start3A, %dma_start3A_3] : memref<2x32768xf32, #tpu.memory_space<vmem>> -> memref<1x32768xf32, #tpu.memory_space<vmem>>
    %dma_start3A_5 = tpu.memref_squeeze %dma_start3A_4 : memref<1x32768xf32, #tpu.memory_space<vmem>> -> memref<32768xf32, #tpu.memory_space<vmem>>
    %dma_start3A_6 = tpu.memref_slice %arg2[%mul3A_2] : memref<16777216xf32, #tpu.memory_space<hbm>> -> memref<32768xf32, #tpu.memory_space<hbm>>
    %dma_start3A_7 = arith.constant 0 : i32
    %dma_start3A_8 = tpu.memref_slice %arg5[%dma_start3A, %dma_start3A_7] : memref<2x32768xf32, #tpu.memory_space<vmem>> -> memref<1x32768xf32, #tpu.memory_space<vmem>>
    %dma_start3A_9 = tpu.memref_squeeze %dma_start3A_8 : memref<1x32768xf32, #tpu.memory_space<vmem>> -> memref<32768xf32, #tpu.memory_space<vmem>>
    %dma_start3A_10 = tpu.memref_slice %arg2[%mul3A_2] : memref<16777216xf32, #tpu.memory_space<hbm>> -> memref<32768xf32, #tpu.memory_space<hbm>>
    tpu.enqueue_dma source(%dma_start3A_10 : memref<32768xf32, #tpu.memory_space<hbm>>) target(%dma_start3A_9 : memref<32768xf32, #tpu.memory_space<vmem>>) target_semaphore(%arg9 : memref<!tpu.dma_semaphore, #tpu.memory_space<semaphore_mem>>)
    "tpu.region"() ({
      %run_scoped3A = tpu.sem_alloc : memref<!tpu.dma_semaphore, #tpu.memory_space<semaphore_mem>>
      tpu.enqueue_dma source(%arg3 : memref<2x16xf32, #tpu.memory_space<hbm>>) target(%arg8 : memref<2x16xf32, #tpu.memory_space<vmem>>) target_semaphore(%run_scoped3A : memref<!tpu.dma_semaphore, #tpu.memory_space<semaphore_mem>>)
      tpu.wait_dma2 semaphore(%run_scoped3A : memref<!tpu.dma_semaphore, #tpu.memory_space<semaphore_mem>>) src(%arg3 : memref<2x16xf32, #tpu.memory_space<hbm>>) dst(%arg8 : memref<2x16xf32, #tpu.memory_space<vmem>>)
      tpu.yield
    }) : () -> ()
    %get3A = arith.constant 0 : i32
    %get3A_11 = arith.index_cast %get3A : i32 to index
    %get3A_12 = arith.constant 0 : index
    %get3A_13 = tpu.vector_load %arg8[%get3A_11, %get3A_12] {strides = array<i32>} : memref<2x16xf32, #tpu.memory_space<vmem>>, vector<16xf32>,
    %get3A_14 = arith.constant 1 : i32
    %get3A_15 = arith.index_cast %get3A_14 : i32 to index
    %get3A_16 = arith.constant 0 : index
    %get3A_17 = tpu.vector_load %arg8[%get3A_15, %get3A_16] {strides = array<i32>} : memref<2x16xf32, #tpu.memory_space<vmem>>, vector<16xf32>,
    %sub3A = arith.subf %get3A_17, %get3A_13 : vector<16xf32>
    %mul3A_18 = arith.constant 4.8828125E-4 : f32
    %mul3A_19 = vector.broadcast %mul3A_18 : f32 to vector<16xf32>
    %mul3A_20 = arith.mulf %sub3A, %mul3A_19 : vector<16xf32>
    %le3A = arith.constant 0.000000e+00 : f32
    %le3A_21 = vector.broadcast %le3A : f32 to vector<16xf32>
    %le3A_22 = arith.cmpf ole, %mul3A_20, %le3A_21 : vector<16xf32>
    %jit3A = arith.constant 1.000000e+00 : f32
    %broadcast_in_dim3A = vector.broadcast %jit3A : f32 to vector<16xf32>
    %select_n3A = arith.select %le3A_22, %broadcast_in_dim3A, %mul3A_20 : vector<16xi1>, vector<16xf32>
    %div3A = arith.constant 1.000000e+00 : f32
    %div3A_23 = vector.broadcast %div3A : f32 to vector<16xf32>
    %div3A_24 = arith.divf %div3A_23, %select_n3A : vector<16xf32>
    %mul3A_25 = arith.mulf %get3A_13, %div3A_24 : vector<16xf32>
    %neg3A = arith.constant 0.000000e+00 : f32
    %neg3A_26 = vector.broadcast %neg3A : f32 to vector<16xf32>
    %neg3A_27 = arith.subf %neg3A_26, %mul3A_25 : vector<16xf32>
    %broadcast_in_dim3A_28 = arith.constant 0.000000e+00 : f32
    %broadcast_in_dim3A_29 = vector.broadcast %broadcast_in_dim3A_28 : f32 to vector<16xf32>
    %parallel_loop3A = arith.constant 0 : i32
    %parallel_loop3A_30 = arith.constant 2048 : i32
    %parallel_loop3A_31 = arith.constant 1 : i32
    scf.for %parallel_loop3A_550 = %parallel_loop3A to %parallel_loop3A_30 step %parallel_loop3A_31  : i32 {
      %parallel_loop3A_551 = arith.constant 16 : i32
      %parallel_loop3A_552 = arith.muli %parallel_loop3A_550, %parallel_loop3A_551 : i32
      %parallel_loop3A_553 = arith.index_cast %parallel_loop3A_552 : i32 to index
      %parallel_loop3A_554 = tpu.vector_load %arg6[%parallel_loop3A_553] {strides = array<i32>} : memref<32768xf32, #tpu.memory_space<vmem>>, vector<16xf32>,
      tpu.vector_store %arg6[%parallel_loop3A_553], %broadcast_in_dim3A_29 {strides = array<i32>} : memref<32768xf32, #tpu.memory_space<vmem>>, vector<16xf32>,
    } {sc.loop_unroll_factor = 8 : i64, sc.parallel_access}
    %iota3A = tpu.iota {dimensions = array<i32: 0>} : vector<16xi32>
    %broadcast_in_dim3A_32 = arith.constant 1.000000e+00 : f32
    %broadcast_in_dim3A_33 = vector.broadcast %broadcast_in_dim3A_32 : f32 to vector<16xf32>
    %add3A_34 = arith.constant 32768 : i32
    %add3A_35 = arith.addi %mul3A_2, %add3A_34 : i32
    %dma_start3A_36 = arith.constant 1 : i32
    %dma_start3A_37 = arith.constant 0 : i32
    %dma_start3A_38 = tpu.memref_slice %arg5[%dma_start3A_36, %dma_start3A_37] : memref<2x32768xf32, #tpu.memory_space<vmem>> -> memref<1x32768xf32, #tpu.memory_space<vmem>>
    %dma_start3A_39 = tpu.memref_squeeze %dma_start3A_38 : memref<1x32768xf32, #tpu.memory_space<vmem>> -> memref<32768xf32, #tpu.memory_space<vmem>>
    %dma_start3A_40 = tpu.memref_slice %arg2[%add3A_35] : memref<16777216xf32, #tpu.memory_space<hbm>> -> memref<32768xf32, #tpu.memory_space<hbm>>
    %dma_start3A_41 = arith.constant 0 : i32
    %dma_start3A_42 = tpu.memref_slice %arg5[%dma_start3A_36, %dma_start3A_41] : memref<2x32768xf32, #tpu.memory_space<vmem>> -> memref<1x32768xf32, #tpu.memory_space<vmem>>
    %dma_start3A_43 = tpu.memref_squeeze %dma_start3A_42 : memref<1x32768xf32, #tpu.memory_space<vmem>> -> memref<32768xf32, #tpu.memory_space<vmem>>
    %dma_start3A_44 = tpu.memref_slice %arg2[%add3A_35] : memref<16777216xf32, #tpu.memory_space<hbm>> -> memref<32768xf32, #tpu.memory_space<hbm>>
    tpu.enqueue_dma source(%dma_start3A_44 : memref<32768xf32, #tpu.memory_space<hbm>>) target(%dma_start3A_43 : memref<32768xf32, #tpu.memory_space<vmem>>) target_semaphore(%arg10 : memref<!tpu.dma_semaphore, #tpu.memory_space<semaphore_mem>>)
    %dma_wait3A = arith.constant 0 : i32
    %dma_wait3A_45 = arith.constant 0 : i32
    %dma_wait3A_46 = tpu.memref_slice %arg5[%dma_wait3A, %dma_wait3A_45] : memref<2x32768xf32, #tpu.memory_space<vmem>> -> memref<1x32768xf32, #tpu.memory_space<vmem>>
    %dma_wait3A_47 = tpu.memref_squeeze %dma_wait3A_46 : memref<1x32768xf32, #tpu.memory_space<vmem>> -> memref<32768xf32, #tpu.memory_space<vmem>>
    %dma_wait3A_48 = tpu.memref_slice %arg2[%mul3A_2] : memref<16777216xf32, #tpu.memory_space<hbm>> -> memref<32768xf32, #tpu.memory_space<hbm>>
    %dma_wait3A_49 = arith.constant 0 : i32
    %dma_wait3A_50 = tpu.memref_slice %arg5[%dma_wait3A, %dma_wait3A_49] : memref<2x32768xf32, #tpu.memory_space<vmem>> -> memref<1x32768xf32, #tpu.memory_space<vmem>>
    %dma_wait3A_51 = tpu.memref_squeeze %dma_wait3A_50 : memref<1x32768xf32, #tpu.memory_space<vmem>> -> memref<32768xf32, #tpu.memory_space<vmem>>
    %dma_wait3A_52 = tpu.memref_slice %arg2[%mul3A_2] : memref<16777216xf32, #tpu.memory_space<hbm>> -> memref<32768xf32, #tpu.memory_space<hbm>>
    tpu.wait_dma2 semaphore(%arg9 : memref<!tpu.dma_semaphore, #tpu.memory_space<semaphore_mem>>) src(%dma_wait3A_52 : memref<32768xf32, #tpu.memory_space<hbm>>) dst(%dma_wait3A_51 : memref<32768xf32, #tpu.memory_space<vmem>>)
    %parallel_loop3A_53 = arith.constant 0 : i32
    %parallel_loop3A_54 = arith.constant 2048 : i32
    %parallel_loop3A_55 = arith.constant 1 : i32
    scf.for %parallel_loop3A_550 = %parallel_loop3A_53 to %parallel_loop3A_54 step %parallel_loop3A_55  : i32 {
      %parallel_loop3A_551 = arith.constant 16 : i32
      %parallel_loop3A_552 = arith.muli %parallel_loop3A_550, %parallel_loop3A_551 : i32
      %parallel_loop3A_553 = arith.constant 0 : i32
      %parallel_loop3A_554 = arith.index_cast %parallel_loop3A_553 : i32 to index
      %parallel_loop3A_555 = arith.index_cast %parallel_loop3A_552 : i32 to index
      %parallel_loop3A_556 = tpu.vector_load %arg5[%parallel_loop3A_554, %parallel_loop3A_555] {strides = array<i32>} : memref<2x32768xf32, #tpu.memory_space<vmem>>, vector<16xf32>,
      %parallel_loop3A_557 = arith.mulf %parallel_loop3A_556, %div3A_24 : vector<16xf32>
      %parallel_loop3A_558 = arith.addf %parallel_loop3A_557, %neg3A_27 : vector<16xf32>
      %parallel_loop3A_559 = arith.constant 2.047000e+03 : f32
      %parallel_loop3A_560 = vector.broadcast %parallel_loop3A_559 : f32 to vector<16xf32>
      %parallel_loop3A_561 = arith.minimumf %parallel_loop3A_558, %parallel_loop3A_560 : vector<16xf32>
      %parallel_loop3A_562 = arith.fptosi %parallel_loop3A_561 : vector<16xf32> to vector<16xi32>
      %parallel_loop3A_563 = arith.constant 4 : i32
      %parallel_loop3A_564 = vector.broadcast %parallel_loop3A_563 : i32 to vector<16xi32>
      %parallel_loop3A_565 = arith.shli %parallel_loop3A_562, %parallel_loop3A_564 : vector<16xi32>
      %parallel_loop3A_566 = arith.ori %parallel_loop3A_565, %iota3A : vector<16xi32>
      tpu.vector_store_idx %arg6[%parallel_loop3A_566], %broadcast_in_dim3A_33 {add = true} : memref<32768xf32, #tpu.memory_space<vmem>>[vector<16xi32>], vector<16xf32>,
    } {sc.loop_unroll_factor = 16 : i64, sc.parallel_access}
    %add3A_56 = arith.constant 65536 : i32
    %add3A_57 = arith.addi %mul3A_2, %add3A_56 : i32
    %dma_start3A_58 = arith.constant 0 : i32
    %dma_start3A_59 = arith.constant 0 : i32
    %dma_start3A_60 = tpu.memref_slice %arg5[%dma_start3A_58, %dma_start3A_59] : memref<2x32768xf32, #tpu.memory_space<vmem>> -> memref<1x32768xf32, #tpu.memory_space<vmem>>
    %dma_start3A_61 = tpu.memref_squeeze %dma_start3A_60 : memref<1x32768xf32, #tpu.memory_space<vmem>> -> memref<32768xf32, #tpu.memory_space<vmem>>
    %dma_start3A_62 = tpu.memref_slice %arg2[%add3A_57] : memref<16777216xf32, #tpu.memory_space<hbm>> -> memref<32768xf32, #tpu.memory_space<hbm>>
    %dma_start3A_63 = arith.constant 0 : i32
    %dma_start3A_64 = tpu.memref_slice %arg5[%dma_start3A_58, %dma_start3A_63] : memref<2x32768xf32, #tpu.memory_space<vmem>> -> memref<1x32768xf32, #tpu.memory_space<vmem>>
    %dma_start3A_65 = tpu.memref_squeeze %dma_start3A_64 : memref<1x32768xf32, #tpu.memory_space<vmem>> -> memref<32768xf32, #tpu.memory_space<vmem>>
    %dma_start3A_66 = tpu.memref_slice %arg2[%add3A_57] : memref<16777216xf32, #tpu.memory_space<hbm>> -> memref<32768xf32, #tpu.memory_space<hbm>>
    tpu.enqueue_dma source(%dma_start3A_66 : memref<32768xf32, #tpu.memory_space<hbm>>) target(%dma_start3A_65 : memref<32768xf32, #tpu.memory_space<vmem>>) target_semaphore(%arg9 : memref<!tpu.dma_semaphore, #tpu.memory_space<semaphore_mem>>)
    %dma_wait3A_67 = arith.constant 1 : i32
    %dma_wait3A_68 = arith.constant 0 : i32
    %dma_wait3A_69 = tpu.memref_slice %arg5[%dma_wait3A_67, %dma_wait3A_68] : memref<2x32768xf32, #tpu.memory_space<vmem>> -> memref<1x32768xf32, #tpu.memory_space<vmem>>
    %dma_wait3A_70 = tpu.memref_squeeze %dma_wait3A_69 : memref<1x32768xf32, #tpu.memory_space<vmem>> -> memref<32768xf32, #tpu.memory_space<vmem>>
    %dma_wait3A_71 = tpu.memref_slice %arg2[%add3A_35] : memref<16777216xf32, #tpu.memory_space<hbm>> -> memref<32768xf32, #tpu.memory_space<hbm>>
    %dma_wait3A_72 = arith.constant 0 : i32
    %dma_wait3A_73 = tpu.memref_slice %arg5[%dma_wait3A_67, %dma_wait3A_72] : memref<2x32768xf32, #tpu.memory_space<vmem>> -> memref<1x32768xf32, #tpu.memory_space<vmem>>
    %dma_wait3A_74 = tpu.memref_squeeze %dma_wait3A_73 : memref<1x32768xf32, #tpu.memory_space<vmem>> -> memref<32768xf32, #tpu.memory_space<vmem>>
    %dma_wait3A_75 = tpu.memref_slice %arg2[%add3A_35] : memref<16777216xf32, #tpu.memory_space<hbm>> -> memref<32768xf32, #tpu.memory_space<hbm>>
    tpu.wait_dma2 semaphore(%arg10 : memref<!tpu.dma_semaphore, #tpu.memory_space<semaphore_mem>>) src(%dma_wait3A_75 : memref<32768xf32, #tpu.memory_space<hbm>>) dst(%dma_wait3A_74 : memref<32768xf32, #tpu.memory_space<vmem>>)
    %parallel_loop3A_76 = arith.constant 0 : i32
    %parallel_loop3A_77 = arith.constant 2048 : i32
    %parallel_loop3A_78 = arith.constant 1 : i32
    scf.for %parallel_loop3A_550 = %parallel_loop3A_76 to %parallel_loop3A_77 step %parallel_loop3A_78  : i32 {
      %parallel_loop3A_551 = arith.constant 16 : i32
      %parallel_loop3A_552 = arith.muli %parallel_loop3A_550, %parallel_loop3A_551 : i32
      %parallel_loop3A_553 = arith.constant 1 : i32
      %parallel_loop3A_554 = arith.index_cast %parallel_loop3A_553 : i32 to index
      %parallel_loop3A_555 = arith.index_cast %parallel_loop3A_552 : i32 to index
      %parallel_loop3A_556 = tpu.vector_load %arg5[%parallel_loop3A_554, %parallel_loop3A_555] {strides = array<i32>} : memref<2x32768xf32, #tpu.memory_space<vmem>>, vector<16xf32>,
      %parallel_loop3A_557 = arith.mulf %parallel_loop3A_556, %div3A_24 : vector<16xf32>
      %parallel_loop3A_558 = arith.addf %parallel_loop3A_557, %neg3A_27 : vector<16xf32>
      %parallel_loop3A_559 = arith.constant 2.047000e+03 : f32
      %parallel_loop3A_560 = vector.broadcast %parallel_loop3A_559 : f32 to vector<16xf32>
      %parallel_loop3A_561 = arith.minimumf %parallel_loop3A_558, %parallel_loop3A_560 : vector<16xf32>
      %parallel_loop3A_562 = arith.fptosi %parallel_loop3A_561 : vector<16xf32> to vector<16xi32>
      %parallel_loop3A_563 = arith.constant 4 : i32
      %parallel_loop3A_564 = vector.broadcast %parallel_loop3A_563 : i32 to vector<16xi32>
      %parallel_loop3A_565 = arith.shli %parallel_loop3A_562, %parallel_loop3A_564 : vector<16xi32>
      %parallel_loop3A_566 = arith.ori %parallel_loop3A_565, %iota3A : vector<16xi32>
      tpu.vector_store_idx %arg6[%parallel_loop3A_566], %broadcast_in_dim3A_33 {add = true} : memref<32768xf32, #tpu.memory_space<vmem>>[vector<16xi32>], vector<16xf32>,
    } {sc.loop_unroll_factor = 16 : i64, sc.parallel_access}
    %add3A_79 = arith.constant 98304 : i32
    %add3A_80 = arith.addi %mul3A_2, %add3A_79 : i32
    %dma_start3A_81 = arith.constant 1 : i32
    %dma_start3A_82 = arith.constant 0 : i32
    %dma_start3A_83 = tpu.memref_slice %arg5[%dma_start3A_81, %dma_start3A_82] : memref<2x32768xf32, #tpu.memory_space<vmem>> -> memref<1x32768xf32, #tpu.memory_space<vmem>>
    %dma_start3A_84 = tpu.memref_squeeze %dma_start3A_83 : memref<1x32768xf32, #tpu.memory_space<vmem>> -> memref<32768xf32, #tpu.memory_space<vmem>>
    %dma_start3A_85 = tpu.memref_slice %arg2[%add3A_80] : memref<16777216xf32, #tpu.memory_space<hbm>> -> memref<32768xf32, #tpu.memory_space<hbm>>
    %dma_start3A_86 = arith.constant 0 : i32
    %dma_start3A_87 = tpu.memref_slice %arg5[%dma_start3A_81, %dma_start3A_86] : memref<2x32768xf32, #tpu.memory_space<vmem>> -> memref<1x32768xf32, #tpu.memory_space<vmem>>
    %dma_start3A_88 = tpu.memref_squeeze %dma_start3A_87 : memref<1x32768xf32, #tpu.memory_space<vmem>> -> memref<32768xf32, #tpu.memory_space<vmem>>
    %dma_start3A_89 = tpu.memref_slice %arg2[%add3A_80] : memref<16777216xf32, #tpu.memory_space<hbm>> -> memref<32768xf32, #tpu.memory_space<hbm>>
    tpu.enqueue_dma source(%dma_start3A_89 : memref<32768xf32, #tpu.memory_space<hbm>>) target(%dma_start3A_88 : memref<32768xf32, #tpu.memory_space<vmem>>) target_semaphore(%arg10 : memref<!tpu.dma_semaphore, #tpu.memory_space<semaphore_mem>>)
    %dma_wait3A_90 = arith.constant 0 : i32
    %dma_wait3A_91 = arith.constant 0 : i32
    %dma_wait3A_92 = tpu.memref_slice %arg5[%dma_wait3A_90, %dma_wait3A_91] : memref<2x32768xf32, #tpu.memory_space<vmem>> -> memref<1x32768xf32, #tpu.memory_space<vmem>>
    %dma_wait3A_93 = tpu.memref_squeeze %dma_wait3A_92 : memref<1x32768xf32, #tpu.memory_space<vmem>> -> memref<32768xf32, #tpu.memory_space<vmem>>
    %dma_wait3A_94 = tpu.memref_slice %arg2[%add3A_57] : memref<16777216xf32, #tpu.memory_space<hbm>> -> memref<32768xf32, #tpu.memory_space<hbm>>
    %dma_wait3A_95 = arith.constant 0 : i32
    %dma_wait3A_96 = tpu.memref_slice %arg5[%dma_wait3A_90, %dma_wait3A_95] : memref<2x32768xf32, #tpu.memory_space<vmem>> -> memref<1x32768xf32, #tpu.memory_space<vmem>>
    %dma_wait3A_97 = tpu.memref_squeeze %dma_wait3A_96 : memref<1x32768xf32, #tpu.memory_space<vmem>> -> memref<32768xf32, #tpu.memory_space<vmem>>
    %dma_wait3A_98 = tpu.memref_slice %arg2[%add3A_57] : memref<16777216xf32, #tpu.memory_space<hbm>> -> memref<32768xf32, #tpu.memory_space<hbm>>
    tpu.wait_dma2 semaphore(%arg9 : memref<!tpu.dma_semaphore, #tpu.memory_space<semaphore_mem>>) src(%dma_wait3A_98 : memref<32768xf32, #tpu.memory_space<hbm>>) dst(%dma_wait3A_97 : memref<32768xf32, #tpu.memory_space<vmem>>)
    %parallel_loop3A_99 = arith.constant 0 : i32
    %parallel_loop3A_100 = arith.constant 2048 : i32
    %parallel_loop3A_101 = arith.constant 1 : i32
    scf.for %parallel_loop3A_550 = %parallel_loop3A_99 to %parallel_loop3A_100 step %parallel_loop3A_101  : i32 {
      %parallel_loop3A_551 = arith.constant 16 : i32
      %parallel_loop3A_552 = arith.muli %parallel_loop3A_550, %parallel_loop3A_551 : i32
      %parallel_loop3A_553 = arith.constant 0 : i32
      %parallel_loop3A_554 = arith.index_cast %parallel_loop3A_553 : i32 to index
      %parallel_loop3A_555 = arith.index_cast %parallel_loop3A_552 : i32 to index
      %parallel_loop3A_556 = tpu.vector_load %arg5[%parallel_loop3A_554, %parallel_loop3A_555] {strides = array<i32>} : memref<2x32768xf32, #tpu.memory_space<vmem>>, vector<16xf32>,
      %parallel_loop3A_557 = arith.mulf %parallel_loop3A_556, %div3A_24 : vector<16xf32>
      %parallel_loop3A_558 = arith.addf %parallel_loop3A_557, %neg3A_27 : vector<16xf32>
      %parallel_loop3A_559 = arith.constant 2.047000e+03 : f32
      %parallel_loop3A_560 = vector.broadcast %parallel_loop3A_559 : f32 to vector<16xf32>
      %parallel_loop3A_561 = arith.minimumf %parallel_loop3A_558, %parallel_loop3A_560 : vector<16xf32>
      %parallel_loop3A_562 = arith.fptosi %parallel_loop3A_561 : vector<16xf32> to vector<16xi32>
      %parallel_loop3A_563 = arith.constant 4 : i32
      %parallel_loop3A_564 = vector.broadcast %parallel_loop3A_563 : i32 to vector<16xi32>
      %parallel_loop3A_565 = arith.shli %parallel_loop3A_562, %parallel_loop3A_564 : vector<16xi32>
      %parallel_loop3A_566 = arith.ori %parallel_loop3A_565, %iota3A : vector<16xi32>
      tpu.vector_store_idx %arg6[%parallel_loop3A_566], %broadcast_in_dim3A_33 {add = true} : memref<32768xf32, #tpu.memory_space<vmem>>[vector<16xi32>], vector<16xf32>,
    } {sc.loop_unroll_factor = 16 : i64, sc.parallel_access}
    %add3A_102 = arith.constant 131072 : i32
    %add3A_103 = arith.addi %mul3A_2, %add3A_102 : i32
    %dma_start3A_104 = arith.constant 0 : i32
    %dma_start3A_105 = arith.constant 0 : i32
    %dma_start3A_106 = tpu.memref_slice %arg5[%dma_start3A_104, %dma_start3A_105] : memref<2x32768xf32, #tpu.memory_space<vmem>> -> memref<1x32768xf32, #tpu.memory_space<vmem>>
    %dma_start3A_107 = tpu.memref_squeeze %dma_start3A_106 : memref<1x32768xf32, #tpu.memory_space<vmem>> -> memref<32768xf32, #tpu.memory_space<vmem>>
    %dma_start3A_108 = tpu.memref_slice %arg2[%add3A_103] : memref<16777216xf32, #tpu.memory_space<hbm>> -> memref<32768xf32, #tpu.memory_space<hbm>>
    %dma_start3A_109 = arith.constant 0 : i32
    %dma_start3A_110 = tpu.memref_slice %arg5[%dma_start3A_104, %dma_start3A_109] : memref<2x32768xf32, #tpu.memory_space<vmem>> -> memref<1x32768xf32, #tpu.memory_space<vmem>>
    %dma_start3A_111 = tpu.memref_squeeze %dma_start3A_110 : memref<1x32768xf32, #tpu.memory_space<vmem>> -> memref<32768xf32, #tpu.memory_space<vmem>>
    %dma_start3A_112 = tpu.memref_slice %arg2[%add3A_103] : memref<16777216xf32, #tpu.memory_space<hbm>> -> memref<32768xf32, #tpu.memory_space<hbm>>
    tpu.enqueue_dma source(%dma_start3A_112 : memref<32768xf32, #tpu.memory_space<hbm>>) target(%dma_start3A_111 : memref<32768xf32, #tpu.memory_space<vmem>>) target_semaphore(%arg9 : memref<!tpu.dma_semaphore, #tpu.memory_space<semaphore_mem>>)
    %dma_wait3A_113 = arith.constant 1 : i32
    %dma_wait3A_114 = arith.constant 0 : i32
    %dma_wait3A_115 = tpu.memref_slice %arg5[%dma_wait3A_113, %dma_wait3A_114] : memref<2x32768xf32, #tpu.memory_space<vmem>> -> memref<1x32768xf32, #tpu.memory_space<vmem>>
    %dma_wait3A_116 = tpu.memref_squeeze %dma_wait3A_115 : memref<1x32768xf32, #tpu.memory_space<vmem>> -> memref<32768xf32, #tpu.memory_space<vmem>>
    %dma_wait3A_117 = tpu.memref_slice %arg2[%add3A_80] : memref<16777216xf32, #tpu.memory_space<hbm>> -> memref<32768xf32, #tpu.memory_space<hbm>>
    %dma_wait3A_118 = arith.constant 0 : i32
    %dma_wait3A_119 = tpu.memref_slice %arg5[%dma_wait3A_113, %dma_wait3A_118] : memref<2x32768xf32, #tpu.memory_space<vmem>> -> memref<1x32768xf32, #tpu.memory_space<vmem>>
    %dma_wait3A_120 = tpu.memref_squeeze %dma_wait3A_119 : memref<1x32768xf32, #tpu.memory_space<vmem>> -> memref<32768xf32, #tpu.memory_space<vmem>>
    %dma_wait3A_121 = tpu.memref_slice %arg2[%add3A_80] : memref<16777216xf32, #tpu.memory_space<hbm>> -> memref<32768xf32, #tpu.memory_space<hbm>>
    tpu.wait_dma2 semaphore(%arg10 : memref<!tpu.dma_semaphore, #tpu.memory_space<semaphore_mem>>) src(%dma_wait3A_121 : memref<32768xf32, #tpu.memory_space<hbm>>) dst(%dma_wait3A_120 : memref<32768xf32, #tpu.memory_space<vmem>>)
    %parallel_loop3A_122 = arith.constant 0 : i32
    %parallel_loop3A_123 = arith.constant 2048 : i32
    %parallel_loop3A_124 = arith.constant 1 : i32
    scf.for %parallel_loop3A_550 = %parallel_loop3A_122 to %parallel_loop3A_123 step %parallel_loop3A_124  : i32 {
      %parallel_loop3A_551 = arith.constant 16 : i32
      %parallel_loop3A_552 = arith.muli %parallel_loop3A_550, %parallel_loop3A_551 : i32
      %parallel_loop3A_553 = arith.constant 1 : i32
      %parallel_loop3A_554 = arith.index_cast %parallel_loop3A_553 : i32 to index
      %parallel_loop3A_555 = arith.index_cast %parallel_loop3A_552 : i32 to index
      %parallel_loop3A_556 = tpu.vector_load %arg5[%parallel_loop3A_554, %parallel_loop3A_555] {strides = array<i32>} : memref<2x32768xf32, #tpu.memory_space<vmem>>, vector<16xf32>,
      %parallel_loop3A_557 = arith.mulf %parallel_loop3A_556, %div3A_24 : vector<16xf32>
      %parallel_loop3A_558 = arith.addf %parallel_loop3A_557, %neg3A_27 : vector<16xf32>
      %parallel_loop3A_559 = arith.constant 2.047000e+03 : f32
      %parallel_loop3A_560 = vector.broadcast %parallel_loop3A_559 : f32 to vector<16xf32>
      %parallel_loop3A_561 = arith.minimumf %parallel_loop3A_558, %parallel_loop3A_560 : vector<16xf32>
      %parallel_loop3A_562 = arith.fptosi %parallel_loop3A_561 : vector<16xf32> to vector<16xi32>
      %parallel_loop3A_563 = arith.constant 4 : i32
      %parallel_loop3A_564 = vector.broadcast %parallel_loop3A_563 : i32 to vector<16xi32>
      %parallel_loop3A_565 = arith.shli %parallel_loop3A_562, %parallel_loop3A_564 : vector<16xi32>
      %parallel_loop3A_566 = arith.ori %parallel_loop3A_565, %iota3A : vector<16xi32>
      tpu.vector_store_idx %arg6[%parallel_loop3A_566], %broadcast_in_dim3A_33 {add = true} : memref<32768xf32, #tpu.memory_space<vmem>>[vector<16xi32>], vector<16xf32>,
    } {sc.loop_unroll_factor = 16 : i64, sc.parallel_access}
    %add3A_125 = arith.constant 163840 : i32
    %add3A_126 = arith.addi %mul3A_2, %add3A_125 : i32
    %dma_start3A_127 = arith.constant 1 : i32
    %dma_start3A_128 = arith.constant 0 : i32
    %dma_start3A_129 = tpu.memref_slice %arg5[%dma_start3A_127, %dma_start3A_128] : memref<2x32768xf32, #tpu.memory_space<vmem>> -> memref<1x32768xf32, #tpu.memory_space<vmem>>
    %dma_start3A_130 = tpu.memref_squeeze %dma_start3A_129 : memref<1x32768xf32, #tpu.memory_space<vmem>> -> memref<32768xf32, #tpu.memory_space<vmem>>
    %dma_start3A_131 = tpu.memref_slice %arg2[%add3A_126] : memref<16777216xf32, #tpu.memory_space<hbm>> -> memref<32768xf32, #tpu.memory_space<hbm>>
    %dma_start3A_132 = arith.constant 0 : i32
    %dma_start3A_133 = tpu.memref_slice %arg5[%dma_start3A_127, %dma_start3A_132] : memref<2x32768xf32, #tpu.memory_space<vmem>> -> memref<1x32768xf32, #tpu.memory_space<vmem>>
    %dma_start3A_134 = tpu.memref_squeeze %dma_start3A_133 : memref<1x32768xf32, #tpu.memory_space<vmem>> -> memref<32768xf32, #tpu.memory_space<vmem>>
    %dma_start3A_135 = tpu.memref_slice %arg2[%add3A_126] : memref<16777216xf32, #tpu.memory_space<hbm>> -> memref<32768xf32, #tpu.memory_space<hbm>>
    tpu.enqueue_dma source(%dma_start3A_135 : memref<32768xf32, #tpu.memory_space<hbm>>) target(%dma_start3A_134 : memref<32768xf32, #tpu.memory_space<vmem>>) target_semaphore(%arg10 : memref<!tpu.dma_semaphore, #tpu.memory_space<semaphore_mem>>)
    %dma_wait3A_136 = arith.constant 0 : i32
    %dma_wait3A_137 = arith.constant 0 : i32
    %dma_wait3A_138 = tpu.memref_slice %arg5[%dma_wait3A_136, %dma_wait3A_137] : memref<2x32768xf32, #tpu.memory_space<vmem>> -> memref<1x32768xf32, #tpu.memory_space<vmem>>
    %dma_wait3A_139 = tpu.memref_squeeze %dma_wait3A_138 : memref<1x32768xf32, #tpu.memory_space<vmem>> -> memref<32768xf32, #tpu.memory_space<vmem>>
    %dma_wait3A_140 = tpu.memref_slice %arg2[%add3A_103] : memref<16777216xf32, #tpu.memory_space<hbm>> -> memref<32768xf32, #tpu.memory_space<hbm>>
    %dma_wait3A_141 = arith.constant 0 : i32
    %dma_wait3A_142 = tpu.memref_slice %arg5[%dma_wait3A_136, %dma_wait3A_141] : memref<2x32768xf32, #tpu.memory_space<vmem>> -> memref<1x32768xf32, #tpu.memory_space<vmem>>
    %dma_wait3A_143 = tpu.memref_squeeze %dma_wait3A_142 : memref<1x32768xf32, #tpu.memory_space<vmem>> -> memref<32768xf32, #tpu.memory_space<vmem>>
    %dma_wait3A_144 = tpu.memref_slice %arg2[%add3A_103] : memref<16777216xf32, #tpu.memory_space<hbm>> -> memref<32768xf32, #tpu.memory_space<hbm>>
    tpu.wait_dma2 semaphore(%arg9 : memref<!tpu.dma_semaphore, #tpu.memory_space<semaphore_mem>>) src(%dma_wait3A_144 : memref<32768xf32, #tpu.memory_space<hbm>>) dst(%dma_wait3A_143 : memref<32768xf32, #tpu.memory_space<vmem>>)
    %parallel_loop3A_145 = arith.constant 0 : i32
    %parallel_loop3A_146 = arith.constant 2048 : i32
    %parallel_loop3A_147 = arith.constant 1 : i32
    scf.for %parallel_loop3A_550 = %parallel_loop3A_145 to %parallel_loop3A_146 step %parallel_loop3A_147  : i32 {
      %parallel_loop3A_551 = arith.constant 16 : i32
      %parallel_loop3A_552 = arith.muli %parallel_loop3A_550, %parallel_loop3A_551 : i32
      %parallel_loop3A_553 = arith.constant 0 : i32
      %parallel_loop3A_554 = arith.index_cast %parallel_loop3A_553 : i32 to index
      %parallel_loop3A_555 = arith.index_cast %parallel_loop3A_552 : i32 to index
      %parallel_loop3A_556 = tpu.vector_load %arg5[%parallel_loop3A_554, %parallel_loop3A_555] {strides = array<i32>} : memref<2x32768xf32, #tpu.memory_space<vmem>>, vector<16xf32>,
      %parallel_loop3A_557 = arith.mulf %parallel_loop3A_556, %div3A_24 : vector<16xf32>
      %parallel_loop3A_558 = arith.addf %parallel_loop3A_557, %neg3A_27 : vector<16xf32>
      %parallel_loop3A_559 = arith.constant 2.047000e+03 : f32
      %parallel_loop3A_560 = vector.broadcast %parallel_loop3A_559 : f32 to vector<16xf32>
      %parallel_loop3A_561 = arith.minimumf %parallel_loop3A_558, %parallel_loop3A_560 : vector<16xf32>
      %parallel_loop3A_562 = arith.fptosi %parallel_loop3A_561 : vector<16xf32> to vector<16xi32>
      %parallel_loop3A_563 = arith.constant 4 : i32
      %parallel_loop3A_564 = vector.broadcast %parallel_loop3A_563 : i32 to vector<16xi32>
      %parallel_loop3A_565 = arith.shli %parallel_loop3A_562, %parallel_loop3A_564 : vector<16xi32>
      %parallel_loop3A_566 = arith.ori %parallel_loop3A_565, %iota3A : vector<16xi32>
      tpu.vector_store_idx %arg6[%parallel_loop3A_566], %broadcast_in_dim3A_33 {add = true} : memref<32768xf32, #tpu.memory_space<vmem>>[vector<16xi32>], vector<16xf32>,
    } {sc.loop_unroll_factor = 16 : i64, sc.parallel_access}
    %add3A_148 = arith.constant 196608 : i32
    %add3A_149 = arith.addi %mul3A_2, %add3A_148 : i32
    %dma_start3A_150 = arith.constant 0 : i32
    %dma_start3A_151 = arith.constant 0 : i32
    %dma_start3A_152 = tpu.memref_slice %arg5[%dma_start3A_150, %dma_start3A_151] : memref<2x32768xf32, #tpu.memory_space<vmem>> -> memref<1x32768xf32, #tpu.memory_space<vmem>>
    %dma_start3A_153 = tpu.memref_squeeze %dma_start3A_152 : memref<1x32768xf32, #tpu.memory_space<vmem>> -> memref<32768xf32, #tpu.memory_space<vmem>>
    %dma_start3A_154 = tpu.memref_slice %arg2[%add3A_149] : memref<16777216xf32, #tpu.memory_space<hbm>> -> memref<32768xf32, #tpu.memory_space<hbm>>
    %dma_start3A_155 = arith.constant 0 : i32
    %dma_start3A_156 = tpu.memref_slice %arg5[%dma_start3A_150, %dma_start3A_155] : memref<2x32768xf32, #tpu.memory_space<vmem>> -> memref<1x32768xf32, #tpu.memory_space<vmem>>
    %dma_start3A_157 = tpu.memref_squeeze %dma_start3A_156 : memref<1x32768xf32, #tpu.memory_space<vmem>> -> memref<32768xf32, #tpu.memory_space<vmem>>
    %dma_start3A_158 = tpu.memref_slice %arg2[%add3A_149] : memref<16777216xf32, #tpu.memory_space<hbm>> -> memref<32768xf32, #tpu.memory_space<hbm>>
    tpu.enqueue_dma source(%dma_start3A_158 : memref<32768xf32, #tpu.memory_space<hbm>>) target(%dma_start3A_157 : memref<32768xf32, #tpu.memory_space<vmem>>) target_semaphore(%arg9 : memref<!tpu.dma_semaphore, #tpu.memory_space<semaphore_mem>>)
    %dma_wait3A_159 = arith.constant 1 : i32
    %dma_wait3A_160 = arith.constant 0 : i32
    %dma_wait3A_161 = tpu.memref_slice %arg5[%dma_wait3A_159, %dma_wait3A_160] : memref<2x32768xf32, #tpu.memory_space<vmem>> -> memref<1x32768xf32, #tpu.memory_space<vmem>>
    %dma_wait3A_162 = tpu.memref_squeeze %dma_wait3A_161 : memref<1x32768xf32, #tpu.memory_space<vmem>> -> memref<32768xf32, #tpu.memory_space<vmem>>
    %dma_wait3A_163 = tpu.memref_slice %arg2[%add3A_126] : memref<16777216xf32, #tpu.memory_space<hbm>> -> memref<32768xf32, #tpu.memory_space<hbm>>
    %dma_wait3A_164 = arith.constant 0 : i32
    %dma_wait3A_165 = tpu.memref_slice %arg5[%dma_wait3A_159, %dma_wait3A_164] : memref<2x32768xf32, #tpu.memory_space<vmem>> -> memref<1x32768xf32, #tpu.memory_space<vmem>>
    %dma_wait3A_166 = tpu.memref_squeeze %dma_wait3A_165 : memref<1x32768xf32, #tpu.memory_space<vmem>> -> memref<32768xf32, #tpu.memory_space<vmem>>
    %dma_wait3A_167 = tpu.memref_slice %arg2[%add3A_126] : memref<16777216xf32, #tpu.memory_space<hbm>> -> memref<32768xf32, #tpu.memory_space<hbm>>
    tpu.wait_dma2 semaphore(%arg10 : memref<!tpu.dma_semaphore, #tpu.memory_space<semaphore_mem>>) src(%dma_wait3A_167 : memref<32768xf32, #tpu.memory_space<hbm>>) dst(%dma_wait3A_166 : memref<32768xf32, #tpu.memory_space<vmem>>)
    %parallel_loop3A_168 = arith.constant 0 : i32
    %parallel_loop3A_169 = arith.constant 2048 : i32
    %parallel_loop3A_170 = arith.constant 1 : i32
    scf.for %parallel_loop3A_550 = %parallel_loop3A_168 to %parallel_loop3A_169 step %parallel_loop3A_170  : i32 {
      %parallel_loop3A_551 = arith.constant 16 : i32
      %parallel_loop3A_552 = arith.muli %parallel_loop3A_550, %parallel_loop3A_551 : i32
      %parallel_loop3A_553 = arith.constant 1 : i32
      %parallel_loop3A_554 = arith.index_cast %parallel_loop3A_553 : i32 to index
      %parallel_loop3A_555 = arith.index_cast %parallel_loop3A_552 : i32 to index
      %parallel_loop3A_556 = tpu.vector_load %arg5[%parallel_loop3A_554, %parallel_loop3A_555] {strides = array<i32>} : memref<2x32768xf32, #tpu.memory_space<vmem>>, vector<16xf32>,
      %parallel_loop3A_557 = arith.mulf %parallel_loop3A_556, %div3A_24 : vector<16xf32>
      %parallel_loop3A_558 = arith.addf %parallel_loop3A_557, %neg3A_27 : vector<16xf32>
      %parallel_loop3A_559 = arith.constant 2.047000e+03 : f32
      %parallel_loop3A_560 = vector.broadcast %parallel_loop3A_559 : f32 to vector<16xf32>
      %parallel_loop3A_561 = arith.minimumf %parallel_loop3A_558, %parallel_loop3A_560 : vector<16xf32>
      %parallel_loop3A_562 = arith.fptosi %parallel_loop3A_561 : vector<16xf32> to vector<16xi32>
      %parallel_loop3A_563 = arith.constant 4 : i32
      %parallel_loop3A_564 = vector.broadcast %parallel_loop3A_563 : i32 to vector<16xi32>
      %parallel_loop3A_565 = arith.shli %parallel_loop3A_562, %parallel_loop3A_564 : vector<16xi32>
      %parallel_loop3A_566 = arith.ori %parallel_loop3A_565, %iota3A : vector<16xi32>
      tpu.vector_store_idx %arg6[%parallel_loop3A_566], %broadcast_in_dim3A_33 {add = true} : memref<32768xf32, #tpu.memory_space<vmem>>[vector<16xi32>], vector<16xf32>,
    } {sc.loop_unroll_factor = 16 : i64, sc.parallel_access}
    %add3A_171 = arith.constant 229376 : i32
    %add3A_172 = arith.addi %mul3A_2, %add3A_171 : i32
    %dma_start3A_173 = arith.constant 1 : i32
    %dma_start3A_174 = arith.constant 0 : i32
    %dma_start3A_175 = tpu.memref_slice %arg5[%dma_start3A_173, %dma_start3A_174] : memref<2x32768xf32, #tpu.memory_space<vmem>> -> memref<1x32768xf32, #tpu.memory_space<vmem>>
    %dma_start3A_176 = tpu.memref_squeeze %dma_start3A_175 : memref<1x32768xf32, #tpu.memory_space<vmem>> -> memref<32768xf32, #tpu.memory_space<vmem>>
    %dma_start3A_177 = tpu.memref_slice %arg2[%add3A_172] : memref<16777216xf32, #tpu.memory_space<hbm>> -> memref<32768xf32, #tpu.memory_space<hbm>>
    %dma_start3A_178 = arith.constant 0 : i32
    %dma_start3A_179 = tpu.memref_slice %arg5[%dma_start3A_173, %dma_start3A_178] : memref<2x32768xf32, #tpu.memory_space<vmem>> -> memref<1x32768xf32, #tpu.memory_space<vmem>>
    %dma_start3A_180 = tpu.memref_squeeze %dma_start3A_179 : memref<1x32768xf32, #tpu.memory_space<vmem>> -> memref<32768xf32, #tpu.memory_space<vmem>>
    %dma_start3A_181 = tpu.memref_slice %arg2[%add3A_172] : memref<16777216xf32, #tpu.memory_space<hbm>> -> memref<32768xf32, #tpu.memory_space<hbm>>
    tpu.enqueue_dma source(%dma_start3A_181 : memref<32768xf32, #tpu.memory_space<hbm>>) target(%dma_start3A_180 : memref<32768xf32, #tpu.memory_space<vmem>>) target_semaphore(%arg10 : memref<!tpu.dma_semaphore, #tpu.memory_space<semaphore_mem>>)
    %dma_wait3A_182 = arith.constant 0 : i32
    %dma_wait3A_183 = arith.constant 0 : i32
    %dma_wait3A_184 = tpu.memref_slice %arg5[%dma_wait3A_182, %dma_wait3A_183] : memref<2x32768xf32, #tpu.memory_space<vmem>> -> memref<1x32768xf32, #tpu.memory_space<vmem>>
    %dma_wait3A_185 = tpu.memref_squeeze %dma_wait3A_184 : memref<1x32768xf32, #tpu.memory_space<vmem>> -> memref<32768xf32, #tpu.memory_space<vmem>>
    %dma_wait3A_186 = tpu.memref_slice %arg2[%add3A_149] : memref<16777216xf32, #tpu.memory_space<hbm>> -> memref<32768xf32, #tpu.memory_space<hbm>>
    %dma_wait3A_187 = arith.constant 0 : i32
    %dma_wait3A_188 = tpu.memref_slice %arg5[%dma_wait3A_182, %dma_wait3A_187] : memref<2x32768xf32, #tpu.memory_space<vmem>> -> memref<1x32768xf32, #tpu.memory_space<vmem>>
    %dma_wait3A_189 = tpu.memref_squeeze %dma_wait3A_188 : memref<1x32768xf32, #tpu.memory_space<vmem>> -> memref<32768xf32, #tpu.memory_space<vmem>>
    %dma_wait3A_190 = tpu.memref_slice %arg2[%add3A_149] : memref<16777216xf32, #tpu.memory_space<hbm>> -> memref<32768xf32, #tpu.memory_space<hbm>>
    tpu.wait_dma2 semaphore(%arg9 : memref<!tpu.dma_semaphore, #tpu.memory_space<semaphore_mem>>) src(%dma_wait3A_190 : memref<32768xf32, #tpu.memory_space<hbm>>) dst(%dma_wait3A_189 : memref<32768xf32, #tpu.memory_space<vmem>>)
    %parallel_loop3A_191 = arith.constant 0 : i32
    %parallel_loop3A_192 = arith.constant 2048 : i32
    %parallel_loop3A_193 = arith.constant 1 : i32
    scf.for %parallel_loop3A_550 = %parallel_loop3A_191 to %parallel_loop3A_192 step %parallel_loop3A_193  : i32 {
      %parallel_loop3A_551 = arith.constant 16 : i32
      %parallel_loop3A_552 = arith.muli %parallel_loop3A_550, %parallel_loop3A_551 : i32
      %parallel_loop3A_553 = arith.constant 0 : i32
      %parallel_loop3A_554 = arith.index_cast %parallel_loop3A_553 : i32 to index
      %parallel_loop3A_555 = arith.index_cast %parallel_loop3A_552 : i32 to index
      %parallel_loop3A_556 = tpu.vector_load %arg5[%parallel_loop3A_554, %parallel_loop3A_555] {strides = array<i32>} : memref<2x32768xf32, #tpu.memory_space<vmem>>, vector<16xf32>,
      %parallel_loop3A_557 = arith.mulf %parallel_loop3A_556, %div3A_24 : vector<16xf32>
      %parallel_loop3A_558 = arith.addf %parallel_loop3A_557, %neg3A_27 : vector<16xf32>
      %parallel_loop3A_559 = arith.constant 2.047000e+03 : f32
      %parallel_loop3A_560 = vector.broadcast %parallel_loop3A_559 : f32 to vector<16xf32>
      %parallel_loop3A_561 = arith.minimumf %parallel_loop3A_558, %parallel_loop3A_560 : vector<16xf32>
      %parallel_loop3A_562 = arith.fptosi %parallel_loop3A_561 : vector<16xf32> to vector<16xi32>
      %parallel_loop3A_563 = arith.constant 4 : i32
      %parallel_loop3A_564 = vector.broadcast %parallel_loop3A_563 : i32 to vector<16xi32>
      %parallel_loop3A_565 = arith.shli %parallel_loop3A_562, %parallel_loop3A_564 : vector<16xi32>
      %parallel_loop3A_566 = arith.ori %parallel_loop3A_565, %iota3A : vector<16xi32>
      tpu.vector_store_idx %arg6[%parallel_loop3A_566], %broadcast_in_dim3A_33 {add = true} : memref<32768xf32, #tpu.memory_space<vmem>>[vector<16xi32>], vector<16xf32>,
    } {sc.loop_unroll_factor = 16 : i64, sc.parallel_access}
    %add3A_194 = arith.constant 262144 : i32
    %add3A_195 = arith.addi %mul3A_2, %add3A_194 : i32
    %dma_start3A_196 = arith.constant 0 : i32
    %dma_start3A_197 = arith.constant 0 : i32
    %dma_start3A_198 = tpu.memref_slice %arg5[%dma_start3A_196, %dma_start3A_197] : memref<2x32768xf32, #tpu.memory_space<vmem>> -> memref<1x32768xf32, #tpu.memory_space<vmem>>
    %dma_start3A_199 = tpu.memref_squeeze %dma_start3A_198 : memref<1x32768xf32, #tpu.memory_space<vmem>> -> memref<32768xf32, #tpu.memory_space<vmem>>
    %dma_start3A_200 = tpu.memref_slice %arg2[%add3A_195] : memref<16777216xf32, #tpu.memory_space<hbm>> -> memref<32768xf32, #tpu.memory_space<hbm>>
    %dma_start3A_201 = arith.constant 0 : i32
    %dma_start3A_202 = tpu.memref_slice %arg5[%dma_start3A_196, %dma_start3A_201] : memref<2x32768xf32, #tpu.memory_space<vmem>> -> memref<1x32768xf32, #tpu.memory_space<vmem>>
    %dma_start3A_203 = tpu.memref_squeeze %dma_start3A_202 : memref<1x32768xf32, #tpu.memory_space<vmem>> -> memref<32768xf32, #tpu.memory_space<vmem>>
    %dma_start3A_204 = tpu.memref_slice %arg2[%add3A_195] : memref<16777216xf32, #tpu.memory_space<hbm>> -> memref<32768xf32, #tpu.memory_space<hbm>>
    tpu.enqueue_dma source(%dma_start3A_204 : memref<32768xf32, #tpu.memory_space<hbm>>) target(%dma_start3A_203 : memref<32768xf32, #tpu.memory_space<vmem>>) target_semaphore(%arg9 : memref<!tpu.dma_semaphore, #tpu.memory_space<semaphore_mem>>)
    %dma_wait3A_205 = arith.constant 1 : i32
    %dma_wait3A_206 = arith.constant 0 : i32
    %dma_wait3A_207 = tpu.memref_slice %arg5[%dma_wait3A_205, %dma_wait3A_206] : memref<2x32768xf32, #tpu.memory_space<vmem>> -> memref<1x32768xf32, #tpu.memory_space<vmem>>
    %dma_wait3A_208 = tpu.memref_squeeze %dma_wait3A_207 : memref<1x32768xf32, #tpu.memory_space<vmem>> -> memref<32768xf32, #tpu.memory_space<vmem>>
    %dma_wait3A_209 = tpu.memref_slice %arg2[%add3A_172] : memref<16777216xf32, #tpu.memory_space<hbm>> -> memref<32768xf32, #tpu.memory_space<hbm>>
    %dma_wait3A_210 = arith.constant 0 : i32
    %dma_wait3A_211 = tpu.memref_slice %arg5[%dma_wait3A_205, %dma_wait3A_210] : memref<2x32768xf32, #tpu.memory_space<vmem>> -> memref<1x32768xf32, #tpu.memory_space<vmem>>
    %dma_wait3A_212 = tpu.memref_squeeze %dma_wait3A_211 : memref<1x32768xf32, #tpu.memory_space<vmem>> -> memref<32768xf32, #tpu.memory_space<vmem>>
    %dma_wait3A_213 = tpu.memref_slice %arg2[%add3A_172] : memref<16777216xf32, #tpu.memory_space<hbm>> -> memref<32768xf32, #tpu.memory_space<hbm>>
    tpu.wait_dma2 semaphore(%arg10 : memref<!tpu.dma_semaphore, #tpu.memory_space<semaphore_mem>>) src(%dma_wait3A_213 : memref<32768xf32, #tpu.memory_space<hbm>>) dst(%dma_wait3A_212 : memref<32768xf32, #tpu.memory_space<vmem>>)
    %parallel_loop3A_214 = arith.constant 0 : i32
    %parallel_loop3A_215 = arith.constant 2048 : i32
    %parallel_loop3A_216 = arith.constant 1 : i32
    scf.for %parallel_loop3A_550 = %parallel_loop3A_214 to %parallel_loop3A_215 step %parallel_loop3A_216  : i32 {
      %parallel_loop3A_551 = arith.constant 16 : i32
      %parallel_loop3A_552 = arith.muli %parallel_loop3A_550, %parallel_loop3A_551 : i32
      %parallel_loop3A_553 = arith.constant 1 : i32
      %parallel_loop3A_554 = arith.index_cast %parallel_loop3A_553 : i32 to index
      %parallel_loop3A_555 = arith.index_cast %parallel_loop3A_552 : i32 to index
      %parallel_loop3A_556 = tpu.vector_load %arg5[%parallel_loop3A_554, %parallel_loop3A_555] {strides = array<i32>} : memref<2x32768xf32, #tpu.memory_space<vmem>>, vector<16xf32>,
      %parallel_loop3A_557 = arith.mulf %parallel_loop3A_556, %div3A_24 : vector<16xf32>
      %parallel_loop3A_558 = arith.addf %parallel_loop3A_557, %neg3A_27 : vector<16xf32>
      %parallel_loop3A_559 = arith.constant 2.047000e+03 : f32
      %parallel_loop3A_560 = vector.broadcast %parallel_loop3A_559 : f32 to vector<16xf32>
      %parallel_loop3A_561 = arith.minimumf %parallel_loop3A_558, %parallel_loop3A_560 : vector<16xf32>
      %parallel_loop3A_562 = arith.fptosi %parallel_loop3A_561 : vector<16xf32> to vector<16xi32>
      %parallel_loop3A_563 = arith.constant 4 : i32
      %parallel_loop3A_564 = vector.broadcast %parallel_loop3A_563 : i32 to vector<16xi32>
      %parallel_loop3A_565 = arith.shli %parallel_loop3A_562, %parallel_loop3A_564 : vector<16xi32>
      %parallel_loop3A_566 = arith.ori %parallel_loop3A_565, %iota3A : vector<16xi32>
      tpu.vector_store_idx %arg6[%parallel_loop3A_566], %broadcast_in_dim3A_33 {add = true} : memref<32768xf32, #tpu.memory_space<vmem>>[vector<16xi32>], vector<16xf32>,
    } {sc.loop_unroll_factor = 16 : i64, sc.parallel_access}
    %add3A_217 = arith.constant 294912 : i32
    %add3A_218 = arith.addi %mul3A_2, %add3A_217 : i32
    %dma_start3A_219 = arith.constant 1 : i32
    %dma_start3A_220 = arith.constant 0 : i32
    %dma_start3A_221 = tpu.memref_slice %arg5[%dma_start3A_219, %dma_start3A_220] : memref<2x32768xf32, #tpu.memory_space<vmem>> -> memref<1x32768xf32, #tpu.memory_space<vmem>>
    %dma_start3A_222 = tpu.memref_squeeze %dma_start3A_221 : memref<1x32768xf32, #tpu.memory_space<vmem>> -> memref<32768xf32, #tpu.memory_space<vmem>>
    %dma_start3A_223 = tpu.memref_slice %arg2[%add3A_218] : memref<16777216xf32, #tpu.memory_space<hbm>> -> memref<32768xf32, #tpu.memory_space<hbm>>
    %dma_start3A_224 = arith.constant 0 : i32
    %dma_start3A_225 = tpu.memref_slice %arg5[%dma_start3A_219, %dma_start3A_224] : memref<2x32768xf32, #tpu.memory_space<vmem>> -> memref<1x32768xf32, #tpu.memory_space<vmem>>
    %dma_start3A_226 = tpu.memref_squeeze %dma_start3A_225 : memref<1x32768xf32, #tpu.memory_space<vmem>> -> memref<32768xf32, #tpu.memory_space<vmem>>
    %dma_start3A_227 = tpu.memref_slice %arg2[%add3A_218] : memref<16777216xf32, #tpu.memory_space<hbm>> -> memref<32768xf32, #tpu.memory_space<hbm>>
    tpu.enqueue_dma source(%dma_start3A_227 : memref<32768xf32, #tpu.memory_space<hbm>>) target(%dma_start3A_226 : memref<32768xf32, #tpu.memory_space<vmem>>) target_semaphore(%arg10 : memref<!tpu.dma_semaphore, #tpu.memory_space<semaphore_mem>>)
    %dma_wait3A_228 = arith.constant 0 : i32
    %dma_wait3A_229 = arith.constant 0 : i32
    %dma_wait3A_230 = tpu.memref_slice %arg5[%dma_wait3A_228, %dma_wait3A_229] : memref<2x32768xf32, #tpu.memory_space<vmem>> -> memref<1x32768xf32, #tpu.memory_space<vmem>>
    %dma_wait3A_231 = tpu.memref_squeeze %dma_wait3A_230 : memref<1x32768xf32, #tpu.memory_space<vmem>> -> memref<32768xf32, #tpu.memory_space<vmem>>
    %dma_wait3A_232 = tpu.memref_slice %arg2[%add3A_195] : memref<16777216xf32, #tpu.memory_space<hbm>> -> memref<32768xf32, #tpu.memory_space<hbm>>
    %dma_wait3A_233 = arith.constant 0 : i32
    %dma_wait3A_234 = tpu.memref_slice %arg5[%dma_wait3A_228, %dma_wait3A_233] : memref<2x32768xf32, #tpu.memory_space<vmem>> -> memref<1x32768xf32, #tpu.memory_space<vmem>>
    %dma_wait3A_235 = tpu.memref_squeeze %dma_wait3A_234 : memref<1x32768xf32, #tpu.memory_space<vmem>> -> memref<32768xf32, #tpu.memory_space<vmem>>
    %dma_wait3A_236 = tpu.memref_slice %arg2[%add3A_195] : memref<16777216xf32, #tpu.memory_space<hbm>> -> memref<32768xf32, #tpu.memory_space<hbm>>
    tpu.wait_dma2 semaphore(%arg9 : memref<!tpu.dma_semaphore, #tpu.memory_space<semaphore_mem>>) src(%dma_wait3A_236 : memref<32768xf32, #tpu.memory_space<hbm>>) dst(%dma_wait3A_235 : memref<32768xf32, #tpu.memory_space<vmem>>)
    %parallel_loop3A_237 = arith.constant 0 : i32
    %parallel_loop3A_238 = arith.constant 2048 : i32
    %parallel_loop3A_239 = arith.constant 1 : i32
    scf.for %parallel_loop3A_550 = %parallel_loop3A_237 to %parallel_loop3A_238 step %parallel_loop3A_239  : i32 {
      %parallel_loop3A_551 = arith.constant 16 : i32
      %parallel_loop3A_552 = arith.muli %parallel_loop3A_550, %parallel_loop3A_551 : i32
      %parallel_loop3A_553 = arith.constant 0 : i32
      %parallel_loop3A_554 = arith.index_cast %parallel_loop3A_553 : i32 to index
      %parallel_loop3A_555 = arith.index_cast %parallel_loop3A_552 : i32 to index
      %parallel_loop3A_556 = tpu.vector_load %arg5[%parallel_loop3A_554, %parallel_loop3A_555] {strides = array<i32>} : memref<2x32768xf32, #tpu.memory_space<vmem>>, vector<16xf32>,
      %parallel_loop3A_557 = arith.mulf %parallel_loop3A_556, %div3A_24 : vector<16xf32>
      %parallel_loop3A_558 = arith.addf %parallel_loop3A_557, %neg3A_27 : vector<16xf32>
      %parallel_loop3A_559 = arith.constant 2.047000e+03 : f32
      %parallel_loop3A_560 = vector.broadcast %parallel_loop3A_559 : f32 to vector<16xf32>
      %parallel_loop3A_561 = arith.minimumf %parallel_loop3A_558, %parallel_loop3A_560 : vector<16xf32>
      %parallel_loop3A_562 = arith.fptosi %parallel_loop3A_561 : vector<16xf32> to vector<16xi32>
      %parallel_loop3A_563 = arith.constant 4 : i32
      %parallel_loop3A_564 = vector.broadcast %parallel_loop3A_563 : i32 to vector<16xi32>
      %parallel_loop3A_565 = arith.shli %parallel_loop3A_562, %parallel_loop3A_564 : vector<16xi32>
      %parallel_loop3A_566 = arith.ori %parallel_loop3A_565, %iota3A : vector<16xi32>
      tpu.vector_store_idx %arg6[%parallel_loop3A_566], %broadcast_in_dim3A_33 {add = true} : memref<32768xf32, #tpu.memory_space<vmem>>[vector<16xi32>], vector<16xf32>,
    } {sc.loop_unroll_factor = 16 : i64, sc.parallel_access}
    %add3A_240 = arith.constant 327680 : i32
    %add3A_241 = arith.addi %mul3A_2, %add3A_240 : i32
    %dma_start3A_242 = arith.constant 0 : i32
    %dma_start3A_243 = arith.constant 0 : i32
    %dma_start3A_244 = tpu.memref_slice %arg5[%dma_start3A_242, %dma_start3A_243] : memref<2x32768xf32, #tpu.memory_space<vmem>> -> memref<1x32768xf32, #tpu.memory_space<vmem>>
    %dma_start3A_245 = tpu.memref_squeeze %dma_start3A_244 : memref<1x32768xf32, #tpu.memory_space<vmem>> -> memref<32768xf32, #tpu.memory_space<vmem>>
    %dma_start3A_246 = tpu.memref_slice %arg2[%add3A_241] : memref<16777216xf32, #tpu.memory_space<hbm>> -> memref<32768xf32, #tpu.memory_space<hbm>>
    %dma_start3A_247 = arith.constant 0 : i32
    %dma_start3A_248 = tpu.memref_slice %arg5[%dma_start3A_242, %dma_start3A_247] : memref<2x32768xf32, #tpu.memory_space<vmem>> -> memref<1x32768xf32, #tpu.memory_space<vmem>>
    %dma_start3A_249 = tpu.memref_squeeze %dma_start3A_248 : memref<1x32768xf32, #tpu.memory_space<vmem>> -> memref<32768xf32, #tpu.memory_space<vmem>>
    %dma_start3A_250 = tpu.memref_slice %arg2[%add3A_241] : memref<16777216xf32, #tpu.memory_space<hbm>> -> memref<32768xf32, #tpu.memory_space<hbm>>
    tpu.enqueue_dma source(%dma_start3A_250 : memref<32768xf32, #tpu.memory_space<hbm>>) target(%dma_start3A_249 : memref<32768xf32, #tpu.memory_space<vmem>>) target_semaphore(%arg9 : memref<!tpu.dma_semaphore, #tpu.memory_space<semaphore_mem>>)
    %dma_wait3A_251 = arith.constant 1 : i32
    %dma_wait3A_252 = arith.constant 0 : i32
    %dma_wait3A_253 = tpu.memref_slice %arg5[%dma_wait3A_251, %dma_wait3A_252] : memref<2x32768xf32, #tpu.memory_space<vmem>> -> memref<1x32768xf32, #tpu.memory_space<vmem>>
    %dma_wait3A_254 = tpu.memref_squeeze %dma_wait3A_253 : memref<1x32768xf32, #tpu.memory_space<vmem>> -> memref<32768xf32, #tpu.memory_space<vmem>>
    %dma_wait3A_255 = tpu.memref_slice %arg2[%add3A_218] : memref<16777216xf32, #tpu.memory_space<hbm>> -> memref<32768xf32, #tpu.memory_space<hbm>>
    %dma_wait3A_256 = arith.constant 0 : i32
    %dma_wait3A_257 = tpu.memref_slice %arg5[%dma_wait3A_251, %dma_wait3A_256] : memref<2x32768xf32, #tpu.memory_space<vmem>> -> memref<1x32768xf32, #tpu.memory_space<vmem>>
    %dma_wait3A_258 = tpu.memref_squeeze %dma_wait3A_257 : memref<1x32768xf32, #tpu.memory_space<vmem>> -> memref<32768xf32, #tpu.memory_space<vmem>>
    %dma_wait3A_259 = tpu.memref_slice %arg2[%add3A_218] : memref<16777216xf32, #tpu.memory_space<hbm>> -> memref<32768xf32, #tpu.memory_space<hbm>>
    tpu.wait_dma2 semaphore(%arg10 : memref<!tpu.dma_semaphore, #tpu.memory_space<semaphore_mem>>) src(%dma_wait3A_259 : memref<32768xf32, #tpu.memory_space<hbm>>) dst(%dma_wait3A_258 : memref<32768xf32, #tpu.memory_space<vmem>>)
    %parallel_loop3A_260 = arith.constant 0 : i32
    %parallel_loop3A_261 = arith.constant 2048 : i32
    %parallel_loop3A_262 = arith.constant 1 : i32
    scf.for %parallel_loop3A_550 = %parallel_loop3A_260 to %parallel_loop3A_261 step %parallel_loop3A_262  : i32 {
      %parallel_loop3A_551 = arith.constant 16 : i32
      %parallel_loop3A_552 = arith.muli %parallel_loop3A_550, %parallel_loop3A_551 : i32
      %parallel_loop3A_553 = arith.constant 1 : i32
      %parallel_loop3A_554 = arith.index_cast %parallel_loop3A_553 : i32 to index
      %parallel_loop3A_555 = arith.index_cast %parallel_loop3A_552 : i32 to index
      %parallel_loop3A_556 = tpu.vector_load %arg5[%parallel_loop3A_554, %parallel_loop3A_555] {strides = array<i32>} : memref<2x32768xf32, #tpu.memory_space<vmem>>, vector<16xf32>,
      %parallel_loop3A_557 = arith.mulf %parallel_loop3A_556, %div3A_24 : vector<16xf32>
      %parallel_loop3A_558 = arith.addf %parallel_loop3A_557, %neg3A_27 : vector<16xf32>
      %parallel_loop3A_559 = arith.constant 2.047000e+03 : f32
      %parallel_loop3A_560 = vector.broadcast %parallel_loop3A_559 : f32 to vector<16xf32>
      %parallel_loop3A_561 = arith.minimumf %parallel_loop3A_558, %parallel_loop3A_560 : vector<16xf32>
      %parallel_loop3A_562 = arith.fptosi %parallel_loop3A_561 : vector<16xf32> to vector<16xi32>
      %parallel_loop3A_563 = arith.constant 4 : i32
      %parallel_loop3A_564 = vector.broadcast %parallel_loop3A_563 : i32 to vector<16xi32>
      %parallel_loop3A_565 = arith.shli %parallel_loop3A_562, %parallel_loop3A_564 : vector<16xi32>
      %parallel_loop3A_566 = arith.ori %parallel_loop3A_565, %iota3A : vector<16xi32>
      tpu.vector_store_idx %arg6[%parallel_loop3A_566], %broadcast_in_dim3A_33 {add = true} : memref<32768xf32, #tpu.memory_space<vmem>>[vector<16xi32>], vector<16xf32>,
    } {sc.loop_unroll_factor = 16 : i64, sc.parallel_access}
    %add3A_263 = arith.constant 360448 : i32
    %add3A_264 = arith.addi %mul3A_2, %add3A_263 : i32
    %dma_start3A_265 = arith.constant 1 : i32
    %dma_start3A_266 = arith.constant 0 : i32
    %dma_start3A_267 = tpu.memref_slice %arg5[%dma_start3A_265, %dma_start3A_266] : memref<2x32768xf32, #tpu.memory_space<vmem>> -> memref<1x32768xf32, #tpu.memory_space<vmem>>
    %dma_start3A_268 = tpu.memref_squeeze %dma_start3A_267 : memref<1x32768xf32, #tpu.memory_space<vmem>> -> memref<32768xf32, #tpu.memory_space<vmem>>
    %dma_start3A_269 = tpu.memref_slice %arg2[%add3A_264] : memref<16777216xf32, #tpu.memory_space<hbm>> -> memref<32768xf32, #tpu.memory_space<hbm>>
    %dma_start3A_270 = arith.constant 0 : i32
    %dma_start3A_271 = tpu.memref_slice %arg5[%dma_start3A_265, %dma_start3A_270] : memref<2x32768xf32, #tpu.memory_space<vmem>> -> memref<1x32768xf32, #tpu.memory_space<vmem>>
    %dma_start3A_272 = tpu.memref_squeeze %dma_start3A_271 : memref<1x32768xf32, #tpu.memory_space<vmem>> -> memref<32768xf32, #tpu.memory_space<vmem>>
    %dma_start3A_273 = tpu.memref_slice %arg2[%add3A_264] : memref<16777216xf32, #tpu.memory_space<hbm>> -> memref<32768xf32, #tpu.memory_space<hbm>>
    tpu.enqueue_dma source(%dma_start3A_273 : memref<32768xf32, #tpu.memory_space<hbm>>) target(%dma_start3A_272 : memref<32768xf32, #tpu.memory_space<vmem>>) target_semaphore(%arg10 : memref<!tpu.dma_semaphore, #tpu.memory_space<semaphore_mem>>)
    %dma_wait3A_274 = arith.constant 0 : i32
    %dma_wait3A_275 = arith.constant 0 : i32
    %dma_wait3A_276 = tpu.memref_slice %arg5[%dma_wait3A_274, %dma_wait3A_275] : memref<2x32768xf32, #tpu.memory_space<vmem>> -> memref<1x32768xf32, #tpu.memory_space<vmem>>
    %dma_wait3A_277 = tpu.memref_squeeze %dma_wait3A_276 : memref<1x32768xf32, #tpu.memory_space<vmem>> -> memref<32768xf32, #tpu.memory_space<vmem>>
    %dma_wait3A_278 = tpu.memref_slice %arg2[%add3A_241] : memref<16777216xf32, #tpu.memory_space<hbm>> -> memref<32768xf32, #tpu.memory_space<hbm>>
    %dma_wait3A_279 = arith.constant 0 : i32
    %dma_wait3A_280 = tpu.memref_slice %arg5[%dma_wait3A_274, %dma_wait3A_279] : memref<2x32768xf32, #tpu.memory_space<vmem>> -> memref<1x32768xf32, #tpu.memory_space<vmem>>
    %dma_wait3A_281 = tpu.memref_squeeze %dma_wait3A_280 : memref<1x32768xf32, #tpu.memory_space<vmem>> -> memref<32768xf32, #tpu.memory_space<vmem>>
    %dma_wait3A_282 = tpu.memref_slice %arg2[%add3A_241] : memref<16777216xf32, #tpu.memory_space<hbm>> -> memref<32768xf32, #tpu.memory_space<hbm>>
    tpu.wait_dma2 semaphore(%arg9 : memref<!tpu.dma_semaphore, #tpu.memory_space<semaphore_mem>>) src(%dma_wait3A_282 : memref<32768xf32, #tpu.memory_space<hbm>>) dst(%dma_wait3A_281 : memref<32768xf32, #tpu.memory_space<vmem>>)
    %parallel_loop3A_283 = arith.constant 0 : i32
    %parallel_loop3A_284 = arith.constant 2048 : i32
    %parallel_loop3A_285 = arith.constant 1 : i32
    scf.for %parallel_loop3A_550 = %parallel_loop3A_283 to %parallel_loop3A_284 step %parallel_loop3A_285  : i32 {
      %parallel_loop3A_551 = arith.constant 16 : i32
      %parallel_loop3A_552 = arith.muli %parallel_loop3A_550, %parallel_loop3A_551 : i32
      %parallel_loop3A_553 = arith.constant 0 : i32
      %parallel_loop3A_554 = arith.index_cast %parallel_loop3A_553 : i32 to index
      %parallel_loop3A_555 = arith.index_cast %parallel_loop3A_552 : i32 to index
      %parallel_loop3A_556 = tpu.vector_load %arg5[%parallel_loop3A_554, %parallel_loop3A_555] {strides = array<i32>} : memref<2x32768xf32, #tpu.memory_space<vmem>>, vector<16xf32>,
      %parallel_loop3A_557 = arith.mulf %parallel_loop3A_556, %div3A_24 : vector<16xf32>
      %parallel_loop3A_558 = arith.addf %parallel_loop3A_557, %neg3A_27 : vector<16xf32>
      %parallel_loop3A_559 = arith.constant 2.047000e+03 : f32
      %parallel_loop3A_560 = vector.broadcast %parallel_loop3A_559 : f32 to vector<16xf32>
      %parallel_loop3A_561 = arith.minimumf %parallel_loop3A_558, %parallel_loop3A_560 : vector<16xf32>
      %parallel_loop3A_562 = arith.fptosi %parallel_loop3A_561 : vector<16xf32> to vector<16xi32>
      %parallel_loop3A_563 = arith.constant 4 : i32
      %parallel_loop3A_564 = vector.broadcast %parallel_loop3A_563 : i32 to vector<16xi32>
      %parallel_loop3A_565 = arith.shli %parallel_loop3A_562, %parallel_loop3A_564 : vector<16xi32>
      %parallel_loop3A_566 = arith.ori %parallel_loop3A_565, %iota3A : vector<16xi32>
      tpu.vector_store_idx %arg6[%parallel_loop3A_566], %broadcast_in_dim3A_33 {add = true} : memref<32768xf32, #tpu.memory_space<vmem>>[vector<16xi32>], vector<16xf32>,
    } {sc.loop_unroll_factor = 16 : i64, sc.parallel_access}
    %add3A_286 = arith.constant 393216 : i32
    %add3A_287 = arith.addi %mul3A_2, %add3A_286 : i32
    %dma_start3A_288 = arith.constant 0 : i32
    %dma_start3A_289 = arith.constant 0 : i32
    %dma_start3A_290 = tpu.memref_slice %arg5[%dma_start3A_288, %dma_start3A_289] : memref<2x32768xf32, #tpu.memory_space<vmem>> -> memref<1x32768xf32, #tpu.memory_space<vmem>>
    %dma_start3A_291 = tpu.memref_squeeze %dma_start3A_290 : memref<1x32768xf32, #tpu.memory_space<vmem>> -> memref<32768xf32, #tpu.memory_space<vmem>>
    %dma_start3A_292 = tpu.memref_slice %arg2[%add3A_287] : memref<16777216xf32, #tpu.memory_space<hbm>> -> memref<32768xf32, #tpu.memory_space<hbm>>
    %dma_start3A_293 = arith.constant 0 : i32
    %dma_start3A_294 = tpu.memref_slice %arg5[%dma_start3A_288, %dma_start3A_293] : memref<2x32768xf32, #tpu.memory_space<vmem>> -> memref<1x32768xf32, #tpu.memory_space<vmem>>
    %dma_start3A_295 = tpu.memref_squeeze %dma_start3A_294 : memref<1x32768xf32, #tpu.memory_space<vmem>> -> memref<32768xf32, #tpu.memory_space<vmem>>
    %dma_start3A_296 = tpu.memref_slice %arg2[%add3A_287] : memref<16777216xf32, #tpu.memory_space<hbm>> -> memref<32768xf32, #tpu.memory_space<hbm>>
    tpu.enqueue_dma source(%dma_start3A_296 : memref<32768xf32, #tpu.memory_space<hbm>>) target(%dma_start3A_295 : memref<32768xf32, #tpu.memory_space<vmem>>) target_semaphore(%arg9 : memref<!tpu.dma_semaphore, #tpu.memory_space<semaphore_mem>>)
    %dma_wait3A_297 = arith.constant 1 : i32
    %dma_wait3A_298 = arith.constant 0 : i32
    %dma_wait3A_299 = tpu.memref_slice %arg5[%dma_wait3A_297, %dma_wait3A_298] : memref<2x32768xf32, #tpu.memory_space<vmem>> -> memref<1x32768xf32, #tpu.memory_space<vmem>>
    %dma_wait3A_300 = tpu.memref_squeeze %dma_wait3A_299 : memref<1x32768xf32, #tpu.memory_space<vmem>> -> memref<32768xf32, #tpu.memory_space<vmem>>
    %dma_wait3A_301 = tpu.memref_slice %arg2[%add3A_264] : memref<16777216xf32, #tpu.memory_space<hbm>> -> memref<32768xf32, #tpu.memory_space<hbm>>
    %dma_wait3A_302 = arith.constant 0 : i32
    %dma_wait3A_303 = tpu.memref_slice %arg5[%dma_wait3A_297, %dma_wait3A_302] : memref<2x32768xf32, #tpu.memory_space<vmem>> -> memref<1x32768xf32, #tpu.memory_space<vmem>>
    %dma_wait3A_304 = tpu.memref_squeeze %dma_wait3A_303 : memref<1x32768xf32, #tpu.memory_space<vmem>> -> memref<32768xf32, #tpu.memory_space<vmem>>
    %dma_wait3A_305 = tpu.memref_slice %arg2[%add3A_264] : memref<16777216xf32, #tpu.memory_space<hbm>> -> memref<32768xf32, #tpu.memory_space<hbm>>
    tpu.wait_dma2 semaphore(%arg10 : memref<!tpu.dma_semaphore, #tpu.memory_space<semaphore_mem>>) src(%dma_wait3A_305 : memref<32768xf32, #tpu.memory_space<hbm>>) dst(%dma_wait3A_304 : memref<32768xf32, #tpu.memory_space<vmem>>)
    %parallel_loop3A_306 = arith.constant 0 : i32
    %parallel_loop3A_307 = arith.constant 2048 : i32
    %parallel_loop3A_308 = arith.constant 1 : i32
    scf.for %parallel_loop3A_550 = %parallel_loop3A_306 to %parallel_loop3A_307 step %parallel_loop3A_308  : i32 {
      %parallel_loop3A_551 = arith.constant 16 : i32
      %parallel_loop3A_552 = arith.muli %parallel_loop3A_550, %parallel_loop3A_551 : i32
      %parallel_loop3A_553 = arith.constant 1 : i32
      %parallel_loop3A_554 = arith.index_cast %parallel_loop3A_553 : i32 to index
      %parallel_loop3A_555 = arith.index_cast %parallel_loop3A_552 : i32 to index
      %parallel_loop3A_556 = tpu.vector_load %arg5[%parallel_loop3A_554, %parallel_loop3A_555] {strides = array<i32>} : memref<2x32768xf32, #tpu.memory_space<vmem>>, vector<16xf32>,
      %parallel_loop3A_557 = arith.mulf %parallel_loop3A_556, %div3A_24 : vector<16xf32>
      %parallel_loop3A_558 = arith.addf %parallel_loop3A_557, %neg3A_27 : vector<16xf32>
      %parallel_loop3A_559 = arith.constant 2.047000e+03 : f32
      %parallel_loop3A_560 = vector.broadcast %parallel_loop3A_559 : f32 to vector<16xf32>
      %parallel_loop3A_561 = arith.minimumf %parallel_loop3A_558, %parallel_loop3A_560 : vector<16xf32>
      %parallel_loop3A_562 = arith.fptosi %parallel_loop3A_561 : vector<16xf32> to vector<16xi32>
      %parallel_loop3A_563 = arith.constant 4 : i32
      %parallel_loop3A_564 = vector.broadcast %parallel_loop3A_563 : i32 to vector<16xi32>
      %parallel_loop3A_565 = arith.shli %parallel_loop3A_562, %parallel_loop3A_564 : vector<16xi32>
      %parallel_loop3A_566 = arith.ori %parallel_loop3A_565, %iota3A : vector<16xi32>
      tpu.vector_store_idx %arg6[%parallel_loop3A_566], %broadcast_in_dim3A_33 {add = true} : memref<32768xf32, #tpu.memory_space<vmem>>[vector<16xi32>], vector<16xf32>,
    } {sc.loop_unroll_factor = 16 : i64, sc.parallel_access}
    %add3A_309 = arith.constant 425984 : i32
    %add3A_310 = arith.addi %mul3A_2, %add3A_309 : i32
    %dma_start3A_311 = arith.constant 1 : i32
    %dma_start3A_312 = arith.constant 0 : i32
    %dma_start3A_313 = tpu.memref_slice %arg5[%dma_start3A_311, %dma_start3A_312] : memref<2x32768xf32, #tpu.memory_space<vmem>> -> memref<1x32768xf32, #tpu.memory_space<vmem>>
    %dma_start3A_314 = tpu.memref_squeeze %dma_start3A_313 : memref<1x32768xf32, #tpu.memory_space<vmem>> -> memref<32768xf32, #tpu.memory_space<vmem>>
    %dma_start3A_315 = tpu.memref_slice %arg2[%add3A_310] : memref<16777216xf32, #tpu.memory_space<hbm>> -> memref<32768xf32, #tpu.memory_space<hbm>>
    %dma_start3A_316 = arith.constant 0 : i32
    %dma_start3A_317 = tpu.memref_slice %arg5[%dma_start3A_311, %dma_start3A_316] : memref<2x32768xf32, #tpu.memory_space<vmem>> -> memref<1x32768xf32, #tpu.memory_space<vmem>>
    %dma_start3A_318 = tpu.memref_squeeze %dma_start3A_317 : memref<1x32768xf32, #tpu.memory_space<vmem>> -> memref<32768xf32, #tpu.memory_space<vmem>>
    %dma_start3A_319 = tpu.memref_slice %arg2[%add3A_310] : memref<16777216xf32, #tpu.memory_space<hbm>> -> memref<32768xf32, #tpu.memory_space<hbm>>
    tpu.enqueue_dma source(%dma_start3A_319 : memref<32768xf32, #tpu.memory_space<hbm>>) target(%dma_start3A_318 : memref<32768xf32, #tpu.memory_space<vmem>>) target_semaphore(%arg10 : memref<!tpu.dma_semaphore, #tpu.memory_space<semaphore_mem>>)
    %dma_wait3A_320 = arith.constant 0 : i32
    %dma_wait3A_321 = arith.constant 0 : i32
    %dma_wait3A_322 = tpu.memref_slice %arg5[%dma_wait3A_320, %dma_wait3A_321] : memref<2x32768xf32, #tpu.memory_space<vmem>> -> memref<1x32768xf32, #tpu.memory_space<vmem>>
    %dma_wait3A_323 = tpu.memref_squeeze %dma_wait3A_322 : memref<1x32768xf32, #tpu.memory_space<vmem>> -> memref<32768xf32, #tpu.memory_space<vmem>>
    %dma_wait3A_324 = tpu.memref_slice %arg2[%add3A_287] : memref<16777216xf32, #tpu.memory_space<hbm>> -> memref<32768xf32, #tpu.memory_space<hbm>>
    %dma_wait3A_325 = arith.constant 0 : i32
    %dma_wait3A_326 = tpu.memref_slice %arg5[%dma_wait3A_320, %dma_wait3A_325] : memref<2x32768xf32, #tpu.memory_space<vmem>> -> memref<1x32768xf32, #tpu.memory_space<vmem>>
    %dma_wait3A_327 = tpu.memref_squeeze %dma_wait3A_326 : memref<1x32768xf32, #tpu.memory_space<vmem>> -> memref<32768xf32, #tpu.memory_space<vmem>>
    %dma_wait3A_328 = tpu.memref_slice %arg2[%add3A_287] : memref<16777216xf32, #tpu.memory_space<hbm>> -> memref<32768xf32, #tpu.memory_space<hbm>>
    tpu.wait_dma2 semaphore(%arg9 : memref<!tpu.dma_semaphore, #tpu.memory_space<semaphore_mem>>) src(%dma_wait3A_328 : memref<32768xf32, #tpu.memory_space<hbm>>) dst(%dma_wait3A_327 : memref<32768xf32, #tpu.memory_space<vmem>>)
    %parallel_loop3A_329 = arith.constant 0 : i32
    %parallel_loop3A_330 = arith.constant 2048 : i32
    %parallel_loop3A_331 = arith.constant 1 : i32
    scf.for %parallel_loop3A_550 = %parallel_loop3A_329 to %parallel_loop3A_330 step %parallel_loop3A_331  : i32 {
      %parallel_loop3A_551 = arith.constant 16 : i32
      %parallel_loop3A_552 = arith.muli %parallel_loop3A_550, %parallel_loop3A_551 : i32
      %parallel_loop3A_553 = arith.constant 0 : i32
      %parallel_loop3A_554 = arith.index_cast %parallel_loop3A_553 : i32 to index
      %parallel_loop3A_555 = arith.index_cast %parallel_loop3A_552 : i32 to index
      %parallel_loop3A_556 = tpu.vector_load %arg5[%parallel_loop3A_554, %parallel_loop3A_555] {strides = array<i32>} : memref<2x32768xf32, #tpu.memory_space<vmem>>, vector<16xf32>,
      %parallel_loop3A_557 = arith.mulf %parallel_loop3A_556, %div3A_24 : vector<16xf32>
      %parallel_loop3A_558 = arith.addf %parallel_loop3A_557, %neg3A_27 : vector<16xf32>
      %parallel_loop3A_559 = arith.constant 2.047000e+03 : f32
      %parallel_loop3A_560 = vector.broadcast %parallel_loop3A_559 : f32 to vector<16xf32>
      %parallel_loop3A_561 = arith.minimumf %parallel_loop3A_558, %parallel_loop3A_560 : vector<16xf32>
      %parallel_loop3A_562 = arith.fptosi %parallel_loop3A_561 : vector<16xf32> to vector<16xi32>
      %parallel_loop3A_563 = arith.constant 4 : i32
      %parallel_loop3A_564 = vector.broadcast %parallel_loop3A_563 : i32 to vector<16xi32>
      %parallel_loop3A_565 = arith.shli %parallel_loop3A_562, %parallel_loop3A_564 : vector<16xi32>
      %parallel_loop3A_566 = arith.ori %parallel_loop3A_565, %iota3A : vector<16xi32>
      tpu.vector_store_idx %arg6[%parallel_loop3A_566], %broadcast_in_dim3A_33 {add = true} : memref<32768xf32, #tpu.memory_space<vmem>>[vector<16xi32>], vector<16xf32>,
    } {sc.loop_unroll_factor = 16 : i64, sc.parallel_access}
    %add3A_332 = arith.constant 458752 : i32
    %add3A_333 = arith.addi %mul3A_2, %add3A_332 : i32
    %dma_start3A_334 = arith.constant 0 : i32
    %dma_start3A_335 = arith.constant 0 : i32
    %dma_start3A_336 = tpu.memref_slice %arg5[%dma_start3A_334, %dma_start3A_335] : memref<2x32768xf32, #tpu.memory_space<vmem>> -> memref<1x32768xf32, #tpu.memory_space<vmem>>
    %dma_start3A_337 = tpu.memref_squeeze %dma_start3A_336 : memref<1x32768xf32, #tpu.memory_space<vmem>> -> memref<32768xf32, #tpu.memory_space<vmem>>
    %dma_start3A_338 = tpu.memref_slice %arg2[%add3A_333] : memref<16777216xf32, #tpu.memory_space<hbm>> -> memref<32768xf32, #tpu.memory_space<hbm>>
    %dma_start3A_339 = arith.constant 0 : i32
    %dma_start3A_340 = tpu.memref_slice %arg5[%dma_start3A_334, %dma_start3A_339] : memref<2x32768xf32, #tpu.memory_space<vmem>> -> memref<1x32768xf32, #tpu.memory_space<vmem>>
    %dma_start3A_341 = tpu.memref_squeeze %dma_start3A_340 : memref<1x32768xf32, #tpu.memory_space<vmem>> -> memref<32768xf32, #tpu.memory_space<vmem>>
    %dma_start3A_342 = tpu.memref_slice %arg2[%add3A_333] : memref<16777216xf32, #tpu.memory_space<hbm>> -> memref<32768xf32, #tpu.memory_space<hbm>>
    tpu.enqueue_dma source(%dma_start3A_342 : memref<32768xf32, #tpu.memory_space<hbm>>) target(%dma_start3A_341 : memref<32768xf32, #tpu.memory_space<vmem>>) target_semaphore(%arg9 : memref<!tpu.dma_semaphore, #tpu.memory_space<semaphore_mem>>)
    %dma_wait3A_343 = arith.constant 1 : i32
    %dma_wait3A_344 = arith.constant 0 : i32
    %dma_wait3A_345 = tpu.memref_slice %arg5[%dma_wait3A_343, %dma_wait3A_344] : memref<2x32768xf32, #tpu.memory_space<vmem>> -> memref<1x32768xf32, #tpu.memory_space<vmem>>
    %dma_wait3A_346 = tpu.memref_squeeze %dma_wait3A_345 : memref<1x32768xf32, #tpu.memory_space<vmem>> -> memref<32768xf32, #tpu.memory_space<vmem>>
    %dma_wait3A_347 = tpu.memref_slice %arg2[%add3A_310] : memref<16777216xf32, #tpu.memory_space<hbm>> -> memref<32768xf32, #tpu.memory_space<hbm>>
    %dma_wait3A_348 = arith.constant 0 : i32
    %dma_wait3A_349 = tpu.memref_slice %arg5[%dma_wait3A_343, %dma_wait3A_348] : memref<2x32768xf32, #tpu.memory_space<vmem>> -> memref<1x32768xf32, #tpu.memory_space<vmem>>
    %dma_wait3A_350 = tpu.memref_squeeze %dma_wait3A_349 : memref<1x32768xf32, #tpu.memory_space<vmem>> -> memref<32768xf32, #tpu.memory_space<vmem>>
    %dma_wait3A_351 = tpu.memref_slice %arg2[%add3A_310] : memref<16777216xf32, #tpu.memory_space<hbm>> -> memref<32768xf32, #tpu.memory_space<hbm>>
    tpu.wait_dma2 semaphore(%arg10 : memref<!tpu.dma_semaphore, #tpu.memory_space<semaphore_mem>>) src(%dma_wait3A_351 : memref<32768xf32, #tpu.memory_space<hbm>>) dst(%dma_wait3A_350 : memref<32768xf32, #tpu.memory_space<vmem>>)
    %parallel_loop3A_352 = arith.constant 0 : i32
    %parallel_loop3A_353 = arith.constant 2048 : i32
    %parallel_loop3A_354 = arith.constant 1 : i32
    scf.for %parallel_loop3A_550 = %parallel_loop3A_352 to %parallel_loop3A_353 step %parallel_loop3A_354  : i32 {
      %parallel_loop3A_551 = arith.constant 16 : i32
      %parallel_loop3A_552 = arith.muli %parallel_loop3A_550, %parallel_loop3A_551 : i32
      %parallel_loop3A_553 = arith.constant 1 : i32
      %parallel_loop3A_554 = arith.index_cast %parallel_loop3A_553 : i32 to index
      %parallel_loop3A_555 = arith.index_cast %parallel_loop3A_552 : i32 to index
      %parallel_loop3A_556 = tpu.vector_load %arg5[%parallel_loop3A_554, %parallel_loop3A_555] {strides = array<i32>} : memref<2x32768xf32, #tpu.memory_space<vmem>>, vector<16xf32>,
      %parallel_loop3A_557 = arith.mulf %parallel_loop3A_556, %div3A_24 : vector<16xf32>
      %parallel_loop3A_558 = arith.addf %parallel_loop3A_557, %neg3A_27 : vector<16xf32>
      %parallel_loop3A_559 = arith.constant 2.047000e+03 : f32
      %parallel_loop3A_560 = vector.broadcast %parallel_loop3A_559 : f32 to vector<16xf32>
      %parallel_loop3A_561 = arith.minimumf %parallel_loop3A_558, %parallel_loop3A_560 : vector<16xf32>
      %parallel_loop3A_562 = arith.fptosi %parallel_loop3A_561 : vector<16xf32> to vector<16xi32>
      %parallel_loop3A_563 = arith.constant 4 : i32
      %parallel_loop3A_564 = vector.broadcast %parallel_loop3A_563 : i32 to vector<16xi32>
      %parallel_loop3A_565 = arith.shli %parallel_loop3A_562, %parallel_loop3A_564 : vector<16xi32>
      %parallel_loop3A_566 = arith.ori %parallel_loop3A_565, %iota3A : vector<16xi32>
      tpu.vector_store_idx %arg6[%parallel_loop3A_566], %broadcast_in_dim3A_33 {add = true} : memref<32768xf32, #tpu.memory_space<vmem>>[vector<16xi32>], vector<16xf32>,
    } {sc.loop_unroll_factor = 16 : i64, sc.parallel_access}
    %add3A_355 = arith.constant 491520 : i32
    %add3A_356 = arith.addi %mul3A_2, %add3A_355 : i32
    %dma_start3A_357 = arith.constant 1 : i32
    %dma_start3A_358 = arith.constant 0 : i32
    %dma_start3A_359 = tpu.memref_slice %arg5[%dma_start3A_357, %dma_start3A_358] : memref<2x32768xf32, #tpu.memory_space<vmem>> -> memref<1x32768xf32, #tpu.memory_space<vmem>>
    %dma_start3A_360 = tpu.memref_squeeze %dma_start3A_359 : memref<1x32768xf32, #tpu.memory_space<vmem>> -> memref<32768xf32, #tpu.memory_space<vmem>>
    %dma_start3A_361 = tpu.memref_slice %arg2[%add3A_356] : memref<16777216xf32, #tpu.memory_space<hbm>> -> memref<32768xf32, #tpu.memory_space<hbm>>
    %dma_start3A_362 = arith.constant 0 : i32
    %dma_start3A_363 = tpu.memref_slice %arg5[%dma_start3A_357, %dma_start3A_362] : memref<2x32768xf32, #tpu.memory_space<vmem>> -> memref<1x32768xf32, #tpu.memory_space<vmem>>
    %dma_start3A_364 = tpu.memref_squeeze %dma_start3A_363 : memref<1x32768xf32, #tpu.memory_space<vmem>> -> memref<32768xf32, #tpu.memory_space<vmem>>
    %dma_start3A_365 = tpu.memref_slice %arg2[%add3A_356] : memref<16777216xf32, #tpu.memory_space<hbm>> -> memref<32768xf32, #tpu.memory_space<hbm>>
    tpu.enqueue_dma source(%dma_start3A_365 : memref<32768xf32, #tpu.memory_space<hbm>>) target(%dma_start3A_364 : memref<32768xf32, #tpu.memory_space<vmem>>) target_semaphore(%arg10 : memref<!tpu.dma_semaphore, #tpu.memory_space<semaphore_mem>>)
    %dma_wait3A_366 = arith.constant 0 : i32
    %dma_wait3A_367 = arith.constant 0 : i32
    %dma_wait3A_368 = tpu.memref_slice %arg5[%dma_wait3A_366, %dma_wait3A_367] : memref<2x32768xf32, #tpu.memory_space<vmem>> -> memref<1x32768xf32, #tpu.memory_space<vmem>>
    %dma_wait3A_369 = tpu.memref_squeeze %dma_wait3A_368 : memref<1x32768xf32, #tpu.memory_space<vmem>> -> memref<32768xf32, #tpu.memory_space<vmem>>
    %dma_wait3A_370 = tpu.memref_slice %arg2[%add3A_333] : memref<16777216xf32, #tpu.memory_space<hbm>> -> memref<32768xf32, #tpu.memory_space<hbm>>
    %dma_wait3A_371 = arith.constant 0 : i32
    %dma_wait3A_372 = tpu.memref_slice %arg5[%dma_wait3A_366, %dma_wait3A_371] : memref<2x32768xf32, #tpu.memory_space<vmem>> -> memref<1x32768xf32, #tpu.memory_space<vmem>>
    %dma_wait3A_373 = tpu.memref_squeeze %dma_wait3A_372 : memref<1x32768xf32, #tpu.memory_space<vmem>> -> memref<32768xf32, #tpu.memory_space<vmem>>
    %dma_wait3A_374 = tpu.memref_slice %arg2[%add3A_333] : memref<16777216xf32, #tpu.memory_space<hbm>> -> memref<32768xf32, #tpu.memory_space<hbm>>
    tpu.wait_dma2 semaphore(%arg9 : memref<!tpu.dma_semaphore, #tpu.memory_space<semaphore_mem>>) src(%dma_wait3A_374 : memref<32768xf32, #tpu.memory_space<hbm>>) dst(%dma_wait3A_373 : memref<32768xf32, #tpu.memory_space<vmem>>)
    %parallel_loop3A_375 = arith.constant 0 : i32
    %parallel_loop3A_376 = arith.constant 2048 : i32
    %parallel_loop3A_377 = arith.constant 1 : i32
    scf.for %parallel_loop3A_550 = %parallel_loop3A_375 to %parallel_loop3A_376 step %parallel_loop3A_377  : i32 {
      %parallel_loop3A_551 = arith.constant 16 : i32
      %parallel_loop3A_552 = arith.muli %parallel_loop3A_550, %parallel_loop3A_551 : i32
      %parallel_loop3A_553 = arith.constant 0 : i32
      %parallel_loop3A_554 = arith.index_cast %parallel_loop3A_553 : i32 to index
      %parallel_loop3A_555 = arith.index_cast %parallel_loop3A_552 : i32 to index
      %parallel_loop3A_556 = tpu.vector_load %arg5[%parallel_loop3A_554, %parallel_loop3A_555] {strides = array<i32>} : memref<2x32768xf32, #tpu.memory_space<vmem>>, vector<16xf32>,
      %parallel_loop3A_557 = arith.mulf %parallel_loop3A_556, %div3A_24 : vector<16xf32>
      %parallel_loop3A_558 = arith.addf %parallel_loop3A_557, %neg3A_27 : vector<16xf32>
      %parallel_loop3A_559 = arith.constant 2.047000e+03 : f32
      %parallel_loop3A_560 = vector.broadcast %parallel_loop3A_559 : f32 to vector<16xf32>
      %parallel_loop3A_561 = arith.minimumf %parallel_loop3A_558, %parallel_loop3A_560 : vector<16xf32>
      %parallel_loop3A_562 = arith.fptosi %parallel_loop3A_561 : vector<16xf32> to vector<16xi32>
      %parallel_loop3A_563 = arith.constant 4 : i32
      %parallel_loop3A_564 = vector.broadcast %parallel_loop3A_563 : i32 to vector<16xi32>
      %parallel_loop3A_565 = arith.shli %parallel_loop3A_562, %parallel_loop3A_564 : vector<16xi32>
      %parallel_loop3A_566 = arith.ori %parallel_loop3A_565, %iota3A : vector<16xi32>
      tpu.vector_store_idx %arg6[%parallel_loop3A_566], %broadcast_in_dim3A_33 {add = true} : memref<32768xf32, #tpu.memory_space<vmem>>[vector<16xi32>], vector<16xf32>,
    } {sc.loop_unroll_factor = 16 : i64, sc.parallel_access}
    %dma_wait3A_378 = arith.constant 1 : i32
    %dma_wait3A_379 = arith.constant 0 : i32
    %dma_wait3A_380 = tpu.memref_slice %arg5[%dma_wait3A_378, %dma_wait3A_379] : memref<2x32768xf32, #tpu.memory_space<vmem>> -> memref<1x32768xf32, #tpu.memory_space<vmem>>
    %dma_wait3A_381 = tpu.memref_squeeze %dma_wait3A_380 : memref<1x32768xf32, #tpu.memory_space<vmem>> -> memref<32768xf32, #tpu.memory_space<vmem>>
    %dma_wait3A_382 = tpu.memref_slice %arg2[%add3A_356] : memref<16777216xf32, #tpu.memory_space<hbm>> -> memref<32768xf32, #tpu.memory_space<hbm>>
    %dma_wait3A_383 = arith.constant 0 : i32
    %dma_wait3A_384 = tpu.memref_slice %arg5[%dma_wait3A_378, %dma_wait3A_383] : memref<2x32768xf32, #tpu.memory_space<vmem>> -> memref<1x32768xf32, #tpu.memory_space<vmem>>
    %dma_wait3A_385 = tpu.memref_squeeze %dma_wait3A_384 : memref<1x32768xf32, #tpu.memory_space<vmem>> -> memref<32768xf32, #tpu.memory_space<vmem>>
    %dma_wait3A_386 = tpu.memref_slice %arg2[%add3A_356] : memref<16777216xf32, #tpu.memory_space<hbm>> -> memref<32768xf32, #tpu.memory_space<hbm>>
    tpu.wait_dma2 semaphore(%arg10 : memref<!tpu.dma_semaphore, #tpu.memory_space<semaphore_mem>>) src(%dma_wait3A_386 : memref<32768xf32, #tpu.memory_space<hbm>>) dst(%dma_wait3A_385 : memref<32768xf32, #tpu.memory_space<vmem>>)
    %parallel_loop3A_387 = arith.constant 0 : i32
    %parallel_loop3A_388 = arith.constant 2048 : i32
    %parallel_loop3A_389 = arith.constant 1 : i32
    scf.for %parallel_loop3A_550 = %parallel_loop3A_387 to %parallel_loop3A_388 step %parallel_loop3A_389  : i32 {
      %parallel_loop3A_551 = arith.constant 16 : i32
      %parallel_loop3A_552 = arith.muli %parallel_loop3A_550, %parallel_loop3A_551 : i32
      %parallel_loop3A_553 = arith.constant 1 : i32
      %parallel_loop3A_554 = arith.index_cast %parallel_loop3A_553 : i32 to index
      %parallel_loop3A_555 = arith.index_cast %parallel_loop3A_552 : i32 to index
      %parallel_loop3A_556 = tpu.vector_load %arg5[%parallel_loop3A_554, %parallel_loop3A_555] {strides = array<i32>} : memref<2x32768xf32, #tpu.memory_space<vmem>>, vector<16xf32>,
      %parallel_loop3A_557 = arith.mulf %parallel_loop3A_556, %div3A_24 : vector<16xf32>
      %parallel_loop3A_558 = arith.addf %parallel_loop3A_557, %neg3A_27 : vector<16xf32>
      %parallel_loop3A_559 = arith.constant 2.047000e+03 : f32
      %parallel_loop3A_560 = vector.broadcast %parallel_loop3A_559 : f32 to vector<16xf32>
      %parallel_loop3A_561 = arith.minimumf %parallel_loop3A_558, %parallel_loop3A_560 : vector<16xf32>
      %parallel_loop3A_562 = arith.fptosi %parallel_loop3A_561 : vector<16xf32> to vector<16xi32>
      %parallel_loop3A_563 = arith.constant 4 : i32
      %parallel_loop3A_564 = vector.broadcast %parallel_loop3A_563 : i32 to vector<16xi32>
      %parallel_loop3A_565 = arith.shli %parallel_loop3A_562, %parallel_loop3A_564 : vector<16xi32>
      %parallel_loop3A_566 = arith.ori %parallel_loop3A_565, %iota3A : vector<16xi32>
      tpu.vector_store_idx %arg6[%parallel_loop3A_566], %broadcast_in_dim3A_33 {add = true} : memref<32768xf32, #tpu.memory_space<vmem>>[vector<16xi32>], vector<16xf32>,
    } {sc.loop_unroll_factor = 16 : i64, sc.parallel_access}
    %shift_left3A = arith.constant 4 : i32
    %shift_left3A_390 = vector.broadcast %shift_left3A : i32 to vector<16xi32>
    %shift_left3A_391 = arith.shli %iota3A, %shift_left3A_390 : vector<16xi32>
    %add3A_392 = arith.constant 0 : i32
    %add3A_393 = vector.broadcast %add3A_392 : i32 to vector<16xi32>
    %add3A_394 = arith.addi %iota3A, %add3A_393 : vector<16xi32>
    %and3A = arith.constant 15 : i32
    %and3A_395 = vector.broadcast %and3A : i32 to vector<16xi32>
    %and3A_396 = arith.andi %add3A_394, %and3A_395 : vector<16xi32>
    %or3A = arith.ori %shift_left3A_391, %and3A_396 : vector<16xi32>
    %shift_left3A_397 = arith.constant 4 : i32
    %shift_left3A_398 = vector.broadcast %shift_left3A_397 : i32 to vector<16xi32>
    %shift_left3A_399 = arith.shli %iota3A, %shift_left3A_398 : vector<16xi32>
    %add3A_400 = arith.constant 1 : i32
    %add3A_401 = vector.broadcast %add3A_400 : i32 to vector<16xi32>
    %add3A_402 = arith.addi %iota3A, %add3A_401 : vector<16xi32>
    %and3A_403 = arith.constant 15 : i32
    %and3A_404 = vector.broadcast %and3A_403 : i32 to vector<16xi32>
    %and3A_405 = arith.andi %add3A_402, %and3A_404 : vector<16xi32>
    %or3A_406 = arith.ori %shift_left3A_399, %and3A_405 : vector<16xi32>
    %shift_left3A_407 = arith.constant 4 : i32
    %shift_left3A_408 = vector.broadcast %shift_left3A_407 : i32 to vector<16xi32>
    %shift_left3A_409 = arith.shli %iota3A, %shift_left3A_408 : vector<16xi32>
    %add3A_410 = arith.constant 2 : i32
    %add3A_411 = vector.broadcast %add3A_410 : i32 to vector<16xi32>
    %add3A_412 = arith.addi %iota3A, %add3A_411 : vector<16xi32>
    %and3A_413 = arith.constant 15 : i32
    %and3A_414 = vector.broadcast %and3A_413 : i32 to vector<16xi32>
    %and3A_415 = arith.andi %add3A_412, %and3A_414 : vector<16xi32>
    %or3A_416 = arith.ori %shift_left3A_409, %and3A_415 : vector<16xi32>
    %shift_left3A_417 = arith.constant 4 : i32
    %shift_left3A_418 = vector.broadcast %shift_left3A_417 : i32 to vector<16xi32>
    %shift_left3A_419 = arith.shli %iota3A, %shift_left3A_418 : vector<16xi32>
    %add3A_420 = arith.constant 3 : i32
    %add3A_421 = vector.broadcast %add3A_420 : i32 to vector<16xi32>
    %add3A_422 = arith.addi %iota3A, %add3A_421 : vector<16xi32>
    %and3A_423 = arith.constant 15 : i32
    %and3A_424 = vector.broadcast %and3A_423 : i32 to vector<16xi32>
    %and3A_425 = arith.andi %add3A_422, %and3A_424 : vector<16xi32>
    %or3A_426 = arith.ori %shift_left3A_419, %and3A_425 : vector<16xi32>
    %shift_left3A_427 = arith.constant 4 : i32
    %shift_left3A_428 = vector.broadcast %shift_left3A_427 : i32 to vector<16xi32>
    %shift_left3A_429 = arith.shli %iota3A, %shift_left3A_428 : vector<16xi32>
    %add3A_430 = arith.constant 4 : i32
    %add3A_431 = vector.broadcast %add3A_430 : i32 to vector<16xi32>
    %add3A_432 = arith.addi %iota3A, %add3A_431 : vector<16xi32>
    %and3A_433 = arith.constant 15 : i32
    %and3A_434 = vector.broadcast %and3A_433 : i32 to vector<16xi32>
    %and3A_435 = arith.andi %add3A_432, %and3A_434 : vector<16xi32>
    %or3A_436 = arith.ori %shift_left3A_429, %and3A_435 : vector<16xi32>
    %shift_left3A_437 = arith.constant 4 : i32
    %shift_left3A_438 = vector.broadcast %shift_left3A_437 : i32 to vector<16xi32>
    %shift_left3A_439 = arith.shli %iota3A, %shift_left3A_438 : vector<16xi32>
    %add3A_440 = arith.constant 5 : i32
    %add3A_441 = vector.broadcast %add3A_440 : i32 to vector<16xi32>
    %add3A_442 = arith.addi %iota3A, %add3A_441 : vector<16xi32>
    %and3A_443 = arith.constant 15 : i32
    %and3A_444 = vector.broadcast %and3A_443 : i32 to vector<16xi32>
    %and3A_445 = arith.andi %add3A_442, %and3A_444 : vector<16xi32>
    %or3A_446 = arith.ori %shift_left3A_439, %and3A_445 : vector<16xi32>
    %shift_left3A_447 = arith.constant 4 : i32
    %shift_left3A_448 = vector.broadcast %shift_left3A_447 : i32 to vector<16xi32>
    %shift_left3A_449 = arith.shli %iota3A, %shift_left3A_448 : vector<16xi32>
    %add3A_450 = arith.constant 6 : i32
    %add3A_451 = vector.broadcast %add3A_450 : i32 to vector<16xi32>
    %add3A_452 = arith.addi %iota3A, %add3A_451 : vector<16xi32>
    %and3A_453 = arith.constant 15 : i32
    %and3A_454 = vector.broadcast %and3A_453 : i32 to vector<16xi32>
    %and3A_455 = arith.andi %add3A_452, %and3A_454 : vector<16xi32>
    %or3A_456 = arith.ori %shift_left3A_449, %and3A_455 : vector<16xi32>
    %shift_left3A_457 = arith.constant 4 : i32
    %shift_left3A_458 = vector.broadcast %shift_left3A_457 : i32 to vector<16xi32>
    %shift_left3A_459 = arith.shli %iota3A, %shift_left3A_458 : vector<16xi32>
    %add3A_460 = arith.constant 7 : i32
    %add3A_461 = vector.broadcast %add3A_460 : i32 to vector<16xi32>
    %add3A_462 = arith.addi %iota3A, %add3A_461 : vector<16xi32>
    %and3A_463 = arith.constant 15 : i32
    %and3A_464 = vector.broadcast %and3A_463 : i32 to vector<16xi32>
    %and3A_465 = arith.andi %add3A_462, %and3A_464 : vector<16xi32>
    %or3A_466 = arith.ori %shift_left3A_459, %and3A_465 : vector<16xi32>
    %shift_left3A_467 = arith.constant 4 : i32
    %shift_left3A_468 = vector.broadcast %shift_left3A_467 : i32 to vector<16xi32>
    %shift_left3A_469 = arith.shli %iota3A, %shift_left3A_468 : vector<16xi32>
    %add3A_470 = arith.constant 8 : i32
    %add3A_471 = vector.broadcast %add3A_470 : i32 to vector<16xi32>
    %add3A_472 = arith.addi %iota3A, %add3A_471 : vector<16xi32>
    %and3A_473 = arith.constant 15 : i32
    %and3A_474 = vector.broadcast %and3A_473 : i32 to vector<16xi32>
    %and3A_475 = arith.andi %add3A_472, %and3A_474 : vector<16xi32>
    %or3A_476 = arith.ori %shift_left3A_469, %and3A_475 : vector<16xi32>
    %shift_left3A_477 = arith.constant 4 : i32
    %shift_left3A_478 = vector.broadcast %shift_left3A_477 : i32 to vector<16xi32>
    %shift_left3A_479 = arith.shli %iota3A, %shift_left3A_478 : vector<16xi32>
    %add3A_480 = arith.constant 9 : i32
    %add3A_481 = vector.broadcast %add3A_480 : i32 to vector<16xi32>
    %add3A_482 = arith.addi %iota3A, %add3A_481 : vector<16xi32>
    %and3A_483 = arith.constant 15 : i32
    %and3A_484 = vector.broadcast %and3A_483 : i32 to vector<16xi32>
    %and3A_485 = arith.andi %add3A_482, %and3A_484 : vector<16xi32>
    %or3A_486 = arith.ori %shift_left3A_479, %and3A_485 : vector<16xi32>
    %shift_left3A_487 = arith.constant 4 : i32
    %shift_left3A_488 = vector.broadcast %shift_left3A_487 : i32 to vector<16xi32>
    %shift_left3A_489 = arith.shli %iota3A, %shift_left3A_488 : vector<16xi32>
    %add3A_490 = arith.constant 10 : i32
    %add3A_491 = vector.broadcast %add3A_490 : i32 to vector<16xi32>
    %add3A_492 = arith.addi %iota3A, %add3A_491 : vector<16xi32>
    %and3A_493 = arith.constant 15 : i32
    %and3A_494 = vector.broadcast %and3A_493 : i32 to vector<16xi32>
    %and3A_495 = arith.andi %add3A_492, %and3A_494 : vector<16xi32>
    %or3A_496 = arith.ori %shift_left3A_489, %and3A_495 : vector<16xi32>
    %shift_left3A_497 = arith.constant 4 : i32
    %shift_left3A_498 = vector.broadcast %shift_left3A_497 : i32 to vector<16xi32>
    %shift_left3A_499 = arith.shli %iota3A, %shift_left3A_498 : vector<16xi32>
    %add3A_500 = arith.constant 11 : i32
    %add3A_501 = vector.broadcast %add3A_500 : i32 to vector<16xi32>
    %add3A_502 = arith.addi %iota3A, %add3A_501 : vector<16xi32>
    %and3A_503 = arith.constant 15 : i32
    %and3A_504 = vector.broadcast %and3A_503 : i32 to vector<16xi32>
    %and3A_505 = arith.andi %add3A_502, %and3A_504 : vector<16xi32>
    %or3A_506 = arith.ori %shift_left3A_499, %and3A_505 : vector<16xi32>
    %shift_left3A_507 = arith.constant 4 : i32
    %shift_left3A_508 = vector.broadcast %shift_left3A_507 : i32 to vector<16xi32>
    %shift_left3A_509 = arith.shli %iota3A, %shift_left3A_508 : vector<16xi32>
    %add3A_510 = arith.constant 12 : i32
    %add3A_511 = vector.broadcast %add3A_510 : i32 to vector<16xi32>
    %add3A_512 = arith.addi %iota3A, %add3A_511 : vector<16xi32>
    %and3A_513 = arith.constant 15 : i32
    %and3A_514 = vector.broadcast %and3A_513 : i32 to vector<16xi32>
    %and3A_515 = arith.andi %add3A_512, %and3A_514 : vector<16xi32>
    %or3A_516 = arith.ori %shift_left3A_509, %and3A_515 : vector<16xi32>
    %shift_left3A_517 = arith.constant 4 : i32
    %shift_left3A_518 = vector.broadcast %shift_left3A_517 : i32 to vector<16xi32>
    %shift_left3A_519 = arith.shli %iota3A, %shift_left3A_518 : vector<16xi32>
    %add3A_520 = arith.constant 13 : i32
    %add3A_521 = vector.broadcast %add3A_520 : i32 to vector<16xi32>
    %add3A_522 = arith.addi %iota3A, %add3A_521 : vector<16xi32>
    %and3A_523 = arith.constant 15 : i32
    %and3A_524 = vector.broadcast %and3A_523 : i32 to vector<16xi32>
    %and3A_525 = arith.andi %add3A_522, %and3A_524 : vector<16xi32>
    %or3A_526 = arith.ori %shift_left3A_519, %and3A_525 : vector<16xi32>
    %shift_left3A_527 = arith.constant 4 : i32
    %shift_left3A_528 = vector.broadcast %shift_left3A_527 : i32 to vector<16xi32>
    %shift_left3A_529 = arith.shli %iota3A, %shift_left3A_528 : vector<16xi32>
    %add3A_530 = arith.constant 14 : i32
    %add3A_531 = vector.broadcast %add3A_530 : i32 to vector<16xi32>
    %add3A_532 = arith.addi %iota3A, %add3A_531 : vector<16xi32>
    %and3A_533 = arith.constant 15 : i32
    %and3A_534 = vector.broadcast %and3A_533 : i32 to vector<16xi32>
    %and3A_535 = arith.andi %add3A_532, %and3A_534 : vector<16xi32>
    %or3A_536 = arith.ori %shift_left3A_529, %and3A_535 : vector<16xi32>
    %shift_left3A_537 = arith.constant 4 : i32
    %shift_left3A_538 = vector.broadcast %shift_left3A_537 : i32 to vector<16xi32>
    %shift_left3A_539 = arith.shli %iota3A, %shift_left3A_538 : vector<16xi32>
    %add3A_540 = arith.constant 15 : i32
    %add3A_541 = vector.broadcast %add3A_540 : i32 to vector<16xi32>
    %add3A_542 = arith.addi %iota3A, %add3A_541 : vector<16xi32>
    %and3A_543 = arith.constant 15 : i32
    %and3A_544 = vector.broadcast %and3A_543 : i32 to vector<16xi32>
    %and3A_545 = arith.andi %add3A_542, %and3A_544 : vector<16xi32>
    %or3A_546 = arith.ori %shift_left3A_539, %and3A_545 : vector<16xi32>
    %parallel_loop3A_547 = arith.constant 0 : i32
    %parallel_loop3A_548 = arith.constant 128 : i32
    %parallel_loop3A_549 = arith.constant 1 : i32
    scf.for %parallel_loop3A_550 = %parallel_loop3A_547 to %parallel_loop3A_548 step %parallel_loop3A_549  : i32 {
      %parallel_loop3A_551 = arith.constant 256 : i32
      %parallel_loop3A_552 = arith.muli %parallel_loop3A_550, %parallel_loop3A_551 : i32
      %parallel_loop3A_553 = vector.broadcast %parallel_loop3A_552 : i32 to vector<16xi32>
      %parallel_loop3A_554 = arith.addi %parallel_loop3A_553, %or3A : vector<16xi32>
      %parallel_loop3A_555 = tpu.vector_load_idx %arg6[%parallel_loop3A_554] : memref<32768xf32, #tpu.memory_space<vmem>>[vector<16xi32>], vector<16xf32>,
      %parallel_loop3A_556 = vector.broadcast %parallel_loop3A_552 : i32 to vector<16xi32>
      %parallel_loop3A_557 = arith.addi %parallel_loop3A_556, %or3A_406 : vector<16xi32>
      %parallel_loop3A_558 = tpu.vector_load_idx %arg6[%parallel_loop3A_557] : memref<32768xf32, #tpu.memory_space<vmem>>[vector<16xi32>], vector<16xf32>,
      %parallel_loop3A_559 = arith.addf %parallel_loop3A_555, %parallel_loop3A_558 : vector<16xf32>
      %parallel_loop3A_560 = vector.broadcast %parallel_loop3A_552 : i32 to vector<16xi32>
      %parallel_loop3A_561 = arith.addi %parallel_loop3A_560, %or3A_416 : vector<16xi32>
      %parallel_loop3A_562 = tpu.vector_load_idx %arg6[%parallel_loop3A_561] : memref<32768xf32, #tpu.memory_space<vmem>>[vector<16xi32>], vector<16xf32>,
      %parallel_loop3A_563 = arith.addf %parallel_loop3A_559, %parallel_loop3A_562 : vector<16xf32>
      %parallel_loop3A_564 = vector.broadcast %parallel_loop3A_552 : i32 to vector<16xi32>
      %parallel_loop3A_565 = arith.addi %parallel_loop3A_564, %or3A_426 : vector<16xi32>
      %parallel_loop3A_566 = tpu.vector_load_idx %arg6[%parallel_loop3A_565] : memref<32768xf32, #tpu.memory_space<vmem>>[vector<16xi32>], vector<16xf32>,
      %parallel_loop3A_567 = arith.addf %parallel_loop3A_563, %parallel_loop3A_566 : vector<16xf32>
      %parallel_loop3A_568 = vector.broadcast %parallel_loop3A_552 : i32 to vector<16xi32>
      %parallel_loop3A_569 = arith.addi %parallel_loop3A_568, %or3A_436 : vector<16xi32>
      %parallel_loop3A_570 = tpu.vector_load_idx %arg6[%parallel_loop3A_569] : memref<32768xf32, #tpu.memory_space<vmem>>[vector<16xi32>], vector<16xf32>,
      %parallel_loop3A_571 = arith.addf %parallel_loop3A_567, %parallel_loop3A_570 : vector<16xf32>
      %parallel_loop3A_572 = vector.broadcast %parallel_loop3A_552 : i32 to vector<16xi32>
      %parallel_loop3A_573 = arith.addi %parallel_loop3A_572, %or3A_446 : vector<16xi32>
      %parallel_loop3A_574 = tpu.vector_load_idx %arg6[%parallel_loop3A_573] : memref<32768xf32, #tpu.memory_space<vmem>>[vector<16xi32>], vector<16xf32>,
      %parallel_loop3A_575 = arith.addf %parallel_loop3A_571, %parallel_loop3A_574 : vector<16xf32>
      %parallel_loop3A_576 = vector.broadcast %parallel_loop3A_552 : i32 to vector<16xi32>
      %parallel_loop3A_577 = arith.addi %parallel_loop3A_576, %or3A_456 : vector<16xi32>
      %parallel_loop3A_578 = tpu.vector_load_idx %arg6[%parallel_loop3A_577] : memref<32768xf32, #tpu.memory_space<vmem>>[vector<16xi32>], vector<16xf32>,
      %parallel_loop3A_579 = arith.addf %parallel_loop3A_575, %parallel_loop3A_578 : vector<16xf32>
      %parallel_loop3A_580 = vector.broadcast %parallel_loop3A_552 : i32 to vector<16xi32>
      %parallel_loop3A_581 = arith.addi %parallel_loop3A_580, %or3A_466 : vector<16xi32>
      %parallel_loop3A_582 = tpu.vector_load_idx %arg6[%parallel_loop3A_581] : memref<32768xf32, #tpu.memory_space<vmem>>[vector<16xi32>], vector<16xf32>,
      %parallel_loop3A_583 = arith.addf %parallel_loop3A_579, %parallel_loop3A_582 : vector<16xf32>
      %parallel_loop3A_584 = vector.broadcast %parallel_loop3A_552 : i32 to vector<16xi32>
      %parallel_loop3A_585 = arith.addi %parallel_loop3A_584, %or3A_476 : vector<16xi32>
      %parallel_loop3A_586 = tpu.vector_load_idx %arg6[%parallel_loop3A_585] : memref<32768xf32, #tpu.memory_space<vmem>>[vector<16xi32>], vector<16xf32>,
      %parallel_loop3A_587 = arith.addf %parallel_loop3A_583, %parallel_loop3A_586 : vector<16xf32>
      %parallel_loop3A_588 = vector.broadcast %parallel_loop3A_552 : i32 to vector<16xi32>
      %parallel_loop3A_589 = arith.addi %parallel_loop3A_588, %or3A_486 : vector<16xi32>
      %parallel_loop3A_590 = tpu.vector_load_idx %arg6[%parallel_loop3A_589] : memref<32768xf32, #tpu.memory_space<vmem>>[vector<16xi32>], vector<16xf32>,
      %parallel_loop3A_591 = arith.addf %parallel_loop3A_587, %parallel_loop3A_590 : vector<16xf32>
      %parallel_loop3A_592 = vector.broadcast %parallel_loop3A_552 : i32 to vector<16xi32>
      %parallel_loop3A_593 = arith.addi %parallel_loop3A_592, %or3A_496 : vector<16xi32>
      %parallel_loop3A_594 = tpu.vector_load_idx %arg6[%parallel_loop3A_593] : memref<32768xf32, #tpu.memory_space<vmem>>[vector<16xi32>], vector<16xf32>,
      %parallel_loop3A_595 = arith.addf %parallel_loop3A_591, %parallel_loop3A_594 : vector<16xf32>
      %parallel_loop3A_596 = vector.broadcast %parallel_loop3A_552 : i32 to vector<16xi32>
      %parallel_loop3A_597 = arith.addi %parallel_loop3A_596, %or3A_506 : vector<16xi32>
      %parallel_loop3A_598 = tpu.vector_load_idx %arg6[%parallel_loop3A_597] : memref<32768xf32, #tpu.memory_space<vmem>>[vector<16xi32>], vector<16xf32>,
      %parallel_loop3A_599 = arith.addf %parallel_loop3A_595, %parallel_loop3A_598 : vector<16xf32>
      %parallel_loop3A_600 = vector.broadcast %parallel_loop3A_552 : i32 to vector<16xi32>
      %parallel_loop3A_601 = arith.addi %parallel_loop3A_600, %or3A_516 : vector<16xi32>
      %parallel_loop3A_602 = tpu.vector_load_idx %arg6[%parallel_loop3A_601] : memref<32768xf32, #tpu.memory_space<vmem>>[vector<16xi32>], vector<16xf32>,
      %parallel_loop3A_603 = arith.addf %parallel_loop3A_599, %parallel_loop3A_602 : vector<16xf32>
      %parallel_loop3A_604 = vector.broadcast %parallel_loop3A_552 : i32 to vector<16xi32>
      %parallel_loop3A_605 = arith.addi %parallel_loop3A_604, %or3A_526 : vector<16xi32>
      %parallel_loop3A_606 = tpu.vector_load_idx %arg6[%parallel_loop3A_605] : memref<32768xf32, #tpu.memory_space<vmem>>[vector<16xi32>], vector<16xf32>,
      %parallel_loop3A_607 = arith.addf %parallel_loop3A_603, %parallel_loop3A_606 : vector<16xf32>
      %parallel_loop3A_608 = vector.broadcast %parallel_loop3A_552 : i32 to vector<16xi32>
      %parallel_loop3A_609 = arith.addi %parallel_loop3A_608, %or3A_536 : vector<16xi32>
      %parallel_loop3A_610 = tpu.vector_load_idx %arg6[%parallel_loop3A_609] : memref<32768xf32, #tpu.memory_space<vmem>>[vector<16xi32>], vector<16xf32>,
      %parallel_loop3A_611 = arith.addf %parallel_loop3A_607, %parallel_loop3A_610 : vector<16xf32>
      %parallel_loop3A_612 = vector.broadcast %parallel_loop3A_552 : i32 to vector<16xi32>
      %parallel_loop3A_613 = arith.addi %parallel_loop3A_612, %or3A_546 : vector<16xi32>
      %parallel_loop3A_614 = tpu.vector_load_idx %arg6[%parallel_loop3A_613] : memref<32768xf32, #tpu.memory_space<vmem>>[vector<16xi32>], vector<16xf32>,
      %parallel_loop3A_615 = arith.addf %parallel_loop3A_611, %parallel_loop3A_614 : vector<16xf32>
      %parallel_loop3A_616 = arith.constant 16 : i32
      %parallel_loop3A_617 = arith.muli %parallel_loop3A_550, %parallel_loop3A_616 : i32
      %parallel_loop3A_618 = arith.index_cast %parallel_loop3A_617 : i32 to index
      %parallel_loop3A_619 = tpu.vector_load %arg7[%parallel_loop3A_618] {strides = array<i32>} : memref<2048xf32, #tpu.memory_space<vmem>>, vector<16xf32>,
      tpu.vector_store %arg7[%parallel_loop3A_618], %parallel_loop3A_615 {strides = array<i32>} : memref<2048xf32, #tpu.memory_space<vmem>>, vector<16xf32>,
    } {sc.loop_unroll_factor = 2 : i64, sc.parallel_access}
    "tpu.region"() ({
      %run_scoped3A = tpu.sem_alloc : memref<!tpu.dma_semaphore, #tpu.memory_space<semaphore_mem>>
      %dma_start3A_550 = arith.constant 0 : i32
      %dma_start3A_551 = tpu.memref_slice %arg4[%add3A, %dma_start3A_550] : memref<32x2048xf32, #tpu.memory_space<hbm>> -> memref<1x2048xf32, #tpu.memory_space<hbm>>
      %dma_start3A_552 = tpu.memref_squeeze %dma_start3A_551 : memref<1x2048xf32, #tpu.memory_space<hbm>> -> memref<2048xf32, #tpu.memory_space<hbm>>
      %dma_start3A_553 = arith.constant 0 : i32
      %dma_start3A_554 = tpu.memref_slice %arg4[%add3A, %dma_start3A_553] : memref<32x2048xf32, #tpu.memory_space<hbm>> -> memref<1x2048xf32, #tpu.memory_space<hbm>>
      %dma_start3A_555 = tpu.memref_squeeze %dma_start3A_554 : memref<1x2048xf32, #tpu.memory_space<hbm>> -> memref<2048xf32, #tpu.memory_space<hbm>>
      tpu.enqueue_dma source(%arg7 : memref<2048xf32, #tpu.memory_space<vmem>>) target(%dma_start3A_555 : memref<2048xf32, #tpu.memory_space<hbm>>) target_semaphore(%run_scoped3A : memref<!tpu.dma_semaphore, #tpu.memory_space<semaphore_mem>>)
      %dma_wait3A_556 = arith.constant 0 : i32
      %dma_wait3A_557 = tpu.memref_slice %arg4[%add3A, %dma_wait3A_556] : memref<32x2048xf32, #tpu.memory_space<hbm>> -> memref<1x2048xf32, #tpu.memory_space<hbm>>
      %dma_wait3A_558 = tpu.memref_squeeze %dma_wait3A_557 : memref<1x2048xf32, #tpu.memory_space<hbm>> -> memref<2048xf32, #tpu.memory_space<hbm>>
      %dma_wait3A_559 = arith.constant 0 : i32
      %dma_wait3A_560 = tpu.memref_slice %arg4[%add3A, %dma_wait3A_559] : memref<32x2048xf32, #tpu.memory_space<hbm>> -> memref<1x2048xf32, #tpu.memory_space<hbm>>
      %dma_wait3A_561 = tpu.memref_squeeze %dma_wait3A_560 : memref<1x2048xf32, #tpu.memory_space<hbm>> -> memref<2048xf32, #tpu.memory_space<hbm>>
      tpu.wait_dma2 semaphore(%run_scoped3A : memref<!tpu.dma_semaphore, #tpu.memory_space<semaphore_mem>>) src(%arg7 : memref<2048xf32, #tpu.memory_space<vmem>>) dst(%dma_wait3A_561 : memref<2048xf32, #tpu.memory_space<hbm>>)
      tpu.yield
    }) : () -> ()
    return
  }
}

module attributes {stable_mosaic.version = 14 : i64} {
  func.func @_mm_body(%arg0: i32, %arg1: memref<1024x8x128xf32, #tpu.memory_space<vmem>>, %arg2: memref<2x16xf32, #tpu.memory_space<vmem>>, %arg3: memref<1x1xf32, #tpu.memory_space<smem>>, %arg4: memref<1x1xf32, #tpu.memory_space<smem>>, %arg5: memref<8x128xf32, #tpu.memory_space<vmem>>, %arg6: memref<8x128xf32, #tpu.memory_space<vmem>>) attributes {dimension_semantics = [#tpu.dimension_semantics<arbitrary>], iteration_bounds = array<i64: 16>, scalar_prefetch = 0 : i64, scratch_operands = 2 : i64, tpu.core_type = #tpu.core_type<tc>, window_params = [{transform_indices = @transform_0, window_bounds = array<i64: 1024, 8, 128>}, {pipeline_mode = #tpu.pipeline_mode<synchronous>, transform_indices = @transform_1, window_bounds = array<i64: 2, 16>}, {transform_indices = @transform_2, window_bounds = array<i64: 1, 1>}, {transform_indices = @transform_3, window_bounds = array<i64: 1, 1>}]} {
    %eq3A = arith.constant 0 : i32
    %eq3A_0 = arith.cmpi eq, %arg0, %eq3A : i32
    %convert_element_type3A = arith.extui %eq3A_0 : i1 to i32
    %cond3A = arith.constant 0 : i32
    %cond3A_1 = arith.cmpi ne, %convert_element_type3A, %cond3A : i32
    scf.if %cond3A_1 {
      %broadcast_in_dim3A = arith.constant 0x7F800000 : f32
      %broadcast_in_dim3A_23 = vector.broadcast %broadcast_in_dim3A : f32 to vector<8x128xf32>
      %swap3A_24 = arith.constant 0 : index
      %swap3A_25 = arith.constant 0 : index
      %swap3A_26 = vector.load %arg5[%swap3A_24, %swap3A_25] : memref<8x128xf32, #tpu.memory_space<vmem>>, vector<8x128xf32>
      tpu.vector_store %arg5[%swap3A_24, %swap3A_25], %broadcast_in_dim3A_23 {strides = array<i32>} : memref<8x128xf32, #tpu.memory_space<vmem>>, vector<8x128xf32>,
      %broadcast_in_dim3A_27 = arith.constant 0xFF800000 : f32
      %broadcast_in_dim3A_28 = vector.broadcast %broadcast_in_dim3A_27 : f32 to vector<8x128xf32>
      %swap3A_29 = arith.constant 0 : index
      %swap3A_30 = arith.constant 0 : index
      %swap3A_31 = vector.load %arg6[%swap3A_29, %swap3A_30] : memref<8x128xf32, #tpu.memory_space<vmem>>, vector<8x128xf32>
      tpu.vector_store %arg6[%swap3A_29, %swap3A_30], %broadcast_in_dim3A_28 {strides = array<i32>} : memref<8x128xf32, #tpu.memory_space<vmem>>, vector<8x128xf32>,
    } else {
    }
    %get3A = arith.constant 0 : index
    %get3A_2 = arith.constant 0 : index
    %get3A_3 = arith.constant 0 : index
    %get3A_4 = vector.load %arg1[%get3A, %get3A_2, %get3A_3] : memref<1024x8x128xf32, #tpu.memory_space<vmem>>, vector<1024x8x128xf32>
    %get3A_5 = arith.constant 0 : index
    %get3A_6 = arith.constant 0 : index
    %get3A_7 = vector.load %arg5[%get3A_5, %get3A_6] : memref<8x128xf32, #tpu.memory_space<vmem>>, vector<8x128xf32>
    %reduce_min3A = arith.constant dense<0x7F800000> : vector<8x128xf32>
    %reduce_min3A_8 = vector.multi_reduction <minimumf>, %get3A_4, %reduce_min3A [0] : vector<1024x8x128xf32> to vector<8x128xf32>
    %min3A = arith.minimumf %get3A_7, %reduce_min3A_8 : vector<8x128xf32>
    %swap3A = arith.constant 0 : index
    %swap3A_9 = arith.constant 0 : index
    %swap3A_10 = vector.load %arg5[%swap3A, %swap3A_9] : memref<8x128xf32, #tpu.memory_space<vmem>>, vector<8x128xf32>
    tpu.vector_store %arg5[%swap3A, %swap3A_9], %min3A {strides = array<i32>} : memref<8x128xf32, #tpu.memory_space<vmem>>, vector<8x128xf32>,
    %get3A_11 = arith.constant 0 : index
    %get3A_12 = arith.constant 0 : index
    %get3A_13 = vector.load %arg6[%get3A_11, %get3A_12] : memref<8x128xf32, #tpu.memory_space<vmem>>, vector<8x128xf32>
    %reduce_max3A = arith.constant dense<0xFF800000> : vector<8x128xf32>
    %reduce_max3A_14 = vector.multi_reduction <maximumf>, %get3A_4, %reduce_max3A [0] : vector<1024x8x128xf32> to vector<8x128xf32>
    %max3A = arith.maximumf %get3A_13, %reduce_max3A_14 : vector<8x128xf32>
    %swap3A_15 = arith.constant 0 : index
    %swap3A_16 = arith.constant 0 : index
    %swap3A_17 = vector.load %arg6[%swap3A_15, %swap3A_16] : memref<8x128xf32, #tpu.memory_space<vmem>>, vector<8x128xf32>
    tpu.vector_store %arg6[%swap3A_15, %swap3A_16], %max3A {strides = array<i32>} : memref<8x128xf32, #tpu.memory_space<vmem>>, vector<8x128xf32>,
    %eq3A_18 = arith.constant 15 : i32
    %eq3A_19 = arith.cmpi eq, %arg0, %eq3A_18 : i32
    %convert_element_type3A_20 = arith.extui %eq3A_19 : i1 to i32
    %cond3A_21 = arith.constant 0 : i32
    %cond3A_22 = arith.cmpi ne, %convert_element_type3A_20, %cond3A_21 : i32
    scf.if %cond3A_22 {
      %get3A_23 = arith.constant 0 : index
      %get3A_24 = arith.constant 0 : index
      %get3A_25 = vector.load %arg5[%get3A_23, %get3A_24] : memref<8x128xf32, #tpu.memory_space<vmem>>, vector<8x128xf32>
      %reduce_min3A_26 = vector.shape_cast %get3A_25 : vector<8x128xf32> to vector<1x8x128xf32>
      %reduce_min3A_27 = arith.constant dense<0x7F800000> : vector<1xf32>
      %reduce_min3A_28 = vector.multi_reduction <minimumf>, %reduce_min3A_26, %reduce_min3A_27 [1, 2] : vector<1x8x128xf32> to vector<1xf32>
      %reduce_min3A_29 = vector.shape_cast %reduce_min3A_28 : vector<1xf32> to vector<1x1x1xf32>
      %reduce_min3A_30 = vector.extract %reduce_min3A_29[0, 0, 0] : f32 from vector<1x1x1xf32>
      %get3A_31 = arith.constant 0 : index
      %get3A_32 = arith.constant 0 : index
      %get3A_33 = vector.load %arg6[%get3A_31, %get3A_32] : memref<8x128xf32, #tpu.memory_space<vmem>>, vector<8x128xf32>
      %reduce_max3A_34 = vector.shape_cast %get3A_33 : vector<8x128xf32> to vector<1x8x128xf32>
      %reduce_max3A_35 = arith.constant dense<0xFF800000> : vector<1xf32>
      %reduce_max3A_36 = vector.multi_reduction <maximumf>, %reduce_max3A_34, %reduce_max3A_35 [1, 2] : vector<1x8x128xf32> to vector<1xf32>
      %reduce_max3A_37 = vector.shape_cast %reduce_max3A_36 : vector<1xf32> to vector<1x1x1xf32>
      %reduce_max3A_38 = vector.extract %reduce_max3A_37[0, 0, 0] : f32 from vector<1x1x1xf32>
      %broadcast_in_dim3A = vector.broadcast %reduce_min3A_30 : f32 to vector<16xf32>
      %broadcast_in_dim3A_39 = vector.broadcast %reduce_max3A_38 : f32 to vector<16xf32>
      %stack3A = vector.shape_cast %broadcast_in_dim3A : vector<16xf32> to vector<1x16xf32>
      %stack3A_40 = vector.shape_cast %broadcast_in_dim3A_39 : vector<16xf32> to vector<1x16xf32>
      %stack3A_41 = tpu.concatenate %stack3A, %stack3A_40 in 0 : vector<1x16xf32>, vector<1x16xf32> -> vector<2x16xf32>
      %swap3A_42 = arith.constant 0 : index
      %swap3A_43 = arith.constant 0 : index
      %swap3A_44 = vector.load %arg2[%swap3A_42, %swap3A_43] : memref<2x16xf32, #tpu.memory_space<vmem>>, vector<2x16xf32>
      tpu.vector_store %arg2[%swap3A_42, %swap3A_43], %stack3A_41 {strides = array<i32>} : memref<2x16xf32, #tpu.memory_space<vmem>>, vector<2x16xf32>,
      %swap3A_45 = arith.constant 0 : index
      %swap3A_46 = arith.constant 0 : index
      %swap3A_47 = memref.load %arg3[%swap3A_45, %swap3A_46] : memref<1x1xf32, #tpu.memory_space<smem>>
      memref.store %reduce_min3A_30, %arg3[%swap3A_45, %swap3A_46] : memref<1x1xf32, #tpu.memory_space<smem>>
      %swap3A_48 = arith.constant 0 : index
      %swap3A_49 = arith.constant 0 : index
      %swap3A_50 = memref.load %arg4[%swap3A_48, %swap3A_49] : memref<1x1xf32, #tpu.memory_space<smem>>
      memref.store %reduce_max3A_38, %arg4[%swap3A_48, %swap3A_49] : memref<1x1xf32, #tpu.memory_space<smem>>
    } else {
    }
    return
  }
  func.func @transform_0(%arg0: i32) -> (i32, i32, i32) {
    %c0_i32 = arith.constant 0 : i32
    %c0_i32_0 = arith.constant 0 : i32
    %c0_i32_1 = arith.constant 0 : i32
    return %arg0, %c0_i32, %c0_i32_0 : i32, i32, i32
  }
  func.func @transform_1(%arg0: i32) -> (i32, i32) {
    %c0_i32 = arith.constant 0 : i32
    %c0_i32_0 = arith.constant 0 : i32
    %c0_i32_1 = arith.constant 0 : i32
    return %c0_i32, %c0_i32_0 : i32, i32
  }
  func.func @transform_2(%arg0: i32) -> (i32, i32) {
    %c0_i32 = arith.constant 0 : i32
    %c0_i32_0 = arith.constant 0 : i32
    %c0_i32_1 = arith.constant 0 : i32
    return %c0_i32, %c0_i32_0 : i32, i32
  }
  func.func @transform_3(%arg0: i32) -> (i32, i32) {
    %c0_i32 = arith.constant 0 : i32
    %c0_i32_0 = arith.constant 0 : i32
    %c0_i32_1 = arith.constant 0 : i32
    return %c0_i32, %c0_i32_0 : i32, i32
  }
}

module attributes {stable_mosaic.version = 14 : i64} {
  func.func @_fin_body(%arg0: memref<32x2048xf32, #tpu.memory_space<vmem>>, %arg1: memref<1x2048xf32, #tpu.memory_space<vmem>>) attributes {dimension_semantics = [], scalar_prefetch = 0 : i64, scratch_operands = 0 : i64, tpu.core_type = #tpu.core_type<tc>} {
    %get3A = arith.constant 0 : index
    %get3A_0 = arith.constant 0 : index
    %get3A_1 = vector.load %arg0[%get3A, %get3A_0] : memref<32x2048xf32, #tpu.memory_space<vmem>>, vector<32x2048xf32>
    %reduce_sum3A = arith.constant dense<0.000000e+00> : vector<2048xf32>
    %reduce_sum3A_2 = vector.multi_reduction <add>, %get3A_1, %reduce_sum3A [0] : vector<32x2048xf32> to vector<2048xf32>
    %broadcast_in_dim3A = vector.shape_cast %reduce_sum3A_2 : vector<2048xf32> to vector<1x2048xf32>
    %swap3A = arith.constant 0 : index
    %swap3A_3 = arith.constant 0 : index
    %swap3A_4 = vector.load %arg1[%swap3A, %swap3A_3] : memref<1x2048xf32, #tpu.memory_space<vmem>>, vector<1x2048xf32>
    tpu.vector_store %arg1[%swap3A, %swap3A_3], %broadcast_in_dim3A {strides = array<i32>} : memref<1x2048xf32, #tpu.memory_space<vmem>>, vector<1x2048xf32>,
    return
  }
}

</mosaic_0001>

<sc_bundles>
// kernel: kernel.5.cloned.1.call-start
scs
__scs_entry_jumppad:
0x0: {  	(pc) =	sbr.rel $0x88, $3  }
0x1: {  	(tag) =	ssettag $0x0;
	lr =	simm.s32 $0x1  }
0x2: {  	[smem:$0x3FA0] =	sst lr;
	_ =	strace $0xD0000000  }
0x3: {  	_ = 	snop  }
0x4: {  	_ = 	snop  }
0x5: {  	_ = 	snop  }
0x6: {  	_ = 	snop  }
0x7: {  	_ = 	snop  }
__scs_overlays_trampoline_lowered:
0x8: {  	[smem:$0x3FAF] =	sst s0  }
0x9: {  	[smem:$0x3FB0] =	sst s1  }
0xa: {  	[smem:$0x3FB1] =	sst s2  }
0xb: {  	[smem:$0x3FB2] =	sst s3  }
0xc: {  	[smem:$0x3FB3] =	sst s4  }
0xd: {  	[smem:$0x3FB4] =	sst s5  }
0xe: {  	[smem:$0x3FB5] =	sst s6  }
0xf: {  	[smem:$0x3FB6] =	sst s7  }
0x10: {  	[smem:$0x3FB7] =	sst s8  }
0x11: {  	[smem:$0x3FB8] =	sst s9;
	s0 =	simm.s32 @!p0 $0x0  }
0x12: {  	s1 =	sld [smem:$0x3F9E];
	s0 =	simm.s32 @p0 $0x1  }
0x13: {  	[smem:$0x3FB9] =	sst s0;
	s0 =	simm.s32 @!p1 $0x0  }
0x14: {  	s2 =	sld [smem:$0x3F9D];
	s0 =	simm.s32 @p1 $0x1  }
0x15: {  	[smem:$0x3FBA] =	sst s0;
	s0 =	simm.s32 @!p2 $0x0  }
0x16: {  	s3 =	sld [smem:$0x3FDB];
	s0 =	simm.s32 @p2 $0x1  }
0x17: {  	s4 =	simm.s32 $0x1BF5;
	[smem:$0x3FBC] =	sst s0  }
0x18: {  	s0 =	sld [smem:$0x3F9F];
	_ =	swait.ge [sflag:s4], $0x0  }
0x19: {  	s7 =	sld [smem:$0x3FA0]  }
0x1a: {  	s8 =	sadd.s32 $0xFFFFE003, lr  }
0x1b: {  	s9 =	sadd.s32 $0xFFFFFEF7, lr;
	s5 =	simm.s32 $0xFFFFFFFF;
	p2 =	slt.u32 s8, $0xFFFFF086  }
0x1c: {  	p1 =	slt.u32 s9, $0xF7A;
	s5 =	simm.s32 @!p2 $0x0  }
0x1d: {  	s5 =	simm.s32 @p1 $0x1;
	p0 =	seq.s32 s7, s2  }
0x1e: {  	s7 =	smul.u32 @!p0 $0xF7A, s2;
	p2 =	seq.s32 @!p0 s5, $0x0  }
0x1f: {  	s9 =	smul.u32 $0xF7A, s1;
	s8 =	simm.s32 @!p0 $0x1BF5;
	p2 =	por !p2, p0  }
0x20: {  	[sflag:s8] =	ssyncset.s32 @!p0 $0xFFFFF086;
	s6 =	sadd.s32 @!p0 s3, s7;
	s7 =	simm.s32 @!p0 $0x108  }
0x21: {  	s3 =	sadd.s32 s3, s9;
	s6 =	sadd.s32 @!p0 $0x88, s6;
	s7 =	simm.s32 @p2 $0x1082  }
0x22: {  	[simem:s7], [sflag:s8] =	dma.local @!p0 [hbm:s6], $0xF7A  }
0x23: {  	s9 =	sor.u32 $0xD0000000, s2;
	s6 =	simm.s32 $0x108;
	_ =	swait.ge @!p0 [sflag:s8], $0x0  }
0x24: {  	s3 =	sadd.s32 $0x88, s3;
	s6 =	simm.s32 @!p1 $0x1082;
	[sflag:s4] =	ssyncset.s32 $0xFFFFF086  }
0x25: {  	[simem:s6], [sflag:s4] =	dma.local [hbm:s3], $0xF7A  }
0x26: {  	[smem:$0x3FA0] =	sst s1;
	(tag) =	ssettag s2;
	_ =	strace s9  }
0x27: {  	s1 =	sld [smem:$0x3FB0]  }
0x28: {  	s2 =	sld [smem:$0x3FB1]  }
0x29: {  	s4 =	sld [smem:$0x3FB3]  }
0x2a: {  	p0 =	seq.s32 s5, $0x0;
	s5 =	sld [smem:$0x3FB4]  }
0x2b: {  	s6 =	sld [smem:$0x3FB5]  }
0x2c: {  	s7 =	sld [smem:$0x3FB6]  }
0x2d: {  	s3 =	simm.s32 $0x108;
	s8 =	sld [smem:$0x3FB7]  }
0x2e: {  	s3 =	simm.s32 @!p0 $0x1082;
	s9 =	sld [smem:$0x3FB8]  }
0x2f: {  	lr =	sadd.s32 s0, s3;
	s0 =	sld [smem:$0x3FAF]  }
0x30: {  	s3 =	sld [smem:$0x3FB2]  }
0x31: {  	[smem:$0x3FBB] =	sst s10  }
0x32: {  	s10 =	sld [smem:$0x3FB9];
	_ =	sdelay $0x3  }
0x33: {  	p0 =	seq.s32 s10, $0x1;
	s10 =	sld [smem:$0x3FBB];
	_ =	sdelay $0x3  }
0x34: {  	[smem:$0x3FBB] =	sst s10  }
0x35: {  	s10 =	sld [smem:$0x3FBA];
	_ =	sdelay $0x3  }
0x36: {  	p1 =	seq.s32 s10, $0x1;
	s10 =	sld [smem:$0x3FBB];
	_ =	sdelay $0x3  }
0x37: {  	[smem:$0x3FBB] =	sst s10  }
0x38: {  	s10 =	sld [smem:$0x3FBC]  }
0x39: {  	_ = 	snop;
	(pc) =	sbr.ind lr, $3  }
0x3a: {  	_ = 	snop  }
0x3b: {  	_ = 	snop  }
0x3c: {  	p2 =	seq.s32 s10, $0x1;
	s10 =	sld [smem:$0x3FBB]  }
0x3d: {  	_ =	shalt  }
0x3e: {  	_ =	shalt  }
0x3f: {  	_ =	shalt  }
0x40: {  	_ =	shalt  }
0x41: {  	_ =	shalt  }
0x42: {  	_ =	shalt  }
0x43: {  	_ =	shalt  }
0x44: {  	_ =	shalt  }
0x45: {  	_ =	shalt  }
0x46: {  	_ =	shalt  }
0x47: {  	_ =	shalt  }
0x48: {  	_ =	shalt  }
0x49: {  	_ =	shalt  }
0x4a: {  	_ =	shalt  }
0x4b: {  	_ =	shalt  }
0x4c: {  	_ =	shalt  }
0x4d: {  	_ =	shalt  }
0x4e: {  	_ =	shalt  }
0x4f: {  	_ =	shalt  }
0x50: {  	_ =	shalt  }
0x51: {  	_ =	shalt  }
0x52: {  	_ =	shalt  }
0x53: {  	_ =	shalt  }
0x54: {  	_ =	shalt  }
0x55: {  	_ =	shalt  }
0x56: {  	_ =	shalt  }
0x57: {  	_ =	shalt  }
0x58: {  	_ =	shalt  }
0x59: {  	_ =	shalt  }
0x5a: {  	_ =	shalt  }
0x5b: {  	_ =	shalt  }
0x5c: {  	_ =	shalt  }
0x5d: {  	_ =	shalt  }
0x5e: {  	_ =	shalt  }
0x5f: {  	_ =	shalt  }
0x60: {  	_ =	shalt  }
0x61: {  	_ =	shalt  }
0x62: {  	_ =	shalt  }
0x63: {  	_ =	shalt  }
0x64: {  	_ =	shalt  }
0x65: {  	_ =	shalt  }
0x66: {  	_ =	shalt  }
0x67: {  	_ =	shalt  }
0x68: {  	_ =	shalt  }
0x69: {  	_ =	shalt  }
0x6a: {  	_ =	shalt  }
0x6b: {  	_ =	shalt  }
0x6c: {  	_ =	shalt  }
0x6d: {  	_ =	shalt  }
0x6e: {  	_ =	shalt  }
0x6f: {  	_ =	shalt  }
0x70: {  	_ =	shalt  }
0x71: {  	_ =	shalt  }
0x72: {  	_ =	shalt  }
0x73: {  	_ =	shalt  }
0x74: {  	_ =	shalt  }
0x75: {  	_ =	shalt  }
0x76: {  	_ =	shalt  }
0x77: {  	_ =	shalt  }
0x78: {  	_ =	shalt  }
0x79: {  	_ =	shalt  }
0x7a: {  	_ =	shalt  }
0x7b: {  	_ =	shalt  }
0x7c: {  	_ =	shalt  }
0x7d: {  	_ =	shalt  }
0x7e: {  	_ =	shalt  }
0x7f: {  	_ =	shalt  }
0x80: {  	_ =	shalt  }
0x81: {  	_ =	shalt  }
0x82: {  	_ =	shalt  }
0x83: {  	_ =	shalt  }
0x84: {  	_ =	shalt  }
0x85: {  	_ =	shalt  }
0x86: {  	_ =	shalt  }
0x87: {  	_ =	shalt  }
.Lfunc_end0:
.L_simem_size_0:
called_computation_lowered:
.L_overlay_start_0:
0x88: {  	s2 =	sld [smem:$0x3FD9]  }
0x89: {  	s3 =	sld [smem:$0x3FFE];
	_ =	sdelay $0x1  }
0x8a: {  	s1 =	srdreg.scid  }
0x8b: {  	s0 =	sand.u32 $0x1, s1  }
0x8c: {  	s14 =	sshll.u32 s0, $0xA;
	s2 =	sadd.s32 s3, s2  }
0x8d: {  	s2 =	sadd.s32 s2, s14  }
0x8e: {  	[smem:$0x3FC7] =	sst s2  }
0x8f: {  	_ = 	snop  }
0x90: {  	s2 =	sld [smem:$0x3FD0];
	_ =	sdelay $0x2  }
0x91: {  	s4 =	simm.s32 $0xA;
	s5 =	simm.s32 $0x10;
	s15 =	sld [smem:$0x3FC9]  }
0x92: {  	[smem:s5], [sflag:s4] =	dma.local [hbm:s2], $0x1  }
0x93: {  	_ =	swait.eq [sflag:s4], $0x1  }
0x94: {  	[sflag:s4] =	ssyncset.done $0x0  }
0x95: {  	[sflag:s4] =	ssyncadd.s32 $0xFFFFFFFF  }
0x96: {  	s16 =	sld [smem:$0x10];
	(tm) =	ssettm $0x1  }
0x97: {  	s17 =	sld [smem:$0x3FFB];
	_ =	sdelay $0x3  }
0x98: {  	_ =	strace s17  }
0x99: {  	s4 =	sld [smem:$0x3FFC];
	_ =	sdelay $0x3  }
0x9a: {  	_ =	strace s4  }
0x9b: {  	s4 =	sld [smem:$0x3FFD];
	_ =	sdelay $0x3  }
0x9c: {  	_ =	strace s4  }
0x9d: {  	_ =	strace $0x8FFFFFFF  }
0x9e: {  	s18 =	sld [smem:$0x3FDB];
	_ =	sdelay $0x1  }
0x9f: {  	s19 =	simm.s32 $_scs_section_size  }
0xa0: {  	s6 =	simm.s32 $_size__tile_overlayer_lowered;
	s7 =	simm.s32 $_tile_overlayer_lowered  }
0xa1: {  	s22 =	simm.s32 $0x1BFF;
	s21 =	sshll.u32 s7, $0x1;
	s4 =	sadd.s32 s19, s18  }
0xa2: {  	s8 =	simm.s32 $0x0;
	s20 =	sshll.u32 s6, $0x1;
	s6 =	sadd.s32 s21, s4  }
0xa3: {  	[timem:s8], [sflag:s22] =	dma.local [hbm:s6], s20  }
0xa4: {  	_ =	swait.ge [sflag:s22], s20  }
0xa5: {  	s5 =	ssub.s32 $0x0, s20;
	[sflag:s22] =	ssyncset.done $0x0  }
0xa6: {  	[sflag:s22] =	ssyncadd.s32 s5;
	_ =	sdelay $0x1  }
0xa7: {  	s23 =	simm.s32 $0x1B8B  }
0xa8: {  	_ =	swait.ge [sflag:s23], $0x1  }
0xa9: {  	[sflag:s23] =	ssyncset.done $0x0  }
0xaa: {  	s25 =	simm.s32 $0x1B8E;
	s24 =	sld [smem:$0x3FFE];
	[sflag:s23] =	ssyncadd.s32 $0xFFFFFFFF  }
0xab: {  	s26 =	simm.s32 $execute0_lowered;
	[smem:$0x3FD2] =	sst s25  }
0xac: {  	s6 =	sshll.u32 s26, $0x1;
	_ =	strace $0x80000046;
	[dreg:$0x1] =	wrdreg $0xFFFFFFFF  }
0xad: {  	s28 =	simm.s32 $_size_execute0_lowered;
	s4 =	sadd.s32 s4, s6;
	[dreg:$0x0] =	wrdreg $0x0  }
0xae: {  	s6 =	sshll.u32 s28, $0x1;
	[dreg:$0x2] =	wrdreg s4  }
0xaf: {  	[dreg:$0x3] =	wrdreg s6  }
0xb0: {  	[dreg:$0x4] =	wrdreg $0xC0  }
0xb1: {  	_ =	task [dreg:s8], $0x5FFFF  }
0xb2: {  	[dreg:$0x1] =	wrdreg $0xFFFFFFFF  }
0xb3: {  	[dreg:$0x0] =	wrdreg $0x60  }
0xb4: {  	[dreg:$0x2] =	wrdreg s15  }
0xb5: {  	[dreg:$0x3] =	wrdreg s16  }
0xb6: {  	[dreg:$0x4] =	wrdreg s24  }
0xb7: {  	[dreg:$0x5] =	wrdreg $0x9  }
0xb8: {  	_ =	task.clear_ibuf [dreg:s8], $0x6FFFF;
	_ =	strace $0x90000046  }
0xb9: {  	s29 =	simm.s32 $0x9;
	_ =	strace $0x80000048  }
0xba: {  	_ =	swait.ge [sflag:s29], $0x1  }
0xbb: {  	[sflag:s29] =	ssyncadd.s32 $0xFFFFFFFF  }
0xbc: {  	_ =	strace $0x90000048  }
0xbd: {  	_ =	sfence  }
0xbe: {  	s30 =	sld [smem:$0x0];
	_ =	sdelay $0x2  }
0xbf: {  	s31 =	sshll.u32 s1, $0xD;
	s1 =	sshrl.u32 s1, $0x2  }
0xc0: {  	s3 =	sand.u32 $0x4000, s31;
	s1 =	sadd.s32 s1, s30  }
0xc1: {  	s0 =	sor.u32 s3, s0;
	s1 =	sshll.u32 s1, $0x11  }
0xc2: {  	s0 =	sor.u32 s1, s0  }
0xc3: {  	s0 =	sadd.s32 $0x8F2B, s0  }
0xc4: {  	[sflag:s0] =	ssyncadd.remote.s32 $0x1  }
0xc5: {  	_ =	sfence.sel $0xFFFF  }
0xc6: {  	[dreg:$0x0] =	wrdreg $0xFFFFFFFF;
	(pc) =	sbr.abs _section_cstart, $3  }
0xc7: {  	[dreg:$0x1] =	wrdreg $0xFFFFFFFF  }
0xc8: {  	_ =	task.clear_ibuf [dreg:s8], $0x2FFFF;
	_ =	strace $0x9FFFFFFF  }
0xc9: {  	(tm) =	ssettm $0x7FFFFFFF  }
tec
execute0_lowered:
.L_overlay_start_1:
0x0: {  	(tag) =	ssettag $0x1  }
0x1: {  	v0 =	vimm.s32 $0xBCAB9A89;
	v1 =	vimm.s32 $0xF0EFDECD  }
0x2: {  	v2 =	vimm.s32 $0x34231201;
	v3 =	vimm.s32 $0x78675645;
	v4 =	vimm.s32 $0xBDAC9B8A  }
0x3: {  	v5 =	vimm.s32 $0xF1E0DFCE;
	vm0 =	vcmask $0x1F10;
	v7 =	vimm.s32 $0x7A695847  }
0x4: {  	v9 =	vimm.s32 $0xB0AF9E8D;
	v12 =	vimm.s32 $0x7C6B5A49;
	v15 =	vimm.s32 $0x71605F4E  }
0x5: {  	v18 =	vimm.s32 $0x74635241;
	v19 =	vimm.s32 $0xB9A89786;
	v20 =	vimm.s32 $0xFDECDBCA  }
0x6: {  	v0 =	vunpack.c.0.s8.s32 v0;
	v1 =	vunpack.c.0.s8.s32 v1;
	v2 =	vunpack.c.0.s8.s32 v2  }
0x7: {  	v3 =	vunpack.c.0.s8.s32 v3;
	v6 =	vunpack.c.0.s8.s32 v4;
	v5 =	vunpack.c.0.s8.s32 v5  }
0x8: {  	v9 =	vunpack.c.0.s8.s32 v9;
	v12 =	vunpack.c.0.s8.s32 v12;
	v15 =	vunpack.c.0.s8.s32 v15  }
0x9: {  	v18 =	vunpack.c.0.s8.s32 v18;
	v0 =	vsel vm0, v1, v0;
	v1 =	vsel vm0, v3, v2  }
0xa: {  	v2 =	vimm.s32 $0x79685746;
	v3 =	vimm.s32 $0xBEAD9C8B;
	v4 =	vcombine.low v1, v0  }
0xb: {  	v0 =	vsel vm0, v5, v6;
	v1 =	vimm.s32 $0x35241302;
	v2 =	vunpack.c.0.s8.s32 v2  }
0xc: {  	v3 =	vunpack.c.0.s8.s32 v3;
	v5 =	vimm.s32 $0xF2E1D0CF;
	v1 =	vunpack.c.0.s8.s32 v1  }
0xd: {  	v6 =	vimm.s32 $0x36251403;
	v5 =	vunpack.c.0.s8.s32 v5;
	v4 =	vand.u32 $0xFF, v4  }
0xe: {  	v1 =	vsel vm0, v2, v1;
	v2 =	vunpack.c.0.s8.s32 v6;
	v6 =	vunpack.c.0.s8.s32 v7  }
0xf: {  	v3 =	vsel vm0, v5, v3;
	v5 =	vimm.s32 $0xBFAE9D8C;
	v7 =	vimm.s32 $0xF3E2D1C0  }
0x10: {  	v8 =	vunpack.c.0.s8.s32 v5;
	v7 =	vunpack.c.0.s8.s32 v7;
	v5 =	vimm.s32 $0x37261504  }
0x11: {  	v2 =	vsel vm0, v6, v2;
	v6 =	vimm.s32 $0x7B6A5948;
	v10 =	vunpack.c.0.s8.s32 v5  }
0x12: {  	v5 =	vimm.s32 $0xF4E3D2C1;
	v11 =	vunpack.c.0.s8.s32 v6;
	v6 =	vimm.s32 $0x38271605  }
0x13: {  	v13 =	vunpack.c.0.s8.s32 v5;
	v5 =	vcombine.low v1, v0;
	v0 =	vsel vm0, v7, v8  }
0x14: {  	v7 =	vimm.s32 $0xB1A09F8E;
	v8 =	vimm.s32 $0xF5E4D3C2;
	v14 =	vunpack.c.0.s8.s32 v6  }
0x15: {  	v6 =	vcombine.low v2, v3;
	v1 =	vsel vm0, v11, v10;
	v2 =	vsel vm0, v13, v9  }
0x16: {  	v9 =	vimm.s32 $0x39281706;
	v10 =	vunpack.c.0.s8.s32 v7;
	v11 =	vunpack.c.0.s8.s32 v8  }
0x17: {  	v7 =	vimm.s32 $0x7D6C5B4A;
	v8 =	vimm.s32 $0xB2A1908F;
	v5 =	vand.u32 $0xFF, v5  }
0x18: {  	v3 =	vsel vm0, v12, v14;
	v9 =	vunpack.c.0.s8.s32 v9;
	v12 =	vimm.s32 $0xF6E5D4C3  }
0x19: {  	v13 =	vunpack.c.0.s8.s32 v7;
	v14 =	vunpack.c.0.s8.s32 v8;
	v7 =	vcombine.low v1, v0  }
0x1a: {  	v6 =	vand.u32 $0xFF, v6;
	v12 =	vunpack.c.0.s8.s32 v12;
	v8 =	vcombine.low v3, v2  }
0x1b: {  	v0 =	vsel vm0, v11, v10;
	v3 =	vimm.s32 $0x3A291807;
	v10 =	vimm.s32 $0xB3A29180  }
0x1c: {  	v1 =	vsel vm0, v13, v9;
	v3 =	vunpack.c.0.s8.s32 v3;
	v9 =	vimm.s32 $0x7E6D5C4B  }
0x1d: {  	v11 =	vunpack.c.0.s8.s32 v10;
	v10 =	vimm.s32 $0xF7E6D5C4;
	v13 =	vimm.s32 $0x7F6E5D4C  }
0x1e: {  	v7 =	vand.u32 $0xFF, v7;
	v2 =	vsel vm0, v12, v14;
	v9 =	vunpack.c.0.s8.s32 v9  }
0x1f: {  	v12 =	vunpack.c.0.s8.s32 v10;
	v10 =	vimm.s32 $0x3B2A1908;
	v13 =	vunpack.c.0.s8.s32 v13  }
0x20: {  	v8 =	vand.u32 $0xFF, v8;
	v14 =	vunpack.c.0.s8.s32 v10;
	v3 =	vsel vm0, v9, v3  }
0x21: {  	v9 =	vcombine.low v1, v0;
	v0 =	vsel vm0, v12, v11;
	v12 =	vimm.s32 $0xB5A49382  }
0x22: {  	v10 =	vcombine.low v3, v2;
	v1 =	vsel vm0, v13, v14;
	v2 =	vimm.s32 $0xB4A39281  }
0x23: {  	v3 =	vimm.s32 $0xF8E7D6C5;
	v12 =	vunpack.c.0.s8.s32 v12;
	v13 =	vimm.s32 $0xF9E8D7C6  }
0x24: {  	v14 =	vimm.s32 $0x3D2C1B0A;
	v11 =	vcombine.low v1, v0;
	v0 =	vunpack.c.0.s8.s32 v2  }
0x25: {  	v1 =	vunpack.c.0.s8.s32 v3;
	v2 =	vimm.s32 $0x3C2B1A09;
	v3 =	vimm.s32 $0x706F5E4D  }
0x26: {  	v13 =	vunpack.c.0.s8.s32 v13;
	v2 =	vunpack.c.0.s8.s32 v2;
	v3 =	vunpack.c.0.s8.s32 v3  }
0x27: {  	v14 =	vunpack.c.0.s8.s32 v14;
	v9 =	vand.u32 $0xFF, v9;
	v10 =	vand.u32 $0xFF, v10  }
0x28: {  	v0 =	vsel vm0, v1, v0;
	v11 =	vand.u32 $0xFF, v11;
	v1 =	vsel vm0, v3, v2  }
0x29: {  	v2 =	vimm.s32 $0xB6A59483;
	v3 =	vsel vm0, v13, v12;
	v12 =	vsel vm0, v15, v14  }
0x2a: {  	v13 =	vimm.s32 $0xFAE9D8C7;
	v14 =	vimm.s32 $0x3E2D1C0B;
	v15 =	vimm.s32 $0x7261504F  }
0x2b: {  	v2 =	vunpack.c.0.s8.s32 v2;
	v13 =	vunpack.c.0.s8.s32 v13;
	v14 =	vunpack.c.0.s8.s32 v14  }
0x2c: {  	v15 =	vunpack.c.0.s8.s32 v15;
	v17 =	vcombine.low v12, v3;
	v3 =	vimm.s32 $0x73625140  }
0x2d: {  	v16 =	vcombine.low v1, v0;
	v12 =	vimm.s32 $0xB8A79685;
	v3 =	vunpack.c.0.s8.s32 v3  }
0x2e: {  	s0 =	rddreg [dreg:$0x0];
	v12 =	vunpack.c.0.s8.s32 v12;
	v0 =	vsel vm0, v13, v2;
	v1 =	vsel vm0, v15, v14  }
0x2f: {  	s1 =	rddreg [dreg:$0x2];
	v2 =	vimm.s32 $0xB7A69584;
	v13 =	vimm.s32 $0xFCEBDAC9;
	v15 =	vimm.s32 $0x302F1E0D  }
0x30: {  	s5 =	stileid.u32;
	s2 =	srdreg.scid;
	v14 =	vcombine.low v1, v0;
	v0 =	vunpack.c.0.s8.s32 v2;
	v1 =	vimm.s32 $0xFBEAD9C8  }
0x31: {  	s3 =	simm.s32 $0x0;
	s23 =	simm.s32 $0x3;
	s24 =	simm.s32 $0x1;
	v2 =	vimm.s32 $0x3F2E1D0C;
	v13 =	vunpack.c.0.s8.s32 v13;
	v1 =	vunpack.c.0.s8.s32 v1  }
0x32: {  	s28 =	simm.s32 $0x80;
	s29 =	simm.s32 $0x400;
	s30 =	simm.s32 $0x18000;
	v15 =	vunpack.c.0.s8.s32 v15;
	v2 =	vunpack.c.0.s8.s32 v2;
	v14 =	vand.u32 $0xFF, v14  }
0x33: {  	s31 =	simm.s32 $0x0;
	s2 =	sand.u32 $0x1, s2;
	s4 =	sshll.u32 s5, $0x1;
	v0 =	vsel vm0, v1, v0;
	v1 =	vunpack.c.0.s8.s32 v19;
	v19 =	vunpack.c.0.s8.s32 v20  }
0x34: {  	[smem:$0x7FF] =	sst s3;
	s5 =	sshll.u32 s5, $0x9;
	s15 =	sor.u32 s2, s4;
	v2 =	vsel vm0, v3, v2;
	v3 =	vsel vm0, v13, v12;
	v12 =	vsel vm0, v18, v15  }
0x35: {  	_ =	strace $0x80000047;
	s7 =	sand.u32 $0x1800, s5;
	s2 =	ssub.s32 $0x2, s2;
	v15 =	vcombine.low v2, v0;
	v18 =	vcombine.low v12, v3;
	v0 =	vimm.s32 $0x31201F0E  }
0x36: {  	s4 =	sshll.u32 s15, $0x10;
	s25 =	sshrl.u32 s2, $0x1;
	s1 =	sadd.s32 s7, s1;
	v2 =	vimm.s32 $0xBAA99887;
	v12 =	vimm.s32 $0x3221100F;
	v13 =	vsel vm0, v19, v1  }
0x37: {  	s26 =	sshll.u32 s15, $0x4;
	s4 =	sadd.s32 s0, s4;
	s0 =	ssub.s32 s2, s25;
	v1 =	vimm.s32 $0x75645342;
	v3 =	vunpack.c.0.s8.s32 v0;
	v2 =	vunpack.c.0.s8.s32 v2  }
0x38: {  	s2 =	sand.u32 $0x70, s26;
	s25 =	simm.s32 $0x10000;
	s26 =	simm.s32 $0x2;
	v0 =	vimm.s32 $0xFEEDDCCB;
	v19 =	vimm.s32 $0x76655443;
	v1 =	vunpack.c.0.s8.s32 v1  }
0x39: {  	s5 =	sadd.s32 $0x1000, s4;
	s6 =	sadd.s32 $0x2000, s4;
	s7 =	sadd.s32 $0x3000, s4;
	v12 =	vunpack.c.0.s8.s32 v12;
	v20 =	vunpack.c.0.s8.s32 v0;
	v19 =	vunpack.c.0.s8.s32 v19  }
0x3a: {  	s8 =	sadd.s32 $0x4000, s4;
	s9 =	sadd.s32 $0x5000, s4;
	s10 =	sadd.s32 $0x6000, s4;
	v0 =	vimm.f32 $0.0e+00;
	v15 =	vand.u32 $0xFF, v15;
	v21 =	vsel vm0, v1, v3  }
0x3b: {  	s11 =	sadd.s32 $0x7000, s4;
	s12 =	sadd.s32 $0x8000, s4;
	s13 =	sadd.s32 $0x9000, s4;
	v1 =	vlaneseq.u32;
	v20 =	vsel vm0, v20, v2;
	v19 =	vsel vm0, v19, v12  }
0x3c: {  	s14 =	sadd.s32 $0xA000, s4;
	s15 =	sadd.s32 $0xB000, s4;
	s16 =	sadd.s32 $0xC000, s4;
	v2 =	vimm.f32 $1.000000000e+00;
	v21 =	vcombine.low v21, v13;
	v19 =	vcombine.low v19, v20  }
0x3d: {  	s17 =	sadd.s32 $0xD000, s4;
	s18 =	sadd.s32 $0xE000, s4;
	s1 =	sadd.s32 s2, s1;
	v12 =	vand.u32 $0xFF, v16;
	v16 =	vand.u32 $0xFF, v18;
	v3 =	vmul.u32 $0x11, v1  }
0x3e: {  	s19 =	sadd.s32 $0xF000, s4;
	s21 =	smax.u32 s0, $0x1;
	s20 =	sadd.s32 $0xA00, s1;
	v13 =	vand.u32 $0xFF, v17;
	v17 =	vand.u32 $0xFF, v21;
	v18 =	vand.u32 $0xFF, v19  }
.LBB2_1:
0x3f: {  	s0 =	simm.s32 $0x10  }
0x40: {  	s22 =	sadd.s32 $0x0, s4;
	s1 =	simm.s32 $0x100;
	s2 =	simm.s32 $0x0  }
.LBB2_2:
0x41: {  	[tilespmem:s2], [sflag:$0x1] =	stream.linear.gather [hbm4b:s22+s3], $0x80, $0x38;
	[tilespmem:$0x18900] =	vst v63  }
0x42: {  	s22 =	smov.u32 s0;
	s2 =	smov.u32 s1;
	p0 =	sne.s32 s0, $0xFF0  }
.Ltmp0:
0x43: {  	s0 =	sadd.s32 $0x10, s0;
	(pc) =	sbr.rel @p0 .LBB2_2-.Ltmp0, $2  }
0x44: {  	_ =	sdelay $0x2  }
0x45: {  	s1 =	sadd.s32 $0x100, s1;
	s22 =	sadd.s32 s22, s4  }
0x46: {  	[tilespmem:s2], [sflag:$0x1] =	stream.linear.gather [hbm4b:s22+s3], $0x80, $0x38;
	[tilespmem:$0x18900] =	vst v63  }
0x47: {  	s0 =	rddreg [dreg:$0x1];
	s1 =	simm.s32 $0x18800  }
0x48: {  	[tilespmem:s1], [sflag:$0x3] =	stream.linear.gather [hbm4b:s0+s3], $0x100, $0x38;
	[tilespmem:$0x18900] =	vst v63  }
0x49: {  	_ =	swait.ge [sflag:s23], $0x100  }
0x4a: {  	[sflag:s23] =	ssyncset.done $0x0  }
0x4b: {  	[sflag:s23] =	ssyncadd.s32 $0xFFFFFF00  }
0x4c: {  	s0 =	simm.s32 $0x10040;
	v20 =	vld [tilespmem:$0x18800]  }
0x4d: {  	v19 =	vld [tilespmem:$0x18880];
	[tilespmem:s0+$0xFFFFFFC0] =	vst v0  }
0x4e: {  	[tilespmem:s0+$0x30] =	vst v0  }
0x4f: {  	[tilespmem:s0+$0x20] =	vst v0  }
0x50: {  	[tilespmem:s0+$0x10] =	vst v0  }
0x51: {  	[tilespmem:s0+$0x0] =	vst v0  }
0x52: {  	[tilespmem:s0+$0xFFFFFFF0] =	vst v0  }
0x53: {  	s1 =	simm.s32 $0x0;
	[tilespmem:s0+$0xFFFFFFE0] =	vst v0  }
.LBB2_4:
0x54: {  	s1 =	sadd.s32 $0x8, s1;
	[tilespmem:s0+$0xFFFFFFD0] =	vst v0;
	s0 =	sadd.s32 $0x80, s0  }
0x55: {  	[tilespmem:s0+$0xFFFFFFC0] =	vst v0;
	p0 =	slt.u32 s1, $0x7F8  }
0x56: {  	[tilespmem:s0+$0x30] =	vst v0  }
.Ltmp1:
0x57: {  	[tilespmem:s0+$0x20] =	vst v0;
	(pc) =	sbr.rel @p0 .LBB2_4-.Ltmp1, $4  }
0x58: {  	[tilespmem:s0+$0x10] =	vst v0  }
0x59: {  	[tilespmem:s0+$0x0] =	vst v0  }
0x5a: {  	[tilespmem:s0+$0xFFFFFFF0] =	vst v0  }
0x5b: {  	[tilespmem:s0+$0xFFFFFFE0] =	vst v0  }
0x5c: {  	s1 =	simm.s32 $0x80  }
0x5d: {  	[tilespmem:s0+$0xFFFFFFD0] =	vst v0;
	s0 =	simm.s32 $0x10;
	s22 =	sadd.s32 $0x0, s5;
	s2 =	simm.s32 $0x180  }
.LBB2_6:
0x5e: {  	[tilespmem:s1], [sflag:$0x2] =	stream.linear.gather [hbm4b:s22+s3], $0x80, $0x38;
	[tilespmem:$0x18900] =	vst v63  }
0x5f: {  	s22 =	smov.u32 s0;
	s1 =	smov.u32 s2;
	p0 =	sne.s32 s0, $0xFF0  }
.Ltmp2:
0x60: {  	s0 =	sadd.s32 $0x10, s0;
	(pc) =	sbr.rel @p0 .LBB2_6-.Ltmp2, $2  }
0x61: {  	_ =	sdelay $0x2  }
0x62: {  	s2 =	sadd.s32 $0x100, s2;
	s22 =	sadd.s32 s22, s5  }
0x63: {  	v19 =	vsub.f32 v19, v20;
	_ =	sdelay $0x1  }
0x64: {  	v19 =	vmul.f32 $4.882812500e-04, v19;
	_ =	sdelay $0x1  }
0x65: {  	vm0 =	vle.f32 v19, $0.0e+00  }
0x66: {  	v19 =	vsel vm0, $0x3F800000, v19  }
0x67: {  	(erf) = vrcp.f32 v19;
	_ =	sdelay $0x8  }
0x68: {  	[tilespmem:s1], [sflag:$0x2] =	stream.linear.gather [hbm4b:s22+s3], $0x80, $0x38;
	v19 =	vpop (erf);
	[tilespmem:$0x18900] =	vst v63  }
0x69: {  	_ =	swait.ge [sflag:s24], $0x8000  }
0x6a: {  	[sflag:s24] =	ssyncset.done $0x0  }
0x6b: {  	s0 =	simm.s32 $0x100;
	[sflag:s24] =	ssyncadd.s32 $0xFFFF8000  }
0x6c: {  	v21 =	vld [tilespmem:s0+$0x70]  }
0x6d: {  	v22 =	vld [tilespmem:s0+$0xFFFFFF10]  }
0x6e: {  	v23 =	vld [tilespmem:s0+$0xFFFFFF20]  }
0x6f: {  	v24 =	vld [tilespmem:s0+$0xFFFFFF30]  }
0x70: {  	v25 =	vld [tilespmem:s0+$0xFFFFFF40]  }
0x71: {  	v26 =	vld [tilespmem:s0+$0xFFFFFF50]  }
0x72: {  	v27 =	vld [tilespmem:s0+$0xFFFFFF60]  }
0x73: {  	v28 =	vld [tilespmem:s0+$0xFFFFFF70]  }
0x74: {  	v29 =	vld [tilespmem:s0+$0x0]  }
0x75: {  	v20 =	vmul.f32 v19, v20;
	v30 =	vld [tilespmem:s0+$0x10]  }
0x76: {  	v31 =	vld [tilespmem:s0+$0x20];
	v21 =	vmul.f32 v21, v19;
	v22 =	vmul.f32 v22, v19  }
0x77: {  	v32 =	vld [tilespmem:s0+$0x30];
	v23 =	vmul.f32 v23, v19;
	v24 =	vmul.f32 v24, v19  }
0x78: {  	v20 =	vsub.f32 $0.0e+00, v20;
	v33 =	vld [tilespmem:s0+$0x40];
	v25 =	vmul.f32 v25, v19;
	v26 =	vmul.f32 v26, v19  }
0x79: {  	v34 =	vld [tilespmem:s0+$0xFFFFFF00];
	v27 =	vmul.f32 v27, v19;
	v28 =	vmul.f32 v28, v19  }
0x7a: {  	v35 =	vld [tilespmem:s0+$0x50];
	v29 =	vmul.f32 v29, v19;
	v30 =	vmul.f32 v30, v19;
	v21 =	vadd.f32 v21, v20  }
0x7b: {  	v36 =	vld [tilespmem:s0+$0x60];
	v31 =	vmul.f32 v31, v19;
	v22 =	vadd.f32 v22, v20;
	v23 =	vadd.f32 v23, v20  }
0x7c: {  	v32 =	vmul.f32 v32, v19;
	v24 =	vadd.f32 v24, v20;
	v25 =	vadd.f32 v25, v20  }
0x7d: {  	v33 =	vmul.f32 v33, v19;
	v26 =	vadd.f32 v26, v20;
	v27 =	vadd.f32 v27, v20  }
0x7e: {  	v34 =	vmul.f32 v34, v19;
	v28 =	vadd.f32 v28, v20;
	v29 =	vadd.f32 v29, v20  }
0x7f: {  	v35 =	vmul.f32 v35, v19;
	v30 =	vadd.f32 v30, v20;
	v31 =	vadd.f32 v31, v20  }
0x80: {  	v36 =	vmul.f32 v36, v19;
	v32 =	vadd.f32 v32, v20;
	v33 =	vadd.f32 v33, v20  }
0x81: {  	v34 =	vadd.f32 v34, v20;
	v21 =	vmin.f32 v21, $2.047000000e+03;
	v22 =	vmin.f32 v22, $2.047000000e+03  }
0x82: {  	v23 =	vmin.f32 v23, $2.047000000e+03;
	v24 =	vmin.f32 v24, $2.047000000e+03;
	v25 =	vmin.f32 v25, $2.047000000e+03  }
0x83: {  	v26 =	vmin.f32 v26, $2.047000000e+03;
	v27 =	vmin.f32 v27, $2.047000000e+03;
	v28 =	vmin.f32 v28, $2.047000000e+03  }
0x84: {  	v34 =	vmin.f32 v34, $2.047000000e+03;
	v21 =	vtrunc.f32 v21;
	v37 =	vtrunc.f32 v22  }
0x85: {  	v29 =	vmin.f32 v29, $2.047000000e+03;
	v23 =	vtrunc.f32 v23;
	v34 =	vtrunc.f32 v34  }
0x86: {  	v30 =	vmin.f32 v30, $2.047000000e+03;
	v24 =	vtrunc.f32 v24;
	v25 =	vtrunc.f32 v25  }
0x87: {  	v31 =	vmin.f32 v31, $2.047000000e+03;
	v26 =	vtrunc.f32 v26;
	v27 =	vtrunc.f32 v27  }
0x88: {  	v32 =	vmin.f32 v32, $2.047000000e+03;
	v28 =	vtrunc.f32 v28;
	v61 =	vtrunc.f32 v29  }
0x89: {  	v33 =	vmin.f32 v33, $2.047000000e+03;
	v38 =	vtrunc.f32 v30;
	v39 =	vtrunc.f32 v31  }
0x8a: {  	v35 =	vadd.f32 v35, v20;
	v32 =	vtrunc.f32 v32;
	v40 =	vtrunc.f32 v33  }
0x8b: {  	v22 =	vadd.f32 v36, v20;
	v21 =	vcvt.f32.s32 v21;
	v31 =	vcvt.f32.s32 v34  }
0x8c: {  	v29 =	vmin.f32 v35, $2.047000000e+03;
	v63 =	vcvt.f32.s32 v25;
	v35 =	vcvt.f32.s32 v26  }
0x8d: {  	v30 =	vmin.f32 v22, $2.047000000e+03;
	v22 =	vtrunc.f32 v29;
	v29 =	vshll.u32 v21, $0x4  }
0x8e: {  	v34 =	vcvt.f32.s32 v28;
	v28 =	vcvt.f32.s32 v39;
	v62 =	vor.u32 v1, v29  }
0x8f: {  	v21 =	vtrunc.f32 v30;
	v30 =	vcvt.f32.s32 v23  }
0x90: {  	v32 =	vcvt.f32.s32 v32;
	v23 =	vshll.u32 v31, $0x4;
	v31 =	vcvt.f32.s32 v24  }
0x91: {  	v33 =	vshll.u32 v63, $0x4;
	v29 =	vcvt.f32.s32 v37;
	v25 =	vshll.u32 v30, $0x4  }
0x92: {  	v30 =	vcvt.f32.s32 v61;
	v26 =	vshll.u32 v31, $0x4;
	v31 =	vcvt.f32.s32 v38  }
0x93: {  	s1 =	simm.s32 $0x0;
	s0 =	simm.s32 $0x300;
	v24 =	vshll.u32 v29, $0x4;
	v29 =	vcvt.f32.s32 v27;
	v27 =	vcvt.f32.s32 v40;
	[tilespmem:v62+s25+$0x0] =	vst.idx.add.f32.msk $0xffff, v2  }
.LBB2_8:
0x94: {  	v36 =	vld [tilespmem:s0+$0x70];
	s1 =	sadd.s32 $0x10, s1;
	v35 =	vshll.u32 v35, $0x4;
	v22 =	vcvt.f32.s32 v22;
	v21 =	vcvt.f32.s32 v21  }
0x95: {  	v29 =	vshll.u32 v29, $0x4;
	v34 =	vshll.u32 v34, $0x4;
	v30 =	vshll.u32 v30, $0x4;
	v37 =	vld [tilespmem:s0+$0xFFFFFF10];
	p0 =	slt.u32 s1, $0x7F0  }
0x96: {  	v31 =	vshll.u32 v31, $0x4;
	v28 =	vshll.u32 v28, $0x4;
	v32 =	vshll.u32 v32, $0x4;
	v38 =	vld [tilespmem:s0+$0xFFFFFF20]  }
0x97: {  	v27 =	vshll.u32 v27, $0x4;
	v22 =	vshll.u32 v22, $0x4;
	v21 =	vshll.u32 v21, $0x4;
	v39 =	vld [tilespmem:s0+$0xFFFFFF30]  }
0x98: {  	v23 =	vor.u32 v1, v23;
	v24 =	vor.u32 v1, v24;
	v25 =	vor.u32 v1, v25;
	v40 =	vld [tilespmem:s0+$0xFFFFFF40]  }
0x99: {  	v26 =	vor.u32 v1, v26;
	v33 =	vor.u32 v1, v33;
	v41 =	vld [tilespmem:s0+$0xFFFFFF50];
	v36 =	vmul.f32 v36, v19  }
0x9a: {  	v35 =	vor.u32 v1, v35;
	v29 =	vor.u32 v1, v29;
	v37 =	vmul.f32 v37, v19;
	v42 =	vld [tilespmem:s0+$0xFFFFFF60]  }
0x9b: {  	v34 =	vor.u32 v1, v34;
	v38 =	vmul.f32 v38, v19;
	v43 =	vld [tilespmem:s0+$0xFFFFFF70];
	v36 =	vadd.f32 v36, v20  }
0x9c: {  	v30 =	vor.u32 v1, v30;
	v37 =	vadd.f32 v37, v20;
	v39 =	vmul.f32 v39, v19;
	v44 =	vld [tilespmem:s0+$0x0]  }
0x9d: {  	v38 =	vadd.f32 v38, v20;
	v40 =	vmul.f32 v40, v19;
	v45 =	vld [tilespmem:s0+$0x10];
	v36 =	vmin.f32 v36, $2.047000000e+03  }
0x9e: {  	v39 =	vadd.f32 v39, v20;
	v41 =	vmul.f32 v41, v19;
	v46 =	vld [tilespmem:s0+$0x20];
	v36 =	vtrunc.f32 v36  }
0x9f: {  	v40 =	vadd.f32 v40, v20;
	v42 =	vmul.f32 v42, v19;
	v47 =	vld [tilespmem:s0+$0x30];
	v36 =	vcvt.f32.s32 v36  }
0xa0: {  	v37 =	vmin.f32 v37, $2.047000000e+03;
	v41 =	vadd.f32 v41, v20;
	v43 =	vmul.f32 v43, v19;
	v48 =	vld [tilespmem:s0+$0x40]  }
0xa1: {  	v42 =	vadd.f32 v42, v20;
	v44 =	vmul.f32 v44, v19;
	v49 =	vld [tilespmem:s0+$0x50];
	v36 =	vshll.u32 v36, $0x4  }
0xa2: {  	v43 =	vadd.f32 v43, v20;
	v45 =	vmul.f32 v45, v19;
	v50 =	vld [tilespmem:s0+$0x60];
	v36 =	vor.u32 v1, v36  }
0xa3: {  	v38 =	vmin.f32 v38, $2.047000000e+03;
	v51 =	vld [tilespmem:s0+$0xFFFFFF00];
	v44 =	vadd.f32 v44, v20;
	v46 =	vmul.f32 v46, v19  }
0xa4: {  	v39 =	vmin.f32 v39, $2.047000000e+03;
	v45 =	vadd.f32 v45, v20;
	v47 =	vmul.f32 v47, v19;
	[tilespmem:v23+s25+$0x0] =	vst.idx.add.f32.msk $0xffff, v2  }
0xa5: {  	v23 =	vmin.f32 v40, $2.047000000e+03;
	v40 =	vadd.f32 v46, v20;
	v46 =	vmul.f32 v48, v19;
	[tilespmem:v24+s25+$0x0] =	vst.idx.add.f32.msk $0xffff, v2  }
0xa6: {  	v24 =	vmin.f32 v41, $2.047000000e+03;
	v41 =	vadd.f32 v47, v20;
	v47 =	vmul.f32 v49, v19;
	[tilespmem:v25+s25+$0x0] =	vst.idx.add.f32.msk $0xffff, v2  }
0xa7: {  	v25 =	vmin.f32 v42, $2.047000000e+03;
	v42 =	vadd.f32 v46, v20;
	v46 =	vmul.f32 v50, v19;
	[tilespmem:v36+s25+$0x0] =	vst.idx.add.f32.msk $0xffff, v2  }
0xa8: {  	v43 =	vmin.f32 v43, $2.047000000e+03;
	v36 =	vmul.f32 v51, v19;
	v47 =	vadd.f32 v47, v20;
	[tilespmem:v26+s25+$0x0] =	vst.idx.add.f32.msk $0xffff, v2  }
0xa9: {  	v26 =	vmin.f32 v44, $2.047000000e+03;
	v44 =	vmin.f32 v45, $2.047000000e+03;
	v45 =	vadd.f32 v46, v20;
	[tilespmem:v33+s25+$0x0] =	vst.idx.add.f32.msk $0xffff, v2  }
0xaa: {  	v33 =	vadd.f32 v36, v20;
	v36 =	vmin.f32 v40, $2.047000000e+03;
	v40 =	vmin.f32 v41, $2.047000000e+03;
	[tilespmem:v35+s25+$0x0] =	vst.idx.add.f32.msk $0xffff, v2  }
0xab: {  	v35 =	vmin.f32 v42, $2.047000000e+03;
	v41 =	vmin.f32 v47, $2.047000000e+03;
	v42 =	vmin.f32 v45, $2.047000000e+03;
	[tilespmem:v29+s25+$0x0] =	vst.idx.add.f32.msk $0xffff, v2  }
0xac: {  	v29 =	vmin.f32 v33, $2.047000000e+03;
	v33 =	vtrunc.f32 v37;
	v37 =	vtrunc.f32 v38;
	[tilespmem:v34+s25+$0x0] =	vst.idx.add.f32.msk $0xffff, v2  }
0xad: {  	v34 =	vtrunc.f32 v39;
	v29 =	vtrunc.f32 v29;
	[tilespmem:v30+s25+$0x0] =	vst.idx.add.f32.msk $0xffff, v2;
	v30 =	vor.u32 v1, v31  }
0xae: {  	v38 =	vtrunc.f32 v24;
	v31 =	vtrunc.f32 v23;
	v23 =	vor.u32 v1, v28  }
0xaf: {  	v25 =	vtrunc.f32 v25;
	v24 =	vor.u32 v1, v32;
	v28 =	vtrunc.f32 v43  }
0xb0: {  	v27 =	vor.u32 v1, v27;
	v26 =	vtrunc.f32 v26;
	v32 =	vtrunc.f32 v44  }
0xb1: {  	v36 =	vtrunc.f32 v36;
	v39 =	vtrunc.f32 v40;
	v40 =	vor.u32 v1, v22  }
0xb2: {  	v22 =	vtrunc.f32 v41;
	v41 =	vor.u32 v1, v21;
	v43 =	vtrunc.f32 v35;
	[tilespmem:v30+s25+$0x0] =	vst.idx.add.f32.msk $0xffff, v2  }
0xb3: {  	v21 =	vtrunc.f32 v42;
	v29 =	vcvt.f32.s32 v29;
	[tilespmem:v23+s25+$0x0] =	vst.idx.add.f32.msk $0xffff, v2  }
0xb4: {  	v30 =	vcvt.f32.s32 v33;
	v33 =	vcvt.f32.s32 v37;
	[tilespmem:v24+s25+$0x0] =	vst.idx.add.f32.msk $0xffff, v2  }
.Ltmp3:
0xb5: {  	v42 =	vcvt.f32.s32 v31;
	v37 =	vcvt.f32.s32 v34;
	v23 =	vshll.u32 v29, $0x4;
	[tilespmem:v27+s25+$0x0] =	vst.idx.add.f32.msk $0xffff, v2;
	(pc) =	sbr.rel @p0 .LBB2_8-.Ltmp3, $4  }
0xb6: {  	v35 =	vcvt.f32.s32 v38;
	v29 =	vcvt.f32.s32 v25;
	v24 =	vshll.u32 v30, $0x4;
	[tilespmem:v40+s25+$0x0] =	vst.idx.add.f32.msk $0xffff, v2  }
0xb7: {  	v34 =	vcvt.f32.s32 v28;
	v25 =	vshll.u32 v33, $0x4;
	v30 =	vcvt.f32.s32 v26;
	[tilespmem:v41+s25+$0x0] =	vst.idx.add.f32.msk $0xffff, v2  }
0xb8: {  	v31 =	vcvt.f32.s32 v32;
	v28 =	vcvt.f32.s32 v36;
	v26 =	vshll.u32 v37, $0x4  }
0xb9: {  	s0 =	sadd.s32 $0x200, s0;
	v32 =	vcvt.f32.s32 v39;
	v33 =	vshll.u32 v42, $0x4;
	v27 =	vcvt.f32.s32 v43  }
0xba: {  	v23 =	vor.u32 v1, v23  }
0xbb: {  	v24 =	vor.u32 v1, v24  }
0xbc: {  	v25 =	vor.u32 v1, v25  }
0xbd: {  	v26 =	vor.u32 v1, v26  }
0xbe: {  	v35 =	vshll.u32 v35, $0x4;
	v33 =	vor.u32 v1, v33  }
0xbf: {  	v29 =	vshll.u32 v29, $0x4;
	v22 =	vcvt.f32.s32 v22;
	v35 =	vor.u32 v1, v35;
	[tilespmem:v23+s25+$0x0] =	vst.idx.add.f32.msk $0xffff, v2  }
0xc0: {  	v62 =	vshll.u32 v28, $0x4;
	v29 =	vor.u32 v1, v29;
	v63 =	vshll.u32 v32, $0x4;
	[tilespmem:v24+s25+$0x0] =	vst.idx.add.f32.msk $0xffff, v2  }
0xc1: {  	v21 =	vcvt.f32.s32 v21;
	v28 =	vor.u32 v1, v63;
	v22 =	vshll.u32 v22, $0x4;
	[tilespmem:v25+s25+$0x0] =	vst.idx.add.f32.msk $0xffff, v2  }
0xc2: {  	v22 =	vor.u32 v1, v22;
	v23 =	vshll.u32 v34, $0x4;
	[tilespmem:v26+s25+$0x0] =	vst.idx.add.f32.msk $0xffff, v2  }
0xc3: {  	v21 =	vshll.u32 v21, $0x4;
	[tilespmem:v33+s25+$0x0] =	vst.idx.add.f32.msk $0xffff, v2;
	v23 =	vor.u32 v1, v23  }
0xc4: {  	v60 =	vshll.u32 v30, $0x4;
	v21 =	vor.u32 v1, v21;
	[tilespmem:v35+s25+$0x0] =	vst.idx.add.f32.msk $0xffff, v2  }
0xc5: {  	v61 =	vshll.u32 v31, $0x4;
	v24 =	vor.u32 v1, v60;
	[tilespmem:v29+s25+$0x0] =	vst.idx.add.f32.msk $0xffff, v2  }
0xc6: {  	v25 =	vor.u32 v1, v61;
	[tilespmem:v28+s25+$0x0] =	vst.idx.add.f32.msk $0xffff, v2  }
0xc7: {  	v27 =	vshll.u32 v27, $0x4;
	v26 =	vor.u32 v1, v62;
	[tilespmem:v22+s25+$0x0] =	vst.idx.add.f32.msk $0xffff, v2  }
0xc8: {  	[tilespmem:v23+s25+$0x0] =	vst.idx.add.f32.msk $0xffff, v2;
	v23 =	vor.u32 v1, v27  }
0xc9: {  	[tilespmem:v21+s25+$0x0] =	vst.idx.add.f32.msk $0xffff, v2  }
0xca: {  	[tilespmem:v24+s25+$0x0] =	vst.idx.add.f32.msk $0xffff, v2  }
0xcb: {  	[tilespmem:v25+s25+$0x0] =	vst.idx.add.f32.msk $0xffff, v2  }
0xcc: {  	s0 =	simm.s32 $0x0;
	[tilespmem:v26+s25+$0x0] =	vst.idx.add.f32.msk $0xffff, v2  }
0xcd: {  	s1 =	simm.s32 $0x10;
	s22 =	sadd.s32 $0x0, s6;
	s2 =	simm.s32 $0x100;
	[tilespmem:v23+s25+$0x0] =	vst.idx.add.f32.msk $0xffff, v2  }
.LBB2_10:
0xce: {  	[tilespmem:s0], [sflag:$0x1] =	stream.linear.gather [hbm4b:s22+s3], $0x80, $0x38;
	[tilespmem:$0x18900] =	vst v63  }
0xcf: {  	s22 =	smov.u32 s1;
	s0 =	smov.u32 s2;
	p0 =	sne.s32 s1, $0xFF0  }
.Ltmp4:
0xd0: {  	s1 =	sadd.s32 $0x10, s1;
	(pc) =	sbr.rel @p0 .LBB2_10-.Ltmp4, $2  }
0xd1: {  	_ =	sdelay $0x2  }
0xd2: {  	s2 =	sadd.s32 $0x100, s2;
	s22 =	sadd.s32 s22, s6  }
0xd3: {  	[tilespmem:s0], [sflag:$0x1] =	stream.linear.gather [hbm4b:s22+s3], $0x80, $0x38;
	[tilespmem:$0x18900] =	vst v63  }
0xd4: {  	_ =	swait.ge [sflag:s26], $0x8000  }
0xd5: {  	[sflag:s26] =	ssyncset.done $0x0  }
0xd6: {  	s22 =	simm.s32 $0x180;
	[sflag:s26] =	ssyncadd.s32 $0xFFFF8000  }
0xd7: {  	v21 =	vld [tilespmem:s22+$0x70]  }
0xd8: {  	v22 =	vld [tilespmem:s22+$0xFFFFFF10]  }
0xd9: {  	v23 =	vld [tilespmem:s22+$0xFFFFFF20]  }
0xda: {  	v24 =	vld [tilespmem:s22+$0xFFFFFF30]  }
0xdb: {  	v25 =	vld [tilespmem:s22+$0xFFFFFF40]  }
0xdc: {  	v26 =	vld [tilespmem:s22+$0xFFFFFF50]  }
0xdd: {  	v27 =	vld [tilespmem:s22+$0xFFFFFF60]  }
0xde: {  	v28 =	vld [tilespmem:s22+$0xFFFFFF70]  }
0xdf: {  	v29 =	vld [tilespmem:s22+$0x0]  }
0xe0: {  	v30 =	vld [tilespmem:s22+$0x10]  }
0xe1: {  	v31 =	vld [tilespmem:s22+$0x20];
	v21 =	vmul.f32 v21, v19;
	v22 =	vmul.f32 v22, v19  }
0xe2: {  	v32 =	vld [tilespmem:s22+$0x30];
	v23 =	vmul.f32 v23, v19;
	v24 =	vmul.f32 v24, v19  }
0xe3: {  	v33 =	vld [tilespmem:s22+$0x40];
	v25 =	vmul.f32 v25, v19;
	v26 =	vmul.f32 v26, v19  }
0xe4: {  	v34 =	vld [tilespmem:s22+$0xFFFFFF00];
	v27 =	vmul.f32 v27, v19;
	v28 =	vmul.f32 v28, v19  }
0xe5: {  	v35 =	vld [tilespmem:s22+$0x50];
	v29 =	vmul.f32 v29, v19;
	v30 =	vmul.f32 v30, v19;
	v21 =	vadd.f32 v21, v20  }
0xe6: {  	v36 =	vld [tilespmem:s22+$0x60];
	v31 =	vmul.f32 v31, v19;
	v22 =	vadd.f32 v22, v20;
	v23 =	vadd.f32 v23, v20  }
0xe7: {  	v32 =	vmul.f32 v32, v19;
	v24 =	vadd.f32 v24, v20;
	v25 =	vadd.f32 v25, v20  }
0xe8: {  	v33 =	vmul.f32 v33, v19;
	v26 =	vadd.f32 v26, v20;
	v27 =	vadd.f32 v27, v20  }
0xe9: {  	v34 =	vmul.f32 v34, v19;
	v28 =	vadd.f32 v28, v20;
	v29 =	vadd.f32 v29, v20  }
0xea: {  	v35 =	vmul.f32 v35, v19;
	v30 =	vadd.f32 v30, v20;
	v31 =	vadd.f32 v31, v20  }
0xeb: {  	v36 =	vmul.f32 v36, v19;
	v32 =	vadd.f32 v32, v20;
	v33 =	vadd.f32 v33, v20  }
0xec: {  	v34 =	vadd.f32 v34, v20;
	v21 =	vmin.f32 v21, $2.047000000e+03;
	v22 =	vmin.f32 v22, $2.047000000e+03  }
0xed: {  	v23 =	vmin.f32 v23, $2.047000000e+03;
	v24 =	vmin.f32 v24, $2.047000000e+03;
	v25 =	vmin.f32 v25, $2.047000000e+03  }
0xee: {  	v26 =	vmin.f32 v26, $2.047000000e+03;
	v27 =	vmin.f32 v27, $2.047000000e+03;
	v28 =	vmin.f32 v28, $2.047000000e+03  }
0xef: {  	v34 =	vmin.f32 v34, $2.047000000e+03;
	v21 =	vtrunc.f32 v21;
	v37 =	vtrunc.f32 v22  }
0xf0: {  	v29 =	vmin.f32 v29, $2.047000000e+03;
	v23 =	vtrunc.f32 v23;
	v34 =	vtrunc.f32 v34  }
0xf1: {  	v30 =	vmin.f32 v30, $2.047000000e+03;
	v24 =	vtrunc.f32 v24;
	v25 =	vtrunc.f32 v25  }
0xf2: {  	v31 =	vmin.f32 v31, $2.047000000e+03;
	v26 =	vtrunc.f32 v26;
	v27 =	vtrunc.f32 v27  }
0xf3: {  	v32 =	vmin.f32 v32, $2.047000000e+03;
	v28 =	vtrunc.f32 v28;
	v61 =	vtrunc.f32 v29  }
0xf4: {  	v33 =	vmin.f32 v33, $2.047000000e+03;
	v38 =	vtrunc.f32 v30;
	v39 =	vtrunc.f32 v31  }
0xf5: {  	v35 =	vadd.f32 v35, v20;
	v32 =	vtrunc.f32 v32;
	v40 =	vtrunc.f32 v33  }
0xf6: {  	v22 =	vadd.f32 v36, v20;
	v21 =	vcvt.f32.s32 v21;
	v31 =	vcvt.f32.s32 v34  }
0xf7: {  	v29 =	vmin.f32 v35, $2.047000000e+03;
	v63 =	vcvt.f32.s32 v25;
	v35 =	vcvt.f32.s32 v26  }
0xf8: {  	v30 =	vmin.f32 v22, $2.047000000e+03;
	v22 =	vtrunc.f32 v29;
	v29 =	vshll.u32 v21, $0x4  }
0xf9: {  	v34 =	vcvt.f32.s32 v28;
	v28 =	vcvt.f32.s32 v39;
	v62 =	vor.u32 v1, v29  }
0xfa: {  	v21 =	vtrunc.f32 v30;
	v30 =	vcvt.f32.s32 v23  }
0xfb: {  	v32 =	vcvt.f32.s32 v32;
	v23 =	vshll.u32 v31, $0x4;
	v31 =	vcvt.f32.s32 v24  }
0xfc: {  	v33 =	vshll.u32 v63, $0x4;
	v29 =	vcvt.f32.s32 v37;
	v25 =	vshll.u32 v30, $0x4  }
0xfd: {  	v30 =	vcvt.f32.s32 v61;
	v26 =	vshll.u32 v31, $0x4;
	v31 =	vcvt.f32.s32 v38  }
0xfe: {  	s1 =	simm.s32 $0x0;
	s0 =	simm.s32 $0x380;
	v24 =	vshll.u32 v29, $0x4;
	v29 =	vcvt.f32.s32 v27;
	v27 =	vcvt.f32.s32 v40;
	[tilespmem:v62+s25+$0x0] =	vst.idx.add.f32.msk $0xffff, v2  }
.LBB2_12:
0xff: {  	v36 =	vld [tilespmem:s0+$0x70];
	s1 =	sadd.s32 $0x10, s1;
	v35 =	vshll.u32 v35, $0x4;
	v22 =	vcvt.f32.s32 v22;
	v21 =	vcvt.f32.s32 v21  }
0x100: {  	v29 =	vshll.u32 v29, $0x4;
	v34 =	vshll.u32 v34, $0x4;
	v30 =	vshll.u32 v30, $0x4;
	v37 =	vld [tilespmem:s0+$0xFFFFFF10];
	p0 =	slt.u32 s1, $0x7F0  }
0x101: {  	v31 =	vshll.u32 v31, $0x4;
	v28 =	vshll.u32 v28, $0x4;
	v32 =	vshll.u32 v32, $0x4;
	v38 =	vld [tilespmem:s0+$0xFFFFFF20]  }
0x102: {  	v27 =	vshll.u32 v27, $0x4;
	v22 =	vshll.u32 v22, $0x4;
	v21 =	vshll.u32 v21, $0x4;
	v39 =	vld [tilespmem:s0+$0xFFFFFF30]  }
0x103: {  	v23 =	vor.u32 v1, v23;
	v24 =	vor.u32 v1, v24;
	v25 =	vor.u32 v1, v25;
	v40 =	vld [tilespmem:s0+$0xFFFFFF40]  }
0x104: {  	v26 =	vor.u32 v1, v26;
	v33 =	vor.u32 v1, v33;
	v41 =	vld [tilespmem:s0+$0xFFFFFF50];
	v36 =	vmul.f32 v36, v19  }
0x105: {  	v35 =	vor.u32 v1, v35;
	v29 =	vor.u32 v1, v29;
	v37 =	vmul.f32 v37, v19;
	v42 =	vld [tilespmem:s0+$0xFFFFFF60]  }
0x106: {  	v34 =	vor.u32 v1, v34;
	v38 =	vmul.f32 v38, v19;
	v43 =	vld [tilespmem:s0+$0xFFFFFF70];
	v36 =	vadd.f32 v36, v20  }
0x107: {  	v30 =	vor.u32 v1, v30;
	v37 =	vadd.f32 v37, v20;
	v39 =	vmul.f32 v39, v19;
	v44 =	vld [tilespmem:s0+$0x0]  }
0x108: {  	v38 =	vadd.f32 v38, v20;
	v40 =	vmul.f32 v40, v19;
	v45 =	vld [tilespmem:s0+$0x10];
	v36 =	vmin.f32 v36, $2.047000000e+03  }
0x109: {  	v39 =	vadd.f32 v39, v20;
	v41 =	vmul.f32 v41, v19;
	v46 =	vld [tilespmem:s0+$0x20];
	v36 =	vtrunc.f32 v36  }
0x10a: {  	v40 =	vadd.f32 v40, v20;
	v42 =	vmul.f32 v42, v19;
	v47 =	vld [tilespmem:s0+$0x30];
	v36 =	vcvt.f32.s32 v36  }
0x10b: {  	v37 =	vmin.f32 v37, $2.047000000e+03;
	v41 =	vadd.f32 v41, v20;
	v43 =	vmul.f32 v43, v19;
	v48 =	vld [tilespmem:s0+$0x40]  }
0x10c: {  	v42 =	vadd.f32 v42, v20;
	v44 =	vmul.f32 v44, v19;
	v49 =	vld [tilespmem:s0+$0x50];
	v36 =	vshll.u32 v36, $0x4  }
0x10d: {  	v43 =	vadd.f32 v43, v20;
	v45 =	vmul.f32 v45, v19;
	v50 =	vld [tilespmem:s0+$0x60];
	v36 =	vor.u32 v1, v36  }
0x10e: {  	v38 =	vmin.f32 v38, $2.047000000e+03;
	v51 =	vld [tilespmem:s0+$0xFFFFFF00];
	v44 =	vadd.f32 v44, v20;
	v46 =	vmul.f32 v46, v19  }
0x10f: {  	v39 =	vmin.f32 v39, $2.047000000e+03;
	v45 =	vadd.f32 v45, v20;
	v47 =	vmul.f32 v47, v19;
	[tilespmem:v23+s25+$0x0] =	vst.idx.add.f32.msk $0xffff, v2  }
0x110: {  	v23 =	vmin.f32 v40, $2.047000000e+03;
	v40 =	vadd.f32 v46, v20;
	v46 =	vmul.f32 v48, v19;
	[tilespmem:v24+s25+$0x0] =	vst.idx.add.f32.msk $0xffff, v2  }
0x111: {  	v24 =	vmin.f32 v41, $2.047000000e+03;
	v41 =	vadd.f32 v47, v20;
	v47 =	vmul.f32 v49, v19;
	[tilespmem:v25+s25+$0x0] =	vst.idx.add.f32.msk $0xffff, v2  }
0x112: {  	v25 =	vmin.f32 v42, $2.047000000e+03;
	v42 =	vadd.f32 v46, v20;
	v46 =	vmul.f32 v50, v19;
	[tilespmem:v36+s25+$0x0] =	vst.idx.add.f32.msk $0xffff, v2  }
0x113: {  	v43 =	vmin.f32 v43, $2.047000000e+03;
	v36 =	vmul.f32 v51, v19;
	v47 =	vadd.f32 v47, v20;
	[tilespmem:v26+s25+$0x0] =	vst.idx.add.f32.msk $0xffff, v2  }
0x114: {  	v26 =	vmin.f32 v44, $2.047000000e+03;
	v44 =	vmin.f32 v45, $2.047000000e+03;
	v45 =	vadd.f32 v46, v20;
	[tilespmem:v33+s25+$0x0] =	vst.idx.add.f32.msk $0xffff, v2  }
0x115: {  	v33 =	vadd.f32 v36, v20;
	v36 =	vmin.f32 v40, $2.047000000e+03;
	v40 =	vmin.f32 v41, $2.047000000e+03;
	[tilespmem:v35+s25+$0x0] =	vst.idx.add.f32.msk $0xffff, v2  }
0x116: {  	v35 =	vmin.f32 v42, $2.047000000e+03;
	v41 =	vmin.f32 v47, $2.047000000e+03;
	v42 =	vmin.f32 v45, $2.047000000e+03;
	[tilespmem:v29+s25+$0x0] =	vst.idx.add.f32.msk $0xffff, v2  }
0x117: {  	v29 =	vmin.f32 v33, $2.047000000e+03;
	v33 =	vtrunc.f32 v37;
	v37 =	vtrunc.f32 v38;
	[tilespmem:v34+s25+$0x0] =	vst.idx.add.f32.msk $0xffff, v2  }
0x118: {  	v34 =	vtrunc.f32 v39;
	v29 =	vtrunc.f32 v29;
	[tilespmem:v30+s25+$0x0] =	vst.idx.add.f32.msk $0xffff, v2;
	v30 =	vor.u32 v1, v31  }
0x119: {  	v38 =	vtrunc.f32 v24;
	v31 =	vtrunc.f32 v23;
	v23 =	vor.u32 v1, v28  }
0x11a: {  	v25 =	vtrunc.f32 v25;
	v24 =	vor.u32 v1, v32;
	v28 =	vtrunc.f32 v43  }
0x11b: {  	v27 =	vor.u32 v1, v27;
	v26 =	vtrunc.f32 v26;
	v32 =	vtrunc.f32 v44  }
0x11c: {  	v36 =	vtrunc.f32 v36;
	v39 =	vtrunc.f32 v40;
	v40 =	vor.u32 v1, v22  }
0x11d: {  	v22 =	vtrunc.f32 v41;
	v41 =	vor.u32 v1, v21;
	v43 =	vtrunc.f32 v35;
	[tilespmem:v30+s25+$0x0] =	vst.idx.add.f32.msk $0xffff, v2  }
0x11e: {  	v21 =	vtrunc.f32 v42;
	v29 =	vcvt.f32.s32 v29;
	[tilespmem:v23+s25+$0x0] =	vst.idx.add.f32.msk $0xffff, v2  }
0x11f: {  	v30 =	vcvt.f32.s32 v33;
	v33 =	vcvt.f32.s32 v37;
	[tilespmem:v24+s25+$0x0] =	vst.idx.add.f32.msk $0xffff, v2  }
.Ltmp5:
0x120: {  	v42 =	vcvt.f32.s32 v31;
	v37 =	vcvt.f32.s32 v34;
	v23 =	vshll.u32 v29, $0x4;
	[tilespmem:v27+s25+$0x0] =	vst.idx.add.f32.msk $0xffff, v2;
	(pc) =	sbr.rel @p0 .LBB2_12-.Ltmp5, $4  }
0x121: {  	v35 =	vcvt.f32.s32 v38;
	v29 =	vcvt.f32.s32 v25;
	v24 =	vshll.u32 v30, $0x4;
	[tilespmem:v40+s25+$0x0] =	vst.idx.add.f32.msk $0xffff, v2  }
0x122: {  	v34 =	vcvt.f32.s32 v28;
	v25 =	vshll.u32 v33, $0x4;
	v30 =	vcvt.f32.s32 v26;
	[tilespmem:v41+s25+$0x0] =	vst.idx.add.f32.msk $0xffff, v2  }
0x123: {  	v31 =	vcvt.f32.s32 v32;
	v28 =	vcvt.f32.s32 v36;
	v26 =	vshll.u32 v37, $0x4  }
0x124: {  	s0 =	sadd.s32 $0x200, s0;
	v32 =	vcvt.f32.s32 v39;
	v33 =	vshll.u32 v42, $0x4;
	v27 =	vcvt.f32.s32 v43  }
0x125: {  	v23 =	vor.u32 v1, v23  }
0x126: {  	v24 =	vor.u32 v1, v24  }
0x127: {  	v25 =	vor.u32 v1, v25  }
0x128: {  	v26 =	vor.u32 v1, v26  }
0x129: {  	v35 =	vshll.u32 v35, $0x4;
	v33 =	vor.u32 v1, v33  }
0x12a: {  	v29 =	vshll.u32 v29, $0x4;
	v22 =	vcvt.f32.s32 v22;
	v35 =	vor.u32 v1, v35;
	[tilespmem:v23+s25+$0x0] =	vst.idx.add.f32.msk $0xffff, v2  }
0x12b: {  	v62 =	vshll.u32 v28, $0x4;
	v29 =	vor.u32 v1, v29;
	v63 =	vshll.u32 v32, $0x4;
	[tilespmem:v24+s25+$0x0] =	vst.idx.add.f32.msk $0xffff, v2  }
0x12c: {  	v21 =	vcvt.f32.s32 v21;
	v28 =	vor.u32 v1, v63;
	v22 =	vshll.u32 v22, $0x4;
	[tilespmem:v25+s25+$0x0] =	vst.idx.add.f32.msk $0xffff, v2  }
0x12d: {  	v22 =	vor.u32 v1, v22;
	v23 =	vshll.u32 v34, $0x4;
	[tilespmem:v26+s25+$0x0] =	vst.idx.add.f32.msk $0xffff, v2  }
0x12e: {  	v21 =	vshll.u32 v21, $0x4;
	[tilespmem:v33+s25+$0x0] =	vst.idx.add.f32.msk $0xffff, v2;
	v23 =	vor.u32 v1, v23  }
0x12f: {  	v60 =	vshll.u32 v30, $0x4;
	v21 =	vor.u32 v1, v21;
	[tilespmem:v35+s25+$0x0] =	vst.idx.add.f32.msk $0xffff, v2  }
0x130: {  	v61 =	vshll.u32 v31, $0x4;
	v24 =	vor.u32 v1, v60;
	[tilespmem:v29+s25+$0x0] =	vst.idx.add.f32.msk $0xffff, v2  }
0x131: {  	v25 =	vor.u32 v1, v61;
	[tilespmem:v28+s25+$0x0] =	vst.idx.add.f32.msk $0xffff, v2  }
0x132: {  	v27 =	vshll.u32 v27, $0x4;
	v26 =	vor.u32 v1, v62;
	[tilespmem:v22+s25+$0x0] =	vst.idx.add.f32.msk $0xffff, v2  }
0x133: {  	[tilespmem:v23+s25+$0x0] =	vst.idx.add.f32.msk $0xffff, v2;
	v23 =	vor.u32 v1, v27  }
0x134: {  	[tilespmem:v21+s25+$0x0] =	vst.idx.add.f32.msk $0xffff, v2  }
0x135: {  	[tilespmem:v24+s25+$0x0] =	vst.idx.add.f32.msk $0xffff, v2  }
0x136: {  	[tilespmem:v25+s25+$0x0] =	vst.idx.add.f32.msk $0xffff, v2  }
0x137: {  	s0 =	simm.s32 $0x80;
	[tilespmem:v26+s25+$0x0] =	vst.idx.add.f32.msk $0xffff, v2  }
0x138: {  	s1 =	simm.s32 $0x10;
	s22 =	sadd.s32 $0x0, s7;
	s2 =	simm.s32 $0x180;
	[tilespmem:v23+s25+$0x0] =	vst.idx.add.f32.msk $0xffff, v2  }
.LBB2_14:
0x139: {  	[tilespmem:s0], [sflag:$0x2] =	stream.linear.gather [hbm4b:s22+s3], $0x80, $0x38;
	[tilespmem:$0x18900] =	vst v63  }
0x13a: {  	s22 =	smov.u32 s1;
	s0 =	smov.u32 s2;
	p0 =	sne.s32 s1, $0xFF0  }
.Ltmp6:
0x13b: {  	s1 =	sadd.s32 $0x10, s1;
	(pc) =	sbr.rel @p0 .LBB2_14-.Ltmp6, $2  }
0x13c: {  	_ =	sdelay $0x2  }
0x13d: {  	s2 =	sadd.s32 $0x100, s2;
	s22 =	sadd.s32 s22, s7  }
0x13e: {  	[tilespmem:s0], [sflag:$0x2] =	stream.linear.gather [hbm4b:s22+s3], $0x80, $0x38;
	[tilespmem:$0x18900] =	vst v63  }
0x13f: {  	_ =	swait.ge [sflag:s24], $0x8000  }
0x140: {  	[sflag:s24] =	ssyncset.done $0x0  }
0x141: {  	s22 =	simm.s32 $0x100;
	[sflag:s24] =	ssyncadd.s32 $0xFFFF8000  }
0x142: {  	v21 =	vld [tilespmem:s22+$0x70]  }
0x143: {  	v22 =	vld [tilespmem:s22+$0xFFFFFF10]  }
0x144: {  	v23 =	vld [tilespmem:s22+$0xFFFFFF20]  }
0x145: {  	v24 =	vld [tilespmem:s22+$0xFFFFFF30]  }
0x146: {  	v25 =	vld [tilespmem:s22+$0xFFFFFF40]  }
0x147: {  	v26 =	vld [tilespmem:s22+$0xFFFFFF50]  }
0x148: {  	v27 =	vld [tilespmem:s22+$0xFFFFFF60]  }
0x149: {  	v28 =	vld [tilespmem:s22+$0xFFFFFF70]  }
0x14a: {  	v29 =	vld [tilespmem:s22+$0x0]  }
0x14b: {  	v30 =	vld [tilespmem:s22+$0x10]  }
0x14c: {  	v31 =	vld [tilespmem:s22+$0x20];
	v21 =	vmul.f32 v21, v19;
	v22 =	vmul.f32 v22, v19  }
0x14d: {  	v32 =	vld [tilespmem:s22+$0x30];
	v23 =	vmul.f32 v23, v19;
	v24 =	vmul.f32 v24, v19  }
0x14e: {  	v33 =	vld [tilespmem:s22+$0x40];
	v25 =	vmul.f32 v25, v19;
	v26 =	vmul.f32 v26, v19  }
0x14f: {  	v34 =	vld [tilespmem:s22+$0xFFFFFF00];
	v27 =	vmul.f32 v27, v19;
	v28 =	vmul.f32 v28, v19  }
0x150: {  	v35 =	vld [tilespmem:s22+$0x50];
	v29 =	vmul.f32 v29, v19;
	v30 =	vmul.f32 v30, v19;
	v21 =	vadd.f32 v21, v20  }
0x151: {  	v36 =	vld [tilespmem:s22+$0x60];
	v31 =	vmul.f32 v31, v19;
	v22 =	vadd.f32 v22, v20;
	v23 =	vadd.f32 v23, v20  }
0x152: {  	v32 =	vmul.f32 v32, v19;
	v24 =	vadd.f32 v24, v20;
	v25 =	vadd.f32 v25, v20  }
0x153: {  	v33 =	vmul.f32 v33, v19;
	v26 =	vadd.f32 v26, v20;
	v27 =	vadd.f32 v27, v20  }
0x154: {  	v34 =	vmul.f32 v34, v19;
	v28 =	vadd.f32 v28, v20;
	v29 =	vadd.f32 v29, v20  }
0x155: {  	v35 =	vmul.f32 v35, v19;
	v30 =	vadd.f32 v30, v20;
	v31 =	vadd.f32 v31, v20  }
0x156: {  	v36 =	vmul.f32 v36, v19;
	v32 =	vadd.f32 v32, v20;
	v33 =	vadd.f32 v33, v20  }
0x157: {  	v34 =	vadd.f32 v34, v20;
	v21 =	vmin.f32 v21, $2.047000000e+03;
	v22 =	vmin.f32 v22, $2.047000000e+03  }
0x158: {  	v23 =	vmin.f32 v23, $2.047000000e+03;
	v24 =	vmin.f32 v24, $2.047000000e+03;
	v25 =	vmin.f32 v25, $2.047000000e+03  }
0x159: {  	v26 =	vmin.f32 v26, $2.047000000e+03;
	v27 =	vmin.f32 v27, $2.047000000e+03;
	v28 =	vmin.f32 v28, $2.047000000e+03  }
0x15a: {  	v34 =	vmin.f32 v34, $2.047000000e+03;
	v21 =	vtrunc.f32 v21;
	v37 =	vtrunc.f32 v22  }
0x15b: {  	v29 =	vmin.f32 v29, $2.047000000e+03;
	v23 =	vtrunc.f32 v23;
	v34 =	vtrunc.f32 v34  }
0x15c: {  	v30 =	vmin.f32 v30, $2.047000000e+03;
	v24 =	vtrunc.f32 v24;
	v25 =	vtrunc.f32 v25  }
0x15d: {  	v31 =	vmin.f32 v31, $2.047000000e+03;
	v26 =	vtrunc.f32 v26;
	v27 =	vtrunc.f32 v27  }
0x15e: {  	v32 =	vmin.f32 v32, $2.047000000e+03;
	v28 =	vtrunc.f32 v28;
	v61 =	vtrunc.f32 v29  }
0x15f: {  	v33 =	vmin.f32 v33, $2.047000000e+03;
	v38 =	vtrunc.f32 v30;
	v39 =	vtrunc.f32 v31  }
0x160: {  	v35 =	vadd.f32 v35, v20;
	v32 =	vtrunc.f32 v32;
	v40 =	vtrunc.f32 v33  }
0x161: {  	v22 =	vadd.f32 v36, v20;
	v21 =	vcvt.f32.s32 v21;
	v31 =	vcvt.f32.s32 v34  }
0x162: {  	v29 =	vmin.f32 v35, $2.047000000e+03;
	v63 =	vcvt.f32.s32 v25;
	v35 =	vcvt.f32.s32 v26  }
0x163: {  	v30 =	vmin.f32 v22, $2.047000000e+03;
	v22 =	vtrunc.f32 v29;
	v29 =	vshll.u32 v21, $0x4  }
0x164: {  	v34 =	vcvt.f32.s32 v28;
	v28 =	vcvt.f32.s32 v39;
	v62 =	vor.u32 v1, v29  }
0x165: {  	v21 =	vtrunc.f32 v30;
	v30 =	vcvt.f32.s32 v23  }
0x166: {  	v32 =	vcvt.f32.s32 v32;
	v23 =	vshll.u32 v31, $0x4;
	v31 =	vcvt.f32.s32 v24  }
0x167: {  	v33 =	vshll.u32 v63, $0x4;
	v29 =	vcvt.f32.s32 v37;
	v25 =	vshll.u32 v30, $0x4  }
0x168: {  	v30 =	vcvt.f32.s32 v61;
	v26 =	vshll.u32 v31, $0x4;
	v31 =	vcvt.f32.s32 v38  }
0x169: {  	s1 =	simm.s32 $0x0;
	s0 =	simm.s32 $0x300;
	v24 =	vshll.u32 v29, $0x4;
	v29 =	vcvt.f32.s32 v27;
	v27 =	vcvt.f32.s32 v40;
	[tilespmem:v62+s25+$0x0] =	vst.idx.add.f32.msk $0xffff, v2  }
.LBB2_16:
0x16a: {  	v36 =	vld [tilespmem:s0+$0x70];
	s1 =	sadd.s32 $0x10, s1;
	v35 =	vshll.u32 v35, $0x4;
	v22 =	vcvt.f32.s32 v22;
	v21 =	vcvt.f32.s32 v21  }
0x16b: {  	v29 =	vshll.u32 v29, $0x4;
	v34 =	vshll.u32 v34, $0x4;
	v30 =	vshll.u32 v30, $0x4;
	v37 =	vld [tilespmem:s0+$0xFFFFFF10];
	p0 =	slt.u32 s1, $0x7F0  }
0x16c: {  	v31 =	vshll.u32 v31, $0x4;
	v28 =	vshll.u32 v28, $0x4;
	v32 =	vshll.u32 v32, $0x4;
	v38 =	vld [tilespmem:s0+$0xFFFFFF20]  }
0x16d: {  	v27 =	vshll.u32 v27, $0x4;
	v22 =	vshll.u32 v22, $0x4;
	v21 =	vshll.u32 v21, $0x4;
	v39 =	vld [tilespmem:s0+$0xFFFFFF30]  }
0x16e: {  	v23 =	vor.u32 v1, v23;
	v24 =	vor.u32 v1, v24;
	v25 =	vor.u32 v1, v25;
	v40 =	vld [tilespmem:s0+$0xFFFFFF40]  }
0x16f: {  	v26 =	vor.u32 v1, v26;
	v33 =	vor.u32 v1, v33;
	v41 =	vld [tilespmem:s0+$0xFFFFFF50];
	v36 =	vmul.f32 v36, v19  }
0x170: {  	v35 =	vor.u32 v1, v35;
	v29 =	vor.u32 v1, v29;
	v37 =	vmul.f32 v37, v19;
	v42 =	vld [tilespmem:s0+$0xFFFFFF60]  }
0x171: {  	v34 =	vor.u32 v1, v34;
	v38 =	vmul.f32 v38, v19;
	v43 =	vld [tilespmem:s0+$0xFFFFFF70];
	v36 =	vadd.f32 v36, v20  }
0x172: {  	v30 =	vor.u32 v1, v30;
	v37 =	vadd.f32 v37, v20;
	v39 =	vmul.f32 v39, v19;
	v44 =	vld [tilespmem:s0+$0x0]  }
0x173: {  	v38 =	vadd.f32 v38, v20;
	v40 =	vmul.f32 v40, v19;
	v45 =	vld [tilespmem:s0+$0x10];
	v36 =	vmin.f32 v36, $2.047000000e+03  }
0x174: {  	v39 =	vadd.f32 v39, v20;
	v41 =	vmul.f32 v41, v19;
	v46 =	vld [tilespmem:s0+$0x20];
	v36 =	vtrunc.f32 v36  }
0x175: {  	v40 =	vadd.f32 v40, v20;
	v42 =	vmul.f32 v42, v19;
	v47 =	vld [tilespmem:s0+$0x30];
	v36 =	vcvt.f32.s32 v36  }
0x176: {  	v37 =	vmin.f32 v37, $2.047000000e+03;
	v41 =	vadd.f32 v41, v20;
	v43 =	vmul.f32 v43, v19;
	v48 =	vld [tilespmem:s0+$0x40]  }
0x177: {  	v42 =	vadd.f32 v42, v20;
	v44 =	vmul.f32 v44, v19;
	v49 =	vld [tilespmem:s0+$0x50];
	v36 =	vshll.u32 v36, $0x4  }
0x178: {  	v43 =	vadd.f32 v43, v20;
	v45 =	vmul.f32 v45, v19;
	v50 =	vld [tilespmem:s0+$0x60];
	v36 =	vor.u32 v1, v36  }
0x179: {  	v38 =	vmin.f32 v38, $2.047000000e+03;
	v51 =	vld [tilespmem:s0+$0xFFFFFF00];
	v44 =	vadd.f32 v44, v20;
	v46 =	vmul.f32 v46, v19  }
0x17a: {  	v39 =	vmin.f32 v39, $2.047000000e+03;
	v45 =	vadd.f32 v45, v20;
	v47 =	vmul.f32 v47, v19;
	[tilespmem:v23+s25+$0x0] =	vst.idx.add.f32.msk $0xffff, v2  }
0x17b: {  	v23 =	vmin.f32 v40, $2.047000000e+03;
	v40 =	vadd.f32 v46, v20;
	v46 =	vmul.f32 v48, v19;
	[tilespmem:v24+s25+$0x0] =	vst.idx.add.f32.msk $0xffff, v2  }
0x17c: {  	v24 =	vmin.f32 v41, $2.047000000e+03;
	v41 =	vadd.f32 v47, v20;
	v47 =	vmul.f32 v49, v19;
	[tilespmem:v25+s25+$0x0] =	vst.idx.add.f32.msk $0xffff, v2  }
0x17d: {  	v25 =	vmin.f32 v42, $2.047000000e+03;
	v42 =	vadd.f32 v46, v20;
	v46 =	vmul.f32 v50, v19;
	[tilespmem:v36+s25+$0x0] =	vst.idx.add.f32.msk $0xffff, v2  }
0x17e: {  	v43 =	vmin.f32 v43, $2.047000000e+03;
	v36 =	vmul.f32 v51, v19;
	v47 =	vadd.f32 v47, v20;
	[tilespmem:v26+s25+$0x0] =	vst.idx.add.f32.msk $0xffff, v2  }
0x17f: {  	v26 =	vmin.f32 v44, $2.047000000e+03;
	v44 =	vmin.f32 v45, $2.047000000e+03;
	v45 =	vadd.f32 v46, v20;
	[tilespmem:v33+s25+$0x0] =	vst.idx.add.f32.msk $0xffff, v2  }
0x180: {  	v33 =	vadd.f32 v36, v20;
	v36 =	vmin.f32 v40, $2.047000000e+03;
	v40 =	vmin.f32 v41, $2.047000000e+03;
	[tilespmem:v35+s25+$0x0] =	vst.idx.add.f32.msk $0xffff, v2  }
0x181: {  	v35 =	vmin.f32 v42, $2.047000000e+03;
	v41 =	vmin.f32 v47, $2.047000000e+03;
	v42 =	vmin.f32 v45, $2.047000000e+03;
	[tilespmem:v29+s25+$0x0] =	vst.idx.add.f32.msk $0xffff, v2  }
0x182: {  	v29 =	vmin.f32 v33, $2.047000000e+03;
	v33 =	vtrunc.f32 v37;
	v37 =	vtrunc.f32 v38;
	[tilespmem:v34+s25+$0x0] =	vst.idx.add.f32.msk $0xffff, v2  }
0x183: {  	v34 =	vtrunc.f32 v39;
	v29 =	vtrunc.f32 v29;
	[tilespmem:v30+s25+$0x0] =	vst.idx.add.f32.msk $0xffff, v2;
	v30 =	vor.u32 v1, v31  }
0x184: {  	v38 =	vtrunc.f32 v24;
	v31 =	vtrunc.f32 v23;
	v23 =	vor.u32 v1, v28  }
0x185: {  	v25 =	vtrunc.f32 v25;
	v24 =	vor.u32 v1, v32;
	v28 =	vtrunc.f32 v43  }
0x186: {  	v27 =	vor.u32 v1, v27;
	v26 =	vtrunc.f32 v26;
	v32 =	vtrunc.f32 v44  }
0x187: {  	v36 =	vtrunc.f32 v36;
	v39 =	vtrunc.f32 v40;
	v40 =	vor.u32 v1, v22  }
0x188: {  	v22 =	vtrunc.f32 v41;
	v41 =	vor.u32 v1, v21;
	v43 =	vtrunc.f32 v35;
	[tilespmem:v30+s25+$0x0] =	vst.idx.add.f32.msk $0xffff, v2  }
0x189: {  	v21 =	vtrunc.f32 v42;
	v29 =	vcvt.f32.s32 v29;
	[tilespmem:v23+s25+$0x0] =	vst.idx.add.f32.msk $0xffff, v2  }
0x18a: {  	v30 =	vcvt.f32.s32 v33;
	v33 =	vcvt.f32.s32 v37;
	[tilespmem:v24+s25+$0x0] =	vst.idx.add.f32.msk $0xffff, v2  }
.Ltmp7:
0x18b: {  	v42 =	vcvt.f32.s32 v31;
	v37 =	vcvt.f32.s32 v34;
	v23 =	vshll.u32 v29, $0x4;
	[tilespmem:v27+s25+$0x0] =	vst.idx.add.f32.msk $0xffff, v2;
	(pc) =	sbr.rel @p0 .LBB2_16-.Ltmp7, $4  }
0x18c: {  	v35 =	vcvt.f32.s32 v38;
	v29 =	vcvt.f32.s32 v25;
	v24 =	vshll.u32 v30, $0x4;
	[tilespmem:v40+s25+$0x0] =	vst.idx.add.f32.msk $0xffff, v2  }
0x18d: {  	v34 =	vcvt.f32.s32 v28;
	v25 =	vshll.u32 v33, $0x4;
	v30 =	vcvt.f32.s32 v26;
	[tilespmem:v41+s25+$0x0] =	vst.idx.add.f32.msk $0xffff, v2  }
0x18e: {  	v31 =	vcvt.f32.s32 v32;
	v28 =	vcvt.f32.s32 v36;
	v26 =	vshll.u32 v37, $0x4  }
0x18f: {  	s0 =	sadd.s32 $0x200, s0;
	v32 =	vcvt.f32.s32 v39;
	v33 =	vshll.u32 v42, $0x4;
	v27 =	vcvt.f32.s32 v43  }
0x190: {  	v23 =	vor.u32 v1, v23  }
0x191: {  	v24 =	vor.u32 v1, v24  }
0x192: {  	v25 =	vor.u32 v1, v25  }
0x193: {  	v26 =	vor.u32 v1, v26  }
0x194: {  	v35 =	vshll.u32 v35, $0x4;
	v33 =	vor.u32 v1, v33  }
0x195: {  	v29 =	vshll.u32 v29, $0x4;
	v22 =	vcvt.f32.s32 v22;
	v35 =	vor.u32 v1, v35;
	[tilespmem:v23+s25+$0x0] =	vst.idx.add.f32.msk $0xffff, v2  }
0x196: {  	v62 =	vshll.u32 v28, $0x4;
	v29 =	vor.u32 v1, v29;
	v63 =	vshll.u32 v32, $0x4;
	[tilespmem:v24+s25+$0x0] =	vst.idx.add.f32.msk $0xffff, v2  }
0x197: {  	v21 =	vcvt.f32.s32 v21;
	v28 =	vor.u32 v1, v63;
	v22 =	vshll.u32 v22, $0x4;
	[tilespmem:v25+s25+$0x0] =	vst.idx.add.f32.msk $0xffff, v2  }
0x198: {  	v22 =	vor.u32 v1, v22;
	v23 =	vshll.u32 v34, $0x4;
	[tilespmem:v26+s25+$0x0] =	vst.idx.add.f32.msk $0xffff, v2  }
0x199: {  	v21 =	vshll.u32 v21, $0x4;
	[tilespmem:v33+s25+$0x0] =	vst.idx.add.f32.msk $0xffff, v2;
	v23 =	vor.u32 v1, v23  }
0x19a: {  	v60 =	vshll.u32 v30, $0x4;
	v21 =	vor.u32 v1, v21;
	[tilespmem:v35+s25+$0x0] =	vst.idx.add.f32.msk $0xffff, v2  }
0x19b: {  	v61 =	vshll.u32 v31, $0x4;
	v24 =	vor.u32 v1, v60;
	[tilespmem:v29+s25+$0x0] =	vst.idx.add.f32.msk $0xffff, v2  }
0x19c: {  	v25 =	vor.u32 v1, v61;
	[tilespmem:v28+s25+$0x0] =	vst.idx.add.f32.msk $0xffff, v2  }
0x19d: {  	v27 =	vshll.u32 v27, $0x4;
	v26 =	vor.u32 v1, v62;
	[tilespmem:v22+s25+$0x0] =	vst.idx.add.f32.msk $0xffff, v2  }
0x19e: {  	[tilespmem:v23+s25+$0x0] =	vst.idx.add.f32.msk $0xffff, v2;
	v23 =	vor.u32 v1, v27  }
0x19f: {  	[tilespmem:v21+s25+$0x0] =	vst.idx.add.f32.msk $0xffff, v2  }
0x1a0: {  	[tilespmem:v24+s25+$0x0] =	vst.idx.add.f32.msk $0xffff, v2  }
0x1a1: {  	[tilespmem:v25+s25+$0x0] =	vst.idx.add.f32.msk $0xffff, v2  }
0x1a2: {  	s0 =	simm.s32 $0x0;
	[tilespmem:v26+s25+$0x0] =	vst.idx.add.f32.msk $0xffff, v2  }
0x1a3: {  	s1 =	simm.s32 $0x10;
	s22 =	sadd.s32 $0x0, s8;
	s2 =	simm.s32 $0x100;
	[tilespmem:v23+s25+$0x0] =	vst.idx.add.f32.msk $0xffff, v2  }
.LBB2_18:
0x1a4: {  	[tilespmem:s0], [sflag:$0x1] =	stream.linear.gather [hbm4b:s22+s3], $0x80, $0x38;
	[tilespmem:$0x18900] =	vst v63  }
0x1a5: {  	s22 =	smov.u32 s1;
	s0 =	smov.u32 s2;
	p0 =	sne.s32 s1, $0xFF0  }
.Ltmp8:
0x1a6: {  	s1 =	sadd.s32 $0x10, s1;
	(pc) =	sbr.rel @p0 .LBB2_18-.Ltmp8, $2  }
0x1a7: {  	_ =	sdelay $0x2  }
0x1a8: {  	s2 =	sadd.s32 $0x100, s2;
	s22 =	sadd.s32 s22, s8  }
0x1a9: {  	[tilespmem:s0], [sflag:$0x1] =	stream.linear.gather [hbm4b:s22+s3], $0x80, $0x38;
	[tilespmem:$0x18900] =	vst v63  }
0x1aa: {  	_ =	swait.ge [sflag:s26], $0x8000  }
0x1ab: {  	[sflag:s26] =	ssyncset.done $0x0  }
0x1ac: {  	s22 =	simm.s32 $0x180;
	[sflag:s26] =	ssyncadd.s32 $0xFFFF8000  }
0x1ad: {  	v21 =	vld [tilespmem:s22+$0x70]  }
0x1ae: {  	v22 =	vld [tilespmem:s22+$0xFFFFFF10]  }
0x1af: {  	v23 =	vld [tilespmem:s22+$0xFFFFFF20]  }
0x1b0: {  	v24 =	vld [tilespmem:s22+$0xFFFFFF30]  }
0x1b1: {  	v25 =	vld [tilespmem:s22+$0xFFFFFF40]  }
0x1b2: {  	v26 =	vld [tilespmem:s22+$0xFFFFFF50]  }
0x1b3: {  	v27 =	vld [tilespmem:s22+$0xFFFFFF60]  }
0x1b4: {  	v28 =	vld [tilespmem:s22+$0xFFFFFF70]  }
0x1b5: {  	v29 =	vld [tilespmem:s22+$0x0]  }
0x1b6: {  	v30 =	vld [tilespmem:s22+$0x10]  }
0x1b7: {  	v31 =	vld [tilespmem:s22+$0x20];
	v21 =	vmul.f32 v21, v19;
	v22 =	vmul.f32 v22, v19  }
0x1b8: {  	v32 =	vld [tilespmem:s22+$0x30];
	v23 =	vmul.f32 v23, v19;
	v24 =	vmul.f32 v24, v19  }
0x1b9: {  	v33 =	vld [tilespmem:s22+$0x40];
	v25 =	vmul.f32 v25, v19;
	v26 =	vmul.f32 v26, v19  }
0x1ba: {  	v34 =	vld [tilespmem:s22+$0xFFFFFF00];
	v27 =	vmul.f32 v27, v19;
	v28 =	vmul.f32 v28, v19  }
0x1bb: {  	v35 =	vld [tilespmem:s22+$0x50];
	v29 =	vmul.f32 v29, v19;
	v30 =	vmul.f32 v30, v19;
	v21 =	vadd.f32 v21, v20  }
0x1bc: {  	v36 =	vld [tilespmem:s22+$0x60];
	v31 =	vmul.f32 v31, v19;
	v22 =	vadd.f32 v22, v20;
	v23 =	vadd.f32 v23, v20  }
0x1bd: {  	v32 =	vmul.f32 v32, v19;
	v24 =	vadd.f32 v24, v20;
	v25 =	vadd.f32 v25, v20  }
0x1be: {  	v33 =	vmul.f32 v33, v19;
	v26 =	vadd.f32 v26, v20;
	v27 =	vadd.f32 v27, v20  }
0x1bf: {  	v34 =	vmul.f32 v34, v19;
	v28 =	vadd.f32 v28, v20;
	v29 =	vadd.f32 v29, v20  }
0x1c0: {  	v35 =	vmul.f32 v35, v19;
	v30 =	vadd.f32 v30, v20;
	v31 =	vadd.f32 v31, v20  }
0x1c1: {  	v36 =	vmul.f32 v36, v19;
	v32 =	vadd.f32 v32, v20;
	v33 =	vadd.f32 v33, v20  }
0x1c2: {  	v34 =	vadd.f32 v34, v20;
	v21 =	vmin.f32 v21, $2.047000000e+03;
	v22 =	vmin.f32 v22, $2.047000000e+03  }
0x1c3: {  	v23 =	vmin.f32 v23, $2.047000000e+03;
	v24 =	vmin.f32 v24, $2.047000000e+03;
	v25 =	vmin.f32 v25, $2.047000000e+03  }
0x1c4: {  	v26 =	vmin.f32 v26, $2.047000000e+03;
	v27 =	vmin.f32 v27, $2.047000000e+03;
	v28 =	vmin.f32 v28, $2.047000000e+03  }
0x1c5: {  	v34 =	vmin.f32 v34, $2.047000000e+03;
	v21 =	vtrunc.f32 v21;
	v37 =	vtrunc.f32 v22  }
0x1c6: {  	v29 =	vmin.f32 v29, $2.047000000e+03;
	v23 =	vtrunc.f32 v23;
	v34 =	vtrunc.f32 v34  }
0x1c7: {  	v30 =	vmin.f32 v30, $2.047000000e+03;
	v24 =	vtrunc.f32 v24;
	v25 =	vtrunc.f32 v25  }
0x1c8: {  	v31 =	vmin.f32 v31, $2.047000000e+03;
	v26 =	vtrunc.f32 v26;
	v27 =	vtrunc.f32 v27  }
0x1c9: {  	v32 =	vmin.f32 v32, $2.047000000e+03;
	v28 =	vtrunc.f32 v28;
	v61 =	vtrunc.f32 v29  }
0x1ca: {  	v33 =	vmin.f32 v33, $2.047000000e+03;
	v38 =	vtrunc.f32 v30;
	v39 =	vtrunc.f32 v31  }
0x1cb: {  	v35 =	vadd.f32 v35, v20;
	v32 =	vtrunc.f32 v32;
	v40 =	vtrunc.f32 v33  }
0x1cc: {  	v22 =	vadd.f32 v36, v20;
	v21 =	vcvt.f32.s32 v21;
	v31 =	vcvt.f32.s32 v34  }
0x1cd: {  	v29 =	vmin.f32 v35, $2.047000000e+03;
	v63 =	vcvt.f32.s32 v25;
	v35 =	vcvt.f32.s32 v26  }
0x1ce: {  	v30 =	vmin.f32 v22, $2.047000000e+03;
	v22 =	vtrunc.f32 v29;
	v29 =	vshll.u32 v21, $0x4  }
0x1cf: {  	v34 =	vcvt.f32.s32 v28;
	v28 =	vcvt.f32.s32 v39;
	v62 =	vor.u32 v1, v29  }
0x1d0: {  	v21 =	vtrunc.f32 v30;
	v30 =	vcvt.f32.s32 v23  }
0x1d1: {  	v32 =	vcvt.f32.s32 v32;
	v23 =	vshll.u32 v31, $0x4;
	v31 =	vcvt.f32.s32 v24  }
0x1d2: {  	v33 =	vshll.u32 v63, $0x4;
	v29 =	vcvt.f32.s32 v37;
	v25 =	vshll.u32 v30, $0x4  }
0x1d3: {  	v30 =	vcvt.f32.s32 v61;
	v26 =	vshll.u32 v31, $0x4;
	v31 =	vcvt.f32.s32 v38  }
0x1d4: {  	s1 =	simm.s32 $0x0;
	s0 =	simm.s32 $0x380;
	v24 =	vshll.u32 v29, $0x4;
	v29 =	vcvt.f32.s32 v27;
	v27 =	vcvt.f32.s32 v40;
	[tilespmem:v62+s25+$0x0] =	vst.idx.add.f32.msk $0xffff, v2  }
.LBB2_20:
0x1d5: {  	v36 =	vld [tilespmem:s0+$0x70];
	s1 =	sadd.s32 $0x10, s1;
	v35 =	vshll.u32 v35, $0x4;
	v22 =	vcvt.f32.s32 v22;
	v21 =	vcvt.f32.s32 v21  }
0x1d6: {  	v29 =	vshll.u32 v29, $0x4;
	v34 =	vshll.u32 v34, $0x4;
	v30 =	vshll.u32 v30, $0x4;
	v37 =	vld [tilespmem:s0+$0xFFFFFF10];
	p0 =	slt.u32 s1, $0x7F0  }
0x1d7: {  	v31 =	vshll.u32 v31, $0x4;
	v28 =	vshll.u32 v28, $0x4;
	v32 =	vshll.u32 v32, $0x4;
	v38 =	vld [tilespmem:s0+$0xFFFFFF20]  }
0x1d8: {  	v27 =	vshll.u32 v27, $0x4;
	v22 =	vshll.u32 v22, $0x4;
	v21 =	vshll.u32 v21, $0x4;
	v39 =	vld [tilespmem:s0+$0xFFFFFF30]  }
0x1d9: {  	v23 =	vor.u32 v1, v23;
	v24 =	vor.u32 v1, v24;
	v25 =	vor.u32 v1, v25;
	v40 =	vld [tilespmem:s0+$0xFFFFFF40]  }
0x1da: {  	v26 =	vor.u32 v1, v26;
	v33 =	vor.u32 v1, v33;
	v41 =	vld [tilespmem:s0+$0xFFFFFF50];
	v36 =	vmul.f32 v36, v19  }
0x1db: {  	v35 =	vor.u32 v1, v35;
	v29 =	vor.u32 v1, v29;
	v37 =	vmul.f32 v37, v19;
	v42 =	vld [tilespmem:s0+$0xFFFFFF60]  }
0x1dc: {  	v34 =	vor.u32 v1, v34;
	v38 =	vmul.f32 v38, v19;
	v43 =	vld [tilespmem:s0+$0xFFFFFF70];
	v36 =	vadd.f32 v36, v20  }
0x1dd: {  	v30 =	vor.u32 v1, v30;
	v37 =	vadd.f32 v37, v20;
	v39 =	vmul.f32 v39, v19;
	v44 =	vld [tilespmem:s0+$0x0]  }
0x1de: {  	v38 =	vadd.f32 v38, v20;
	v40 =	vmul.f32 v40, v19;
	v45 =	vld [tilespmem:s0+$0x10];
	v36 =	vmin.f32 v36, $2.047000000e+03  }
0x1df: {  	v39 =	vadd.f32 v39, v20;
	v41 =	vmul.f32 v41, v19;
	v46 =	vld [tilespmem:s0+$0x20];
	v36 =	vtrunc.f32 v36  }
0x1e0: {  	v40 =	vadd.f32 v40, v20;
	v42 =	vmul.f32 v42, v19;
	v47 =	vld [tilespmem:s0+$0x30];
	v36 =	vcvt.f32.s32 v36  }
0x1e1: {  	v37 =	vmin.f32 v37, $2.047000000e+03;
	v41 =	vadd.f32 v41, v20;
	v43 =	vmul.f32 v43, v19;
	v48 =	vld [tilespmem:s0+$0x40]  }
0x1e2: {  	v42 =	vadd.f32 v42, v20;
	v44 =	vmul.f32 v44, v19;
	v49 =	vld [tilespmem:s0+$0x50];
	v36 =	vshll.u32 v36, $0x4  }
0x1e3: {  	v43 =	vadd.f32 v43, v20;
	v45 =	vmul.f32 v45, v19;
	v50 =	vld [tilespmem:s0+$0x60];
	v36 =	vor.u32 v1, v36  }
0x1e4: {  	v38 =	vmin.f32 v38, $2.047000000e+03;
	v51 =	vld [tilespmem:s0+$0xFFFFFF00];
	v44 =	vadd.f32 v44, v20;
	v46 =	vmul.f32 v46, v19  }
0x1e5: {  	v39 =	vmin.f32 v39, $2.047000000e+03;
	v45 =	vadd.f32 v45, v20;
	v47 =	vmul.f32 v47, v19;
	[tilespmem:v23+s25+$0x0] =	vst.idx.add.f32.msk $0xffff, v2  }
0x1e6: {  	v23 =	vmin.f32 v40, $2.047000000e+03;
	v40 =	vadd.f32 v46, v20;
	v46 =	vmul.f32 v48, v19;
	[tilespmem:v24+s25+$0x0] =	vst.idx.add.f32.msk $0xffff, v2  }
0x1e7: {  	v24 =	vmin.f32 v41, $2.047000000e+03;
	v41 =	vadd.f32 v47, v20;
	v47 =	vmul.f32 v49, v19;
	[tilespmem:v25+s25+$0x0] =	vst.idx.add.f32.msk $0xffff, v2  }
0x1e8: {  	v25 =	vmin.f32 v42, $2.047000000e+03;
	v42 =	vadd.f32 v46, v20;
	v46 =	vmul.f32 v50, v19;
	[tilespmem:v36+s25+$0x0] =	vst.idx.add.f32.msk $0xffff, v2  }
0x1e9: {  	v43 =	vmin.f32 v43, $2.047000000e+03;
	v36 =	vmul.f32 v51, v19;
	v47 =	vadd.f32 v47, v20;
	[tilespmem:v26+s25+$0x0] =	vst.idx.add.f32.msk $0xffff, v2  }
0x1ea: {  	v26 =	vmin.f32 v44, $2.047000000e+03;
	v44 =	vmin.f32 v45, $2.047000000e+03;
	v45 =	vadd.f32 v46, v20;
	[tilespmem:v33+s25+$0x0] =	vst.idx.add.f32.msk $0xffff, v2  }
0x1eb: {  	v33 =	vadd.f32 v36, v20;
	v36 =	vmin.f32 v40, $2.047000000e+03;
	v40 =	vmin.f32 v41, $2.047000000e+03;
	[tilespmem:v35+s25+$0x0] =	vst.idx.add.f32.msk $0xffff, v2  }
0x1ec: {  	v35 =	vmin.f32 v42, $2.047000000e+03;
	v41 =	vmin.f32 v47, $2.047000000e+03;
	v42 =	vmin.f32 v45, $2.047000000e+03;
	[tilespmem:v29+s25+$0x0] =	vst.idx.add.f32.msk $0xffff, v2  }
0x1ed: {  	v29 =	vmin.f32 v33, $2.047000000e+03;
	v33 =	vtrunc.f32 v37;
	v37 =	vtrunc.f32 v38;
	[tilespmem:v34+s25+$0x0] =	vst.idx.add.f32.msk $0xffff, v2  }
0x1ee: {  	v34 =	vtrunc.f32 v39;
	v29 =	vtrunc.f32 v29;
	[tilespmem:v30+s25+$0x0] =	vst.idx.add.f32.msk $0xffff, v2;
	v30 =	vor.u32 v1, v31  }
0x1ef: {  	v38 =	vtrunc.f32 v24;
	v31 =	vtrunc.f32 v23;
	v23 =	vor.u32 v1, v28  }
0x1f0: {  	v25 =	vtrunc.f32 v25;
	v24 =	vor.u32 v1, v32;
	v28 =	vtrunc.f32 v43  }
0x1f1: {  	v27 =	vor.u32 v1, v27;
	v26 =	vtrunc.f32 v26;
	v32 =	vtrunc.f32 v44  }
0x1f2: {  	v36 =	vtrunc.f32 v36;
	v39 =	vtrunc.f32 v40;
	v40 =	vor.u32 v1, v22  }
0x1f3: {  	v22 =	vtrunc.f32 v41;
	v41 =	vor.u32 v1, v21;
	v43 =	vtrunc.f32 v35;
	[tilespmem:v30+s25+$0x0] =	vst.idx.add.f32.msk $0xffff, v2  }
0x1f4: {  	v21 =	vtrunc.f32 v42;
	v29 =	vcvt.f32.s32 v29;
	[tilespmem:v23+s25+$0x0] =	vst.idx.add.f32.msk $0xffff, v2  }
0x1f5: {  	v30 =	vcvt.f32.s32 v33;
	v33 =	vcvt.f32.s32 v37;
	[tilespmem:v24+s25+$0x0] =	vst.idx.add.f32.msk $0xffff, v2  }
.Ltmp9:
0x1f6: {  	v42 =	vcvt.f32.s32 v31;
	v37 =	vcvt.f32.s32 v34;
	v23 =	vshll.u32 v29, $0x4;
	[tilespmem:v27+s25+$0x0] =	vst.idx.add.f32.msk $0xffff, v2;
	(pc) =	sbr.rel @p0 .LBB2_20-.Ltmp9, $4  }
0x1f7: {  	v35 =	vcvt.f32.s32 v38;
	v29 =	vcvt.f32.s32 v25;
	v24 =	vshll.u32 v30, $0x4;
	[tilespmem:v40+s25+$0x0] =	vst.idx.add.f32.msk $0xffff, v2  }
0x1f8: {  	v34 =	vcvt.f32.s32 v28;
	v25 =	vshll.u32 v33, $0x4;
	v30 =	vcvt.f32.s32 v26;
	[tilespmem:v41+s25+$0x0] =	vst.idx.add.f32.msk $0xffff, v2  }
0x1f9: {  	v31 =	vcvt.f32.s32 v32;
	v28 =	vcvt.f32.s32 v36;
	v26 =	vshll.u32 v37, $0x4  }
0x1fa: {  	s0 =	sadd.s32 $0x200, s0;
	v32 =	vcvt.f32.s32 v39;
	v33 =	vshll.u32 v42, $0x4;
	v27 =	vcvt.f32.s32 v43  }
0x1fb: {  	v23 =	vor.u32 v1, v23  }
0x1fc: {  	v24 =	vor.u32 v1, v24  }
0x1fd: {  	v25 =	vor.u32 v1, v25  }
0x1fe: {  	v26 =	vor.u32 v1, v26  }
0x1ff: {  	v35 =	vshll.u32 v35, $0x4;
	v33 =	vor.u32 v1, v33  }
0x200: {  	v29 =	vshll.u32 v29, $0x4;
	v22 =	vcvt.f32.s32 v22;
	v35 =	vor.u32 v1, v35;
	[tilespmem:v23+s25+$0x0] =	vst.idx.add.f32.msk $0xffff, v2  }
0x201: {  	v62 =	vshll.u32 v28, $0x4;
	v29 =	vor.u32 v1, v29;
	v63 =	vshll.u32 v32, $0x4;
	[tilespmem:v24+s25+$0x0] =	vst.idx.add.f32.msk $0xffff, v2  }
0x202: {  	v21 =	vcvt.f32.s32 v21;
	v28 =	vor.u32 v1, v63;
	v22 =	vshll.u32 v22, $0x4;
	[tilespmem:v25+s25+$0x0] =	vst.idx.add.f32.msk $0xffff, v2  }
0x203: {  	v22 =	vor.u32 v1, v22;
	v23 =	vshll.u32 v34, $0x4;
	[tilespmem:v26+s25+$0x0] =	vst.idx.add.f32.msk $0xffff, v2  }
0x204: {  	v21 =	vshll.u32 v21, $0x4;
	[tilespmem:v33+s25+$0x0] =	vst.idx.add.f32.msk $0xffff, v2;
	v23 =	vor.u32 v1, v23  }
0x205: {  	v60 =	vshll.u32 v30, $0x4;
	v21 =	vor.u32 v1, v21;
	[tilespmem:v35+s25+$0x0] =	vst.idx.add.f32.msk $0xffff, v2  }
0x206: {  	v61 =	vshll.u32 v31, $0x4;
	v24 =	vor.u32 v1, v60;
	[tilespmem:v29+s25+$0x0] =	vst.idx.add.f32.msk $0xffff, v2  }
0x207: {  	v25 =	vor.u32 v1, v61;
	[tilespmem:v28+s25+$0x0] =	vst.idx.add.f32.msk $0xffff, v2  }
0x208: {  	v27 =	vshll.u32 v27, $0x4;
	v26 =	vor.u32 v1, v62;
	[tilespmem:v22+s25+$0x0] =	vst.idx.add.f32.msk $0xffff, v2  }
0x209: {  	[tilespmem:v23+s25+$0x0] =	vst.idx.add.f32.msk $0xffff, v2;
	v23 =	vor.u32 v1, v27  }
0x20a: {  	[tilespmem:v21+s25+$0x0] =	vst.idx.add.f32.msk $0xffff, v2  }
0x20b: {  	[tilespmem:v24+s25+$0x0] =	vst.idx.add.f32.msk $0xffff, v2  }
0x20c: {  	[tilespmem:v25+s25+$0x0] =	vst.idx.add.f32.msk $0xffff, v2  }
0x20d: {  	s0 =	simm.s32 $0x80;
	[tilespmem:v26+s25+$0x0] =	vst.idx.add.f32.msk $0xffff, v2  }
0x20e: {  	s1 =	simm.s32 $0x10;
	s22 =	sadd.s32 $0x0, s9;
	s2 =	simm.s32 $0x180;
	[tilespmem:v23+s25+$0x0] =	vst.idx.add.f32.msk $0xffff, v2  }
.LBB2_22:
0x20f: {  	[tilespmem:s0], [sflag:$0x2] =	stream.linear.gather [hbm4b:s22+s3], $0x80, $0x38;
	[tilespmem:$0x18900] =	vst v63  }
0x210: {  	s22 =	smov.u32 s1;
	s0 =	smov.u32 s2;
	p0 =	sne.s32 s1, $0xFF0  }
.Ltmp10:
0x211: {  	s1 =	sadd.s32 $0x10, s1;
	(pc) =	sbr.rel @p0 .LBB2_22-.Ltmp10, $2  }
0x212: {  	_ =	sdelay $0x2  }
0x213: {  	s2 =	sadd.s32 $0x100, s2;
	s22 =	sadd.s32 s22, s9  }
0x214: {  	[tilespmem:s0], [sflag:$0x2] =	stream.linear.gather [hbm4b:s22+s3], $0x80, $0x38;
	[tilespmem:$0x18900] =	vst v63  }
0x215: {  	_ =	swait.ge [sflag:s24], $0x8000  }
0x216: {  	[sflag:s24] =	ssyncset.done $0x0  }
0x217: {  	s22 =	simm.s32 $0x100;
	[sflag:s24] =	ssyncadd.s32 $0xFFFF8000  }
0x218: {  	v21 =	vld [tilespmem:s22+$0x70]  }
0x219: {  	v22 =	vld [tilespmem:s22+$0xFFFFFF10]  }
0x21a: {  	v23 =	vld [tilespmem:s22+$0xFFFFFF20]  }
0x21b: {  	v24 =	vld [tilespmem:s22+$0xFFFFFF30]  }
0x21c: {  	v25 =	vld [tilespmem:s22+$0xFFFFFF40]  }
0x21d: {  	v26 =	vld [tilespmem:s22+$0xFFFFFF50]  }
0x21e: {  	v27 =	vld [tilespmem:s22+$0xFFFFFF60]  }
0x21f: {  	v28 =	vld [tilespmem:s22+$0xFFFFFF70]  }
0x220: {  	v29 =	vld [tilespmem:s22+$0x0]  }
0x221: {  	v30 =	vld [tilespmem:s22+$0x10]  }
0x222: {  	v31 =	vld [tilespmem:s22+$0x20];
	v21 =	vmul.f32 v21, v19;
	v22 =	vmul.f32 v22, v19  }
0x223: {  	v32 =	vld [tilespmem:s22+$0x30];
	v23 =	vmul.f32 v23, v19;
	v24 =	vmul.f32 v24, v19  }
0x224: {  	v33 =	vld [tilespmem:s22+$0x40];
	v25 =	vmul.f32 v25, v19;
	v26 =	vmul.f32 v26, v19  }
0x225: {  	v34 =	vld [tilespmem:s22+$0xFFFFFF00];
	v27 =	vmul.f32 v27, v19;
	v28 =	vmul.f32 v28, v19  }
0x226: {  	v35 =	vld [tilespmem:s22+$0x50];
	v29 =	vmul.f32 v29, v19;
	v30 =	vmul.f32 v30, v19;
	v21 =	vadd.f32 v21, v20  }
0x227: {  	v36 =	vld [tilespmem:s22+$0x60];
	v31 =	vmul.f32 v31, v19;
	v22 =	vadd.f32 v22, v20;
	v23 =	vadd.f32 v23, v20  }
0x228: {  	v32 =	vmul.f32 v32, v19;
	v24 =	vadd.f32 v24, v20;
	v25 =	vadd.f32 v25, v20  }
0x229: {  	v33 =	vmul.f32 v33, v19;
	v26 =	vadd.f32 v26, v20;
	v27 =	vadd.f32 v27, v20  }
0x22a: {  	v34 =	vmul.f32 v34, v19;
	v28 =	vadd.f32 v28, v20;
	v29 =	vadd.f32 v29, v20  }
0x22b: {  	v35 =	vmul.f32 v35, v19;
	v30 =	vadd.f32 v30, v20;
	v31 =	vadd.f32 v31, v20  }
0x22c: {  	v36 =	vmul.f32 v36, v19;
	v32 =	vadd.f32 v32, v20;
	v33 =	vadd.f32 v33, v20  }
0x22d: {  	v34 =	vadd.f32 v34, v20;
	v21 =	vmin.f32 v21, $2.047000000e+03;
	v22 =	vmin.f32 v22, $2.047000000e+03  }
0x22e: {  	v23 =	vmin.f32 v23, $2.047000000e+03;
	v24 =	vmin.f32 v24, $2.047000000e+03;
	v25 =	vmin.f32 v25, $2.047000000e+03  }
0x22f: {  	v26 =	vmin.f32 v26, $2.047000000e+03;
	v27 =	vmin.f32 v27, $2.047000000e+03;
	v28 =	vmin.f32 v28, $2.047000000e+03  }
0x230: {  	v34 =	vmin.f32 v34, $2.047000000e+03;
	v21 =	vtrunc.f32 v21;
	v37 =	vtrunc.f32 v22  }
0x231: {  	v29 =	vmin.f32 v29, $2.047000000e+03;
	v23 =	vtrunc.f32 v23;
	v34 =	vtrunc.f32 v34  }
0x232: {  	v30 =	vmin.f32 v30, $2.047000000e+03;
	v24 =	vtrunc.f32 v24;
	v25 =	vtrunc.f32 v25  }
0x233: {  	v31 =	vmin.f32 v31, $2.047000000e+03;
	v26 =	vtrunc.f32 v26;
	v27 =	vtrunc.f32 v27  }
0x234: {  	v32 =	vmin.f32 v32, $2.047000000e+03;
	v28 =	vtrunc.f32 v28;
	v61 =	vtrunc.f32 v29  }
0x235: {  	v33 =	vmin.f32 v33, $2.047000000e+03;
	v38 =	vtrunc.f32 v30;
	v39 =	vtrunc.f32 v31  }
0x236: {  	v35 =	vadd.f32 v35, v20;
	v32 =	vtrunc.f32 v32;
	v40 =	vtrunc.f32 v33  }
0x237: {  	v22 =	vadd.f32 v36, v20;
	v21 =	vcvt.f32.s32 v21;
	v31 =	vcvt.f32.s32 v34  }
0x238: {  	v29 =	vmin.f32 v35, $2.047000000e+03;
	v63 =	vcvt.f32.s32 v25;
	v35 =	vcvt.f32.s32 v26  }
0x239: {  	v30 =	vmin.f32 v22, $2.047000000e+03;
	v22 =	vtrunc.f32 v29;
	v29 =	vshll.u32 v21, $0x4  }
0x23a: {  	v34 =	vcvt.f32.s32 v28;
	v28 =	vcvt.f32.s32 v39;
	v62 =	vor.u32 v1, v29  }
0x23b: {  	v21 =	vtrunc.f32 v30;
	v30 =	vcvt.f32.s32 v23  }
0x23c: {  	v32 =	vcvt.f32.s32 v32;
	v23 =	vshll.u32 v31, $0x4;
	v31 =	vcvt.f32.s32 v24  }
0x23d: {  	v33 =	vshll.u32 v63, $0x4;
	v29 =	vcvt.f32.s32 v37;
	v25 =	vshll.u32 v30, $0x4  }
0x23e: {  	v30 =	vcvt.f32.s32 v61;
	v26 =	vshll.u32 v31, $0x4;
	v31 =	vcvt.f32.s32 v38  }
0x23f: {  	s1 =	simm.s32 $0x0;
	s0 =	simm.s32 $0x300;
	v24 =	vshll.u32 v29, $0x4;
	v29 =	vcvt.f32.s32 v27;
	v27 =	vcvt.f32.s32 v40;
	[tilespmem:v62+s25+$0x0] =	vst.idx.add.f32.msk $0xffff, v2  }
.LBB2_24:
0x240: {  	v36 =	vld [tilespmem:s0+$0x70];
	s1 =	sadd.s32 $0x10, s1;
	v35 =	vshll.u32 v35, $0x4;
	v22 =	vcvt.f32.s32 v22;
	v21 =	vcvt.f32.s32 v21  }
0x241: {  	v29 =	vshll.u32 v29, $0x4;
	v34 =	vshll.u32 v34, $0x4;
	v30 =	vshll.u32 v30, $0x4;
	v37 =	vld [tilespmem:s0+$0xFFFFFF10];
	p0 =	slt.u32 s1, $0x7F0  }
0x242: {  	v31 =	vshll.u32 v31, $0x4;
	v28 =	vshll.u32 v28, $0x4;
	v32 =	vshll.u32 v32, $0x4;
	v38 =	vld [tilespmem:s0+$0xFFFFFF20]  }
0x243: {  	v27 =	vshll.u32 v27, $0x4;
	v22 =	vshll.u32 v22, $0x4;
	v21 =	vshll.u32 v21, $0x4;
	v39 =	vld [tilespmem:s0+$0xFFFFFF30]  }
0x244: {  	v23 =	vor.u32 v1, v23;
	v24 =	vor.u32 v1, v24;
	v25 =	vor.u32 v1, v25;
	v40 =	vld [tilespmem:s0+$0xFFFFFF40]  }
0x245: {  	v26 =	vor.u32 v1, v26;
	v33 =	vor.u32 v1, v33;
	v41 =	vld [tilespmem:s0+$0xFFFFFF50];
	v36 =	vmul.f32 v36, v19  }
0x246: {  	v35 =	vor.u32 v1, v35;
	v29 =	vor.u32 v1, v29;
	v37 =	vmul.f32 v37, v19;
	v42 =	vld [tilespmem:s0+$0xFFFFFF60]  }
0x247: {  	v34 =	vor.u32 v1, v34;
	v38 =	vmul.f32 v38, v19;
	v43 =	vld [tilespmem:s0+$0xFFFFFF70];
	v36 =	vadd.f32 v36, v20  }
0x248: {  	v30 =	vor.u32 v1, v30;
	v37 =	vadd.f32 v37, v20;
	v39 =	vmul.f32 v39, v19;
	v44 =	vld [tilespmem:s0+$0x0]  }
0x249: {  	v38 =	vadd.f32 v38, v20;
	v40 =	vmul.f32 v40, v19;
	v45 =	vld [tilespmem:s0+$0x10];
	v36 =	vmin.f32 v36, $2.047000000e+03  }
0x24a: {  	v39 =	vadd.f32 v39, v20;
	v41 =	vmul.f32 v41, v19;
	v46 =	vld [tilespmem:s0+$0x20];
	v36 =	vtrunc.f32 v36  }
0x24b: {  	v40 =	vadd.f32 v40, v20;
	v42 =	vmul.f32 v42, v19;
	v47 =	vld [tilespmem:s0+$0x30];
	v36 =	vcvt.f32.s32 v36  }
0x24c: {  	v37 =	vmin.f32 v37, $2.047000000e+03;
	v41 =	vadd.f32 v41, v20;
	v43 =	vmul.f32 v43, v19;
	v48 =	vld [tilespmem:s0+$0x40]  }
0x24d: {  	v42 =	vadd.f32 v42, v20;
	v44 =	vmul.f32 v44, v19;
	v49 =	vld [tilespmem:s0+$0x50];
	v36 =	vshll.u32 v36, $0x4  }
0x24e: {  	v43 =	vadd.f32 v43, v20;
	v45 =	vmul.f32 v45, v19;
	v50 =	vld [tilespmem:s0+$0x60];
	v36 =	vor.u32 v1, v36  }
0x24f: {  	v38 =	vmin.f32 v38, $2.047000000e+03;
	v51 =	vld [tilespmem:s0+$0xFFFFFF00];
	v44 =	vadd.f32 v44, v20;
	v46 =	vmul.f32 v46, v19  }
0x250: {  	v39 =	vmin.f32 v39, $2.047000000e+03;
	v45 =	vadd.f32 v45, v20;
	v47 =	vmul.f32 v47, v19;
	[tilespmem:v23+s25+$0x0] =	vst.idx.add.f32.msk $0xffff, v2  }
0x251: {  	v23 =	vmin.f32 v40, $2.047000000e+03;
	v40 =	vadd.f32 v46, v20;
	v46 =	vmul.f32 v48, v19;
	[tilespmem:v24+s25+$0x0] =	vst.idx.add.f32.msk $0xffff, v2  }
0x252: {  	v24 =	vmin.f32 v41, $2.047000000e+03;
	v41 =	vadd.f32 v47, v20;
	v47 =	vmul.f32 v49, v19;
	[tilespmem:v25+s25+$0x0] =	vst.idx.add.f32.msk $0xffff, v2  }
0x253: {  	v25 =	vmin.f32 v42, $2.047000000e+03;
	v42 =	vadd.f32 v46, v20;
	v46 =	vmul.f32 v50, v19;
	[tilespmem:v36+s25+$0x0] =	vst.idx.add.f32.msk $0xffff, v2  }
0x254: {  	v43 =	vmin.f32 v43, $2.047000000e+03;
	v36 =	vmul.f32 v51, v19;
	v47 =	vadd.f32 v47, v20;
	[tilespmem:v26+s25+$0x0] =	vst.idx.add.f32.msk $0xffff, v2  }
0x255: {  	v26 =	vmin.f32 v44, $2.047000000e+03;
	v44 =	vmin.f32 v45, $2.047000000e+03;
	v45 =	vadd.f32 v46, v20;
	[tilespmem:v33+s25+$0x0] =	vst.idx.add.f32.msk $0xffff, v2  }
0x256: {  	v33 =	vadd.f32 v36, v20;
	v36 =	vmin.f32 v40, $2.047000000e+03;
	v40 =	vmin.f32 v41, $2.047000000e+03;
	[tilespmem:v35+s25+$0x0] =	vst.idx.add.f32.msk $0xffff, v2  }
0x257: {  	v35 =	vmin.f32 v42, $2.047000000e+03;
	v41 =	vmin.f32 v47, $2.047000000e+03;
	v42 =	vmin.f32 v45, $2.047000000e+03;
	[tilespmem:v29+s25+$0x0] =	vst.idx.add.f32.msk $0xffff, v2  }
0x258: {  	v29 =	vmin.f32 v33, $2.047000000e+03;
	v33 =	vtrunc.f32 v37;
	v37 =	vtrunc.f32 v38;
	[tilespmem:v34+s25+$0x0] =	vst.idx.add.f32.msk $0xffff, v2  }
0x259: {  	v34 =	vtrunc.f32 v39;
	v29 =	vtrunc.f32 v29;
	[tilespmem:v30+s25+$0x0] =	vst.idx.add.f32.msk $0xffff, v2;
	v30 =	vor.u32 v1, v31  }
0x25a: {  	v38 =	vtrunc.f32 v24;
	v31 =	vtrunc.f32 v23;
	v23 =	vor.u32 v1, v28  }
0x25b: {  	v25 =	vtrunc.f32 v25;
	v24 =	vor.u32 v1, v32;
	v28 =	vtrunc.f32 v43  }
0x25c: {  	v27 =	vor.u32 v1, v27;
	v26 =	vtrunc.f32 v26;
	v32 =	vtrunc.f32 v44  }
0x25d: {  	v36 =	vtrunc.f32 v36;
	v39 =	vtrunc.f32 v40;
	v40 =	vor.u32 v1, v22  }
0x25e: {  	v22 =	vtrunc.f32 v41;
	v41 =	vor.u32 v1, v21;
	v43 =	vtrunc.f32 v35;
	[tilespmem:v30+s25+$0x0] =	vst.idx.add.f32.msk $0xffff, v2  }
0x25f: {  	v21 =	vtrunc.f32 v42;
	v29 =	vcvt.f32.s32 v29;
	[tilespmem:v23+s25+$0x0] =	vst.idx.add.f32.msk $0xffff, v2  }
0x260: {  	v30 =	vcvt.f32.s32 v33;
	v33 =	vcvt.f32.s32 v37;
	[tilespmem:v24+s25+$0x0] =	vst.idx.add.f32.msk $0xffff, v2  }
.Ltmp11:
0x261: {  	v42 =	vcvt.f32.s32 v31;
	v37 =	vcvt.f32.s32 v34;
	v23 =	vshll.u32 v29, $0x4;
	[tilespmem:v27+s25+$0x0] =	vst.idx.add.f32.msk $0xffff, v2;
	(pc) =	sbr.rel @p0 .LBB2_24-.Ltmp11, $4  }
0x262: {  	v35 =	vcvt.f32.s32 v38;
	v29 =	vcvt.f32.s32 v25;
	v24 =	vshll.u32 v30, $0x4;
	[tilespmem:v40+s25+$0x0] =	vst.idx.add.f32.msk $0xffff, v2  }
0x263: {  	v34 =	vcvt.f32.s32 v28;
	v25 =	vshll.u32 v33, $0x4;
	v30 =	vcvt.f32.s32 v26;
	[tilespmem:v41+s25+$0x0] =	vst.idx.add.f32.msk $0xffff, v2  }
0x264: {  	v31 =	vcvt.f32.s32 v32;
	v28 =	vcvt.f32.s32 v36;
	v26 =	vshll.u32 v37, $0x4  }
0x265: {  	s0 =	sadd.s32 $0x200, s0;
	v32 =	vcvt.f32.s32 v39;
	v33 =	vshll.u32 v42, $0x4;
	v27 =	vcvt.f32.s32 v43  }
0x266: {  	v23 =	vor.u32 v1, v23  }
0x267: {  	v24 =	vor.u32 v1, v24  }
0x268: {  	v25 =	vor.u32 v1, v25  }
0x269: {  	v26 =	vor.u32 v1, v26  }
0x26a: {  	v35 =	vshll.u32 v35, $0x4;
	v33 =	vor.u32 v1, v33  }
0x26b: {  	v29 =	vshll.u32 v29, $0x4;
	v22 =	vcvt.f32.s32 v22;
	v35 =	vor.u32 v1, v35;
	[tilespmem:v23+s25+$0x0] =	vst.idx.add.f32.msk $0xffff, v2  }
0x26c: {  	v62 =	vshll.u32 v28, $0x4;
	v29 =	vor.u32 v1, v29;
	v63 =	vshll.u32 v32, $0x4;
	[tilespmem:v24+s25+$0x0] =	vst.idx.add.f32.msk $0xffff, v2  }
0x26d: {  	v21 =	vcvt.f32.s32 v21;
	v28 =	vor.u32 v1, v63;
	v22 =	vshll.u32 v22, $0x4;
	[tilespmem:v25+s25+$0x0] =	vst.idx.add.f32.msk $0xffff, v2  }
0x26e: {  	v22 =	vor.u32 v1, v22;
	v23 =	vshll.u32 v34, $0x4;
	[tilespmem:v26+s25+$0x0] =	vst.idx.add.f32.msk $0xffff, v2  }
0x26f: {  	v21 =	vshll.u32 v21, $0x4;
	[tilespmem:v33+s25+$0x0] =	vst.idx.add.f32.msk $0xffff, v2;
	v23 =	vor.u32 v1, v23  }
0x270: {  	v60 =	vshll.u32 v30, $0x4;
	v21 =	vor.u32 v1, v21;
	[tilespmem:v35+s25+$0x0] =	vst.idx.add.f32.msk $0xffff, v2  }
0x271: {  	v61 =	vshll.u32 v31, $0x4;
	v24 =	vor.u32 v1, v60;
	[tilespmem:v29+s25+$0x0] =	vst.idx.add.f32.msk $0xffff, v2  }
0x272: {  	v25 =	vor.u32 v1, v61;
	[tilespmem:v28+s25+$0x0] =	vst.idx.add.f32.msk $0xffff, v2  }
0x273: {  	v27 =	vshll.u32 v27, $0x4;
	v26 =	vor.u32 v1, v62;
	[tilespmem:v22+s25+$0x0] =	vst.idx.add.f32.msk $0xffff, v2  }
0x274: {  	[tilespmem:v23+s25+$0x0] =	vst.idx.add.f32.msk $0xffff, v2;
	v23 =	vor.u32 v1, v27  }
0x275: {  	[tilespmem:v21+s25+$0x0] =	vst.idx.add.f32.msk $0xffff, v2  }
0x276: {  	[tilespmem:v24+s25+$0x0] =	vst.idx.add.f32.msk $0xffff, v2  }
0x277: {  	[tilespmem:v25+s25+$0x0] =	vst.idx.add.f32.msk $0xffff, v2  }
0x278: {  	s0 =	simm.s32 $0x0;
	[tilespmem:v26+s25+$0x0] =	vst.idx.add.f32.msk $0xffff, v2  }
0x279: {  	s1 =	simm.s32 $0x10;
	s22 =	sadd.s32 $0x0, s10;
	s2 =	simm.s32 $0x100;
	[tilespmem:v23+s25+$0x0] =	vst.idx.add.f32.msk $0xffff, v2  }
.LBB2_26:
0x27a: {  	[tilespmem:s0], [sflag:$0x1] =	stream.linear.gather [hbm4b:s22+s3], $0x80, $0x38;
	[tilespmem:$0x18900] =	vst v63  }
0x27b: {  	s22 =	smov.u32 s1;
	s0 =	smov.u32 s2;
	p0 =	sne.s32 s1, $0xFF0  }
.Ltmp12:
0x27c: {  	s1 =	sadd.s32 $0x10, s1;
	(pc) =	sbr.rel @p0 .LBB2_26-.Ltmp12, $2  }
0x27d: {  	_ =	sdelay $0x2  }
0x27e: {  	s2 =	sadd.s32 $0x100, s2;
	s22 =	sadd.s32 s22, s10  }
0x27f: {  	[tilespmem:s0], [sflag:$0x1] =	stream.linear.gather [hbm4b:s22+s3], $0x80, $0x38;
	[tilespmem:$0x18900] =	vst v63  }
0x280: {  	_ =	swait.ge [sflag:s26], $0x8000  }
0x281: {  	[sflag:s26] =	ssyncset.done $0x0  }
0x282: {  	s22 =	simm.s32 $0x180;
	[sflag:s26] =	ssyncadd.s32 $0xFFFF8000  }
0x283: {  	v21 =	vld [tilespmem:s22+$0x70]  }
0x284: {  	v22 =	vld [tilespmem:s22+$0xFFFFFF10]  }
0x285: {  	v23 =	vld [tilespmem:s22+$0xFFFFFF20]  }
0x286: {  	v24 =	vld [tilespmem:s22+$0xFFFFFF30]  }
0x287: {  	v25 =	vld [tilespmem:s22+$0xFFFFFF40]  }
0x288: {  	v26 =	vld [tilespmem:s22+$0xFFFFFF50]  }
0x289: {  	v27 =	vld [tilespmem:s22+$0xFFFFFF60]  }
0x28a: {  	v28 =	vld [tilespmem:s22+$0xFFFFFF70]  }
0x28b: {  	v29 =	vld [tilespmem:s22+$0x0]  }
0x28c: {  	v30 =	vld [tilespmem:s22+$0x10]  }
0x28d: {  	v31 =	vld [tilespmem:s22+$0x20];
	v21 =	vmul.f32 v21, v19;
	v22 =	vmul.f32 v22, v19  }
0x28e: {  	v32 =	vld [tilespmem:s22+$0x30];
	v23 =	vmul.f32 v23, v19;
	v24 =	vmul.f32 v24, v19  }
0x28f: {  	v33 =	vld [tilespmem:s22+$0x40];
	v25 =	vmul.f32 v25, v19;
	v26 =	vmul.f32 v26, v19  }
0x290: {  	v34 =	vld [tilespmem:s22+$0xFFFFFF00];
	v27 =	vmul.f32 v27, v19;
	v28 =	vmul.f32 v28, v19  }
0x291: {  	v35 =	vld [tilespmem:s22+$0x50];
	v29 =	vmul.f32 v29, v19;
	v30 =	vmul.f32 v30, v19;
	v21 =	vadd.f32 v21, v20  }
0x292: {  	v36 =	vld [tilespmem:s22+$0x60];
	v31 =	vmul.f32 v31, v19;
	v22 =	vadd.f32 v22, v20;
	v23 =	vadd.f32 v23, v20  }
0x293: {  	v32 =	vmul.f32 v32, v19;
	v24 =	vadd.f32 v24, v20;
	v25 =	vadd.f32 v25, v20  }
0x294: {  	v33 =	vmul.f32 v33, v19;
	v26 =	vadd.f32 v26, v20;
	v27 =	vadd.f32 v27, v20  }
0x295: {  	v34 =	vmul.f32 v34, v19;
	v28 =	vadd.f32 v28, v20;
	v29 =	vadd.f32 v29, v20  }
0x296: {  	v35 =	vmul.f32 v35, v19;
	v30 =	vadd.f32 v30, v20;
	v31 =	vadd.f32 v31, v20  }
0x297: {  	v36 =	vmul.f32 v36, v19;
	v32 =	vadd.f32 v32, v20;
	v33 =	vadd.f32 v33, v20  }
0x298: {  	v34 =	vadd.f32 v34, v20;
	v21 =	vmin.f32 v21, $2.047000000e+03;
	v22 =	vmin.f32 v22, $2.047000000e+03  }
0x299: {  	v23 =	vmin.f32 v23, $2.047000000e+03;
	v24 =	vmin.f32 v24, $2.047000000e+03;
	v25 =	vmin.f32 v25, $2.047000000e+03  }
0x29a: {  	v26 =	vmin.f32 v26, $2.047000000e+03;
	v27 =	vmin.f32 v27, $2.047000000e+03;
	v28 =	vmin.f32 v28, $2.047000000e+03  }
0x29b: {  	v34 =	vmin.f32 v34, $2.047000000e+03;
	v21 =	vtrunc.f32 v21;
	v37 =	vtrunc.f32 v22  }
0x29c: {  	v29 =	vmin.f32 v29, $2.047000000e+03;
	v23 =	vtrunc.f32 v23;
	v34 =	vtrunc.f32 v34  }
0x29d: {  	v30 =	vmin.f32 v30, $2.047000000e+03;
	v24 =	vtrunc.f32 v24;
	v25 =	vtrunc.f32 v25  }
0x29e: {  	v31 =	vmin.f32 v31, $2.047000000e+03;
	v26 =	vtrunc.f32 v26;
	v27 =	vtrunc.f32 v27  }
0x29f: {  	v32 =	vmin.f32 v32, $2.047000000e+03;
	v28 =	vtrunc.f32 v28;
	v61 =	vtrunc.f32 v29  }
0x2a0: {  	v33 =	vmin.f32 v33, $2.047000000e+03;
	v38 =	vtrunc.f32 v30;
	v39 =	vtrunc.f32 v31  }
0x2a1: {  	v35 =	vadd.f32 v35, v20;
	v32 =	vtrunc.f32 v32;
	v40 =	vtrunc.f32 v33  }
0x2a2: {  	v22 =	vadd.f32 v36, v20;
	v21 =	vcvt.f32.s32 v21;
	v31 =	vcvt.f32.s32 v34  }
0x2a3: {  	v29 =	vmin.f32 v35, $2.047000000e+03;
	v63 =	vcvt.f32.s32 v25;
	v35 =	vcvt.f32.s32 v26  }
0x2a4: {  	v30 =	vmin.f32 v22, $2.047000000e+03;
	v22 =	vtrunc.f32 v29;
	v29 =	vshll.u32 v21, $0x4  }
0x2a5: {  	v34 =	vcvt.f32.s32 v28;
	v28 =	vcvt.f32.s32 v39;
	v62 =	vor.u32 v1, v29  }
0x2a6: {  	v21 =	vtrunc.f32 v30;
	v30 =	vcvt.f32.s32 v23  }
0x2a7: {  	v32 =	vcvt.f32.s32 v32;
	v23 =	vshll.u32 v31, $0x4;
	v31 =	vcvt.f32.s32 v24  }
0x2a8: {  	v33 =	vshll.u32 v63, $0x4;
	v29 =	vcvt.f32.s32 v37;
	v25 =	vshll.u32 v30, $0x4  }
0x2a9: {  	v30 =	vcvt.f32.s32 v61;
	v26 =	vshll.u32 v31, $0x4;
	v31 =	vcvt.f32.s32 v38  }
0x2aa: {  	s1 =	simm.s32 $0x0;
	s0 =	simm.s32 $0x380;
	v24 =	vshll.u32 v29, $0x4;
	v29 =	vcvt.f32.s32 v27;
	v27 =	vcvt.f32.s32 v40;
	[tilespmem:v62+s25+$0x0] =	vst.idx.add.f32.msk $0xffff, v2  }
.LBB2_28:
0x2ab: {  	v36 =	vld [tilespmem:s0+$0x70];
	s1 =	sadd.s32 $0x10, s1;
	v35 =	vshll.u32 v35, $0x4;
	v22 =	vcvt.f32.s32 v22;
	v21 =	vcvt.f32.s32 v21  }
0x2ac: {  	v29 =	vshll.u32 v29, $0x4;
	v34 =	vshll.u32 v34, $0x4;
	v30 =	vshll.u32 v30, $0x4;
	v37 =	vld [tilespmem:s0+$0xFFFFFF10];
	p0 =	slt.u32 s1, $0x7F0  }
0x2ad: {  	v31 =	vshll.u32 v31, $0x4;
	v28 =	vshll.u32 v28, $0x4;
	v32 =	vshll.u32 v32, $0x4;
	v38 =	vld [tilespmem:s0+$0xFFFFFF20]  }
0x2ae: {  	v27 =	vshll.u32 v27, $0x4;
	v22 =	vshll.u32 v22, $0x4;
	v21 =	vshll.u32 v21, $0x4;
	v39 =	vld [tilespmem:s0+$0xFFFFFF30]  }
0x2af: {  	v23 =	vor.u32 v1, v23;
	v24 =	vor.u32 v1, v24;
	v25 =	vor.u32 v1, v25;
	v40 =	vld [tilespmem:s0+$0xFFFFFF40]  }
0x2b0: {  	v26 =	vor.u32 v1, v26;
	v33 =	vor.u32 v1, v33;
	v41 =	vld [tilespmem:s0+$0xFFFFFF50];
	v36 =	vmul.f32 v36, v19  }
0x2b1: {  	v35 =	vor.u32 v1, v35;
	v29 =	vor.u32 v1, v29;
	v37 =	vmul.f32 v37, v19;
	v42 =	vld [tilespmem:s0+$0xFFFFFF60]  }
0x2b2: {  	v34 =	vor.u32 v1, v34;
	v38 =	vmul.f32 v38, v19;
	v43 =	vld [tilespmem:s0+$0xFFFFFF70];
	v36 =	vadd.f32 v36, v20  }
0x2b3: {  	v30 =	vor.u32 v1, v30;
	v37 =	vadd.f32 v37, v20;
	v39 =	vmul.f32 v39, v19;
	v44 =	vld [tilespmem:s0+$0x0]  }
0x2b4: {  	v38 =	vadd.f32 v38, v20;
	v40 =	vmul.f32 v40, v19;
	v45 =	vld [tilespmem:s0+$0x10];
	v36 =	vmin.f32 v36, $2.047000000e+03  }
0x2b5: {  	v39 =	vadd.f32 v39, v20;
	v41 =	vmul.f32 v41, v19;
	v46 =	vld [tilespmem:s0+$0x20];
	v36 =	vtrunc.f32 v36  }
0x2b6: {  	v40 =	vadd.f32 v40, v20;
	v42 =	vmul.f32 v42, v19;
	v47 =	vld [tilespmem:s0+$0x30];
	v36 =	vcvt.f32.s32 v36  }
0x2b7: {  	v37 =	vmin.f32 v37, $2.047000000e+03;
	v41 =	vadd.f32 v41, v20;
	v43 =	vmul.f32 v43, v19;
	v48 =	vld [tilespmem:s0+$0x40]  }
0x2b8: {  	v42 =	vadd.f32 v42, v20;
	v44 =	vmul.f32 v44, v19;
	v49 =	vld [tilespmem:s0+$0x50];
	v36 =	vshll.u32 v36, $0x4  }
0x2b9: {  	v43 =	vadd.f32 v43, v20;
	v45 =	vmul.f32 v45, v19;
	v50 =	vld [tilespmem:s0+$0x60];
	v36 =	vor.u32 v1, v36  }
0x2ba: {  	v38 =	vmin.f32 v38, $2.047000000e+03;
	v51 =	vld [tilespmem:s0+$0xFFFFFF00];
	v44 =	vadd.f32 v44, v20;
	v46 =	vmul.f32 v46, v19  }
0x2bb: {  	v39 =	vmin.f32 v39, $2.047000000e+03;
	v45 =	vadd.f32 v45, v20;
	v47 =	vmul.f32 v47, v19;
	[tilespmem:v23+s25+$0x0] =	vst.idx.add.f32.msk $0xffff, v2  }
0x2bc: {  	v23 =	vmin.f32 v40, $2.047000000e+03;
	v40 =	vadd.f32 v46, v20;
	v46 =	vmul.f32 v48, v19;
	[tilespmem:v24+s25+$0x0] =	vst.idx.add.f32.msk $0xffff, v2  }
0x2bd: {  	v24 =	vmin.f32 v41, $2.047000000e+03;
	v41 =	vadd.f32 v47, v20;
	v47 =	vmul.f32 v49, v19;
	[tilespmem:v25+s25+$0x0] =	vst.idx.add.f32.msk $0xffff, v2  }
0x2be: {  	v25 =	vmin.f32 v42, $2.047000000e+03;
	v42 =	vadd.f32 v46, v20;
	v46 =	vmul.f32 v50, v19;
	[tilespmem:v36+s25+$0x0] =	vst.idx.add.f32.msk $0xffff, v2  }
0x2bf: {  	v43 =	vmin.f32 v43, $2.047000000e+03;
	v36 =	vmul.f32 v51, v19;
	v47 =	vadd.f32 v47, v20;
	[tilespmem:v26+s25+$0x0] =	vst.idx.add.f32.msk $0xffff, v2  }
0x2c0: {  	v26 =	vmin.f32 v44, $2.047000000e+03;
	v44 =	vmin.f32 v45, $2.047000000e+03;
	v45 =	vadd.f32 v46, v20;
	[tilespmem:v33+s25+$0x0] =	vst.idx.add.f32.msk $0xffff, v2  }
0x2c1: {  	v33 =	vadd.f32 v36, v20;
	v36 =	vmin.f32 v40, $2.047000000e+03;
	v40 =	vmin.f32 v41, $2.047000000e+03;
	[tilespmem:v35+s25+$0x0] =	vst.idx.add.f32.msk $0xffff, v2  }
0x2c2: {  	v35 =	vmin.f32 v42, $2.047000000e+03;
	v41 =	vmin.f32 v47, $2.047000000e+03;
	v42 =	vmin.f32 v45, $2.047000000e+03;
	[tilespmem:v29+s25+$0x0] =	vst.idx.add.f32.msk $0xffff, v2  }
0x2c3: {  	v29 =	vmin.f32 v33, $2.047000000e+03;
	v33 =	vtrunc.f32 v37;
	v37 =	vtrunc.f32 v38;
	[tilespmem:v34+s25+$0x0] =	vst.idx.add.f32.msk $0xffff, v2  }
0x2c4: {  	v34 =	vtrunc.f32 v39;
	v29 =	vtrunc.f32 v29;
	[tilespmem:v30+s25+$0x0] =	vst.idx.add.f32.msk $0xffff, v2;
	v30 =	vor.u32 v1, v31  }
0x2c5: {  	v38 =	vtrunc.f32 v24;
	v31 =	vtrunc.f32 v23;
	v23 =	vor.u32 v1, v28  }
0x2c6: {  	v25 =	vtrunc.f32 v25;
	v24 =	vor.u32 v1, v32;
	v28 =	vtrunc.f32 v43  }
0x2c7: {  	v27 =	vor.u32 v1, v27;
	v26 =	vtrunc.f32 v26;
	v32 =	vtrunc.f32 v44  }
0x2c8: {  	v36 =	vtrunc.f32 v36;
	v39 =	vtrunc.f32 v40;
	v40 =	vor.u32 v1, v22  }
0x2c9: {  	v22 =	vtrunc.f32 v41;
	v41 =	vor.u32 v1, v21;
	v43 =	vtrunc.f32 v35;
	[tilespmem:v30+s25+$0x0] =	vst.idx.add.f32.msk $0xffff, v2  }
0x2ca: {  	v21 =	vtrunc.f32 v42;
	v29 =	vcvt.f32.s32 v29;
	[tilespmem:v23+s25+$0x0] =	vst.idx.add.f32.msk $0xffff, v2  }
0x2cb: {  	v30 =	vcvt.f32.s32 v33;
	v33 =	vcvt.f32.s32 v37;
	[tilespmem:v24+s25+$0x0] =	vst.idx.add.f32.msk $0xffff, v2  }
.Ltmp13:
0x2cc: {  	v42 =	vcvt.f32.s32 v31;
	v37 =	vcvt.f32.s32 v34;
	v23 =	vshll.u32 v29, $0x4;
	[tilespmem:v27+s25+$0x0] =	vst.idx.add.f32.msk $0xffff, v2;
	(pc) =	sbr.rel @p0 .LBB2_28-.Ltmp13, $4  }
0x2cd: {  	v35 =	vcvt.f32.s32 v38;
	v29 =	vcvt.f32.s32 v25;
	v24 =	vshll.u32 v30, $0x4;
	[tilespmem:v40+s25+$0x0] =	vst.idx.add.f32.msk $0xffff, v2  }
0x2ce: {  	v34 =	vcvt.f32.s32 v28;
	v25 =	vshll.u32 v33, $0x4;
	v30 =	vcvt.f32.s32 v26;
	[tilespmem:v41+s25+$0x0] =	vst.idx.add.f32.msk $0xffff, v2  }
0x2cf: {  	v31 =	vcvt.f32.s32 v32;
	v28 =	vcvt.f32.s32 v36;
	v26 =	vshll.u32 v37, $0x4  }
0x2d0: {  	s0 =	sadd.s32 $0x200, s0;
	v32 =	vcvt.f32.s32 v39;
	v33 =	vshll.u32 v42, $0x4;
	v27 =	vcvt.f32.s32 v43  }
0x2d1: {  	v23 =	vor.u32 v1, v23  }
0x2d2: {  	v24 =	vor.u32 v1, v24  }
0x2d3: {  	v25 =	vor.u32 v1, v25  }
0x2d4: {  	v26 =	vor.u32 v1, v26  }
0x2d5: {  	v35 =	vshll.u32 v35, $0x4;
	v33 =	vor.u32 v1, v33  }
0x2d6: {  	v29 =	vshll.u32 v29, $0x4;
	v22 =	vcvt.f32.s32 v22;
	v35 =	vor.u32 v1, v35;
	[tilespmem:v23+s25+$0x0] =	vst.idx.add.f32.msk $0xffff, v2  }
0x2d7: {  	v62 =	vshll.u32 v28, $0x4;
	v29 =	vor.u32 v1, v29;
	v63 =	vshll.u32 v32, $0x4;
	[tilespmem:v24+s25+$0x0] =	vst.idx.add.f32.msk $0xffff, v2  }
0x2d8: {  	v21 =	vcvt.f32.s32 v21;
	v28 =	vor.u32 v1, v63;
	v22 =	vshll.u32 v22, $0x4;
	[tilespmem:v25+s25+$0x0] =	vst.idx.add.f32.msk $0xffff, v2  }
0x2d9: {  	v22 =	vor.u32 v1, v22;
	v23 =	vshll.u32 v34, $0x4;
	[tilespmem:v26+s25+$0x0] =	vst.idx.add.f32.msk $0xffff, v2  }
0x2da: {  	v21 =	vshll.u32 v21, $0x4;
	[tilespmem:v33+s25+$0x0] =	vst.idx.add.f32.msk $0xffff, v2;
	v23 =	vor.u32 v1, v23  }
0x2db: {  	v60 =	vshll.u32 v30, $0x4;
	v21 =	vor.u32 v1, v21;
	[tilespmem:v35+s25+$0x0] =	vst.idx.add.f32.msk $0xffff, v2  }
0x2dc: {  	v61 =	vshll.u32 v31, $0x4;
	v24 =	vor.u32 v1, v60;
	[tilespmem:v29+s25+$0x0] =	vst.idx.add.f32.msk $0xffff, v2  }
0x2dd: {  	v25 =	vor.u32 v1, v61;
	[tilespmem:v28+s25+$0x0] =	vst.idx.add.f32.msk $0xffff, v2  }
0x2de: {  	v27 =	vshll.u32 v27, $0x4;
	v26 =	vor.u32 v1, v62;
	[tilespmem:v22+s25+$0x0] =	vst.idx.add.f32.msk $0xffff, v2  }
0x2df: {  	[tilespmem:v23+s25+$0x0] =	vst.idx.add.f32.msk $0xffff, v2;
	v23 =	vor.u32 v1, v27  }
0x2e0: {  	[tilespmem:v21+s25+$0x0] =	vst.idx.add.f32.msk $0xffff, v2  }
0x2e1: {  	[tilespmem:v24+s25+$0x0] =	vst.idx.add.f32.msk $0xffff, v2  }
0x2e2: {  	[tilespmem:v25+s25+$0x0] =	vst.idx.add.f32.msk $0xffff, v2  }
0x2e3: {  	s0 =	simm.s32 $0x80;
	[tilespmem:v26+s25+$0x0] =	vst.idx.add.f32.msk $0xffff, v2  }
0x2e4: {  	s1 =	simm.s32 $0x10;
	s22 =	sadd.s32 $0x0, s11;
	s2 =	simm.s32 $0x180;
	[tilespmem:v23+s25+$0x0] =	vst.idx.add.f32.msk $0xffff, v2  }
.LBB2_30:
0x2e5: {  	[tilespmem:s0], [sflag:$0x2] =	stream.linear.gather [hbm4b:s22+s3], $0x80, $0x38;
	[tilespmem:$0x18900] =	vst v63  }
0x2e6: {  	s22 =	smov.u32 s1;
	s0 =	smov.u32 s2;
	p0 =	sne.s32 s1, $0xFF0  }
.Ltmp14:
0x2e7: {  	s1 =	sadd.s32 $0x10, s1;
	(pc) =	sbr.rel @p0 .LBB2_30-.Ltmp14, $2  }
0x2e8: {  	_ =	sdelay $0x2  }
0x2e9: {  	s2 =	sadd.s32 $0x100, s2;
	s22 =	sadd.s32 s22, s11  }
0x2ea: {  	[tilespmem:s0], [sflag:$0x2] =	stream.linear.gather [hbm4b:s22+s3], $0x80, $0x38;
	[tilespmem:$0x18900] =	vst v63  }
0x2eb: {  	_ =	swait.ge [sflag:s24], $0x8000  }
0x2ec: {  	[sflag:s24] =	ssyncset.done $0x0  }
0x2ed: {  	s22 =	simm.s32 $0x100;
	[sflag:s24] =	ssyncadd.s32 $0xFFFF8000  }
0x2ee: {  	v21 =	vld [tilespmem:s22+$0x70]  }
0x2ef: {  	v22 =	vld [tilespmem:s22+$0xFFFFFF10]  }
0x2f0: {  	v23 =	vld [tilespmem:s22+$0xFFFFFF20]  }
0x2f1: {  	v24 =	vld [tilespmem:s22+$0xFFFFFF30]  }
0x2f2: {  	v25 =	vld [tilespmem:s22+$0xFFFFFF40]  }
0x2f3: {  	v26 =	vld [tilespmem:s22+$0xFFFFFF50]  }
0x2f4: {  	v27 =	vld [tilespmem:s22+$0xFFFFFF60]  }
0x2f5: {  	v28 =	vld [tilespmem:s22+$0xFFFFFF70]  }
0x2f6: {  	v29 =	vld [tilespmem:s22+$0x0]  }
0x2f7: {  	v30 =	vld [tilespmem:s22+$0x10]  }
0x2f8: {  	v31 =	vld [tilespmem:s22+$0x20];
	v21 =	vmul.f32 v21, v19;
	v22 =	vmul.f32 v22, v19  }
0x2f9: {  	v32 =	vld [tilespmem:s22+$0x30];
	v23 =	vmul.f32 v23, v19;
	v24 =	vmul.f32 v24, v19  }
0x2fa: {  	v33 =	vld [tilespmem:s22+$0x40];
	v25 =	vmul.f32 v25, v19;
	v26 =	vmul.f32 v26, v19  }
0x2fb: {  	v34 =	vld [tilespmem:s22+$0xFFFFFF00];
	v27 =	vmul.f32 v27, v19;
	v28 =	vmul.f32 v28, v19  }
0x2fc: {  	v35 =	vld [tilespmem:s22+$0x50];
	v29 =	vmul.f32 v29, v19;
	v30 =	vmul.f32 v30, v19;
	v21 =	vadd.f32 v21, v20  }
0x2fd: {  	v36 =	vld [tilespmem:s22+$0x60];
	v31 =	vmul.f32 v31, v19;
	v22 =	vadd.f32 v22, v20;
	v23 =	vadd.f32 v23, v20  }
0x2fe: {  	v32 =	vmul.f32 v32, v19;
	v24 =	vadd.f32 v24, v20;
	v25 =	vadd.f32 v25, v20  }
0x2ff: {  	v33 =	vmul.f32 v33, v19;
	v26 =	vadd.f32 v26, v20;
	v27 =	vadd.f32 v27, v20  }
0x300: {  	v34 =	vmul.f32 v34, v19;
	v28 =	vadd.f32 v28, v20;
	v29 =	vadd.f32 v29, v20  }
0x301: {  	v35 =	vmul.f32 v35, v19;
	v30 =	vadd.f32 v30, v20;
	v31 =	vadd.f32 v31, v20  }
0x302: {  	v36 =	vmul.f32 v36, v19;
	v32 =	vadd.f32 v32, v20;
	v33 =	vadd.f32 v33, v20  }
0x303: {  	v34 =	vadd.f32 v34, v20;
	v21 =	vmin.f32 v21, $2.047000000e+03;
	v22 =	vmin.f32 v22, $2.047000000e+03  }
0x304: {  	v23 =	vmin.f32 v23, $2.047000000e+03;
	v24 =	vmin.f32 v24, $2.047000000e+03;
	v25 =	vmin.f32 v25, $2.047000000e+03  }
0x305: {  	v26 =	vmin.f32 v26, $2.047000000e+03;
	v27 =	vmin.f32 v27, $2.047000000e+03;
	v28 =	vmin.f32 v28, $2.047000000e+03  }
0x306: {  	v34 =	vmin.f32 v34, $2.047000000e+03;
	v21 =	vtrunc.f32 v21;
	v37 =	vtrunc.f32 v22  }
0x307: {  	v29 =	vmin.f32 v29, $2.047000000e+03;
	v23 =	vtrunc.f32 v23;
	v34 =	vtrunc.f32 v34  }
0x308: {  	v30 =	vmin.f32 v30, $2.047000000e+03;
	v24 =	vtrunc.f32 v24;
	v25 =	vtrunc.f32 v25  }
0x309: {  	v31 =	vmin.f32 v31, $2.047000000e+03;
	v26 =	vtrunc.f32 v26;
	v27 =	vtrunc.f32 v27  }
0x30a: {  	v32 =	vmin.f32 v32, $2.047000000e+03;
	v28 =	vtrunc.f32 v28;
	v61 =	vtrunc.f32 v29  }
0x30b: {  	v33 =	vmin.f32 v33, $2.047000000e+03;
	v38 =	vtrunc.f32 v30;
	v39 =	vtrunc.f32 v31  }
0x30c: {  	v35 =	vadd.f32 v35, v20;
	v32 =	vtrunc.f32 v32;
	v40 =	vtrunc.f32 v33  }
0x30d: {  	v22 =	vadd.f32 v36, v20;
	v21 =	vcvt.f32.s32 v21;
	v31 =	vcvt.f32.s32 v34  }
0x30e: {  	v29 =	vmin.f32 v35, $2.047000000e+03;
	v63 =	vcvt.f32.s32 v25;
	v35 =	vcvt.f32.s32 v26  }
0x30f: {  	v30 =	vmin.f32 v22, $2.047000000e+03;
	v22 =	vtrunc.f32 v29;
	v29 =	vshll.u32 v21, $0x4  }
0x310: {  	v34 =	vcvt.f32.s32 v28;
	v28 =	vcvt.f32.s32 v39;
	v62 =	vor.u32 v1, v29  }
0x311: {  	v21 =	vtrunc.f32 v30;
	v30 =	vcvt.f32.s32 v23  }
0x312: {  	v32 =	vcvt.f32.s32 v32;
	v23 =	vshll.u32 v31, $0x4;
	v31 =	vcvt.f32.s32 v24  }
0x313: {  	v33 =	vshll.u32 v63, $0x4;
	v29 =	vcvt.f32.s32 v37;
	v25 =	vshll.u32 v30, $0x4  }
0x314: {  	v30 =	vcvt.f32.s32 v61;
	v26 =	vshll.u32 v31, $0x4;
	v31 =	vcvt.f32.s32 v38  }
0x315: {  	s1 =	simm.s32 $0x0;
	s0 =	simm.s32 $0x300;
	v24 =	vshll.u32 v29, $0x4;
	v29 =	vcvt.f32.s32 v27;
	v27 =	vcvt.f32.s32 v40;
	[tilespmem:v62+s25+$0x0] =	vst.idx.add.f32.msk $0xffff, v2  }
.LBB2_32:
0x316: {  	v36 =	vld [tilespmem:s0+$0x70];
	s1 =	sadd.s32 $0x10, s1;
	v35 =	vshll.u32 v35, $0x4;
	v22 =	vcvt.f32.s32 v22;
	v21 =	vcvt.f32.s32 v21  }
0x317: {  	v29 =	vshll.u32 v29, $0x4;
	v34 =	vshll.u32 v34, $0x4;
	v30 =	vshll.u32 v30, $0x4;
	v37 =	vld [tilespmem:s0+$0xFFFFFF10];
	p0 =	slt.u32 s1, $0x7F0  }
0x318: {  	v31 =	vshll.u32 v31, $0x4;
	v28 =	vshll.u32 v28, $0x4;
	v32 =	vshll.u32 v32, $0x4;
	v38 =	vld [tilespmem:s0+$0xFFFFFF20]  }
0x319: {  	v27 =	vshll.u32 v27, $0x4;
	v22 =	vshll.u32 v22, $0x4;
	v21 =	vshll.u32 v21, $0x4;
	v39 =	vld [tilespmem:s0+$0xFFFFFF30]  }
0x31a: {  	v23 =	vor.u32 v1, v23;
	v24 =	vor.u32 v1, v24;
	v25 =	vor.u32 v1, v25;
	v40 =	vld [tilespmem:s0+$0xFFFFFF40]  }
0x31b: {  	v26 =	vor.u32 v1, v26;
	v33 =	vor.u32 v1, v33;
	v41 =	vld [tilespmem:s0+$0xFFFFFF50];
	v36 =	vmul.f32 v36, v19  }
0x31c: {  	v35 =	vor.u32 v1, v35;
	v29 =	vor.u32 v1, v29;
	v37 =	vmul.f32 v37, v19;
	v42 =	vld [tilespmem:s0+$0xFFFFFF60]  }
0x31d: {  	v34 =	vor.u32 v1, v34;
	v38 =	vmul.f32 v38, v19;
	v43 =	vld [tilespmem:s0+$0xFFFFFF70];
	v36 =	vadd.f32 v36, v20  }
0x31e: {  	v30 =	vor.u32 v1, v30;
	v37 =	vadd.f32 v37, v20;
	v39 =	vmul.f32 v39, v19;
	v44 =	vld [tilespmem:s0+$0x0]  }
0x31f: {  	v38 =	vadd.f32 v38, v20;
	v40 =	vmul.f32 v40, v19;
	v45 =	vld [tilespmem:s0+$0x10];
	v36 =	vmin.f32 v36, $2.047000000e+03  }
0x320: {  	v39 =	vadd.f32 v39, v20;
	v41 =	vmul.f32 v41, v19;
	v46 =	vld [tilespmem:s0+$0x20];
	v36 =	vtrunc.f32 v36  }
0x321: {  	v40 =	vadd.f32 v40, v20;
	v42 =	vmul.f32 v42, v19;
	v47 =	vld [tilespmem:s0+$0x30];
	v36 =	vcvt.f32.s32 v36  }
0x322: {  	v37 =	vmin.f32 v37, $2.047000000e+03;
	v41 =	vadd.f32 v41, v20;
	v43 =	vmul.f32 v43, v19;
	v48 =	vld [tilespmem:s0+$0x40]  }
0x323: {  	v42 =	vadd.f32 v42, v20;
	v44 =	vmul.f32 v44, v19;
	v49 =	vld [tilespmem:s0+$0x50];
	v36 =	vshll.u32 v36, $0x4  }
0x324: {  	v43 =	vadd.f32 v43, v20;
	v45 =	vmul.f32 v45, v19;
	v50 =	vld [tilespmem:s0+$0x60];
	v36 =	vor.u32 v1, v36  }
0x325: {  	v38 =	vmin.f32 v38, $2.047000000e+03;
	v51 =	vld [tilespmem:s0+$0xFFFFFF00];
	v44 =	vadd.f32 v44, v20;
	v46 =	vmul.f32 v46, v19  }
0x326: {  	v39 =	vmin.f32 v39, $2.047000000e+03;
	v45 =	vadd.f32 v45, v20;
	v47 =	vmul.f32 v47, v19;
	[tilespmem:v23+s25+$0x0] =	vst.idx.add.f32.msk $0xffff, v2  }
0x327: {  	v23 =	vmin.f32 v40, $2.047000000e+03;
	v40 =	vadd.f32 v46, v20;
	v46 =	vmul.f32 v48, v19;
	[tilespmem:v24+s25+$0x0] =	vst.idx.add.f32.msk $0xffff, v2  }
0x328: {  	v24 =	vmin.f32 v41, $2.047000000e+03;
	v41 =	vadd.f32 v47, v20;
	v47 =	vmul.f32 v49, v19;
	[tilespmem:v25+s25+$0x0] =	vst.idx.add.f32.msk $0xffff, v2  }
0x329: {  	v25 =	vmin.f32 v42, $2.047000000e+03;
	v42 =	vadd.f32 v46, v20;
	v46 =	vmul.f32 v50, v19;
	[tilespmem:v36+s25+$0x0] =	vst.idx.add.f32.msk $0xffff, v2  }
0x32a: {  	v43 =	vmin.f32 v43, $2.047000000e+03;
	v36 =	vmul.f32 v51, v19;
	v47 =	vadd.f32 v47, v20;
	[tilespmem:v26+s25+$0x0] =	vst.idx.add.f32.msk $0xffff, v2  }
0x32b: {  	v26 =	vmin.f32 v44, $2.047000000e+03;
	v44 =	vmin.f32 v45, $2.047000000e+03;
	v45 =	vadd.f32 v46, v20;
	[tilespmem:v33+s25+$0x0] =	vst.idx.add.f32.msk $0xffff, v2  }
0x32c: {  	v33 =	vadd.f32 v36, v20;
	v36 =	vmin.f32 v40, $2.047000000e+03;
	v40 =	vmin.f32 v41, $2.047000000e+03;
	[tilespmem:v35+s25+$0x0] =	vst.idx.add.f32.msk $0xffff, v2  }
0x32d: {  	v35 =	vmin.f32 v42, $2.047000000e+03;
	v41 =	vmin.f32 v47, $2.047000000e+03;
	v42 =	vmin.f32 v45, $2.047000000e+03;
	[tilespmem:v29+s25+$0x0] =	vst.idx.add.f32.msk $0xffff, v2  }
0x32e: {  	v29 =	vmin.f32 v33, $2.047000000e+03;
	v33 =	vtrunc.f32 v37;
	v37 =	vtrunc.f32 v38;
	[tilespmem:v34+s25+$0x0] =	vst.idx.add.f32.msk $0xffff, v2  }
0x32f: {  	v34 =	vtrunc.f32 v39;
	v29 =	vtrunc.f32 v29;
	[tilespmem:v30+s25+$0x0] =	vst.idx.add.f32.msk $0xffff, v2;
	v30 =	vor.u32 v1, v31  }
0x330: {  	v38 =	vtrunc.f32 v24;
	v31 =	vtrunc.f32 v23;
	v23 =	vor.u32 v1, v28  }
0x331: {  	v25 =	vtrunc.f32 v25;
	v24 =	vor.u32 v1, v32;
	v28 =	vtrunc.f32 v43  }
0x332: {  	v27 =	vor.u32 v1, v27;
	v26 =	vtrunc.f32 v26;
	v32 =	vtrunc.f32 v44  }
0x333: {  	v36 =	vtrunc.f32 v36;
	v39 =	vtrunc.f32 v40;
	v40 =	vor.u32 v1, v22  }
0x334: {  	v22 =	vtrunc.f32 v41;
	v41 =	vor.u32 v1, v21;
	v43 =	vtrunc.f32 v35;
	[tilespmem:v30+s25+$0x0] =	vst.idx.add.f32.msk $0xffff, v2  }
0x335: {  	v21 =	vtrunc.f32 v42;
	v29 =	vcvt.f32.s32 v29;
	[tilespmem:v23+s25+$0x0] =	vst.idx.add.f32.msk $0xffff, v2  }
0x336: {  	v30 =	vcvt.f32.s32 v33;
	v33 =	vcvt.f32.s32 v37;
	[tilespmem:v24+s25+$0x0] =	vst.idx.add.f32.msk $0xffff, v2  }
.Ltmp15:
0x337: {  	v42 =	vcvt.f32.s32 v31;
	v37 =	vcvt.f32.s32 v34;
	v23 =	vshll.u32 v29, $0x4;
	[tilespmem:v27+s25+$0x0] =	vst.idx.add.f32.msk $0xffff, v2;
	(pc) =	sbr.rel @p0 .LBB2_32-.Ltmp15, $4  }
0x338: {  	v35 =	vcvt.f32.s32 v38;
	v29 =	vcvt.f32.s32 v25;
	v24 =	vshll.u32 v30, $0x4;
	[tilespmem:v40+s25+$0x0] =	vst.idx.add.f32.msk $0xffff, v2  }
0x339: {  	v34 =	vcvt.f32.s32 v28;
	v25 =	vshll.u32 v33, $0x4;
	v30 =	vcvt.f32.s32 v26;
	[tilespmem:v41+s25+$0x0] =	vst.idx.add.f32.msk $0xffff, v2  }
0x33a: {  	v31 =	vcvt.f32.s32 v32;
	v28 =	vcvt.f32.s32 v36;
	v26 =	vshll.u32 v37, $0x4  }
0x33b: {  	s0 =	sadd.s32 $0x200, s0;
	v32 =	vcvt.f32.s32 v39;
	v33 =	vshll.u32 v42, $0x4;
	v27 =	vcvt.f32.s32 v43  }
0x33c: {  	v23 =	vor.u32 v1, v23  }
0x33d: {  	v24 =	vor.u32 v1, v24  }
0x33e: {  	v25 =	vor.u32 v1, v25  }
0x33f: {  	v26 =	vor.u32 v1, v26  }
0x340: {  	v35 =	vshll.u32 v35, $0x4;
	v33 =	vor.u32 v1, v33  }
0x341: {  	v29 =	vshll.u32 v29, $0x4;
	v22 =	vcvt.f32.s32 v22;
	v35 =	vor.u32 v1, v35;
	[tilespmem:v23+s25+$0x0] =	vst.idx.add.f32.msk $0xffff, v2  }
0x342: {  	v62 =	vshll.u32 v28, $0x4;
	v29 =	vor.u32 v1, v29;
	v63 =	vshll.u32 v32, $0x4;
	[tilespmem:v24+s25+$0x0] =	vst.idx.add.f32.msk $0xffff, v2  }
0x343: {  	v21 =	vcvt.f32.s32 v21;
	v28 =	vor.u32 v1, v63;
	v22 =	vshll.u32 v22, $0x4;
	[tilespmem:v25+s25+$0x0] =	vst.idx.add.f32.msk $0xffff, v2  }
0x344: {  	v22 =	vor.u32 v1, v22;
	v23 =	vshll.u32 v34, $0x4;
	[tilespmem:v26+s25+$0x0] =	vst.idx.add.f32.msk $0xffff, v2  }
0x345: {  	v21 =	vshll.u32 v21, $0x4;
	[tilespmem:v33+s25+$0x0] =	vst.idx.add.f32.msk $0xffff, v2;
	v23 =	vor.u32 v1, v23  }
0x346: {  	v60 =	vshll.u32 v30, $0x4;
	v21 =	vor.u32 v1, v21;
	[tilespmem:v35+s25+$0x0] =	vst.idx.add.f32.msk $0xffff, v2  }
0x347: {  	v61 =	vshll.u32 v31, $0x4;
	v24 =	vor.u32 v1, v60;
	[tilespmem:v29+s25+$0x0] =	vst.idx.add.f32.msk $0xffff, v2  }
0x348: {  	v25 =	vor.u32 v1, v61;
	[tilespmem:v28+s25+$0x0] =	vst.idx.add.f32.msk $0xffff, v2  }
0x349: {  	v27 =	vshll.u32 v27, $0x4;
	v26 =	vor.u32 v1, v62;
	[tilespmem:v22+s25+$0x0] =	vst.idx.add.f32.msk $0xffff, v2  }
0x34a: {  	[tilespmem:v23+s25+$0x0] =	vst.idx.add.f32.msk $0xffff, v2;
	v23 =	vor.u32 v1, v27  }
0x34b: {  	[tilespmem:v21+s25+$0x0] =	vst.idx.add.f32.msk $0xffff, v2  }
0x34c: {  	[tilespmem:v24+s25+$0x0] =	vst.idx.add.f32.msk $0xffff, v2  }
0x34d: {  	[tilespmem:v25+s25+$0x0] =	vst.idx.add.f32.msk $0xffff, v2  }
0x34e: {  	s0 =	simm.s32 $0x0;
	[tilespmem:v26+s25+$0x0] =	vst.idx.add.f32.msk $0xffff, v2  }
0x34f: {  	s1 =	simm.s32 $0x10;
	s22 =	sadd.s32 $0x0, s12;
	s2 =	simm.s32 $0x100;
	[tilespmem:v23+s25+$0x0] =	vst.idx.add.f32.msk $0xffff, v2  }
.LBB2_34:
0x350: {  	[tilespmem:s0], [sflag:$0x1] =	stream.linear.gather [hbm4b:s22+s3], $0x80, $0x38;
	[tilespmem:$0x18900] =	vst v63  }
0x351: {  	s22 =	smov.u32 s1;
	s0 =	smov.u32 s2;
	p0 =	sne.s32 s1, $0xFF0  }
.Ltmp16:
0x352: {  	s1 =	sadd.s32 $0x10, s1;
	(pc) =	sbr.rel @p0 .LBB2_34-.Ltmp16, $2  }
0x353: {  	_ =	sdelay $0x2  }
0x354: {  	s2 =	sadd.s32 $0x100, s2;
	s22 =	sadd.s32 s22, s12  }
0x355: {  	[tilespmem:s0], [sflag:$0x1] =	stream.linear.gather [hbm4b:s22+s3], $0x80, $0x38;
	[tilespmem:$0x18900] =	vst v63  }
0x356: {  	_ =	swait.ge [sflag:s26], $0x8000  }
0x357: {  	[sflag:s26] =	ssyncset.done $0x0  }
0x358: {  	s22 =	simm.s32 $0x180;
	[sflag:s26] =	ssyncadd.s32 $0xFFFF8000  }
0x359: {  	v21 =	vld [tilespmem:s22+$0x70]  }
0x35a: {  	v22 =	vld [tilespmem:s22+$0xFFFFFF10]  }
0x35b: {  	v23 =	vld [tilespmem:s22+$0xFFFFFF20]  }
0x35c: {  	v24 =	vld [tilespmem:s22+$0xFFFFFF30]  }
0x35d: {  	v25 =	vld [tilespmem:s22+$0xFFFFFF40]  }
0x35e: {  	v26 =	vld [tilespmem:s22+$0xFFFFFF50]  }
0x35f: {  	v27 =	vld [tilespmem:s22+$0xFFFFFF60]  }
0x360: {  	v28 =	vld [tilespmem:s22+$0xFFFFFF70]  }
0x361: {  	v29 =	vld [tilespmem:s22+$0x0]  }
0x362: {  	v30 =	vld [tilespmem:s22+$0x10]  }
0x363: {  	v31 =	vld [tilespmem:s22+$0x20];
	v21 =	vmul.f32 v21, v19;
	v22 =	vmul.f32 v22, v19  }
0x364: {  	v32 =	vld [tilespmem:s22+$0x30];
	v23 =	vmul.f32 v23, v19;
	v24 =	vmul.f32 v24, v19  }
0x365: {  	v33 =	vld [tilespmem:s22+$0x40];
	v25 =	vmul.f32 v25, v19;
	v26 =	vmul.f32 v26, v19  }
0x366: {  	v34 =	vld [tilespmem:s22+$0xFFFFFF00];
	v27 =	vmul.f32 v27, v19;
	v28 =	vmul.f32 v28, v19  }
0x367: {  	v35 =	vld [tilespmem:s22+$0x50];
	v29 =	vmul.f32 v29, v19;
	v30 =	vmul.f32 v30, v19;
	v21 =	vadd.f32 v21, v20  }
0x368: {  	v36 =	vld [tilespmem:s22+$0x60];
	v31 =	vmul.f32 v31, v19;
	v22 =	vadd.f32 v22, v20;
	v23 =	vadd.f32 v23, v20  }
0x369: {  	v32 =	vmul.f32 v32, v19;
	v24 =	vadd.f32 v24, v20;
	v25 =	vadd.f32 v25, v20  }
0x36a: {  	v33 =	vmul.f32 v33, v19;
	v26 =	vadd.f32 v26, v20;
	v27 =	vadd.f32 v27, v20  }
0x36b: {  	v34 =	vmul.f32 v34, v19;
	v28 =	vadd.f32 v28, v20;
	v29 =	vadd.f32 v29, v20  }
0x36c: {  	v35 =	vmul.f32 v35, v19;
	v30 =	vadd.f32 v30, v20;
	v31 =	vadd.f32 v31, v20  }
0x36d: {  	v36 =	vmul.f32 v36, v19;
	v32 =	vadd.f32 v32, v20;
	v33 =	vadd.f32 v33, v20  }
0x36e: {  	v34 =	vadd.f32 v34, v20;
	v21 =	vmin.f32 v21, $2.047000000e+03;
	v22 =	vmin.f32 v22, $2.047000000e+03  }
0x36f: {  	v23 =	vmin.f32 v23, $2.047000000e+03;
	v24 =	vmin.f32 v24, $2.047000000e+03;
	v25 =	vmin.f32 v25, $2.047000000e+03  }
0x370: {  	v26 =	vmin.f32 v26, $2.047000000e+03;
	v27 =	vmin.f32 v27, $2.047000000e+03;
	v28 =	vmin.f32 v28, $2.047000000e+03  }
0x371: {  	v34 =	vmin.f32 v34, $2.047000000e+03;
	v21 =	vtrunc.f32 v21;
	v37 =	vtrunc.f32 v22  }
0x372: {  	v29 =	vmin.f32 v29, $2.047000000e+03;
	v23 =	vtrunc.f32 v23;
	v34 =	vtrunc.f32 v34  }
0x373: {  	v30 =	vmin.f32 v30, $2.047000000e+03;
	v24 =	vtrunc.f32 v24;
	v25 =	vtrunc.f32 v25  }
0x374: {  	v31 =	vmin.f32 v31, $2.047000000e+03;
	v26 =	vtrunc.f32 v26;
	v27 =	vtrunc.f32 v27  }
0x375: {  	v32 =	vmin.f32 v32, $2.047000000e+03;
	v28 =	vtrunc.f32 v28;
	v61 =	vtrunc.f32 v29  }
0x376: {  	v33 =	vmin.f32 v33, $2.047000000e+03;
	v38 =	vtrunc.f32 v30;
	v39 =	vtrunc.f32 v31  }
0x377: {  	v35 =	vadd.f32 v35, v20;
	v32 =	vtrunc.f32 v32;
	v40 =	vtrunc.f32 v33  }
0x378: {  	v22 =	vadd.f32 v36, v20;
	v21 =	vcvt.f32.s32 v21;
	v31 =	vcvt.f32.s32 v34  }
0x379: {  	v29 =	vmin.f32 v35, $2.047000000e+03;
	v63 =	vcvt.f32.s32 v25;
	v35 =	vcvt.f32.s32 v26  }
0x37a: {  	v30 =	vmin.f32 v22, $2.047000000e+03;
	v22 =	vtrunc.f32 v29;
	v29 =	vshll.u32 v21, $0x4  }
0x37b: {  	v34 =	vcvt.f32.s32 v28;
	v28 =	vcvt.f32.s32 v39;
	v62 =	vor.u32 v1, v29  }
0x37c: {  	v21 =	vtrunc.f32 v30;
	v30 =	vcvt.f32.s32 v23  }
0x37d: {  	v32 =	vcvt.f32.s32 v32;
	v23 =	vshll.u32 v31, $0x4;
	v31 =	vcvt.f32.s32 v24  }
0x37e: {  	v33 =	vshll.u32 v63, $0x4;
	v29 =	vcvt.f32.s32 v37;
	v25 =	vshll.u32 v30, $0x4  }
0x37f: {  	v30 =	vcvt.f32.s32 v61;
	v26 =	vshll.u32 v31, $0x4;
	v31 =	vcvt.f32.s32 v38  }
0x380: {  	s1 =	simm.s32 $0x0;
	s0 =	simm.s32 $0x380;
	v24 =	vshll.u32 v29, $0x4;
	v29 =	vcvt.f32.s32 v27;
	v27 =	vcvt.f32.s32 v40;
	[tilespmem:v62+s25+$0x0] =	vst.idx.add.f32.msk $0xffff, v2  }
.LBB2_36:
0x381: {  	v36 =	vld [tilespmem:s0+$0x70];
	s1 =	sadd.s32 $0x10, s1;
	v35 =	vshll.u32 v35, $0x4;
	v22 =	vcvt.f32.s32 v22;
	v21 =	vcvt.f32.s32 v21  }
0x382: {  	v29 =	vshll.u32 v29, $0x4;
	v34 =	vshll.u32 v34, $0x4;
	v30 =	vshll.u32 v30, $0x4;
	v37 =	vld [tilespmem:s0+$0xFFFFFF10];
	p0 =	slt.u32 s1, $0x7F0  }
0x383: {  	v31 =	vshll.u32 v31, $0x4;
	v28 =	vshll.u32 v28, $0x4;
	v32 =	vshll.u32 v32, $0x4;
	v38 =	vld [tilespmem:s0+$0xFFFFFF20]  }
0x384: {  	v27 =	vshll.u32 v27, $0x4;
	v22 =	vshll.u32 v22, $0x4;
	v21 =	vshll.u32 v21, $0x4;
	v39 =	vld [tilespmem:s0+$0xFFFFFF30]  }
0x385: {  	v23 =	vor.u32 v1, v23;
	v24 =	vor.u32 v1, v24;
	v25 =	vor.u32 v1, v25;
	v40 =	vld [tilespmem:s0+$0xFFFFFF40]  }
0x386: {  	v26 =	vor.u32 v1, v26;
	v33 =	vor.u32 v1, v33;
	v41 =	vld [tilespmem:s0+$0xFFFFFF50];
	v36 =	vmul.f32 v36, v19  }
0x387: {  	v35 =	vor.u32 v1, v35;
	v29 =	vor.u32 v1, v29;
	v37 =	vmul.f32 v37, v19;
	v42 =	vld [tilespmem:s0+$0xFFFFFF60]  }
0x388: {  	v34 =	vor.u32 v1, v34;
	v38 =	vmul.f32 v38, v19;
	v43 =	vld [tilespmem:s0+$0xFFFFFF70];
	v36 =	vadd.f32 v36, v20  }
0x389: {  	v30 =	vor.u32 v1, v30;
	v37 =	vadd.f32 v37, v20;
	v39 =	vmul.f32 v39, v19;
	v44 =	vld [tilespmem:s0+$0x0]  }
0x38a: {  	v38 =	vadd.f32 v38, v20;
	v40 =	vmul.f32 v40, v19;
	v45 =	vld [tilespmem:s0+$0x10];
	v36 =	vmin.f32 v36, $2.047000000e+03  }
0x38b: {  	v39 =	vadd.f32 v39, v20;
	v41 =	vmul.f32 v41, v19;
	v46 =	vld [tilespmem:s0+$0x20];
	v36 =	vtrunc.f32 v36  }
0x38c: {  	v40 =	vadd.f32 v40, v20;
	v42 =	vmul.f32 v42, v19;
	v47 =	vld [tilespmem:s0+$0x30];
	v36 =	vcvt.f32.s32 v36  }
0x38d: {  	v37 =	vmin.f32 v37, $2.047000000e+03;
	v41 =	vadd.f32 v41, v20;
	v43 =	vmul.f32 v43, v19;
	v48 =	vld [tilespmem:s0+$0x40]  }
0x38e: {  	v42 =	vadd.f32 v42, v20;
	v44 =	vmul.f32 v44, v19;
	v49 =	vld [tilespmem:s0+$0x50];
	v36 =	vshll.u32 v36, $0x4  }
0x38f: {  	v43 =	vadd.f32 v43, v20;
	v45 =	vmul.f32 v45, v19;
	v50 =	vld [tilespmem:s0+$0x60];
	v36 =	vor.u32 v1, v36  }
0x390: {  	v38 =	vmin.f32 v38, $2.047000000e+03;
	v51 =	vld [tilespmem:s0+$0xFFFFFF00];
	v44 =	vadd.f32 v44, v20;
	v46 =	vmul.f32 v46, v19  }
0x391: {  	v39 =	vmin.f32 v39, $2.047000000e+03;
	v45 =	vadd.f32 v45, v20;
	v47 =	vmul.f32 v47, v19;
	[tilespmem:v23+s25+$0x0] =	vst.idx.add.f32.msk $0xffff, v2  }
0x392: {  	v23 =	vmin.f32 v40, $2.047000000e+03;
	v40 =	vadd.f32 v46, v20;
	v46 =	vmul.f32 v48, v19;
	[tilespmem:v24+s25+$0x0] =	vst.idx.add.f32.msk $0xffff, v2  }
0x393: {  	v24 =	vmin.f32 v41, $2.047000000e+03;
	v41 =	vadd.f32 v47, v20;
	v47 =	vmul.f32 v49, v19;
	[tilespmem:v25+s25+$0x0] =	vst.idx.add.f32.msk $0xffff, v2  }
0x394: {  	v25 =	vmin.f32 v42, $2.047000000e+03;
	v42 =	vadd.f32 v46, v20;
	v46 =	vmul.f32 v50, v19;
	[tilespmem:v36+s25+$0x0] =	vst.idx.add.f32.msk $0xffff, v2  }
0x395: {  	v43 =	vmin.f32 v43, $2.047000000e+03;
	v36 =	vmul.f32 v51, v19;
	v47 =	vadd.f32 v47, v20;
	[tilespmem:v26+s25+$0x0] =	vst.idx.add.f32.msk $0xffff, v2  }
0x396: {  	v26 =	vmin.f32 v44, $2.047000000e+03;
	v44 =	vmin.f32 v45, $2.047000000e+03;
	v45 =	vadd.f32 v46, v20;
	[tilespmem:v33+s25+$0x0] =	vst.idx.add.f32.msk $0xffff, v2  }
0x397: {  	v33 =	vadd.f32 v36, v20;
	v36 =	vmin.f32 v40, $2.047000000e+03;
	v40 =	vmin.f32 v41, $2.047000000e+03;
	[tilespmem:v35+s25+$0x0] =	vst.idx.add.f32.msk $0xffff, v2  }
0x398: {  	v35 =	vmin.f32 v42, $2.047000000e+03;
	v41 =	vmin.f32 v47, $2.047000000e+03;
	v42 =	vmin.f32 v45, $2.047000000e+03;
	[tilespmem:v29+s25+$0x0] =	vst.idx.add.f32.msk $0xffff, v2  }
0x399: {  	v29 =	vmin.f32 v33, $2.047000000e+03;
	v33 =	vtrunc.f32 v37;
	v37 =	vtrunc.f32 v38;
	[tilespmem:v34+s25+$0x0] =	vst.idx.add.f32.msk $0xffff, v2  }
0x39a: {  	v34 =	vtrunc.f32 v39;
	v29 =	vtrunc.f32 v29;
	[tilespmem:v30+s25+$0x0] =	vst.idx.add.f32.msk $0xffff, v2;
	v30 =	vor.u32 v1, v31  }
0x39b: {  	v38 =	vtrunc.f32 v24;
	v31 =	vtrunc.f32 v23;
	v23 =	vor.u32 v1, v28  }
0x39c: {  	v25 =	vtrunc.f32 v25;
	v24 =	vor.u32 v1, v32;
	v28 =	vtrunc.f32 v43  }
0x39d: {  	v27 =	vor.u32 v1, v27;
	v26 =	vtrunc.f32 v26;
	v32 =	vtrunc.f32 v44  }
0x39e: {  	v36 =	vtrunc.f32 v36;
	v39 =	vtrunc.f32 v40;
	v40 =	vor.u32 v1, v22  }
0x39f: {  	v22 =	vtrunc.f32 v41;
	v41 =	vor.u32 v1, v21;
	v43 =	vtrunc.f32 v35;
	[tilespmem:v30+s25+$0x0] =	vst.idx.add.f32.msk $0xffff, v2  }
0x3a0: {  	v21 =	vtrunc.f32 v42;
	v29 =	vcvt.f32.s32 v29;
	[tilespmem:v23+s25+$0x0] =	vst.idx.add.f32.msk $0xffff, v2  }
0x3a1: {  	v30 =	vcvt.f32.s32 v33;
	v33 =	vcvt.f32.s32 v37;
	[tilespmem:v24+s25+$0x0] =	vst.idx.add.f32.msk $0xffff, v2  }
.Ltmp17:
0x3a2: {  	v42 =	vcvt.f32.s32 v31;
	v37 =	vcvt.f32.s32 v34;
	v23 =	vshll.u32 v29, $0x4;
	[tilespmem:v27+s25+$0x0] =	vst.idx.add.f32.msk $0xffff, v2;
	(pc) =	sbr.rel @p0 .LBB2_36-.Ltmp17, $4  }
0x3a3: {  	v35 =	vcvt.f32.s32 v38;
	v29 =	vcvt.f32.s32 v25;
	v24 =	vshll.u32 v30, $0x4;
	[tilespmem:v40+s25+$0x0] =	vst.idx.add.f32.msk $0xffff, v2  }
0x3a4: {  	v34 =	vcvt.f32.s32 v28;
	v25 =	vshll.u32 v33, $0x4;
	v30 =	vcvt.f32.s32 v26;
	[tilespmem:v41+s25+$0x0] =	vst.idx.add.f32.msk $0xffff, v2  }
0x3a5: {  	v31 =	vcvt.f32.s32 v32;
	v28 =	vcvt.f32.s32 v36;
	v26 =	vshll.u32 v37, $0x4  }
0x3a6: {  	s0 =	sadd.s32 $0x200, s0;
	v32 =	vcvt.f32.s32 v39;
	v33 =	vshll.u32 v42, $0x4;
	v27 =	vcvt.f32.s32 v43  }
0x3a7: {  	v23 =	vor.u32 v1, v23  }
0x3a8: {  	v24 =	vor.u32 v1, v24  }
0x3a9: {  	v25 =	vor.u32 v1, v25  }
0x3aa: {  	v26 =	vor.u32 v1, v26  }
0x3ab: {  	v35 =	vshll.u32 v35, $0x4;
	v33 =	vor.u32 v1, v33  }
0x3ac: {  	v29 =	vshll.u32 v29, $0x4;
	v22 =	vcvt.f32.s32 v22;
	v35 =	vor.u32 v1, v35;
	[tilespmem:v23+s25+$0x0] =	vst.idx.add.f32.msk $0xffff, v2  }
0x3ad: {  	v62 =	vshll.u32 v28, $0x4;
	v29 =	vor.u32 v1, v29;
	v63 =	vshll.u32 v32, $0x4;
	[tilespmem:v24+s25+$0x0] =	vst.idx.add.f32.msk $0xffff, v2  }
0x3ae: {  	v21 =	vcvt.f32.s32 v21;
	v28 =	vor.u32 v1, v63;
	v22 =	vshll.u32 v22, $0x4;
	[tilespmem:v25+s25+$0x0] =	vst.idx.add.f32.msk $0xffff, v2  }
0x3af: {  	v22 =	vor.u32 v1, v22;
	v23 =	vshll.u32 v34, $0x4;
	[tilespmem:v26+s25+$0x0] =	vst.idx.add.f32.msk $0xffff, v2  }
0x3b0: {  	v21 =	vshll.u32 v21, $0x4;
	[tilespmem:v33+s25+$0x0] =	vst.idx.add.f32.msk $0xffff, v2;
	v23 =	vor.u32 v1, v23  }
0x3b1: {  	v60 =	vshll.u32 v30, $0x4;
	v21 =	vor.u32 v1, v21;
	[tilespmem:v35+s25+$0x0] =	vst.idx.add.f32.msk $0xffff, v2  }
0x3b2: {  	v61 =	vshll.u32 v31, $0x4;
	v24 =	vor.u32 v1, v60;
	[tilespmem:v29+s25+$0x0] =	vst.idx.add.f32.msk $0xffff, v2  }
0x3b3: {  	v25 =	vor.u32 v1, v61;
	[tilespmem:v28+s25+$0x0] =	vst.idx.add.f32.msk $0xffff, v2  }
0x3b4: {  	v27 =	vshll.u32 v27, $0x4;
	v26 =	vor.u32 v1, v62;
	[tilespmem:v22+s25+$0x0] =	vst.idx.add.f32.msk $0xffff, v2  }
0x3b5: {  	[tilespmem:v23+s25+$0x0] =	vst.idx.add.f32.msk $0xffff, v2;
	v23 =	vor.u32 v1, v27  }
0x3b6: {  	[tilespmem:v21+s25+$0x0] =	vst.idx.add.f32.msk $0xffff, v2  }
0x3b7: {  	[tilespmem:v24+s25+$0x0] =	vst.idx.add.f32.msk $0xffff, v2  }
0x3b8: {  	[tilespmem:v25+s25+$0x0] =	vst.idx.add.f32.msk $0xffff, v2  }
0x3b9: {  	s0 =	simm.s32 $0x80;
	[tilespmem:v26+s25+$0x0] =	vst.idx.add.f32.msk $0xffff, v2  }
0x3ba: {  	s1 =	simm.s32 $0x10;
	s22 =	sadd.s32 $0x0, s13;
	s2 =	simm.s32 $0x180;
	[tilespmem:v23+s25+$0x0] =	vst.idx.add.f32.msk $0xffff, v2  }
.LBB2_38:
0x3bb: {  	[tilespmem:s0], [sflag:$0x2] =	stream.linear.gather [hbm4b:s22+s3], $0x80, $0x38;
	[tilespmem:$0x18900] =	vst v63  }
0x3bc: {  	s22 =	smov.u32 s1;
	s0 =	smov.u32 s2;
	p0 =	sne.s32 s1, $0xFF0  }
.Ltmp18:
0x3bd: {  	s1 =	sadd.s32 $0x10, s1;
	(pc) =	sbr.rel @p0 .LBB2_38-.Ltmp18, $2  }
0x3be: {  	_ =	sdelay $0x2  }
0x3bf: {  	s2 =	sadd.s32 $0x100, s2;
	s22 =	sadd.s32 s22, s13  }
0x3c0: {  	[tilespmem:s0], [sflag:$0x2] =	stream.linear.gather [hbm4b:s22+s3], $0x80, $0x38;
	[tilespmem:$0x18900] =	vst v63  }
0x3c1: {  	_ =	swait.ge [sflag:s24], $0x8000  }
0x3c2: {  	[sflag:s24] =	ssyncset.done $0x0  }
0x3c3: {  	s22 =	simm.s32 $0x100;
	[sflag:s24] =	ssyncadd.s32 $0xFFFF8000  }
0x3c4: {  	v21 =	vld [tilespmem:s22+$0x70]  }
0x3c5: {  	v22 =	vld [tilespmem:s22+$0xFFFFFF10]  }
0x3c6: {  	v23 =	vld [tilespmem:s22+$0xFFFFFF20]  }
0x3c7: {  	v24 =	vld [tilespmem:s22+$0xFFFFFF30]  }
0x3c8: {  	v25 =	vld [tilespmem:s22+$0xFFFFFF40]  }
0x3c9: {  	v26 =	vld [tilespmem:s22+$0xFFFFFF50]  }
0x3ca: {  	v27 =	vld [tilespmem:s22+$0xFFFFFF60]  }
0x3cb: {  	v28 =	vld [tilespmem:s22+$0xFFFFFF70]  }
0x3cc: {  	v29 =	vld [tilespmem:s22+$0x0]  }
0x3cd: {  	v30 =	vld [tilespmem:s22+$0x10]  }
0x3ce: {  	v31 =	vld [tilespmem:s22+$0x20];
	v21 =	vmul.f32 v21, v19;
	v22 =	vmul.f32 v22, v19  }
0x3cf: {  	v32 =	vld [tilespmem:s22+$0x30];
	v23 =	vmul.f32 v23, v19;
	v24 =	vmul.f32 v24, v19  }
0x3d0: {  	v33 =	vld [tilespmem:s22+$0x40];
	v25 =	vmul.f32 v25, v19;
	v26 =	vmul.f32 v26, v19  }
0x3d1: {  	v34 =	vld [tilespmem:s22+$0xFFFFFF00];
	v27 =	vmul.f32 v27, v19;
	v28 =	vmul.f32 v28, v19  }
0x3d2: {  	v35 =	vld [tilespmem:s22+$0x50];
	v29 =	vmul.f32 v29, v19;
	v30 =	vmul.f32 v30, v19;
	v21 =	vadd.f32 v21, v20  }
0x3d3: {  	v36 =	vld [tilespmem:s22+$0x60];
	v31 =	vmul.f32 v31, v19;
	v22 =	vadd.f32 v22, v20;
	v23 =	vadd.f32 v23, v20  }
0x3d4: {  	v32 =	vmul.f32 v32, v19;
	v24 =	vadd.f32 v24, v20;
	v25 =	vadd.f32 v25, v20  }
0x3d5: {  	v33 =	vmul.f32 v33, v19;
	v26 =	vadd.f32 v26, v20;
	v27 =	vadd.f32 v27, v20  }
0x3d6: {  	v34 =	vmul.f32 v34, v19;
	v28 =	vadd.f32 v28, v20;
	v29 =	vadd.f32 v29, v20  }
0x3d7: {  	v35 =	vmul.f32 v35, v19;
	v30 =	vadd.f32 v30, v20;
	v31 =	vadd.f32 v31, v20  }
0x3d8: {  	v36 =	vmul.f32 v36, v19;
	v32 =	vadd.f32 v32, v20;
	v33 =	vadd.f32 v33, v20  }
0x3d9: {  	v34 =	vadd.f32 v34, v20;
	v21 =	vmin.f32 v21, $2.047000000e+03;
	v22 =	vmin.f32 v22, $2.047000000e+03  }
0x3da: {  	v23 =	vmin.f32 v23, $2.047000000e+03;
	v24 =	vmin.f32 v24, $2.047000000e+03;
	v25 =	vmin.f32 v25, $2.047000000e+03  }
0x3db: {  	v26 =	vmin.f32 v26, $2.047000000e+03;
	v27 =	vmin.f32 v27, $2.047000000e+03;
	v28 =	vmin.f32 v28, $2.047000000e+03  }
0x3dc: {  	v34 =	vmin.f32 v34, $2.047000000e+03;
	v21 =	vtrunc.f32 v21;
	v37 =	vtrunc.f32 v22  }
0x3dd: {  	v29 =	vmin.f32 v29, $2.047000000e+03;
	v23 =	vtrunc.f32 v23;
	v34 =	vtrunc.f32 v34  }
0x3de: {  	v30 =	vmin.f32 v30, $2.047000000e+03;
	v24 =	vtrunc.f32 v24;
	v25 =	vtrunc.f32 v25  }
0x3df: {  	v31 =	vmin.f32 v31, $2.047000000e+03;
	v26 =	vtrunc.f32 v26;
	v27 =	vtrunc.f32 v27  }
0x3e0: {  	v32 =	vmin.f32 v32, $2.047000000e+03;
	v28 =	vtrunc.f32 v28;
	v61 =	vtrunc.f32 v29  }
0x3e1: {  	v33 =	vmin.f32 v33, $2.047000000e+03;
	v38 =	vtrunc.f32 v30;
	v39 =	vtrunc.f32 v31  }
0x3e2: {  	v35 =	vadd.f32 v35, v20;
	v32 =	vtrunc.f32 v32;
	v40 =	vtrunc.f32 v33  }
0x3e3: {  	v22 =	vadd.f32 v36, v20;
	v21 =	vcvt.f32.s32 v21;
	v31 =	vcvt.f32.s32 v34  }
0x3e4: {  	v29 =	vmin.f32 v35, $2.047000000e+03;
	v63 =	vcvt.f32.s32 v25;
	v35 =	vcvt.f32.s32 v26  }
0x3e5: {  	v30 =	vmin.f32 v22, $2.047000000e+03;
	v22 =	vtrunc.f32 v29;
	v29 =	vshll.u32 v21, $0x4  }
0x3e6: {  	v34 =	vcvt.f32.s32 v28;
	v28 =	vcvt.f32.s32 v39;
	v62 =	vor.u32 v1, v29  }
0x3e7: {  	v21 =	vtrunc.f32 v30;
	v30 =	vcvt.f32.s32 v23  }
0x3e8: {  	v32 =	vcvt.f32.s32 v32;
	v23 =	vshll.u32 v31, $0x4;
	v31 =	vcvt.f32.s32 v24  }
0x3e9: {  	v33 =	vshll.u32 v63, $0x4;
	v29 =	vcvt.f32.s32 v37;
	v25 =	vshll.u32 v30, $0x4  }
0x3ea: {  	v30 =	vcvt.f32.s32 v61;
	v26 =	vshll.u32 v31, $0x4;
	v31 =	vcvt.f32.s32 v38  }
0x3eb: {  	s1 =	simm.s32 $0x0;
	s0 =	simm.s32 $0x300;
	v24 =	vshll.u32 v29, $0x4;
	v29 =	vcvt.f32.s32 v27;
	v27 =	vcvt.f32.s32 v40;
	[tilespmem:v62+s25+$0x0] =	vst.idx.add.f32.msk $0xffff, v2  }
.LBB2_40:
0x3ec: {  	v36 =	vld [tilespmem:s0+$0x70];
	s1 =	sadd.s32 $0x10, s1;
	v35 =	vshll.u32 v35, $0x4;
	v22 =	vcvt.f32.s32 v22;
	v21 =	vcvt.f32.s32 v21  }
0x3ed: {  	v29 =	vshll.u32 v29, $0x4;
	v34 =	vshll.u32 v34, $0x4;
	v30 =	vshll.u32 v30, $0x4;
	v37 =	vld [tilespmem:s0+$0xFFFFFF10];
	p0 =	slt.u32 s1, $0x7F0  }
0x3ee: {  	v31 =	vshll.u32 v31, $0x4;
	v28 =	vshll.u32 v28, $0x4;
	v32 =	vshll.u32 v32, $0x4;
	v38 =	vld [tilespmem:s0+$0xFFFFFF20]  }
0x3ef: {  	v27 =	vshll.u32 v27, $0x4;
	v22 =	vshll.u32 v22, $0x4;
	v21 =	vshll.u32 v21, $0x4;
	v39 =	vld [tilespmem:s0+$0xFFFFFF30]  }
0x3f0: {  	v23 =	vor.u32 v1, v23;
	v24 =	vor.u32 v1, v24;
	v25 =	vor.u32 v1, v25;
	v40 =	vld [tilespmem:s0+$0xFFFFFF40]  }
0x3f1: {  	v26 =	vor.u32 v1, v26;
	v33 =	vor.u32 v1, v33;
	v41 =	vld [tilespmem:s0+$0xFFFFFF50];
	v36 =	vmul.f32 v36, v19  }
0x3f2: {  	v35 =	vor.u32 v1, v35;
	v29 =	vor.u32 v1, v29;
	v37 =	vmul.f32 v37, v19;
	v42 =	vld [tilespmem:s0+$0xFFFFFF60]  }
0x3f3: {  	v34 =	vor.u32 v1, v34;
	v38 =	vmul.f32 v38, v19;
	v43 =	vld [tilespmem:s0+$0xFFFFFF70];
	v36 =	vadd.f32 v36, v20  }
0x3f4: {  	v30 =	vor.u32 v1, v30;
	v37 =	vadd.f32 v37, v20;
	v39 =	vmul.f32 v39, v19;
	v44 =	vld [tilespmem:s0+$0x0]  }
0x3f5: {  	v38 =	vadd.f32 v38, v20;
	v40 =	vmul.f32 v40, v19;
	v45 =	vld [tilespmem:s0+$0x10];
	v36 =	vmin.f32 v36, $2.047000000e+03  }
0x3f6: {  	v39 =	vadd.f32 v39, v20;
	v41 =	vmul.f32 v41, v19;
	v46 =	vld [tilespmem:s0+$0x20];
	v36 =	vtrunc.f32 v36  }
0x3f7: {  	v40 =	vadd.f32 v40, v20;
	v42 =	vmul.f32 v42, v19;
	v47 =	vld [tilespmem:s0+$0x30];
	v36 =	vcvt.f32.s32 v36  }
0x3f8: {  	v37 =	vmin.f32 v37, $2.047000000e+03;
	v41 =	vadd.f32 v41, v20;
	v43 =	vmul.f32 v43, v19;
	v48 =	vld [tilespmem:s0+$0x40]  }
0x3f9: {  	v42 =	vadd.f32 v42, v20;
	v44 =	vmul.f32 v44, v19;
	v49 =	vld [tilespmem:s0+$0x50];
	v36 =	vshll.u32 v36, $0x4  }
0x3fa: {  	v43 =	vadd.f32 v43, v20;
	v45 =	vmul.f32 v45, v19;
	v50 =	vld [tilespmem:s0+$0x60];
	v36 =	vor.u32 v1, v36  }
0x3fb: {  	v38 =	vmin.f32 v38, $2.047000000e+03;
	v51 =	vld [tilespmem:s0+$0xFFFFFF00];
	v44 =	vadd.f32 v44, v20;
	v46 =	vmul.f32 v46, v19  }
0x3fc: {  	v39 =	vmin.f32 v39, $2.047000000e+03;
	v45 =	vadd.f32 v45, v20;
	v47 =	vmul.f32 v47, v19;
	[tilespmem:v23+s25+$0x0] =	vst.idx.add.f32.msk $0xffff, v2  }
0x3fd: {  	v23 =	vmin.f32 v40, $2.047000000e+03;
	v40 =	vadd.f32 v46, v20;
	v46 =	vmul.f32 v48, v19;
	[tilespmem:v24+s25+$0x0] =	vst.idx.add.f32.msk $0xffff, v2  }
0x3fe: {  	v24 =	vmin.f32 v41, $2.047000000e+03;
	v41 =	vadd.f32 v47, v20;
	v47 =	vmul.f32 v49, v19;
	[tilespmem:v25+s25+$0x0] =	vst.idx.add.f32.msk $0xffff, v2  }
0x3ff: {  	v25 =	vmin.f32 v42, $2.047000000e+03;
	v42 =	vadd.f32 v46, v20;
	v46 =	vmul.f32 v50, v19;
	[tilespmem:v36+s25+$0x0] =	vst.idx.add.f32.msk $0xffff, v2  }
0x400: {  	v43 =	vmin.f32 v43, $2.047000000e+03;
	v36 =	vmul.f32 v51, v19;
	v47 =	vadd.f32 v47, v20;
	[tilespmem:v26+s25+$0x0] =	vst.idx.add.f32.msk $0xffff, v2  }
0x401: {  	v26 =	vmin.f32 v44, $2.047000000e+03;
	v44 =	vmin.f32 v45, $2.047000000e+03;
	v45 =	vadd.f32 v46, v20;
	[tilespmem:v33+s25+$0x0] =	vst.idx.add.f32.msk $0xffff, v2  }
0x402: {  	v33 =	vadd.f32 v36, v20;
	v36 =	vmin.f32 v40, $2.047000000e+03;
	v40 =	vmin.f32 v41, $2.047000000e+03;
	[tilespmem:v35+s25+$0x0] =	vst.idx.add.f32.msk $0xffff, v2  }
0x403: {  	v35 =	vmin.f32 v42, $2.047000000e+03;
	v41 =	vmin.f32 v47, $2.047000000e+03;
	v42 =	vmin.f32 v45, $2.047000000e+03;
	[tilespmem:v29+s25+$0x0] =	vst.idx.add.f32.msk $0xffff, v2  }
0x404: {  	v29 =	vmin.f32 v33, $2.047000000e+03;
	v33 =	vtrunc.f32 v37;
	v37 =	vtrunc.f32 v38;
	[tilespmem:v34+s25+$0x0] =	vst.idx.add.f32.msk $0xffff, v2  }
0x405: {  	v34 =	vtrunc.f32 v39;
	v29 =	vtrunc.f32 v29;
	[tilespmem:v30+s25+$0x0] =	vst.idx.add.f32.msk $0xffff, v2;
	v30 =	vor.u32 v1, v31  }
0x406: {  	v38 =	vtrunc.f32 v24;
	v31 =	vtrunc.f32 v23;
	v23 =	vor.u32 v1, v28  }
0x407: {  	v25 =	vtrunc.f32 v25;
	v24 =	vor.u32 v1, v32;
	v28 =	vtrunc.f32 v43  }
0x408: {  	v27 =	vor.u32 v1, v27;
	v26 =	vtrunc.f32 v26;
	v32 =	vtrunc.f32 v44  }
0x409: {  	v36 =	vtrunc.f32 v36;
	v39 =	vtrunc.f32 v40;
	v40 =	vor.u32 v1, v22  }
0x40a: {  	v22 =	vtrunc.f32 v41;
	v41 =	vor.u32 v1, v21;
	v43 =	vtrunc.f32 v35;
	[tilespmem:v30+s25+$0x0] =	vst.idx.add.f32.msk $0xffff, v2  }
0x40b: {  	v21 =	vtrunc.f32 v42;
	v29 =	vcvt.f32.s32 v29;
	[tilespmem:v23+s25+$0x0] =	vst.idx.add.f32.msk $0xffff, v2  }
0x40c: {  	v30 =	vcvt.f32.s32 v33;
	v33 =	vcvt.f32.s32 v37;
	[tilespmem:v24+s25+$0x0] =	vst.idx.add.f32.msk $0xffff, v2  }
.Ltmp19:
0x40d: {  	v42 =	vcvt.f32.s32 v31;
	v37 =	vcvt.f32.s32 v34;
	v23 =	vshll.u32 v29, $0x4;
	[tilespmem:v27+s25+$0x0] =	vst.idx.add.f32.msk $0xffff, v2;
	(pc) =	sbr.rel @p0 .LBB2_40-.Ltmp19, $4  }
0x40e: {  	v35 =	vcvt.f32.s32 v38;
	v29 =	vcvt.f32.s32 v25;
	v24 =	vshll.u32 v30, $0x4;
	[tilespmem:v40+s25+$0x0] =	vst.idx.add.f32.msk $0xffff, v2  }
0x40f: {  	v34 =	vcvt.f32.s32 v28;
	v25 =	vshll.u32 v33, $0x4;
	v30 =	vcvt.f32.s32 v26;
	[tilespmem:v41+s25+$0x0] =	vst.idx.add.f32.msk $0xffff, v2  }
0x410: {  	v31 =	vcvt.f32.s32 v32;
	v28 =	vcvt.f32.s32 v36;
	v26 =	vshll.u32 v37, $0x4  }
0x411: {  	s0 =	sadd.s32 $0x200, s0;
	v32 =	vcvt.f32.s32 v39;
	v33 =	vshll.u32 v42, $0x4;
	v27 =	vcvt.f32.s32 v43  }
0x412: {  	v23 =	vor.u32 v1, v23  }
0x413: {  	v24 =	vor.u32 v1, v24  }
0x414: {  	v25 =	vor.u32 v1, v25  }
0x415: {  	v26 =	vor.u32 v1, v26  }
0x416: {  	v35 =	vshll.u32 v35, $0x4;
	v33 =	vor.u32 v1, v33  }
0x417: {  	v29 =	vshll.u32 v29, $0x4;
	v22 =	vcvt.f32.s32 v22;
	v35 =	vor.u32 v1, v35;
	[tilespmem:v23+s25+$0x0] =	vst.idx.add.f32.msk $0xffff, v2  }
0x418: {  	v62 =	vshll.u32 v28, $0x4;
	v29 =	vor.u32 v1, v29;
	v63 =	vshll.u32 v32, $0x4;
	[tilespmem:v24+s25+$0x0] =	vst.idx.add.f32.msk $0xffff, v2  }
0x419: {  	v21 =	vcvt.f32.s32 v21;
	v28 =	vor.u32 v1, v63;
	v22 =	vshll.u32 v22, $0x4;
	[tilespmem:v25+s25+$0x0] =	vst.idx.add.f32.msk $0xffff, v2  }
0x41a: {  	v22 =	vor.u32 v1, v22;
	v23 =	vshll.u32 v34, $0x4;
	[tilespmem:v26+s25+$0x0] =	vst.idx.add.f32.msk $0xffff, v2  }
0x41b: {  	v21 =	vshll.u32 v21, $0x4;
	[tilespmem:v33+s25+$0x0] =	vst.idx.add.f32.msk $0xffff, v2;
	v23 =	vor.u32 v1, v23  }
0x41c: {  	v60 =	vshll.u32 v30, $0x4;
	v21 =	vor.u32 v1, v21;
	[tilespmem:v35+s25+$0x0] =	vst.idx.add.f32.msk $0xffff, v2  }
0x41d: {  	v61 =	vshll.u32 v31, $0x4;
	v24 =	vor.u32 v1, v60;
	[tilespmem:v29+s25+$0x0] =	vst.idx.add.f32.msk $0xffff, v2  }
0x41e: {  	v25 =	vor.u32 v1, v61;
	[tilespmem:v28+s25+$0x0] =	vst.idx.add.f32.msk $0xffff, v2  }
0x41f: {  	v27 =	vshll.u32 v27, $0x4;
	v26 =	vor.u32 v1, v62;
	[tilespmem:v22+s25+$0x0] =	vst.idx.add.f32.msk $0xffff, v2  }
0x420: {  	[tilespmem:v23+s25+$0x0] =	vst.idx.add.f32.msk $0xffff, v2;
	v23 =	vor.u32 v1, v27  }
0x421: {  	[tilespmem:v21+s25+$0x0] =	vst.idx.add.f32.msk $0xffff, v2  }
0x422: {  	[tilespmem:v24+s25+$0x0] =	vst.idx.add.f32.msk $0xffff, v2  }
0x423: {  	[tilespmem:v25+s25+$0x0] =	vst.idx.add.f32.msk $0xffff, v2  }
0x424: {  	s0 =	simm.s32 $0x0;
	[tilespmem:v26+s25+$0x0] =	vst.idx.add.f32.msk $0xffff, v2  }
0x425: {  	s1 =	simm.s32 $0x10;
	s22 =	sadd.s32 $0x0, s14;
	s2 =	simm.s32 $0x100;
	[tilespmem:v23+s25+$0x0] =	vst.idx.add.f32.msk $0xffff, v2  }
.LBB2_42:
0x426: {  	[tilespmem:s0], [sflag:$0x1] =	stream.linear.gather [hbm4b:s22+s3], $0x80, $0x38;
	[tilespmem:$0x18900] =	vst v63  }
0x427: {  	s22 =	smov.u32 s1;
	s0 =	smov.u32 s2;
	p0 =	sne.s32 s1, $0xFF0  }
.Ltmp20:
0x428: {  	s1 =	sadd.s32 $0x10, s1;
	(pc) =	sbr.rel @p0 .LBB2_42-.Ltmp20, $2  }
0x429: {  	_ =	sdelay $0x2  }
0x42a: {  	s2 =	sadd.s32 $0x100, s2;
	s22 =	sadd.s32 s22, s14  }
0x42b: {  	[tilespmem:s0], [sflag:$0x1] =	stream.linear.gather [hbm4b:s22+s3], $0x80, $0x38;
	[tilespmem:$0x18900] =	vst v63  }
0x42c: {  	_ =	swait.ge [sflag:s26], $0x8000  }
0x42d: {  	[sflag:s26] =	ssyncset.done $0x0  }
0x42e: {  	s22 =	simm.s32 $0x180;
	[sflag:s26] =	ssyncadd.s32 $0xFFFF8000  }
0x42f: {  	v21 =	vld [tilespmem:s22+$0x70]  }
0x430: {  	v22 =	vld [tilespmem:s22+$0xFFFFFF10]  }
0x431: {  	v23 =	vld [tilespmem:s22+$0xFFFFFF20]  }
0x432: {  	v24 =	vld [tilespmem:s22+$0xFFFFFF30]  }
0x433: {  	v25 =	vld [tilespmem:s22+$0xFFFFFF40]  }
0x434: {  	v26 =	vld [tilespmem:s22+$0xFFFFFF50]  }
0x435: {  	v27 =	vld [tilespmem:s22+$0xFFFFFF60]  }
0x436: {  	v28 =	vld [tilespmem:s22+$0xFFFFFF70]  }
0x437: {  	v29 =	vld [tilespmem:s22+$0x0]  }
0x438: {  	v30 =	vld [tilespmem:s22+$0x10]  }
0x439: {  	v31 =	vld [tilespmem:s22+$0x20];
	v21 =	vmul.f32 v21, v19;
	v22 =	vmul.f32 v22, v19  }
0x43a: {  	v32 =	vld [tilespmem:s22+$0x30];
	v23 =	vmul.f32 v23, v19;
	v24 =	vmul.f32 v24, v19  }
0x43b: {  	v33 =	vld [tilespmem:s22+$0x40];
	v25 =	vmul.f32 v25, v19;
	v26 =	vmul.f32 v26, v19  }
0x43c: {  	v34 =	vld [tilespmem:s22+$0xFFFFFF00];
	v27 =	vmul.f32 v27, v19;
	v28 =	vmul.f32 v28, v19  }
0x43d: {  	v35 =	vld [tilespmem:s22+$0x50];
	v29 =	vmul.f32 v29, v19;
	v30 =	vmul.f32 v30, v19;
	v21 =	vadd.f32 v21, v20  }
0x43e: {  	v36 =	vld [tilespmem:s22+$0x60];
	v31 =	vmul.f32 v31, v19;
	v22 =	vadd.f32 v22, v20;
	v23 =	vadd.f32 v23, v20  }
0x43f: {  	v32 =	vmul.f32 v32, v19;
	v24 =	vadd.f32 v24, v20;
	v25 =	vadd.f32 v25, v20  }
0x440: {  	v33 =	vmul.f32 v33, v19;
	v26 =	vadd.f32 v26, v20;
	v27 =	vadd.f32 v27, v20  }
0x441: {  	v34 =	vmul.f32 v34, v19;
	v28 =	vadd.f32 v28, v20;
	v29 =	vadd.f32 v29, v20  }
0x442: {  	v35 =	vmul.f32 v35, v19;
	v30 =	vadd.f32 v30, v20;
	v31 =	vadd.f32 v31, v20  }
0x443: {  	v36 =	vmul.f32 v36, v19;
	v32 =	vadd.f32 v32, v20;
	v33 =	vadd.f32 v33, v20  }
0x444: {  	v34 =	vadd.f32 v34, v20;
	v21 =	vmin.f32 v21, $2.047000000e+03;
	v22 =	vmin.f32 v22, $2.047000000e+03  }
0x445: {  	v23 =	vmin.f32 v23, $2.047000000e+03;
	v24 =	vmin.f32 v24, $2.047000000e+03;
	v25 =	vmin.f32 v25, $2.047000000e+03  }
0x446: {  	v26 =	vmin.f32 v26, $2.047000000e+03;
	v27 =	vmin.f32 v27, $2.047000000e+03;
	v28 =	vmin.f32 v28, $2.047000000e+03  }
0x447: {  	v34 =	vmin.f32 v34, $2.047000000e+03;
	v21 =	vtrunc.f32 v21;
	v37 =	vtrunc.f32 v22  }
0x448: {  	v29 =	vmin.f32 v29, $2.047000000e+03;
	v23 =	vtrunc.f32 v23;
	v34 =	vtrunc.f32 v34  }
0x449: {  	v30 =	vmin.f32 v30, $2.047000000e+03;
	v24 =	vtrunc.f32 v24;
	v25 =	vtrunc.f32 v25  }
0x44a: {  	v31 =	vmin.f32 v31, $2.047000000e+03;
	v26 =	vtrunc.f32 v26;
	v27 =	vtrunc.f32 v27  }
0x44b: {  	v32 =	vmin.f32 v32, $2.047000000e+03;
	v28 =	vtrunc.f32 v28;
	v61 =	vtrunc.f32 v29  }
0x44c: {  	v33 =	vmin.f32 v33, $2.047000000e+03;
	v38 =	vtrunc.f32 v30;
	v39 =	vtrunc.f32 v31  }
0x44d: {  	v35 =	vadd.f32 v35, v20;
	v32 =	vtrunc.f32 v32;
	v40 =	vtrunc.f32 v33  }
0x44e: {  	v22 =	vadd.f32 v36, v20;
	v21 =	vcvt.f32.s32 v21;
	v31 =	vcvt.f32.s32 v34  }
0x44f: {  	v29 =	vmin.f32 v35, $2.047000000e+03;
	v63 =	vcvt.f32.s32 v25;
	v35 =	vcvt.f32.s32 v26  }
0x450: {  	v30 =	vmin.f32 v22, $2.047000000e+03;
	v22 =	vtrunc.f32 v29;
	v29 =	vshll.u32 v21, $0x4  }
0x451: {  	v34 =	vcvt.f32.s32 v28;
	v28 =	vcvt.f32.s32 v39;
	v62 =	vor.u32 v1, v29  }
0x452: {  	v21 =	vtrunc.f32 v30;
	v30 =	vcvt.f32.s32 v23  }
0x453: {  	v32 =	vcvt.f32.s32 v32;
	v23 =	vshll.u32 v31, $0x4;
	v31 =	vcvt.f32.s32 v24  }
0x454: {  	v33 =	vshll.u32 v63, $0x4;
	v29 =	vcvt.f32.s32 v37;
	v25 =	vshll.u32 v30, $0x4  }
0x455: {  	v30 =	vcvt.f32.s32 v61;
	v26 =	vshll.u32 v31, $0x4;
	v31 =	vcvt.f32.s32 v38  }
0x456: {  	s1 =	simm.s32 $0x0;
	s0 =	simm.s32 $0x380;
	v24 =	vshll.u32 v29, $0x4;
	v29 =	vcvt.f32.s32 v27;
	v27 =	vcvt.f32.s32 v40;
	[tilespmem:v62+s25+$0x0] =	vst.idx.add.f32.msk $0xffff, v2  }
.LBB2_44:
0x457: {  	v36 =	vld [tilespmem:s0+$0x70];
	s1 =	sadd.s32 $0x10, s1;
	v35 =	vshll.u32 v35, $0x4;
	v22 =	vcvt.f32.s32 v22;
	v21 =	vcvt.f32.s32 v21  }
0x458: {  	v29 =	vshll.u32 v29, $0x4;
	v34 =	vshll.u32 v34, $0x4;
	v30 =	vshll.u32 v30, $0x4;
	v37 =	vld [tilespmem:s0+$0xFFFFFF10];
	p0 =	slt.u32 s1, $0x7F0  }
0x459: {  	v31 =	vshll.u32 v31, $0x4;
	v28 =	vshll.u32 v28, $0x4;
	v32 =	vshll.u32 v32, $0x4;
	v38 =	vld [tilespmem:s0+$0xFFFFFF20]  }
0x45a: {  	v27 =	vshll.u32 v27, $0x4;
	v22 =	vshll.u32 v22, $0x4;
	v21 =	vshll.u32 v21, $0x4;
	v39 =	vld [tilespmem:s0+$0xFFFFFF30]  }
0x45b: {  	v23 =	vor.u32 v1, v23;
	v24 =	vor.u32 v1, v24;
	v25 =	vor.u32 v1, v25;
	v40 =	vld [tilespmem:s0+$0xFFFFFF40]  }
0x45c: {  	v26 =	vor.u32 v1, v26;
	v33 =	vor.u32 v1, v33;
	v41 =	vld [tilespmem:s0+$0xFFFFFF50];
	v36 =	vmul.f32 v36, v19  }
0x45d: {  	v35 =	vor.u32 v1, v35;
	v29 =	vor.u32 v1, v29;
	v37 =	vmul.f32 v37, v19;
	v42 =	vld [tilespmem:s0+$0xFFFFFF60]  }
0x45e: {  	v34 =	vor.u32 v1, v34;
	v38 =	vmul.f32 v38, v19;
	v43 =	vld [tilespmem:s0+$0xFFFFFF70];
	v36 =	vadd.f32 v36, v20  }
0x45f: {  	v30 =	vor.u32 v1, v30;
	v37 =	vadd.f32 v37, v20;
	v39 =	vmul.f32 v39, v19;
	v44 =	vld [tilespmem:s0+$0x0]  }
0x460: {  	v38 =	vadd.f32 v38, v20;
	v40 =	vmul.f32 v40, v19;
	v45 =	vld [tilespmem:s0+$0x10];
	v36 =	vmin.f32 v36, $2.047000000e+03  }
0x461: {  	v39 =	vadd.f32 v39, v20;
	v41 =	vmul.f32 v41, v19;
	v46 =	vld [tilespmem:s0+$0x20];
	v36 =	vtrunc.f32 v36  }
0x462: {  	v40 =	vadd.f32 v40, v20;
	v42 =	vmul.f32 v42, v19;
	v47 =	vld [tilespmem:s0+$0x30];
	v36 =	vcvt.f32.s32 v36  }
0x463: {  	v37 =	vmin.f32 v37, $2.047000000e+03;
	v41 =	vadd.f32 v41, v20;
	v43 =	vmul.f32 v43, v19;
	v48 =	vld [tilespmem:s0+$0x40]  }
0x464: {  	v42 =	vadd.f32 v42, v20;
	v44 =	vmul.f32 v44, v19;
	v49 =	vld [tilespmem:s0+$0x50];
	v36 =	vshll.u32 v36, $0x4  }
0x465: {  	v43 =	vadd.f32 v43, v20;
	v45 =	vmul.f32 v45, v19;
	v50 =	vld [tilespmem:s0+$0x60];
	v36 =	vor.u32 v1, v36  }
0x466: {  	v38 =	vmin.f32 v38, $2.047000000e+03;
	v51 =	vld [tilespmem:s0+$0xFFFFFF00];
	v44 =	vadd.f32 v44, v20;
	v46 =	vmul.f32 v46, v19  }
0x467: {  	v39 =	vmin.f32 v39, $2.047000000e+03;
	v45 =	vadd.f32 v45, v20;
	v47 =	vmul.f32 v47, v19;
	[tilespmem:v23+s25+$0x0] =	vst.idx.add.f32.msk $0xffff, v2  }
0x468: {  	v23 =	vmin.f32 v40, $2.047000000e+03;
	v40 =	vadd.f32 v46, v20;
	v46 =	vmul.f32 v48, v19;
	[tilespmem:v24+s25+$0x0] =	vst.idx.add.f32.msk $0xffff, v2  }
0x469: {  	v24 =	vmin.f32 v41, $2.047000000e+03;
	v41 =	vadd.f32 v47, v20;
	v47 =	vmul.f32 v49, v19;
	[tilespmem:v25+s25+$0x0] =	vst.idx.add.f32.msk $0xffff, v2  }
0x46a: {  	v25 =	vmin.f32 v42, $2.047000000e+03;
	v42 =	vadd.f32 v46, v20;
	v46 =	vmul.f32 v50, v19;
	[tilespmem:v36+s25+$0x0] =	vst.idx.add.f32.msk $0xffff, v2  }
0x46b: {  	v43 =	vmin.f32 v43, $2.047000000e+03;
	v36 =	vmul.f32 v51, v19;
	v47 =	vadd.f32 v47, v20;
	[tilespmem:v26+s25+$0x0] =	vst.idx.add.f32.msk $0xffff, v2  }
0x46c: {  	v26 =	vmin.f32 v44, $2.047000000e+03;
	v44 =	vmin.f32 v45, $2.047000000e+03;
	v45 =	vadd.f32 v46, v20;
	[tilespmem:v33+s25+$0x0] =	vst.idx.add.f32.msk $0xffff, v2  }
0x46d: {  	v33 =	vadd.f32 v36, v20;
	v36 =	vmin.f32 v40, $2.047000000e+03;
	v40 =	vmin.f32 v41, $2.047000000e+03;
	[tilespmem:v35+s25+$0x0] =	vst.idx.add.f32.msk $0xffff, v2  }
0x46e: {  	v35 =	vmin.f32 v42, $2.047000000e+03;
	v41 =	vmin.f32 v47, $2.047000000e+03;
	v42 =	vmin.f32 v45, $2.047000000e+03;
	[tilespmem:v29+s25+$0x0] =	vst.idx.add.f32.msk $0xffff, v2  }
0x46f: {  	v29 =	vmin.f32 v33, $2.047000000e+03;
	v33 =	vtrunc.f32 v37;
	v37 =	vtrunc.f32 v38;
	[tilespmem:v34+s25+$0x0] =	vst.idx.add.f32.msk $0xffff, v2  }
0x470: {  	v34 =	vtrunc.f32 v39;
	v29 =	vtrunc.f32 v29;
	[tilespmem:v30+s25+$0x0] =	vst.idx.add.f32.msk $0xffff, v2;
	v30 =	vor.u32 v1, v31  }
0x471: {  	v38 =	vtrunc.f32 v24;
	v31 =	vtrunc.f32 v23;
	v23 =	vor.u32 v1, v28  }
0x472: {  	v25 =	vtrunc.f32 v25;
	v24 =	vor.u32 v1, v32;
	v28 =	vtrunc.f32 v43  }
0x473: {  	v27 =	vor.u32 v1, v27;
	v26 =	vtrunc.f32 v26;
	v32 =	vtrunc.f32 v44  }
0x474: {  	v36 =	vtrunc.f32 v36;
	v39 =	vtrunc.f32 v40;
	v40 =	vor.u32 v1, v22  }
0x475: {  	v22 =	vtrunc.f32 v41;
	v41 =	vor.u32 v1, v21;
	v43 =	vtrunc.f32 v35;
	[tilespmem:v30+s25+$0x0] =	vst.idx.add.f32.msk $0xffff, v2  }
0x476: {  	v21 =	vtrunc.f32 v42;
	v29 =	vcvt.f32.s32 v29;
	[tilespmem:v23+s25+$0x0] =	vst.idx.add.f32.msk $0xffff, v2  }
0x477: {  	v30 =	vcvt.f32.s32 v33;
	v33 =	vcvt.f32.s32 v37;
	[tilespmem:v24+s25+$0x0] =	vst.idx.add.f32.msk $0xffff, v2  }
.Ltmp21:
0x478: {  	v42 =	vcvt.f32.s32 v31;
	v37 =	vcvt.f32.s32 v34;
	v23 =	vshll.u32 v29, $0x4;
	[tilespmem:v27+s25+$0x0] =	vst.idx.add.f32.msk $0xffff, v2;
	(pc) =	sbr.rel @p0 .LBB2_44-.Ltmp21, $4  }
0x479: {  	v35 =	vcvt.f32.s32 v38;
	v29 =	vcvt.f32.s32 v25;
	v24 =	vshll.u32 v30, $0x4;
	[tilespmem:v40+s25+$0x0] =	vst.idx.add.f32.msk $0xffff, v2  }
0x47a: {  	v34 =	vcvt.f32.s32 v28;
	v25 =	vshll.u32 v33, $0x4;
	v30 =	vcvt.f32.s32 v26;
	[tilespmem:v41+s25+$0x0] =	vst.idx.add.f32.msk $0xffff, v2  }
0x47b: {  	v31 =	vcvt.f32.s32 v32;
	v28 =	vcvt.f32.s32 v36;
	v26 =	vshll.u32 v37, $0x4  }
0x47c: {  	s0 =	sadd.s32 $0x200, s0;
	v32 =	vcvt.f32.s32 v39;
	v33 =	vshll.u32 v42, $0x4;
	v27 =	vcvt.f32.s32 v43  }
0x47d: {  	v23 =	vor.u32 v1, v23  }
0x47e: {  	v24 =	vor.u32 v1, v24  }
0x47f: {  	v25 =	vor.u32 v1, v25  }
0x480: {  	v26 =	vor.u32 v1, v26  }
0x481: {  	v35 =	vshll.u32 v35, $0x4;
	v33 =	vor.u32 v1, v33  }
0x482: {  	v29 =	vshll.u32 v29, $0x4;
	v22 =	vcvt.f32.s32 v22;
	v35 =	vor.u32 v1, v35;
	[tilespmem:v23+s25+$0x0] =	vst.idx.add.f32.msk $0xffff, v2  }
0x483: {  	v62 =	vshll.u32 v28, $0x4;
	v29 =	vor.u32 v1, v29;
	v63 =	vshll.u32 v32, $0x4;
	[tilespmem:v24+s25+$0x0] =	vst.idx.add.f32.msk $0xffff, v2  }
0x484: {  	v21 =	vcvt.f32.s32 v21;
	v28 =	vor.u32 v1, v63;
	v22 =	vshll.u32 v22, $0x4;
	[tilespmem:v25+s25+$0x0] =	vst.idx.add.f32.msk $0xffff, v2  }
0x485: {  	v22 =	vor.u32 v1, v22;
	v23 =	vshll.u32 v34, $0x4;
	[tilespmem:v26+s25+$0x0] =	vst.idx.add.f32.msk $0xffff, v2  }
0x486: {  	v21 =	vshll.u32 v21, $0x4;
	[tilespmem:v33+s25+$0x0] =	vst.idx.add.f32.msk $0xffff, v2;
	v23 =	vor.u32 v1, v23  }
0x487: {  	v60 =	vshll.u32 v30, $0x4;
	v21 =	vor.u32 v1, v21;
	[tilespmem:v35+s25+$0x0] =	vst.idx.add.f32.msk $0xffff, v2  }
0x488: {  	v61 =	vshll.u32 v31, $0x4;
	v24 =	vor.u32 v1, v60;
	[tilespmem:v29+s25+$0x0] =	vst.idx.add.f32.msk $0xffff, v2  }
0x489: {  	v25 =	vor.u32 v1, v61;
	[tilespmem:v28+s25+$0x0] =	vst.idx.add.f32.msk $0xffff, v2  }
0x48a: {  	v27 =	vshll.u32 v27, $0x4;
	v26 =	vor.u32 v1, v62;
	[tilespmem:v22+s25+$0x0] =	vst.idx.add.f32.msk $0xffff, v2  }
0x48b: {  	[tilespmem:v23+s25+$0x0] =	vst.idx.add.f32.msk $0xffff, v2;
	v23 =	vor.u32 v1, v27  }
0x48c: {  	[tilespmem:v21+s25+$0x0] =	vst.idx.add.f32.msk $0xffff, v2  }
0x48d: {  	[tilespmem:v24+s25+$0x0] =	vst.idx.add.f32.msk $0xffff, v2  }
0x48e: {  	[tilespmem:v25+s25+$0x0] =	vst.idx.add.f32.msk $0xffff, v2  }
0x48f: {  	s0 =	simm.s32 $0x80;
	[tilespmem:v26+s25+$0x0] =	vst.idx.add.f32.msk $0xffff, v2  }
0x490: {  	s1 =	simm.s32 $0x10;
	s22 =	sadd.s32 $0x0, s15;
	s2 =	simm.s32 $0x180;
	[tilespmem:v23+s25+$0x0] =	vst.idx.add.f32.msk $0xffff, v2  }
.LBB2_46:
0x491: {  	[tilespmem:s0], [sflag:$0x2] =	stream.linear.gather [hbm4b:s22+s3], $0x80, $0x38;
	[tilespmem:$0x18900] =	vst v63  }
0x492: {  	s22 =	smov.u32 s1;
	s0 =	smov.u32 s2;
	p0 =	sne.s32 s1, $0xFF0  }
.Ltmp22:
0x493: {  	s1 =	sadd.s32 $0x10, s1;
	(pc) =	sbr.rel @p0 .LBB2_46-.Ltmp22, $2  }
0x494: {  	_ =	sdelay $0x2  }
0x495: {  	s2 =	sadd.s32 $0x100, s2;
	s22 =	sadd.s32 s22, s15  }
0x496: {  	[tilespmem:s0], [sflag:$0x2] =	stream.linear.gather [hbm4b:s22+s3], $0x80, $0x38;
	[tilespmem:$0x18900] =	vst v63  }
0x497: {  	_ =	swait.ge [sflag:s24], $0x8000  }
0x498: {  	[sflag:s24] =	ssyncset.done $0x0  }
0x499: {  	s22 =	simm.s32 $0x100;
	[sflag:s24] =	ssyncadd.s32 $0xFFFF8000  }
0x49a: {  	v21 =	vld [tilespmem:s22+$0x70]  }
0x49b: {  	v22 =	vld [tilespmem:s22+$0xFFFFFF10]  }
0x49c: {  	v23 =	vld [tilespmem:s22+$0xFFFFFF20]  }
0x49d: {  	v24 =	vld [tilespmem:s22+$0xFFFFFF30]  }
0x49e: {  	v25 =	vld [tilespmem:s22+$0xFFFFFF40]  }
0x49f: {  	v26 =	vld [tilespmem:s22+$0xFFFFFF50]  }
0x4a0: {  	v27 =	vld [tilespmem:s22+$0xFFFFFF60]  }
0x4a1: {  	v28 =	vld [tilespmem:s22+$0xFFFFFF70]  }
0x4a2: {  	v29 =	vld [tilespmem:s22+$0x0]  }
0x4a3: {  	v30 =	vld [tilespmem:s22+$0x10]  }
0x4a4: {  	v31 =	vld [tilespmem:s22+$0x20];
	v21 =	vmul.f32 v21, v19;
	v22 =	vmul.f32 v22, v19  }
0x4a5: {  	v32 =	vld [tilespmem:s22+$0x30];
	v23 =	vmul.f32 v23, v19;
	v24 =	vmul.f32 v24, v19  }
0x4a6: {  	v33 =	vld [tilespmem:s22+$0x40];
	v25 =	vmul.f32 v25, v19;
	v26 =	vmul.f32 v26, v19  }
0x4a7: {  	v34 =	vld [tilespmem:s22+$0xFFFFFF00];
	v27 =	vmul.f32 v27, v19;
	v28 =	vmul.f32 v28, v19  }
0x4a8: {  	v35 =	vld [tilespmem:s22+$0x50];
	v29 =	vmul.f32 v29, v19;
	v30 =	vmul.f32 v30, v19;
	v21 =	vadd.f32 v21, v20  }
0x4a9: {  	v36 =	vld [tilespmem:s22+$0x60];
	v31 =	vmul.f32 v31, v19;
	v22 =	vadd.f32 v22, v20;
	v23 =	vadd.f32 v23, v20  }
0x4aa: {  	v32 =	vmul.f32 v32, v19;
	v24 =	vadd.f32 v24, v20;
	v25 =	vadd.f32 v25, v20  }
0x4ab: {  	v33 =	vmul.f32 v33, v19;
	v26 =	vadd.f32 v26, v20;
	v27 =	vadd.f32 v27, v20  }
0x4ac: {  	v34 =	vmul.f32 v34, v19;
	v28 =	vadd.f32 v28, v20;
	v29 =	vadd.f32 v29, v20  }
0x4ad: {  	v35 =	vmul.f32 v35, v19;
	v30 =	vadd.f32 v30, v20;
	v31 =	vadd.f32 v31, v20  }
0x4ae: {  	v36 =	vmul.f32 v36, v19;
	v32 =	vadd.f32 v32, v20;
	v33 =	vadd.f32 v33, v20  }
0x4af: {  	v34 =	vadd.f32 v34, v20;
	v21 =	vmin.f32 v21, $2.047000000e+03;
	v22 =	vmin.f32 v22, $2.047000000e+03  }
0x4b0: {  	v23 =	vmin.f32 v23, $2.047000000e+03;
	v24 =	vmin.f32 v24, $2.047000000e+03;
	v25 =	vmin.f32 v25, $2.047000000e+03  }
0x4b1: {  	v26 =	vmin.f32 v26, $2.047000000e+03;
	v27 =	vmin.f32 v27, $2.047000000e+03;
	v28 =	vmin.f32 v28, $2.047000000e+03  }
0x4b2: {  	v34 =	vmin.f32 v34, $2.047000000e+03;
	v21 =	vtrunc.f32 v21;
	v37 =	vtrunc.f32 v22  }
0x4b3: {  	v29 =	vmin.f32 v29, $2.047000000e+03;
	v23 =	vtrunc.f32 v23;
	v34 =	vtrunc.f32 v34  }
0x4b4: {  	v30 =	vmin.f32 v30, $2.047000000e+03;
	v24 =	vtrunc.f32 v24;
	v25 =	vtrunc.f32 v25  }
0x4b5: {  	v31 =	vmin.f32 v31, $2.047000000e+03;
	v26 =	vtrunc.f32 v26;
	v27 =	vtrunc.f32 v27  }
0x4b6: {  	v32 =	vmin.f32 v32, $2.047000000e+03;
	v28 =	vtrunc.f32 v28;
	v61 =	vtrunc.f32 v29  }
0x4b7: {  	v33 =	vmin.f32 v33, $2.047000000e+03;
	v38 =	vtrunc.f32 v30;
	v39 =	vtrunc.f32 v31  }
0x4b8: {  	v35 =	vadd.f32 v35, v20;
	v32 =	vtrunc.f32 v32;
	v40 =	vtrunc.f32 v33  }
0x4b9: {  	v22 =	vadd.f32 v36, v20;
	v21 =	vcvt.f32.s32 v21;
	v31 =	vcvt.f32.s32 v34  }
0x4ba: {  	v29 =	vmin.f32 v35, $2.047000000e+03;
	v63 =	vcvt.f32.s32 v25;
	v35 =	vcvt.f32.s32 v26  }
0x4bb: {  	v30 =	vmin.f32 v22, $2.047000000e+03;
	v22 =	vtrunc.f32 v29;
	v29 =	vshll.u32 v21, $0x4  }
0x4bc: {  	v34 =	vcvt.f32.s32 v28;
	v28 =	vcvt.f32.s32 v39;
	v62 =	vor.u32 v1, v29  }
0x4bd: {  	v21 =	vtrunc.f32 v30;
	v30 =	vcvt.f32.s32 v23  }
0x4be: {  	v32 =	vcvt.f32.s32 v32;
	v23 =	vshll.u32 v31, $0x4;
	v31 =	vcvt.f32.s32 v24  }
0x4bf: {  	v33 =	vshll.u32 v63, $0x4;
	v29 =	vcvt.f32.s32 v37;
	v25 =	vshll.u32 v30, $0x4  }
0x4c0: {  	v30 =	vcvt.f32.s32 v61;
	v26 =	vshll.u32 v31, $0x4;
	v31 =	vcvt.f32.s32 v38  }
0x4c1: {  	s1 =	simm.s32 $0x0;
	s0 =	simm.s32 $0x300;
	v24 =	vshll.u32 v29, $0x4;
	v29 =	vcvt.f32.s32 v27;
	v27 =	vcvt.f32.s32 v40;
	[tilespmem:v62+s25+$0x0] =	vst.idx.add.f32.msk $0xffff, v2  }
.LBB2_48:
0x4c2: {  	v36 =	vld [tilespmem:s0+$0x70];
	s1 =	sadd.s32 $0x10, s1;
	v35 =	vshll.u32 v35, $0x4;
	v22 =	vcvt.f32.s32 v22;
	v21 =	vcvt.f32.s32 v21  }
0x4c3: {  	v29 =	vshll.u32 v29, $0x4;
	v34 =	vshll.u32 v34, $0x4;
	v30 =	vshll.u32 v30, $0x4;
	v37 =	vld [tilespmem:s0+$0xFFFFFF10];
	p0 =	slt.u32 s1, $0x7F0  }
0x4c4: {  	v31 =	vshll.u32 v31, $0x4;
	v28 =	vshll.u32 v28, $0x4;
	v32 =	vshll.u32 v32, $0x4;
	v38 =	vld [tilespmem:s0+$0xFFFFFF20]  }
0x4c5: {  	v27 =	vshll.u32 v27, $0x4;
	v22 =	vshll.u32 v22, $0x4;
	v21 =	vshll.u32 v21, $0x4;
	v39 =	vld [tilespmem:s0+$0xFFFFFF30]  }
0x4c6: {  	v23 =	vor.u32 v1, v23;
	v24 =	vor.u32 v1, v24;
	v25 =	vor.u32 v1, v25;
	v40 =	vld [tilespmem:s0+$0xFFFFFF40]  }
0x4c7: {  	v26 =	vor.u32 v1, v26;
	v33 =	vor.u32 v1, v33;
	v41 =	vld [tilespmem:s0+$0xFFFFFF50];
	v36 =	vmul.f32 v36, v19  }
0x4c8: {  	v35 =	vor.u32 v1, v35;
	v29 =	vor.u32 v1, v29;
	v37 =	vmul.f32 v37, v19;
	v42 =	vld [tilespmem:s0+$0xFFFFFF60]  }
0x4c9: {  	v34 =	vor.u32 v1, v34;
	v38 =	vmul.f32 v38, v19;
	v43 =	vld [tilespmem:s0+$0xFFFFFF70];
	v36 =	vadd.f32 v36, v20  }
0x4ca: {  	v30 =	vor.u32 v1, v30;
	v37 =	vadd.f32 v37, v20;
	v39 =	vmul.f32 v39, v19;
	v44 =	vld [tilespmem:s0+$0x0]  }
0x4cb: {  	v38 =	vadd.f32 v38, v20;
	v40 =	vmul.f32 v40, v19;
	v45 =	vld [tilespmem:s0+$0x10];
	v36 =	vmin.f32 v36, $2.047000000e+03  }
0x4cc: {  	v39 =	vadd.f32 v39, v20;
	v41 =	vmul.f32 v41, v19;
	v46 =	vld [tilespmem:s0+$0x20];
	v36 =	vtrunc.f32 v36  }
0x4cd: {  	v40 =	vadd.f32 v40, v20;
	v42 =	vmul.f32 v42, v19;
	v47 =	vld [tilespmem:s0+$0x30];
	v36 =	vcvt.f32.s32 v36  }
0x4ce: {  	v37 =	vmin.f32 v37, $2.047000000e+03;
	v41 =	vadd.f32 v41, v20;
	v43 =	vmul.f32 v43, v19;
	v48 =	vld [tilespmem:s0+$0x40]  }
0x4cf: {  	v42 =	vadd.f32 v42, v20;
	v44 =	vmul.f32 v44, v19;
	v49 =	vld [tilespmem:s0+$0x50];
	v36 =	vshll.u32 v36, $0x4  }
0x4d0: {  	v43 =	vadd.f32 v43, v20;
	v45 =	vmul.f32 v45, v19;
	v50 =	vld [tilespmem:s0+$0x60];
	v36 =	vor.u32 v1, v36  }
0x4d1: {  	v38 =	vmin.f32 v38, $2.047000000e+03;
	v51 =	vld [tilespmem:s0+$0xFFFFFF00];
	v44 =	vadd.f32 v44, v20;
	v46 =	vmul.f32 v46, v19  }
0x4d2: {  	v39 =	vmin.f32 v39, $2.047000000e+03;
	v45 =	vadd.f32 v45, v20;
	v47 =	vmul.f32 v47, v19;
	[tilespmem:v23+s25+$0x0] =	vst.idx.add.f32.msk $0xffff, v2  }
0x4d3: {  	v23 =	vmin.f32 v40, $2.047000000e+03;
	v40 =	vadd.f32 v46, v20;
	v46 =	vmul.f32 v48, v19;
	[tilespmem:v24+s25+$0x0] =	vst.idx.add.f32.msk $0xffff, v2  }
0x4d4: {  	v24 =	vmin.f32 v41, $2.047000000e+03;
	v41 =	vadd.f32 v47, v20;
	v47 =	vmul.f32 v49, v19;
	[tilespmem:v25+s25+$0x0] =	vst.idx.add.f32.msk $0xffff, v2  }
0x4d5: {  	v25 =	vmin.f32 v42, $2.047000000e+03;
	v42 =	vadd.f32 v46, v20;
	v46 =	vmul.f32 v50, v19;
	[tilespmem:v36+s25+$0x0] =	vst.idx.add.f32.msk $0xffff, v2  }
0x4d6: {  	v43 =	vmin.f32 v43, $2.047000000e+03;
	v36 =	vmul.f32 v51, v19;
	v47 =	vadd.f32 v47, v20;
	[tilespmem:v26+s25+$0x0] =	vst.idx.add.f32.msk $0xffff, v2  }
0x4d7: {  	v26 =	vmin.f32 v44, $2.047000000e+03;
	v44 =	vmin.f32 v45, $2.047000000e+03;
	v45 =	vadd.f32 v46, v20;
	[tilespmem:v33+s25+$0x0] =	vst.idx.add.f32.msk $0xffff, v2  }
0x4d8: {  	v33 =	vadd.f32 v36, v20;
	v36 =	vmin.f32 v40, $2.047000000e+03;
	v40 =	vmin.f32 v41, $2.047000000e+03;
	[tilespmem:v35+s25+$0x0] =	vst.idx.add.f32.msk $0xffff, v2  }
0x4d9: {  	v35 =	vmin.f32 v42, $2.047000000e+03;
	v41 =	vmin.f32 v47, $2.047000000e+03;
	v42 =	vmin.f32 v45, $2.047000000e+03;
	[tilespmem:v29+s25+$0x0] =	vst.idx.add.f32.msk $0xffff, v2  }
0x4da: {  	v29 =	vmin.f32 v33, $2.047000000e+03;
	v33 =	vtrunc.f32 v37;
	v37 =	vtrunc.f32 v38;
	[tilespmem:v34+s25+$0x0] =	vst.idx.add.f32.msk $0xffff, v2  }
0x4db: {  	v34 =	vtrunc.f32 v39;
	v29 =	vtrunc.f32 v29;
	[tilespmem:v30+s25+$0x0] =	vst.idx.add.f32.msk $0xffff, v2;
	v30 =	vor.u32 v1, v31  }
0x4dc: {  	v38 =	vtrunc.f32 v24;
	v31 =	vtrunc.f32 v23;
	v23 =	vor.u32 v1, v28  }
0x4dd: {  	v25 =	vtrunc.f32 v25;
	v24 =	vor.u32 v1, v32;
	v28 =	vtrunc.f32 v43  }
0x4de: {  	v27 =	vor.u32 v1, v27;
	v26 =	vtrunc.f32 v26;
	v32 =	vtrunc.f32 v44  }
0x4df: {  	v36 =	vtrunc.f32 v36;
	v39 =	vtrunc.f32 v40;
	v40 =	vor.u32 v1, v22  }
0x4e0: {  	v22 =	vtrunc.f32 v41;
	v41 =	vor.u32 v1, v21;
	v43 =	vtrunc.f32 v35;
	[tilespmem:v30+s25+$0x0] =	vst.idx.add.f32.msk $0xffff, v2  }
0x4e1: {  	v21 =	vtrunc.f32 v42;
	v29 =	vcvt.f32.s32 v29;
	[tilespmem:v23+s25+$0x0] =	vst.idx.add.f32.msk $0xffff, v2  }
0x4e2: {  	v30 =	vcvt.f32.s32 v33;
	v33 =	vcvt.f32.s32 v37;
	[tilespmem:v24+s25+$0x0] =	vst.idx.add.f32.msk $0xffff, v2  }
.Ltmp23:
0x4e3: {  	v42 =	vcvt.f32.s32 v31;
	v37 =	vcvt.f32.s32 v34;
	v23 =	vshll.u32 v29, $0x4;
	[tilespmem:v27+s25+$0x0] =	vst.idx.add.f32.msk $0xffff, v2;
	(pc) =	sbr.rel @p0 .LBB2_48-.Ltmp23, $4  }
0x4e4: {  	v35 =	vcvt.f32.s32 v38;
	v29 =	vcvt.f32.s32 v25;
	v24 =	vshll.u32 v30, $0x4;
	[tilespmem:v40+s25+$0x0] =	vst.idx.add.f32.msk $0xffff, v2  }
0x4e5: {  	v34 =	vcvt.f32.s32 v28;
	v25 =	vshll.u32 v33, $0x4;
	v30 =	vcvt.f32.s32 v26;
	[tilespmem:v41+s25+$0x0] =	vst.idx.add.f32.msk $0xffff, v2  }
0x4e6: {  	v31 =	vcvt.f32.s32 v32;
	v28 =	vcvt.f32.s32 v36;
	v26 =	vshll.u32 v37, $0x4  }
0x4e7: {  	s0 =	sadd.s32 $0x200, s0;
	v32 =	vcvt.f32.s32 v39;
	v33 =	vshll.u32 v42, $0x4;
	v27 =	vcvt.f32.s32 v43  }
0x4e8: {  	v23 =	vor.u32 v1, v23  }
0x4e9: {  	v24 =	vor.u32 v1, v24  }
0x4ea: {  	v25 =	vor.u32 v1, v25  }
0x4eb: {  	v26 =	vor.u32 v1, v26  }
0x4ec: {  	v35 =	vshll.u32 v35, $0x4;
	v33 =	vor.u32 v1, v33  }
0x4ed: {  	v29 =	vshll.u32 v29, $0x4;
	v22 =	vcvt.f32.s32 v22;
	v35 =	vor.u32 v1, v35;
	[tilespmem:v23+s25+$0x0] =	vst.idx.add.f32.msk $0xffff, v2  }
0x4ee: {  	v62 =	vshll.u32 v28, $0x4;
	v29 =	vor.u32 v1, v29;
	v63 =	vshll.u32 v32, $0x4;
	[tilespmem:v24+s25+$0x0] =	vst.idx.add.f32.msk $0xffff, v2  }
0x4ef: {  	v21 =	vcvt.f32.s32 v21;
	v28 =	vor.u32 v1, v63;
	v22 =	vshll.u32 v22, $0x4;
	[tilespmem:v25+s25+$0x0] =	vst.idx.add.f32.msk $0xffff, v2  }
0x4f0: {  	v22 =	vor.u32 v1, v22;
	v23 =	vshll.u32 v34, $0x4;
	[tilespmem:v26+s25+$0x0] =	vst.idx.add.f32.msk $0xffff, v2  }
0x4f1: {  	v21 =	vshll.u32 v21, $0x4;
	[tilespmem:v33+s25+$0x0] =	vst.idx.add.f32.msk $0xffff, v2;
	v23 =	vor.u32 v1, v23  }
0x4f2: {  	v60 =	vshll.u32 v30, $0x4;
	v21 =	vor.u32 v1, v21;
	[tilespmem:v35+s25+$0x0] =	vst.idx.add.f32.msk $0xffff, v2  }
0x4f3: {  	v61 =	vshll.u32 v31, $0x4;
	v24 =	vor.u32 v1, v60;
	[tilespmem:v29+s25+$0x0] =	vst.idx.add.f32.msk $0xffff, v2  }
0x4f4: {  	v25 =	vor.u32 v1, v61;
	[tilespmem:v28+s25+$0x0] =	vst.idx.add.f32.msk $0xffff, v2  }
0x4f5: {  	v27 =	vshll.u32 v27, $0x4;
	v26 =	vor.u32 v1, v62;
	[tilespmem:v22+s25+$0x0] =	vst.idx.add.f32.msk $0xffff, v2  }
0x4f6: {  	[tilespmem:v23+s25+$0x0] =	vst.idx.add.f32.msk $0xffff, v2;
	v23 =	vor.u32 v1, v27  }
0x4f7: {  	[tilespmem:v21+s25+$0x0] =	vst.idx.add.f32.msk $0xffff, v2  }
0x4f8: {  	[tilespmem:v24+s25+$0x0] =	vst.idx.add.f32.msk $0xffff, v2  }
0x4f9: {  	[tilespmem:v25+s25+$0x0] =	vst.idx.add.f32.msk $0xffff, v2  }
0x4fa: {  	s0 =	simm.s32 $0x0;
	[tilespmem:v26+s25+$0x0] =	vst.idx.add.f32.msk $0xffff, v2  }
0x4fb: {  	s1 =	simm.s32 $0x10;
	s22 =	sadd.s32 $0x0, s16;
	s2 =	simm.s32 $0x100;
	[tilespmem:v23+s25+$0x0] =	vst.idx.add.f32.msk $0xffff, v2  }
.LBB2_50:
0x4fc: {  	[tilespmem:s0], [sflag:$0x1] =	stream.linear.gather [hbm4b:s22+s3], $0x80, $0x38;
	[tilespmem:$0x18900] =	vst v63  }
0x4fd: {  	s22 =	smov.u32 s1;
	s0 =	smov.u32 s2;
	p0 =	sne.s32 s1, $0xFF0  }
.Ltmp24:
0x4fe: {  	s1 =	sadd.s32 $0x10, s1;
	(pc) =	sbr.rel @p0 .LBB2_50-.Ltmp24, $2  }
0x4ff: {  	_ =	sdelay $0x2  }
0x500: {  	s2 =	sadd.s32 $0x100, s2;
	s22 =	sadd.s32 s22, s16  }
0x501: {  	[tilespmem:s0], [sflag:$0x1] =	stream.linear.gather [hbm4b:s22+s3], $0x80, $0x38;
	[tilespmem:$0x18900] =	vst v63  }
0x502: {  	_ =	swait.ge [sflag:s26], $0x8000  }
0x503: {  	[sflag:s26] =	ssyncset.done $0x0  }
0x504: {  	s22 =	simm.s32 $0x180;
	[sflag:s26] =	ssyncadd.s32 $0xFFFF8000  }
0x505: {  	v21 =	vld [tilespmem:s22+$0x70]  }
0x506: {  	v22 =	vld [tilespmem:s22+$0xFFFFFF10]  }
0x507: {  	v23 =	vld [tilespmem:s22+$0xFFFFFF20]  }
0x508: {  	v24 =	vld [tilespmem:s22+$0xFFFFFF30]  }
0x509: {  	v25 =	vld [tilespmem:s22+$0xFFFFFF40]  }
0x50a: {  	v26 =	vld [tilespmem:s22+$0xFFFFFF50]  }
0x50b: {  	v27 =	vld [tilespmem:s22+$0xFFFFFF60]  }
0x50c: {  	v28 =	vld [tilespmem:s22+$0xFFFFFF70]  }
0x50d: {  	v29 =	vld [tilespmem:s22+$0x0]  }
0x50e: {  	v30 =	vld [tilespmem:s22+$0x10]  }
0x50f: {  	v31 =	vld [tilespmem:s22+$0x20];
	v21 =	vmul.f32 v21, v19;
	v22 =	vmul.f32 v22, v19  }
0x510: {  	v32 =	vld [tilespmem:s22+$0x30];
	v23 =	vmul.f32 v23, v19;
	v24 =	vmul.f32 v24, v19  }
0x511: {  	v33 =	vld [tilespmem:s22+$0x40];
	v25 =	vmul.f32 v25, v19;
	v26 =	vmul.f32 v26, v19  }
0x512: {  	v34 =	vld [tilespmem:s22+$0xFFFFFF00];
	v27 =	vmul.f32 v27, v19;
	v28 =	vmul.f32 v28, v19  }
0x513: {  	v35 =	vld [tilespmem:s22+$0x50];
	v29 =	vmul.f32 v29, v19;
	v30 =	vmul.f32 v30, v19;
	v21 =	vadd.f32 v21, v20  }
0x514: {  	v36 =	vld [tilespmem:s22+$0x60];
	v31 =	vmul.f32 v31, v19;
	v22 =	vadd.f32 v22, v20;
	v23 =	vadd.f32 v23, v20  }
0x515: {  	v32 =	vmul.f32 v32, v19;
	v24 =	vadd.f32 v24, v20;
	v25 =	vadd.f32 v25, v20  }
0x516: {  	v33 =	vmul.f32 v33, v19;
	v26 =	vadd.f32 v26, v20;
	v27 =	vadd.f32 v27, v20  }
0x517: {  	v34 =	vmul.f32 v34, v19;
	v28 =	vadd.f32 v28, v20;
	v29 =	vadd.f32 v29, v20  }
0x518: {  	v35 =	vmul.f32 v35, v19;
	v30 =	vadd.f32 v30, v20;
	v31 =	vadd.f32 v31, v20  }
0x519: {  	v36 =	vmul.f32 v36, v19;
	v32 =	vadd.f32 v32, v20;
	v33 =	vadd.f32 v33, v20  }
0x51a: {  	v34 =	vadd.f32 v34, v20;
	v21 =	vmin.f32 v21, $2.047000000e+03;
	v22 =	vmin.f32 v22, $2.047000000e+03  }
0x51b: {  	v23 =	vmin.f32 v23, $2.047000000e+03;
	v24 =	vmin.f32 v24, $2.047000000e+03;
	v25 =	vmin.f32 v25, $2.047000000e+03  }
0x51c: {  	v26 =	vmin.f32 v26, $2.047000000e+03;
	v27 =	vmin.f32 v27, $2.047000000e+03;
	v28 =	vmin.f32 v28, $2.047000000e+03  }
0x51d: {  	v34 =	vmin.f32 v34, $2.047000000e+03;
	v21 =	vtrunc.f32 v21;
	v37 =	vtrunc.f32 v22  }
0x51e: {  	v29 =	vmin.f32 v29, $2.047000000e+03;
	v23 =	vtrunc.f32 v23;
	v34 =	vtrunc.f32 v34  }
0x51f: {  	v30 =	vmin.f32 v30, $2.047000000e+03;
	v24 =	vtrunc.f32 v24;
	v25 =	vtrunc.f32 v25  }
0x520: {  	v31 =	vmin.f32 v31, $2.047000000e+03;
	v26 =	vtrunc.f32 v26;
	v27 =	vtrunc.f32 v27  }
0x521: {  	v32 =	vmin.f32 v32, $2.047000000e+03;
	v28 =	vtrunc.f32 v28;
	v61 =	vtrunc.f32 v29  }
0x522: {  	v33 =	vmin.f32 v33, $2.047000000e+03;
	v38 =	vtrunc.f32 v30;
	v39 =	vtrunc.f32 v31  }
0x523: {  	v35 =	vadd.f32 v35, v20;
	v32 =	vtrunc.f32 v32;
	v40 =	vtrunc.f32 v33  }
0x524: {  	v22 =	vadd.f32 v36, v20;
	v21 =	vcvt.f32.s32 v21;
	v31 =	vcvt.f32.s32 v34  }
0x525: {  	v29 =	vmin.f32 v35, $2.047000000e+03;
	v63 =	vcvt.f32.s32 v25;
	v35 =	vcvt.f32.s32 v26  }
0x526: {  	v30 =	vmin.f32 v22, $2.047000000e+03;
	v22 =	vtrunc.f32 v29;
	v29 =	vshll.u32 v21, $0x4  }
0x527: {  	v34 =	vcvt.f32.s32 v28;
	v28 =	vcvt.f32.s32 v39;
	v62 =	vor.u32 v1, v29  }
0x528: {  	v21 =	vtrunc.f32 v30;
	v30 =	vcvt.f32.s32 v23  }
0x529: {  	v32 =	vcvt.f32.s32 v32;
	v23 =	vshll.u32 v31, $0x4;
	v31 =	vcvt.f32.s32 v24  }
0x52a: {  	v33 =	vshll.u32 v63, $0x4;
	v29 =	vcvt.f32.s32 v37;
	v25 =	vshll.u32 v30, $0x4  }
0x52b: {  	v30 =	vcvt.f32.s32 v61;
	v26 =	vshll.u32 v31, $0x4;
	v31 =	vcvt.f32.s32 v38  }
0x52c: {  	s1 =	simm.s32 $0x0;
	s0 =	simm.s32 $0x380;
	v24 =	vshll.u32 v29, $0x4;
	v29 =	vcvt.f32.s32 v27;
	v27 =	vcvt.f32.s32 v40;
	[tilespmem:v62+s25+$0x0] =	vst.idx.add.f32.msk $0xffff, v2  }
.LBB2_52:
0x52d: {  	v36 =	vld [tilespmem:s0+$0x70];
	s1 =	sadd.s32 $0x10, s1;
	v35 =	vshll.u32 v35, $0x4;
	v22 =	vcvt.f32.s32 v22;
	v21 =	vcvt.f32.s32 v21  }
0x52e: {  	v29 =	vshll.u32 v29, $0x4;
	v34 =	vshll.u32 v34, $0x4;
	v30 =	vshll.u32 v30, $0x4;
	v37 =	vld [tilespmem:s0+$0xFFFFFF10];
	p0 =	slt.u32 s1, $0x7F0  }
0x52f: {  	v31 =	vshll.u32 v31, $0x4;
	v28 =	vshll.u32 v28, $0x4;
	v32 =	vshll.u32 v32, $0x4;
	v38 =	vld [tilespmem:s0+$0xFFFFFF20]  }
0x530: {  	v27 =	vshll.u32 v27, $0x4;
	v22 =	vshll.u32 v22, $0x4;
	v21 =	vshll.u32 v21, $0x4;
	v39 =	vld [tilespmem:s0+$0xFFFFFF30]  }
0x531: {  	v23 =	vor.u32 v1, v23;
	v24 =	vor.u32 v1, v24;
	v25 =	vor.u32 v1, v25;
	v40 =	vld [tilespmem:s0+$0xFFFFFF40]  }
0x532: {  	v26 =	vor.u32 v1, v26;
	v33 =	vor.u32 v1, v33;
	v41 =	vld [tilespmem:s0+$0xFFFFFF50];
	v36 =	vmul.f32 v36, v19  }
0x533: {  	v35 =	vor.u32 v1, v35;
	v29 =	vor.u32 v1, v29;
	v37 =	vmul.f32 v37, v19;
	v42 =	vld [tilespmem:s0+$0xFFFFFF60]  }
0x534: {  	v34 =	vor.u32 v1, v34;
	v38 =	vmul.f32 v38, v19;
	v43 =	vld [tilespmem:s0+$0xFFFFFF70];
	v36 =	vadd.f32 v36, v20  }
0x535: {  	v30 =	vor.u32 v1, v30;
	v37 =	vadd.f32 v37, v20;
	v39 =	vmul.f32 v39, v19;
	v44 =	vld [tilespmem:s0+$0x0]  }
0x536: {  	v38 =	vadd.f32 v38, v20;
	v40 =	vmul.f32 v40, v19;
	v45 =	vld [tilespmem:s0+$0x10];
	v36 =	vmin.f32 v36, $2.047000000e+03  }
0x537: {  	v39 =	vadd.f32 v39, v20;
	v41 =	vmul.f32 v41, v19;
	v46 =	vld [tilespmem:s0+$0x20];
	v36 =	vtrunc.f32 v36  }
0x538: {  	v40 =	vadd.f32 v40, v20;
	v42 =	vmul.f32 v42, v19;
	v47 =	vld [tilespmem:s0+$0x30];
	v36 =	vcvt.f32.s32 v36  }
0x539: {  	v37 =	vmin.f32 v37, $2.047000000e+03;
	v41 =	vadd.f32 v41, v20;
	v43 =	vmul.f32 v43, v19;
	v48 =	vld [tilespmem:s0+$0x40]  }
0x53a: {  	v42 =	vadd.f32 v42, v20;
	v44 =	vmul.f32 v44, v19;
	v49 =	vld [tilespmem:s0+$0x50];
	v36 =	vshll.u32 v36, $0x4  }
0x53b: {  	v43 =	vadd.f32 v43, v20;
	v45 =	vmul.f32 v45, v19;
	v50 =	vld [tilespmem:s0+$0x60];
	v36 =	vor.u32 v1, v36  }
0x53c: {  	v38 =	vmin.f32 v38, $2.047000000e+03;
	v51 =	vld [tilespmem:s0+$0xFFFFFF00];
	v44 =	vadd.f32 v44, v20;
	v46 =	vmul.f32 v46, v19  }
0x53d: {  	v39 =	vmin.f32 v39, $2.047000000e+03;
	v45 =	vadd.f32 v45, v20;
	v47 =	vmul.f32 v47, v19;
	[tilespmem:v23+s25+$0x0] =	vst.idx.add.f32.msk $0xffff, v2  }
0x53e: {  	v23 =	vmin.f32 v40, $2.047000000e+03;
	v40 =	vadd.f32 v46, v20;
	v46 =	vmul.f32 v48, v19;
	[tilespmem:v24+s25+$0x0] =	vst.idx.add.f32.msk $0xffff, v2  }
0x53f: {  	v24 =	vmin.f32 v41, $2.047000000e+03;
	v41 =	vadd.f32 v47, v20;
	v47 =	vmul.f32 v49, v19;
	[tilespmem:v25+s25+$0x0] =	vst.idx.add.f32.msk $0xffff, v2  }
0x540: {  	v25 =	vmin.f32 v42, $2.047000000e+03;
	v42 =	vadd.f32 v46, v20;
	v46 =	vmul.f32 v50, v19;
	[tilespmem:v36+s25+$0x0] =	vst.idx.add.f32.msk $0xffff, v2  }
0x541: {  	v43 =	vmin.f32 v43, $2.047000000e+03;
	v36 =	vmul.f32 v51, v19;
	v47 =	vadd.f32 v47, v20;
	[tilespmem:v26+s25+$0x0] =	vst.idx.add.f32.msk $0xffff, v2  }
0x542: {  	v26 =	vmin.f32 v44, $2.047000000e+03;
	v44 =	vmin.f32 v45, $2.047000000e+03;
	v45 =	vadd.f32 v46, v20;
	[tilespmem:v33+s25+$0x0] =	vst.idx.add.f32.msk $0xffff, v2  }
0x543: {  	v33 =	vadd.f32 v36, v20;
	v36 =	vmin.f32 v40, $2.047000000e+03;
	v40 =	vmin.f32 v41, $2.047000000e+03;
	[tilespmem:v35+s25+$0x0] =	vst.idx.add.f32.msk $0xffff, v2  }
0x544: {  	v35 =	vmin.f32 v42, $2.047000000e+03;
	v41 =	vmin.f32 v47, $2.047000000e+03;
	v42 =	vmin.f32 v45, $2.047000000e+03;
	[tilespmem:v29+s25+$0x0] =	vst.idx.add.f32.msk $0xffff, v2  }
0x545: {  	v29 =	vmin.f32 v33, $2.047000000e+03;
	v33 =	vtrunc.f32 v37;
	v37 =	vtrunc.f32 v38;
	[tilespmem:v34+s25+$0x0] =	vst.idx.add.f32.msk $0xffff, v2  }
0x546: {  	v34 =	vtrunc.f32 v39;
	v29 =	vtrunc.f32 v29;
	[tilespmem:v30+s25+$0x0] =	vst.idx.add.f32.msk $0xffff, v2;
	v30 =	vor.u32 v1, v31  }
0x547: {  	v38 =	vtrunc.f32 v24;
	v31 =	vtrunc.f32 v23;
	v23 =	vor.u32 v1, v28  }
0x548: {  	v25 =	vtrunc.f32 v25;
	v24 =	vor.u32 v1, v32;
	v28 =	vtrunc.f32 v43  }
0x549: {  	v27 =	vor.u32 v1, v27;
	v26 =	vtrunc.f32 v26;
	v32 =	vtrunc.f32 v44  }
0x54a: {  	v36 =	vtrunc.f32 v36;
	v39 =	vtrunc.f32 v40;
	v40 =	vor.u32 v1, v22  }
0x54b: {  	v22 =	vtrunc.f32 v41;
	v41 =	vor.u32 v1, v21;
	v43 =	vtrunc.f32 v35;
	[tilespmem:v30+s25+$0x0] =	vst.idx.add.f32.msk $0xffff, v2  }
0x54c: {  	v21 =	vtrunc.f32 v42;
	v29 =	vcvt.f32.s32 v29;
	[tilespmem:v23+s25+$0x0] =	vst.idx.add.f32.msk $0xffff, v2  }
0x54d: {  	v30 =	vcvt.f32.s32 v33;
	v33 =	vcvt.f32.s32 v37;
	[tilespmem:v24+s25+$0x0] =	vst.idx.add.f32.msk $0xffff, v2  }
.Ltmp25:
0x54e: {  	v42 =	vcvt.f32.s32 v31;
	v37 =	vcvt.f32.s32 v34;
	v23 =	vshll.u32 v29, $0x4;
	[tilespmem:v27+s25+$0x0] =	vst.idx.add.f32.msk $0xffff, v2;
	(pc) =	sbr.rel @p0 .LBB2_52-.Ltmp25, $4  }
0x54f: {  	v35 =	vcvt.f32.s32 v38;
	v29 =	vcvt.f32.s32 v25;
	v24 =	vshll.u32 v30, $0x4;
	[tilespmem:v40+s25+$0x0] =	vst.idx.add.f32.msk $0xffff, v2  }
0x550: {  	v34 =	vcvt.f32.s32 v28;
	v25 =	vshll.u32 v33, $0x4;
	v30 =	vcvt.f32.s32 v26;
	[tilespmem:v41+s25+$0x0] =	vst.idx.add.f32.msk $0xffff, v2  }
0x551: {  	v31 =	vcvt.f32.s32 v32;
	v28 =	vcvt.f32.s32 v36;
	v26 =	vshll.u32 v37, $0x4  }
0x552: {  	s0 =	sadd.s32 $0x200, s0;
	v32 =	vcvt.f32.s32 v39;
	v33 =	vshll.u32 v42, $0x4;
	v27 =	vcvt.f32.s32 v43  }
0x553: {  	v23 =	vor.u32 v1, v23  }
0x554: {  	v24 =	vor.u32 v1, v24  }
0x555: {  	v25 =	vor.u32 v1, v25  }
0x556: {  	v26 =	vor.u32 v1, v26  }
0x557: {  	v35 =	vshll.u32 v35, $0x4;
	v33 =	vor.u32 v1, v33  }
0x558: {  	v29 =	vshll.u32 v29, $0x4;
	v22 =	vcvt.f32.s32 v22;
	v35 =	vor.u32 v1, v35;
	[tilespmem:v23+s25+$0x0] =	vst.idx.add.f32.msk $0xffff, v2  }
0x559: {  	v62 =	vshll.u32 v28, $0x4;
	v29 =	vor.u32 v1, v29;
	v63 =	vshll.u32 v32, $0x4;
	[tilespmem:v24+s25+$0x0] =	vst.idx.add.f32.msk $0xffff, v2  }
0x55a: {  	v21 =	vcvt.f32.s32 v21;
	v28 =	vor.u32 v1, v63;
	v22 =	vshll.u32 v22, $0x4;
	[tilespmem:v25+s25+$0x0] =	vst.idx.add.f32.msk $0xffff, v2  }
0x55b: {  	v22 =	vor.u32 v1, v22;
	v23 =	vshll.u32 v34, $0x4;
	[tilespmem:v26+s25+$0x0] =	vst.idx.add.f32.msk $0xffff, v2  }
0x55c: {  	v21 =	vshll.u32 v21, $0x4;
	[tilespmem:v33+s25+$0x0] =	vst.idx.add.f32.msk $0xffff, v2;
	v23 =	vor.u32 v1, v23  }
0x55d: {  	v60 =	vshll.u32 v30, $0x4;
	v21 =	vor.u32 v1, v21;
	[tilespmem:v35+s25+$0x0] =	vst.idx.add.f32.msk $0xffff, v2  }
0x55e: {  	v61 =	vshll.u32 v31, $0x4;
	v24 =	vor.u32 v1, v60;
	[tilespmem:v29+s25+$0x0] =	vst.idx.add.f32.msk $0xffff, v2  }
0x55f: {  	v25 =	vor.u32 v1, v61;
	[tilespmem:v28+s25+$0x0] =	vst.idx.add.f32.msk $0xffff, v2  }
0x560: {  	v27 =	vshll.u32 v27, $0x4;
	v26 =	vor.u32 v1, v62;
	[tilespmem:v22+s25+$0x0] =	vst.idx.add.f32.msk $0xffff, v2  }
0x561: {  	[tilespmem:v23+s25+$0x0] =	vst.idx.add.f32.msk $0xffff, v2;
	v23 =	vor.u32 v1, v27  }
0x562: {  	[tilespmem:v21+s25+$0x0] =	vst.idx.add.f32.msk $0xffff, v2  }
0x563: {  	[tilespmem:v24+s25+$0x0] =	vst.idx.add.f32.msk $0xffff, v2  }
0x564: {  	[tilespmem:v25+s25+$0x0] =	vst.idx.add.f32.msk $0xffff, v2  }
0x565: {  	s0 =	simm.s32 $0x80;
	[tilespmem:v26+s25+$0x0] =	vst.idx.add.f32.msk $0xffff, v2  }
0x566: {  	s1 =	simm.s32 $0x10;
	s22 =	sadd.s32 $0x0, s17;
	s2 =	simm.s32 $0x180;
	[tilespmem:v23+s25+$0x0] =	vst.idx.add.f32.msk $0xffff, v2  }
.LBB2_54:
0x567: {  	[tilespmem:s0], [sflag:$0x2] =	stream.linear.gather [hbm4b:s22+s3], $0x80, $0x38;
	[tilespmem:$0x18900] =	vst v63  }
0x568: {  	s22 =	smov.u32 s1;
	s0 =	smov.u32 s2;
	p0 =	sne.s32 s1, $0xFF0  }
.Ltmp26:
0x569: {  	s1 =	sadd.s32 $0x10, s1;
	(pc) =	sbr.rel @p0 .LBB2_54-.Ltmp26, $2  }
0x56a: {  	_ =	sdelay $0x2  }
0x56b: {  	s2 =	sadd.s32 $0x100, s2;
	s22 =	sadd.s32 s22, s17  }
0x56c: {  	[tilespmem:s0], [sflag:$0x2] =	stream.linear.gather [hbm4b:s22+s3], $0x80, $0x38;
	[tilespmem:$0x18900] =	vst v63  }
0x56d: {  	_ =	swait.ge [sflag:s24], $0x8000  }
0x56e: {  	[sflag:s24] =	ssyncset.done $0x0  }
0x56f: {  	s22 =	simm.s32 $0x100;
	[sflag:s24] =	ssyncadd.s32 $0xFFFF8000  }
0x570: {  	v21 =	vld [tilespmem:s22+$0x70]  }
0x571: {  	v22 =	vld [tilespmem:s22+$0xFFFFFF10]  }
0x572: {  	v23 =	vld [tilespmem:s22+$0xFFFFFF20]  }
0x573: {  	v24 =	vld [tilespmem:s22+$0xFFFFFF30]  }
0x574: {  	v25 =	vld [tilespmem:s22+$0xFFFFFF40]  }
0x575: {  	v26 =	vld [tilespmem:s22+$0xFFFFFF50]  }
0x576: {  	v27 =	vld [tilespmem:s22+$0xFFFFFF60]  }
0x577: {  	v28 =	vld [tilespmem:s22+$0xFFFFFF70]  }
0x578: {  	v29 =	vld [tilespmem:s22+$0x0]  }
0x579: {  	v30 =	vld [tilespmem:s22+$0x10]  }
0x57a: {  	v31 =	vld [tilespmem:s22+$0x20];
	v21 =	vmul.f32 v21, v19;
	v22 =	vmul.f32 v22, v19  }
0x57b: {  	v32 =	vld [tilespmem:s22+$0x30];
	v23 =	vmul.f32 v23, v19;
	v24 =	vmul.f32 v24, v19  }
0x57c: {  	v33 =	vld [tilespmem:s22+$0x40];
	v25 =	vmul.f32 v25, v19;
	v26 =	vmul.f32 v26, v19  }
0x57d: {  	v34 =	vld [tilespmem:s22+$0xFFFFFF00];
	v27 =	vmul.f32 v27, v19;
	v28 =	vmul.f32 v28, v19  }
0x57e: {  	v35 =	vld [tilespmem:s22+$0x50];
	v29 =	vmul.f32 v29, v19;
	v30 =	vmul.f32 v30, v19;
	v21 =	vadd.f32 v21, v20  }
0x57f: {  	v36 =	vld [tilespmem:s22+$0x60];
	v31 =	vmul.f32 v31, v19;
	v22 =	vadd.f32 v22, v20;
	v23 =	vadd.f32 v23, v20  }
0x580: {  	v32 =	vmul.f32 v32, v19;
	v24 =	vadd.f32 v24, v20;
	v25 =	vadd.f32 v25, v20  }
0x581: {  	v33 =	vmul.f32 v33, v19;
	v26 =	vadd.f32 v26, v20;
	v27 =	vadd.f32 v27, v20  }
0x582: {  	v34 =	vmul.f32 v34, v19;
	v28 =	vadd.f32 v28, v20;
	v29 =	vadd.f32 v29, v20  }
0x583: {  	v35 =	vmul.f32 v35, v19;
	v30 =	vadd.f32 v30, v20;
	v31 =	vadd.f32 v31, v20  }
0x584: {  	v36 =	vmul.f32 v36, v19;
	v32 =	vadd.f32 v32, v20;
	v33 =	vadd.f32 v33, v20  }
0x585: {  	v34 =	vadd.f32 v34, v20;
	v21 =	vmin.f32 v21, $2.047000000e+03;
	v22 =	vmin.f32 v22, $2.047000000e+03  }
0x586: {  	v23 =	vmin.f32 v23, $2.047000000e+03;
	v24 =	vmin.f32 v24, $2.047000000e+03;
	v25 =	vmin.f32 v25, $2.047000000e+03  }
0x587: {  	v26 =	vmin.f32 v26, $2.047000000e+03;
	v27 =	vmin.f32 v27, $2.047000000e+03;
	v28 =	vmin.f32 v28, $2.047000000e+03  }
0x588: {  	v34 =	vmin.f32 v34, $2.047000000e+03;
	v21 =	vtrunc.f32 v21;
	v37 =	vtrunc.f32 v22  }
0x589: {  	v29 =	vmin.f32 v29, $2.047000000e+03;
	v23 =	vtrunc.f32 v23;
	v34 =	vtrunc.f32 v34  }
0x58a: {  	v30 =	vmin.f32 v30, $2.047000000e+03;
	v24 =	vtrunc.f32 v24;
	v25 =	vtrunc.f32 v25  }
0x58b: {  	v31 =	vmin.f32 v31, $2.047000000e+03;
	v26 =	vtrunc.f32 v26;
	v27 =	vtrunc.f32 v27  }
0x58c: {  	v32 =	vmin.f32 v32, $2.047000000e+03;
	v28 =	vtrunc.f32 v28;
	v61 =	vtrunc.f32 v29  }
0x58d: {  	v33 =	vmin.f32 v33, $2.047000000e+03;
	v38 =	vtrunc.f32 v30;
	v39 =	vtrunc.f32 v31  }
0x58e: {  	v35 =	vadd.f32 v35, v20;
	v32 =	vtrunc.f32 v32;
	v40 =	vtrunc.f32 v33  }
0x58f: {  	v22 =	vadd.f32 v36, v20;
	v21 =	vcvt.f32.s32 v21;
	v31 =	vcvt.f32.s32 v34  }
0x590: {  	v29 =	vmin.f32 v35, $2.047000000e+03;
	v63 =	vcvt.f32.s32 v25;
	v35 =	vcvt.f32.s32 v26  }
0x591: {  	v30 =	vmin.f32 v22, $2.047000000e+03;
	v22 =	vtrunc.f32 v29;
	v29 =	vshll.u32 v21, $0x4  }
0x592: {  	v34 =	vcvt.f32.s32 v28;
	v28 =	vcvt.f32.s32 v39;
	v62 =	vor.u32 v1, v29  }
0x593: {  	v21 =	vtrunc.f32 v30;
	v30 =	vcvt.f32.s32 v23  }
0x594: {  	v32 =	vcvt.f32.s32 v32;
	v23 =	vshll.u32 v31, $0x4;
	v31 =	vcvt.f32.s32 v24  }
0x595: {  	v33 =	vshll.u32 v63, $0x4;
	v29 =	vcvt.f32.s32 v37;
	v25 =	vshll.u32 v30, $0x4  }
0x596: {  	v30 =	vcvt.f32.s32 v61;
	v26 =	vshll.u32 v31, $0x4;
	v31 =	vcvt.f32.s32 v38  }
0x597: {  	s1 =	simm.s32 $0x0;
	s0 =	simm.s32 $0x300;
	v24 =	vshll.u32 v29, $0x4;
	v29 =	vcvt.f32.s32 v27;
	v27 =	vcvt.f32.s32 v40;
	[tilespmem:v62+s25+$0x0] =	vst.idx.add.f32.msk $0xffff, v2  }
.LBB2_56:
0x598: {  	v36 =	vld [tilespmem:s0+$0x70];
	s1 =	sadd.s32 $0x10, s1;
	v35 =	vshll.u32 v35, $0x4;
	v22 =	vcvt.f32.s32 v22;
	v21 =	vcvt.f32.s32 v21  }
0x599: {  	v29 =	vshll.u32 v29, $0x4;
	v34 =	vshll.u32 v34, $0x4;
	v30 =	vshll.u32 v30, $0x4;
	v37 =	vld [tilespmem:s0+$0xFFFFFF10];
	p0 =	slt.u32 s1, $0x7F0  }
0x59a: {  	v31 =	vshll.u32 v31, $0x4;
	v28 =	vshll.u32 v28, $0x4;
	v32 =	vshll.u32 v32, $0x4;
	v38 =	vld [tilespmem:s0+$0xFFFFFF20]  }
0x59b: {  	v27 =	vshll.u32 v27, $0x4;
	v22 =	vshll.u32 v22, $0x4;
	v21 =	vshll.u32 v21, $0x4;
	v39 =	vld [tilespmem:s0+$0xFFFFFF30]  }
0x59c: {  	v23 =	vor.u32 v1, v23;
	v24 =	vor.u32 v1, v24;
	v25 =	vor.u32 v1, v25;
	v40 =	vld [tilespmem:s0+$0xFFFFFF40]  }
0x59d: {  	v26 =	vor.u32 v1, v26;
	v33 =	vor.u32 v1, v33;
	v41 =	vld [tilespmem:s0+$0xFFFFFF50];
	v36 =	vmul.f32 v36, v19  }
0x59e: {  	v35 =	vor.u32 v1, v35;
	v29 =	vor.u32 v1, v29;
	v37 =	vmul.f32 v37, v19;
	v42 =	vld [tilespmem:s0+$0xFFFFFF60]  }
0x59f: {  	v34 =	vor.u32 v1, v34;
	v38 =	vmul.f32 v38, v19;
	v43 =	vld [tilespmem:s0+$0xFFFFFF70];
	v36 =	vadd.f32 v36, v20  }
0x5a0: {  	v30 =	vor.u32 v1, v30;
	v37 =	vadd.f32 v37, v20;
	v39 =	vmul.f32 v39, v19;
	v44 =	vld [tilespmem:s0+$0x0]  }
0x5a1: {  	v38 =	vadd.f32 v38, v20;
	v40 =	vmul.f32 v40, v19;
	v45 =	vld [tilespmem:s0+$0x10];
	v36 =	vmin.f32 v36, $2.047000000e+03  }
0x5a2: {  	v39 =	vadd.f32 v39, v20;
	v41 =	vmul.f32 v41, v19;
	v46 =	vld [tilespmem:s0+$0x20];
	v36 =	vtrunc.f32 v36  }
0x5a3: {  	v40 =	vadd.f32 v40, v20;
	v42 =	vmul.f32 v42, v19;
	v47 =	vld [tilespmem:s0+$0x30];
	v36 =	vcvt.f32.s32 v36  }
0x5a4: {  	v37 =	vmin.f32 v37, $2.047000000e+03;
	v41 =	vadd.f32 v41, v20;
	v43 =	vmul.f32 v43, v19;
	v48 =	vld [tilespmem:s0+$0x40]  }
0x5a5: {  	v42 =	vadd.f32 v42, v20;
	v44 =	vmul.f32 v44, v19;
	v49 =	vld [tilespmem:s0+$0x50];
	v36 =	vshll.u32 v36, $0x4  }
0x5a6: {  	v43 =	vadd.f32 v43, v20;
	v45 =	vmul.f32 v45, v19;
	v50 =	vld [tilespmem:s0+$0x60];
	v36 =	vor.u32 v1, v36  }
0x5a7: {  	v38 =	vmin.f32 v38, $2.047000000e+03;
	v51 =	vld [tilespmem:s0+$0xFFFFFF00];
	v44 =	vadd.f32 v44, v20;
	v46 =	vmul.f32 v46, v19  }
0x5a8: {  	v39 =	vmin.f32 v39, $2.047000000e+03;
	v45 =	vadd.f32 v45, v20;
	v47 =	vmul.f32 v47, v19;
	[tilespmem:v23+s25+$0x0] =	vst.idx.add.f32.msk $0xffff, v2  }
0x5a9: {  	v23 =	vmin.f32 v40, $2.047000000e+03;
	v40 =	vadd.f32 v46, v20;
	v46 =	vmul.f32 v48, v19;
	[tilespmem:v24+s25+$0x0] =	vst.idx.add.f32.msk $0xffff, v2  }
0x5aa: {  	v24 =	vmin.f32 v41, $2.047000000e+03;
	v41 =	vadd.f32 v47, v20;
	v47 =	vmul.f32 v49, v19;
	[tilespmem:v25+s25+$0x0] =	vst.idx.add.f32.msk $0xffff, v2  }
0x5ab: {  	v25 =	vmin.f32 v42, $2.047000000e+03;
	v42 =	vadd.f32 v46, v20;
	v46 =	vmul.f32 v50, v19;
	[tilespmem:v36+s25+$0x0] =	vst.idx.add.f32.msk $0xffff, v2  }
0x5ac: {  	v43 =	vmin.f32 v43, $2.047000000e+03;
	v36 =	vmul.f32 v51, v19;
	v47 =	vadd.f32 v47, v20;
	[tilespmem:v26+s25+$0x0] =	vst.idx.add.f32.msk $0xffff, v2  }
0x5ad: {  	v26 =	vmin.f32 v44, $2.047000000e+03;
	v44 =	vmin.f32 v45, $2.047000000e+03;
	v45 =	vadd.f32 v46, v20;
	[tilespmem:v33+s25+$0x0] =	vst.idx.add.f32.msk $0xffff, v2  }
0x5ae: {  	v33 =	vadd.f32 v36, v20;
	v36 =	vmin.f32 v40, $2.047000000e+03;
	v40 =	vmin.f32 v41, $2.047000000e+03;
	[tilespmem:v35+s25+$0x0] =	vst.idx.add.f32.msk $0xffff, v2  }
0x5af: {  	v35 =	vmin.f32 v42, $2.047000000e+03;
	v41 =	vmin.f32 v47, $2.047000000e+03;
	v42 =	vmin.f32 v45, $2.047000000e+03;
	[tilespmem:v29+s25+$0x0] =	vst.idx.add.f32.msk $0xffff, v2  }
0x5b0: {  	v29 =	vmin.f32 v33, $2.047000000e+03;
	v33 =	vtrunc.f32 v37;
	v37 =	vtrunc.f32 v38;
	[tilespmem:v34+s25+$0x0] =	vst.idx.add.f32.msk $0xffff, v2  }
0x5b1: {  	v34 =	vtrunc.f32 v39;
	v29 =	vtrunc.f32 v29;
	[tilespmem:v30+s25+$0x0] =	vst.idx.add.f32.msk $0xffff, v2;
	v30 =	vor.u32 v1, v31  }
0x5b2: {  	v38 =	vtrunc.f32 v24;
	v31 =	vtrunc.f32 v23;
	v23 =	vor.u32 v1, v28  }
0x5b3: {  	v25 =	vtrunc.f32 v25;
	v24 =	vor.u32 v1, v32;
	v28 =	vtrunc.f32 v43  }
0x5b4: {  	v27 =	vor.u32 v1, v27;
	v26 =	vtrunc.f32 v26;
	v32 =	vtrunc.f32 v44  }
0x5b5: {  	v36 =	vtrunc.f32 v36;
	v39 =	vtrunc.f32 v40;
	v40 =	vor.u32 v1, v22  }
0x5b6: {  	v22 =	vtrunc.f32 v41;
	v41 =	vor.u32 v1, v21;
	v43 =	vtrunc.f32 v35;
	[tilespmem:v30+s25+$0x0] =	vst.idx.add.f32.msk $0xffff, v2  }
0x5b7: {  	v21 =	vtrunc.f32 v42;
	v29 =	vcvt.f32.s32 v29;
	[tilespmem:v23+s25+$0x0] =	vst.idx.add.f32.msk $0xffff, v2  }
0x5b8: {  	v30 =	vcvt.f32.s32 v33;
	v33 =	vcvt.f32.s32 v37;
	[tilespmem:v24+s25+$0x0] =	vst.idx.add.f32.msk $0xffff, v2  }
.Ltmp27:
0x5b9: {  	v42 =	vcvt.f32.s32 v31;
	v37 =	vcvt.f32.s32 v34;
	v23 =	vshll.u32 v29, $0x4;
	[tilespmem:v27+s25+$0x0] =	vst.idx.add.f32.msk $0xffff, v2;
	(pc) =	sbr.rel @p0 .LBB2_56-.Ltmp27, $4  }
0x5ba: {  	v35 =	vcvt.f32.s32 v38;
	v29 =	vcvt.f32.s32 v25;
	v24 =	vshll.u32 v30, $0x4;
	[tilespmem:v40+s25+$0x0] =	vst.idx.add.f32.msk $0xffff, v2  }
0x5bb: {  	v34 =	vcvt.f32.s32 v28;
	v25 =	vshll.u32 v33, $0x4;
	v30 =	vcvt.f32.s32 v26;
	[tilespmem:v41+s25+$0x0] =	vst.idx.add.f32.msk $0xffff, v2  }
0x5bc: {  	v31 =	vcvt.f32.s32 v32;
	v28 =	vcvt.f32.s32 v36;
	v26 =	vshll.u32 v37, $0x4  }
0x5bd: {  	s0 =	sadd.s32 $0x200, s0;
	v32 =	vcvt.f32.s32 v39;
	v33 =	vshll.u32 v42, $0x4;
	v27 =	vcvt.f32.s32 v43  }
0x5be: {  	v23 =	vor.u32 v1, v23  }
0x5bf: {  	v24 =	vor.u32 v1, v24  }
0x5c0: {  	v25 =	vor.u32 v1, v25  }
0x5c1: {  	v26 =	vor.u32 v1, v26  }
0x5c2: {  	v35 =	vshll.u32 v35, $0x4;
	v33 =	vor.u32 v1, v33  }
0x5c3: {  	v29 =	vshll.u32 v29, $0x4;
	v22 =	vcvt.f32.s32 v22;
	v35 =	vor.u32 v1, v35;
	[tilespmem:v23+s25+$0x0] =	vst.idx.add.f32.msk $0xffff, v2  }
0x5c4: {  	v62 =	vshll.u32 v28, $0x4;
	v29 =	vor.u32 v1, v29;
	v63 =	vshll.u32 v32, $0x4;
	[tilespmem:v24+s25+$0x0] =	vst.idx.add.f32.msk $0xffff, v2  }
0x5c5: {  	v21 =	vcvt.f32.s32 v21;
	v28 =	vor.u32 v1, v63;
	v22 =	vshll.u32 v22, $0x4;
	[tilespmem:v25+s25+$0x0] =	vst.idx.add.f32.msk $0xffff, v2  }
0x5c6: {  	v22 =	vor.u32 v1, v22;
	v23 =	vshll.u32 v34, $0x4;
	[tilespmem:v26+s25+$0x0] =	vst.idx.add.f32.msk $0xffff, v2  }
0x5c7: {  	v21 =	vshll.u32 v21, $0x4;
	[tilespmem:v33+s25+$0x0] =	vst.idx.add.f32.msk $0xffff, v2;
	v23 =	vor.u32 v1, v23  }
0x5c8: {  	v60 =	vshll.u32 v30, $0x4;
	v21 =	vor.u32 v1, v21;
	[tilespmem:v35+s25+$0x0] =	vst.idx.add.f32.msk $0xffff, v2  }
0x5c9: {  	v61 =	vshll.u32 v31, $0x4;
	v24 =	vor.u32 v1, v60;
	[tilespmem:v29+s25+$0x0] =	vst.idx.add.f32.msk $0xffff, v2  }
0x5ca: {  	v25 =	vor.u32 v1, v61;
	[tilespmem:v28+s25+$0x0] =	vst.idx.add.f32.msk $0xffff, v2  }
0x5cb: {  	v27 =	vshll.u32 v27, $0x4;
	v26 =	vor.u32 v1, v62;
	[tilespmem:v22+s25+$0x0] =	vst.idx.add.f32.msk $0xffff, v2  }
0x5cc: {  	[tilespmem:v23+s25+$0x0] =	vst.idx.add.f32.msk $0xffff, v2;
	v23 =	vor.u32 v1, v27  }
0x5cd: {  	[tilespmem:v21+s25+$0x0] =	vst.idx.add.f32.msk $0xffff, v2  }
0x5ce: {  	[tilespmem:v24+s25+$0x0] =	vst.idx.add.f32.msk $0xffff, v2  }
0x5cf: {  	[tilespmem:v25+s25+$0x0] =	vst.idx.add.f32.msk $0xffff, v2  }
0x5d0: {  	s0 =	simm.s32 $0x0;
	[tilespmem:v26+s25+$0x0] =	vst.idx.add.f32.msk $0xffff, v2  }
0x5d1: {  	s1 =	simm.s32 $0x10;
	s22 =	sadd.s32 $0x0, s18;
	s2 =	simm.s32 $0x100;
	[tilespmem:v23+s25+$0x0] =	vst.idx.add.f32.msk $0xffff, v2  }
.LBB2_58:
0x5d2: {  	[tilespmem:s0], [sflag:$0x1] =	stream.linear.gather [hbm4b:s22+s3], $0x80, $0x38;
	[tilespmem:$0x18900] =	vst v63  }
0x5d3: {  	s22 =	smov.u32 s1;
	s0 =	smov.u32 s2;
	p0 =	sne.s32 s1, $0xFF0  }
.Ltmp28:
0x5d4: {  	s1 =	sadd.s32 $0x10, s1;
	(pc) =	sbr.rel @p0 .LBB2_58-.Ltmp28, $2  }
0x5d5: {  	_ =	sdelay $0x2  }
0x5d6: {  	s2 =	sadd.s32 $0x100, s2;
	s22 =	sadd.s32 s22, s18  }
0x5d7: {  	[tilespmem:s0], [sflag:$0x1] =	stream.linear.gather [hbm4b:s22+s3], $0x80, $0x38;
	[tilespmem:$0x18900] =	vst v63  }
0x5d8: {  	_ =	swait.ge [sflag:s26], $0x8000  }
0x5d9: {  	[sflag:s26] =	ssyncset.done $0x0  }
0x5da: {  	s22 =	simm.s32 $0x180;
	[sflag:s26] =	ssyncadd.s32 $0xFFFF8000  }
0x5db: {  	v21 =	vld [tilespmem:s22+$0x70]  }
0x5dc: {  	v22 =	vld [tilespmem:s22+$0xFFFFFF10]  }
0x5dd: {  	v23 =	vld [tilespmem:s22+$0xFFFFFF20]  }
0x5de: {  	v24 =	vld [tilespmem:s22+$0xFFFFFF30]  }
0x5df: {  	v25 =	vld [tilespmem:s22+$0xFFFFFF40]  }
0x5e0: {  	v26 =	vld [tilespmem:s22+$0xFFFFFF50]  }
0x5e1: {  	v27 =	vld [tilespmem:s22+$0xFFFFFF60]  }
0x5e2: {  	v28 =	vld [tilespmem:s22+$0xFFFFFF70]  }
0x5e3: {  	v29 =	vld [tilespmem:s22+$0x0]  }
0x5e4: {  	v30 =	vld [tilespmem:s22+$0x10]  }
0x5e5: {  	v31 =	vld [tilespmem:s22+$0x20];
	v21 =	vmul.f32 v21, v19;
	v22 =	vmul.f32 v22, v19  }
0x5e6: {  	v32 =	vld [tilespmem:s22+$0x30];
	v23 =	vmul.f32 v23, v19;
	v24 =	vmul.f32 v24, v19  }
0x5e7: {  	v33 =	vld [tilespmem:s22+$0x40];
	v25 =	vmul.f32 v25, v19;
	v26 =	vmul.f32 v26, v19  }
0x5e8: {  	v34 =	vld [tilespmem:s22+$0xFFFFFF00];
	v27 =	vmul.f32 v27, v19;
	v28 =	vmul.f32 v28, v19  }
0x5e9: {  	v35 =	vld [tilespmem:s22+$0x50];
	v29 =	vmul.f32 v29, v19;
	v30 =	vmul.f32 v30, v19;
	v21 =	vadd.f32 v21, v20  }
0x5ea: {  	v36 =	vld [tilespmem:s22+$0x60];
	v31 =	vmul.f32 v31, v19;
	v22 =	vadd.f32 v22, v20;
	v23 =	vadd.f32 v23, v20  }
0x5eb: {  	v32 =	vmul.f32 v32, v19;
	v24 =	vadd.f32 v24, v20;
	v25 =	vadd.f32 v25, v20  }
0x5ec: {  	v33 =	vmul.f32 v33, v19;
	v26 =	vadd.f32 v26, v20;
	v27 =	vadd.f32 v27, v20  }
0x5ed: {  	v34 =	vmul.f32 v34, v19;
	v28 =	vadd.f32 v28, v20;
	v29 =	vadd.f32 v29, v20  }
0x5ee: {  	v35 =	vmul.f32 v35, v19;
	v30 =	vadd.f32 v30, v20;
	v31 =	vadd.f32 v31, v20  }
0x5ef: {  	v36 =	vmul.f32 v36, v19;
	v32 =	vadd.f32 v32, v20;
	v33 =	vadd.f32 v33, v20  }
0x5f0: {  	v34 =	vadd.f32 v34, v20;
	v21 =	vmin.f32 v21, $2.047000000e+03;
	v22 =	vmin.f32 v22, $2.047000000e+03  }
0x5f1: {  	v23 =	vmin.f32 v23, $2.047000000e+03;
	v24 =	vmin.f32 v24, $2.047000000e+03;
	v25 =	vmin.f32 v25, $2.047000000e+03  }
0x5f2: {  	v26 =	vmin.f32 v26, $2.047000000e+03;
	v27 =	vmin.f32 v27, $2.047000000e+03;
	v28 =	vmin.f32 v28, $2.047000000e+03  }
0x5f3: {  	v34 =	vmin.f32 v34, $2.047000000e+03;
	v21 =	vtrunc.f32 v21;
	v37 =	vtrunc.f32 v22  }
0x5f4: {  	v29 =	vmin.f32 v29, $2.047000000e+03;
	v23 =	vtrunc.f32 v23;
	v34 =	vtrunc.f32 v34  }
0x5f5: {  	v30 =	vmin.f32 v30, $2.047000000e+03;
	v24 =	vtrunc.f32 v24;
	v25 =	vtrunc.f32 v25  }
0x5f6: {  	v31 =	vmin.f32 v31, $2.047000000e+03;
	v26 =	vtrunc.f32 v26;
	v27 =	vtrunc.f32 v27  }
0x5f7: {  	v32 =	vmin.f32 v32, $2.047000000e+03;
	v28 =	vtrunc.f32 v28;
	v61 =	vtrunc.f32 v29  }
0x5f8: {  	v33 =	vmin.f32 v33, $2.047000000e+03;
	v38 =	vtrunc.f32 v30;
	v39 =	vtrunc.f32 v31  }
0x5f9: {  	v35 =	vadd.f32 v35, v20;
	v32 =	vtrunc.f32 v32;
	v40 =	vtrunc.f32 v33  }
0x5fa: {  	v22 =	vadd.f32 v36, v20;
	v21 =	vcvt.f32.s32 v21;
	v31 =	vcvt.f32.s32 v34  }
0x5fb: {  	v29 =	vmin.f32 v35, $2.047000000e+03;
	v63 =	vcvt.f32.s32 v25;
	v35 =	vcvt.f32.s32 v26  }
0x5fc: {  	v30 =	vmin.f32 v22, $2.047000000e+03;
	v22 =	vtrunc.f32 v29;
	v29 =	vshll.u32 v21, $0x4  }
0x5fd: {  	v34 =	vcvt.f32.s32 v28;
	v28 =	vcvt.f32.s32 v39;
	v62 =	vor.u32 v1, v29  }
0x5fe: {  	v21 =	vtrunc.f32 v30;
	v30 =	vcvt.f32.s32 v23  }
0x5ff: {  	v32 =	vcvt.f32.s32 v32;
	v23 =	vshll.u32 v31, $0x4;
	v31 =	vcvt.f32.s32 v24  }
0x600: {  	v33 =	vshll.u32 v63, $0x4;
	v29 =	vcvt.f32.s32 v37;
	v25 =	vshll.u32 v30, $0x4  }
0x601: {  	v30 =	vcvt.f32.s32 v61;
	v26 =	vshll.u32 v31, $0x4;
	v31 =	vcvt.f32.s32 v38  }
0x602: {  	s1 =	simm.s32 $0x0;
	s0 =	simm.s32 $0x380;
	v24 =	vshll.u32 v29, $0x4;
	v29 =	vcvt.f32.s32 v27;
	v27 =	vcvt.f32.s32 v40;
	[tilespmem:v62+s25+$0x0] =	vst.idx.add.f32.msk $0xffff, v2  }
.LBB2_60:
0x603: {  	v36 =	vld [tilespmem:s0+$0x70];
	s1 =	sadd.s32 $0x10, s1;
	v35 =	vshll.u32 v35, $0x4;
	v22 =	vcvt.f32.s32 v22;
	v21 =	vcvt.f32.s32 v21  }
0x604: {  	v29 =	vshll.u32 v29, $0x4;
	v34 =	vshll.u32 v34, $0x4;
	v30 =	vshll.u32 v30, $0x4;
	v37 =	vld [tilespmem:s0+$0xFFFFFF10];
	p0 =	slt.u32 s1, $0x7F0  }
0x605: {  	v31 =	vshll.u32 v31, $0x4;
	v28 =	vshll.u32 v28, $0x4;
	v32 =	vshll.u32 v32, $0x4;
	v38 =	vld [tilespmem:s0+$0xFFFFFF20]  }
0x606: {  	v27 =	vshll.u32 v27, $0x4;
	v22 =	vshll.u32 v22, $0x4;
	v21 =	vshll.u32 v21, $0x4;
	v39 =	vld [tilespmem:s0+$0xFFFFFF30]  }
0x607: {  	v23 =	vor.u32 v1, v23;
	v24 =	vor.u32 v1, v24;
	v25 =	vor.u32 v1, v25;
	v40 =	vld [tilespmem:s0+$0xFFFFFF40]  }
0x608: {  	v26 =	vor.u32 v1, v26;
	v33 =	vor.u32 v1, v33;
	v41 =	vld [tilespmem:s0+$0xFFFFFF50];
	v36 =	vmul.f32 v36, v19  }
0x609: {  	v35 =	vor.u32 v1, v35;
	v29 =	vor.u32 v1, v29;
	v37 =	vmul.f32 v37, v19;
	v42 =	vld [tilespmem:s0+$0xFFFFFF60]  }
0x60a: {  	v34 =	vor.u32 v1, v34;
	v38 =	vmul.f32 v38, v19;
	v43 =	vld [tilespmem:s0+$0xFFFFFF70];
	v36 =	vadd.f32 v36, v20  }
0x60b: {  	v30 =	vor.u32 v1, v30;
	v37 =	vadd.f32 v37, v20;
	v39 =	vmul.f32 v39, v19;
	v44 =	vld [tilespmem:s0+$0x0]  }
0x60c: {  	v38 =	vadd.f32 v38, v20;
	v40 =	vmul.f32 v40, v19;
	v45 =	vld [tilespmem:s0+$0x10];
	v36 =	vmin.f32 v36, $2.047000000e+03  }
0x60d: {  	v39 =	vadd.f32 v39, v20;
	v41 =	vmul.f32 v41, v19;
	v46 =	vld [tilespmem:s0+$0x20];
	v36 =	vtrunc.f32 v36  }
0x60e: {  	v40 =	vadd.f32 v40, v20;
	v42 =	vmul.f32 v42, v19;
	v47 =	vld [tilespmem:s0+$0x30];
	v36 =	vcvt.f32.s32 v36  }
0x60f: {  	v37 =	vmin.f32 v37, $2.047000000e+03;
	v41 =	vadd.f32 v41, v20;
	v43 =	vmul.f32 v43, v19;
	v48 =	vld [tilespmem:s0+$0x40]  }
0x610: {  	v42 =	vadd.f32 v42, v20;
	v44 =	vmul.f32 v44, v19;
	v49 =	vld [tilespmem:s0+$0x50];
	v36 =	vshll.u32 v36, $0x4  }
0x611: {  	v43 =	vadd.f32 v43, v20;
	v45 =	vmul.f32 v45, v19;
	v50 =	vld [tilespmem:s0+$0x60];
	v36 =	vor.u32 v1, v36  }
0x612: {  	v38 =	vmin.f32 v38, $2.047000000e+03;
	v51 =	vld [tilespmem:s0+$0xFFFFFF00];
	v44 =	vadd.f32 v44, v20;
	v46 =	vmul.f32 v46, v19  }
0x613: {  	v39 =	vmin.f32 v39, $2.047000000e+03;
	v45 =	vadd.f32 v45, v20;
	v47 =	vmul.f32 v47, v19;
	[tilespmem:v23+s25+$0x0] =	vst.idx.add.f32.msk $0xffff, v2  }
0x614: {  	v23 =	vmin.f32 v40, $2.047000000e+03;
	v40 =	vadd.f32 v46, v20;
	v46 =	vmul.f32 v48, v19;
	[tilespmem:v24+s25+$0x0] =	vst.idx.add.f32.msk $0xffff, v2  }
0x615: {  	v24 =	vmin.f32 v41, $2.047000000e+03;
	v41 =	vadd.f32 v47, v20;
	v47 =	vmul.f32 v49, v19;
	[tilespmem:v25+s25+$0x0] =	vst.idx.add.f32.msk $0xffff, v2  }
0x616: {  	v25 =	vmin.f32 v42, $2.047000000e+03;
	v42 =	vadd.f32 v46, v20;
	v46 =	vmul.f32 v50, v19;
	[tilespmem:v36+s25+$0x0] =	vst.idx.add.f32.msk $0xffff, v2  }
0x617: {  	v43 =	vmin.f32 v43, $2.047000000e+03;
	v36 =	vmul.f32 v51, v19;
	v47 =	vadd.f32 v47, v20;
	[tilespmem:v26+s25+$0x0] =	vst.idx.add.f32.msk $0xffff, v2  }
0x618: {  	v26 =	vmin.f32 v44, $2.047000000e+03;
	v44 =	vmin.f32 v45, $2.047000000e+03;
	v45 =	vadd.f32 v46, v20;
	[tilespmem:v33+s25+$0x0] =	vst.idx.add.f32.msk $0xffff, v2  }
0x619: {  	v33 =	vadd.f32 v36, v20;
	v36 =	vmin.f32 v40, $2.047000000e+03;
	v40 =	vmin.f32 v41, $2.047000000e+03;
	[tilespmem:v35+s25+$0x0] =	vst.idx.add.f32.msk $0xffff, v2  }
0x61a: {  	v35 =	vmin.f32 v42, $2.047000000e+03;
	v41 =	vmin.f32 v47, $2.047000000e+03;
	v42 =	vmin.f32 v45, $2.047000000e+03;
	[tilespmem:v29+s25+$0x0] =	vst.idx.add.f32.msk $0xffff, v2  }
0x61b: {  	v29 =	vmin.f32 v33, $2.047000000e+03;
	v33 =	vtrunc.f32 v37;
	v37 =	vtrunc.f32 v38;
	[tilespmem:v34+s25+$0x0] =	vst.idx.add.f32.msk $0xffff, v2  }
0x61c: {  	v34 =	vtrunc.f32 v39;
	v29 =	vtrunc.f32 v29;
	[tilespmem:v30+s25+$0x0] =	vst.idx.add.f32.msk $0xffff, v2;
	v30 =	vor.u32 v1, v31  }
0x61d: {  	v38 =	vtrunc.f32 v24;
	v31 =	vtrunc.f32 v23;
	v23 =	vor.u32 v1, v28  }
0x61e: {  	v25 =	vtrunc.f32 v25;
	v24 =	vor.u32 v1, v32;
	v28 =	vtrunc.f32 v43  }
0x61f: {  	v27 =	vor.u32 v1, v27;
	v26 =	vtrunc.f32 v26;
	v32 =	vtrunc.f32 v44  }
0x620: {  	v36 =	vtrunc.f32 v36;
	v39 =	vtrunc.f32 v40;
	v40 =	vor.u32 v1, v22  }
0x621: {  	v22 =	vtrunc.f32 v41;
	v41 =	vor.u32 v1, v21;
	v43 =	vtrunc.f32 v35;
	[tilespmem:v30+s25+$0x0] =	vst.idx.add.f32.msk $0xffff, v2  }
0x622: {  	v21 =	vtrunc.f32 v42;
	v29 =	vcvt.f32.s32 v29;
	[tilespmem:v23+s25+$0x0] =	vst.idx.add.f32.msk $0xffff, v2  }
0x623: {  	v30 =	vcvt.f32.s32 v33;
	v33 =	vcvt.f32.s32 v37;
	[tilespmem:v24+s25+$0x0] =	vst.idx.add.f32.msk $0xffff, v2  }
.Ltmp29:
0x624: {  	v42 =	vcvt.f32.s32 v31;
	v37 =	vcvt.f32.s32 v34;
	v23 =	vshll.u32 v29, $0x4;
	[tilespmem:v27+s25+$0x0] =	vst.idx.add.f32.msk $0xffff, v2;
	(pc) =	sbr.rel @p0 .LBB2_60-.Ltmp29, $4  }
0x625: {  	v35 =	vcvt.f32.s32 v38;
	v29 =	vcvt.f32.s32 v25;
	v24 =	vshll.u32 v30, $0x4;
	[tilespmem:v40+s25+$0x0] =	vst.idx.add.f32.msk $0xffff, v2  }
0x626: {  	v34 =	vcvt.f32.s32 v28;
	v25 =	vshll.u32 v33, $0x4;
	v30 =	vcvt.f32.s32 v26;
	[tilespmem:v41+s25+$0x0] =	vst.idx.add.f32.msk $0xffff, v2  }
0x627: {  	v31 =	vcvt.f32.s32 v32;
	v28 =	vcvt.f32.s32 v36;
	v26 =	vshll.u32 v37, $0x4  }
0x628: {  	s0 =	sadd.s32 $0x200, s0;
	v32 =	vcvt.f32.s32 v39;
	v33 =	vshll.u32 v42, $0x4;
	v27 =	vcvt.f32.s32 v43  }
0x629: {  	v23 =	vor.u32 v1, v23  }
0x62a: {  	v24 =	vor.u32 v1, v24  }
0x62b: {  	v25 =	vor.u32 v1, v25  }
0x62c: {  	v26 =	vor.u32 v1, v26  }
0x62d: {  	v35 =	vshll.u32 v35, $0x4;
	v33 =	vor.u32 v1, v33  }
0x62e: {  	v29 =	vshll.u32 v29, $0x4;
	v22 =	vcvt.f32.s32 v22;
	v35 =	vor.u32 v1, v35;
	[tilespmem:v23+s25+$0x0] =	vst.idx.add.f32.msk $0xffff, v2  }
0x62f: {  	v62 =	vshll.u32 v28, $0x4;
	v29 =	vor.u32 v1, v29;
	v63 =	vshll.u32 v32, $0x4;
	[tilespmem:v24+s25+$0x0] =	vst.idx.add.f32.msk $0xffff, v2  }
0x630: {  	v21 =	vcvt.f32.s32 v21;
	v28 =	vor.u32 v1, v63;
	v22 =	vshll.u32 v22, $0x4;
	[tilespmem:v25+s25+$0x0] =	vst.idx.add.f32.msk $0xffff, v2  }
0x631: {  	v22 =	vor.u32 v1, v22;
	v23 =	vshll.u32 v34, $0x4;
	[tilespmem:v26+s25+$0x0] =	vst.idx.add.f32.msk $0xffff, v2  }
0x632: {  	v21 =	vshll.u32 v21, $0x4;
	[tilespmem:v33+s25+$0x0] =	vst.idx.add.f32.msk $0xffff, v2;
	v23 =	vor.u32 v1, v23  }
0x633: {  	v60 =	vshll.u32 v30, $0x4;
	v21 =	vor.u32 v1, v21;
	[tilespmem:v35+s25+$0x0] =	vst.idx.add.f32.msk $0xffff, v2  }
0x634: {  	v61 =	vshll.u32 v31, $0x4;
	v24 =	vor.u32 v1, v60;
	[tilespmem:v29+s25+$0x0] =	vst.idx.add.f32.msk $0xffff, v2  }
0x635: {  	v25 =	vor.u32 v1, v61;
	[tilespmem:v28+s25+$0x0] =	vst.idx.add.f32.msk $0xffff, v2  }
0x636: {  	v27 =	vshll.u32 v27, $0x4;
	v26 =	vor.u32 v1, v62;
	[tilespmem:v22+s25+$0x0] =	vst.idx.add.f32.msk $0xffff, v2  }
0x637: {  	[tilespmem:v23+s25+$0x0] =	vst.idx.add.f32.msk $0xffff, v2;
	v23 =	vor.u32 v1, v27  }
0x638: {  	[tilespmem:v21+s25+$0x0] =	vst.idx.add.f32.msk $0xffff, v2  }
0x639: {  	[tilespmem:v24+s25+$0x0] =	vst.idx.add.f32.msk $0xffff, v2  }
0x63a: {  	[tilespmem:v25+s25+$0x0] =	vst.idx.add.f32.msk $0xffff, v2  }
0x63b: {  	s0 =	simm.s32 $0x80;
	[tilespmem:v26+s25+$0x0] =	vst.idx.add.f32.msk $0xffff, v2  }
0x63c: {  	s1 =	simm.s32 $0x10;
	s22 =	sadd.s32 $0x0, s19;
	s2 =	simm.s32 $0x180;
	[tilespmem:v23+s25+$0x0] =	vst.idx.add.f32.msk $0xffff, v2  }
.LBB2_62:
0x63d: {  	[tilespmem:s0], [sflag:$0x2] =	stream.linear.gather [hbm4b:s22+s3], $0x80, $0x38;
	[tilespmem:$0x18900] =	vst v63  }
0x63e: {  	s22 =	smov.u32 s1;
	s0 =	smov.u32 s2;
	p0 =	sne.s32 s1, $0xFF0  }
.Ltmp30:
0x63f: {  	s1 =	sadd.s32 $0x10, s1;
	(pc) =	sbr.rel @p0 .LBB2_62-.Ltmp30, $2  }
0x640: {  	_ =	sdelay $0x2  }
0x641: {  	s2 =	sadd.s32 $0x100, s2;
	s22 =	sadd.s32 s22, s19  }
0x642: {  	[tilespmem:s0], [sflag:$0x2] =	stream.linear.gather [hbm4b:s22+s3], $0x80, $0x38;
	[tilespmem:$0x18900] =	vst v63  }
0x643: {  	_ =	swait.ge [sflag:s24], $0x8000  }
0x644: {  	[sflag:s24] =	ssyncset.done $0x0  }
0x645: {  	s22 =	simm.s32 $0x100;
	[sflag:s24] =	ssyncadd.s32 $0xFFFF8000  }
0x646: {  	v21 =	vld [tilespmem:s22+$0x70]  }
0x647: {  	v22 =	vld [tilespmem:s22+$0xFFFFFF10]  }
0x648: {  	v23 =	vld [tilespmem:s22+$0xFFFFFF20]  }
0x649: {  	v24 =	vld [tilespmem:s22+$0xFFFFFF30]  }
0x64a: {  	v25 =	vld [tilespmem:s22+$0xFFFFFF40]  }
0x64b: {  	v26 =	vld [tilespmem:s22+$0xFFFFFF50]  }
0x64c: {  	v27 =	vld [tilespmem:s22+$0xFFFFFF60]  }
0x64d: {  	v28 =	vld [tilespmem:s22+$0xFFFFFF70]  }
0x64e: {  	v29 =	vld [tilespmem:s22+$0x0]  }
0x64f: {  	v30 =	vld [tilespmem:s22+$0x10]  }
0x650: {  	v31 =	vld [tilespmem:s22+$0x20];
	v21 =	vmul.f32 v21, v19;
	v22 =	vmul.f32 v22, v19  }
0x651: {  	v32 =	vld [tilespmem:s22+$0x30];
	v23 =	vmul.f32 v23, v19;
	v24 =	vmul.f32 v24, v19  }
0x652: {  	v33 =	vld [tilespmem:s22+$0x40];
	v25 =	vmul.f32 v25, v19;
	v26 =	vmul.f32 v26, v19  }
0x653: {  	v34 =	vld [tilespmem:s22+$0xFFFFFF00];
	v27 =	vmul.f32 v27, v19;
	v28 =	vmul.f32 v28, v19  }
0x654: {  	v35 =	vld [tilespmem:s22+$0x50];
	v29 =	vmul.f32 v29, v19;
	v30 =	vmul.f32 v30, v19;
	v21 =	vadd.f32 v21, v20  }
0x655: {  	v36 =	vld [tilespmem:s22+$0x60];
	v31 =	vmul.f32 v31, v19;
	v22 =	vadd.f32 v22, v20;
	v23 =	vadd.f32 v23, v20  }
0x656: {  	v32 =	vmul.f32 v32, v19;
	v24 =	vadd.f32 v24, v20;
	v25 =	vadd.f32 v25, v20  }
0x657: {  	v33 =	vmul.f32 v33, v19;
	v26 =	vadd.f32 v26, v20;
	v27 =	vadd.f32 v27, v20  }
0x658: {  	v34 =	vmul.f32 v34, v19;
	v28 =	vadd.f32 v28, v20;
	v29 =	vadd.f32 v29, v20  }
0x659: {  	v35 =	vmul.f32 v35, v19;
	v30 =	vadd.f32 v30, v20;
	v31 =	vadd.f32 v31, v20  }
0x65a: {  	v36 =	vmul.f32 v36, v19;
	v32 =	vadd.f32 v32, v20;
	v33 =	vadd.f32 v33, v20  }
0x65b: {  	v34 =	vadd.f32 v34, v20;
	v21 =	vmin.f32 v21, $2.047000000e+03;
	v22 =	vmin.f32 v22, $2.047000000e+03  }
0x65c: {  	v23 =	vmin.f32 v23, $2.047000000e+03;
	v24 =	vmin.f32 v24, $2.047000000e+03;
	v25 =	vmin.f32 v25, $2.047000000e+03  }
0x65d: {  	v26 =	vmin.f32 v26, $2.047000000e+03;
	v27 =	vmin.f32 v27, $2.047000000e+03;
	v28 =	vmin.f32 v28, $2.047000000e+03  }
0x65e: {  	v34 =	vmin.f32 v34, $2.047000000e+03;
	v21 =	vtrunc.f32 v21;
	v37 =	vtrunc.f32 v22  }
0x65f: {  	v29 =	vmin.f32 v29, $2.047000000e+03;
	v23 =	vtrunc.f32 v23;
	v34 =	vtrunc.f32 v34  }
0x660: {  	v30 =	vmin.f32 v30, $2.047000000e+03;
	v24 =	vtrunc.f32 v24;
	v25 =	vtrunc.f32 v25  }
0x661: {  	v31 =	vmin.f32 v31, $2.047000000e+03;
	v26 =	vtrunc.f32 v26;
	v27 =	vtrunc.f32 v27  }
0x662: {  	v32 =	vmin.f32 v32, $2.047000000e+03;
	v28 =	vtrunc.f32 v28;
	v61 =	vtrunc.f32 v29  }
0x663: {  	v33 =	vmin.f32 v33, $2.047000000e+03;
	v38 =	vtrunc.f32 v30;
	v39 =	vtrunc.f32 v31  }
0x664: {  	v35 =	vadd.f32 v35, v20;
	v32 =	vtrunc.f32 v32;
	v40 =	vtrunc.f32 v33  }
0x665: {  	v22 =	vadd.f32 v36, v20;
	v21 =	vcvt.f32.s32 v21;
	v31 =	vcvt.f32.s32 v34  }
0x666: {  	v29 =	vmin.f32 v35, $2.047000000e+03;
	v63 =	vcvt.f32.s32 v25;
	v35 =	vcvt.f32.s32 v26  }
0x667: {  	v30 =	vmin.f32 v22, $2.047000000e+03;
	v22 =	vtrunc.f32 v29;
	v29 =	vshll.u32 v21, $0x4  }
0x668: {  	v34 =	vcvt.f32.s32 v28;
	v28 =	vcvt.f32.s32 v39;
	v62 =	vor.u32 v1, v29  }
0x669: {  	v21 =	vtrunc.f32 v30;
	v30 =	vcvt.f32.s32 v23  }
0x66a: {  	v32 =	vcvt.f32.s32 v32;
	v23 =	vshll.u32 v31, $0x4;
	v31 =	vcvt.f32.s32 v24  }
0x66b: {  	v33 =	vshll.u32 v63, $0x4;
	v29 =	vcvt.f32.s32 v37;
	v25 =	vshll.u32 v30, $0x4  }
0x66c: {  	v30 =	vcvt.f32.s32 v61;
	v26 =	vshll.u32 v31, $0x4;
	v31 =	vcvt.f32.s32 v38  }
0x66d: {  	s1 =	simm.s32 $0x0;
	s0 =	simm.s32 $0x300;
	v24 =	vshll.u32 v29, $0x4;
	v29 =	vcvt.f32.s32 v27;
	v27 =	vcvt.f32.s32 v40;
	[tilespmem:v62+s25+$0x0] =	vst.idx.add.f32.msk $0xffff, v2  }
.LBB2_64:
0x66e: {  	v36 =	vld [tilespmem:s0+$0x70];
	s1 =	sadd.s32 $0x10, s1;
	v35 =	vshll.u32 v35, $0x4;
	v22 =	vcvt.f32.s32 v22;
	v21 =	vcvt.f32.s32 v21  }
0x66f: {  	v29 =	vshll.u32 v29, $0x4;
	v34 =	vshll.u32 v34, $0x4;
	v30 =	vshll.u32 v30, $0x4;
	v37 =	vld [tilespmem:s0+$0xFFFFFF10];
	p0 =	slt.u32 s1, $0x7F0  }
0x670: {  	v31 =	vshll.u32 v31, $0x4;
	v28 =	vshll.u32 v28, $0x4;
	v32 =	vshll.u32 v32, $0x4;
	v38 =	vld [tilespmem:s0+$0xFFFFFF20]  }
0x671: {  	v27 =	vshll.u32 v27, $0x4;
	v22 =	vshll.u32 v22, $0x4;
	v21 =	vshll.u32 v21, $0x4;
	v39 =	vld [tilespmem:s0+$0xFFFFFF30]  }
0x672: {  	v23 =	vor.u32 v1, v23;
	v24 =	vor.u32 v1, v24;
	v25 =	vor.u32 v1, v25;
	v40 =	vld [tilespmem:s0+$0xFFFFFF40]  }
0x673: {  	v26 =	vor.u32 v1, v26;
	v33 =	vor.u32 v1, v33;
	v41 =	vld [tilespmem:s0+$0xFFFFFF50];
	v36 =	vmul.f32 v36, v19  }
0x674: {  	v35 =	vor.u32 v1, v35;
	v29 =	vor.u32 v1, v29;
	v37 =	vmul.f32 v37, v19;
	v42 =	vld [tilespmem:s0+$0xFFFFFF60]  }
0x675: {  	v34 =	vor.u32 v1, v34;
	v38 =	vmul.f32 v38, v19;
	v43 =	vld [tilespmem:s0+$0xFFFFFF70];
	v36 =	vadd.f32 v36, v20  }
0x676: {  	v30 =	vor.u32 v1, v30;
	v37 =	vadd.f32 v37, v20;
	v39 =	vmul.f32 v39, v19;
	v44 =	vld [tilespmem:s0+$0x0]  }
0x677: {  	v38 =	vadd.f32 v38, v20;
	v40 =	vmul.f32 v40, v19;
	v45 =	vld [tilespmem:s0+$0x10];
	v36 =	vmin.f32 v36, $2.047000000e+03  }
0x678: {  	v39 =	vadd.f32 v39, v20;
	v41 =	vmul.f32 v41, v19;
	v46 =	vld [tilespmem:s0+$0x20];
	v36 =	vtrunc.f32 v36  }
0x679: {  	v40 =	vadd.f32 v40, v20;
	v42 =	vmul.f32 v42, v19;
	v47 =	vld [tilespmem:s0+$0x30];
	v36 =	vcvt.f32.s32 v36  }
0x67a: {  	v37 =	vmin.f32 v37, $2.047000000e+03;
	v41 =	vadd.f32 v41, v20;
	v43 =	vmul.f32 v43, v19;
	v48 =	vld [tilespmem:s0+$0x40]  }
0x67b: {  	v42 =	vadd.f32 v42, v20;
	v44 =	vmul.f32 v44, v19;
	v49 =	vld [tilespmem:s0+$0x50];
	v36 =	vshll.u32 v36, $0x4  }
0x67c: {  	v43 =	vadd.f32 v43, v20;
	v45 =	vmul.f32 v45, v19;
	v50 =	vld [tilespmem:s0+$0x60];
	v36 =	vor.u32 v1, v36  }
0x67d: {  	v38 =	vmin.f32 v38, $2.047000000e+03;
	v51 =	vld [tilespmem:s0+$0xFFFFFF00];
	v44 =	vadd.f32 v44, v20;
	v46 =	vmul.f32 v46, v19  }
0x67e: {  	v39 =	vmin.f32 v39, $2.047000000e+03;
	v45 =	vadd.f32 v45, v20;
	v47 =	vmul.f32 v47, v19;
	[tilespmem:v23+s25+$0x0] =	vst.idx.add.f32.msk $0xffff, v2  }
0x67f: {  	v23 =	vmin.f32 v40, $2.047000000e+03;
	v40 =	vadd.f32 v46, v20;
	v46 =	vmul.f32 v48, v19;
	[tilespmem:v24+s25+$0x0] =	vst.idx.add.f32.msk $0xffff, v2  }
0x680: {  	v24 =	vmin.f32 v41, $2.047000000e+03;
	v41 =	vadd.f32 v47, v20;
	v47 =	vmul.f32 v49, v19;
	[tilespmem:v25+s25+$0x0] =	vst.idx.add.f32.msk $0xffff, v2  }
0x681: {  	v25 =	vmin.f32 v42, $2.047000000e+03;
	v42 =	vadd.f32 v46, v20;
	v46 =	vmul.f32 v50, v19;
	[tilespmem:v36+s25+$0x0] =	vst.idx.add.f32.msk $0xffff, v2  }
0x682: {  	v43 =	vmin.f32 v43, $2.047000000e+03;
	v36 =	vmul.f32 v51, v19;
	v47 =	vadd.f32 v47, v20;
	[tilespmem:v26+s25+$0x0] =	vst.idx.add.f32.msk $0xffff, v2  }
0x683: {  	v26 =	vmin.f32 v44, $2.047000000e+03;
	v44 =	vmin.f32 v45, $2.047000000e+03;
	v45 =	vadd.f32 v46, v20;
	[tilespmem:v33+s25+$0x0] =	vst.idx.add.f32.msk $0xffff, v2  }
0x684: {  	v33 =	vadd.f32 v36, v20;
	v36 =	vmin.f32 v40, $2.047000000e+03;
	v40 =	vmin.f32 v41, $2.047000000e+03;
	[tilespmem:v35+s25+$0x0] =	vst.idx.add.f32.msk $0xffff, v2  }
0x685: {  	v35 =	vmin.f32 v42, $2.047000000e+03;
	v41 =	vmin.f32 v47, $2.047000000e+03;
	v42 =	vmin.f32 v45, $2.047000000e+03;
	[tilespmem:v29+s25+$0x0] =	vst.idx.add.f32.msk $0xffff, v2  }
0x686: {  	v29 =	vmin.f32 v33, $2.047000000e+03;
	v33 =	vtrunc.f32 v37;
	v37 =	vtrunc.f32 v38;
	[tilespmem:v34+s25+$0x0] =	vst.idx.add.f32.msk $0xffff, v2  }
0x687: {  	v34 =	vtrunc.f32 v39;
	v29 =	vtrunc.f32 v29;
	[tilespmem:v30+s25+$0x0] =	vst.idx.add.f32.msk $0xffff, v2;
	v30 =	vor.u32 v1, v31  }
0x688: {  	v38 =	vtrunc.f32 v24;
	v31 =	vtrunc.f32 v23;
	v23 =	vor.u32 v1, v28  }
0x689: {  	v25 =	vtrunc.f32 v25;
	v24 =	vor.u32 v1, v32;
	v28 =	vtrunc.f32 v43  }
0x68a: {  	v27 =	vor.u32 v1, v27;
	v26 =	vtrunc.f32 v26;
	v32 =	vtrunc.f32 v44  }
0x68b: {  	v36 =	vtrunc.f32 v36;
	v39 =	vtrunc.f32 v40;
	v40 =	vor.u32 v1, v22  }
0x68c: {  	v22 =	vtrunc.f32 v41;
	v41 =	vor.u32 v1, v21;
	v43 =	vtrunc.f32 v35;
	[tilespmem:v30+s25+$0x0] =	vst.idx.add.f32.msk $0xffff, v2  }
0x68d: {  	v21 =	vtrunc.f32 v42;
	v29 =	vcvt.f32.s32 v29;
	[tilespmem:v23+s25+$0x0] =	vst.idx.add.f32.msk $0xffff, v2  }
0x68e: {  	v30 =	vcvt.f32.s32 v33;
	v33 =	vcvt.f32.s32 v37;
	[tilespmem:v24+s25+$0x0] =	vst.idx.add.f32.msk $0xffff, v2  }
.Ltmp31:
0x68f: {  	v42 =	vcvt.f32.s32 v31;
	v37 =	vcvt.f32.s32 v34;
	v23 =	vshll.u32 v29, $0x4;
	[tilespmem:v27+s25+$0x0] =	vst.idx.add.f32.msk $0xffff, v2;
	(pc) =	sbr.rel @p0 .LBB2_64-.Ltmp31, $4  }
0x690: {  	v35 =	vcvt.f32.s32 v38;
	v29 =	vcvt.f32.s32 v25;
	v24 =	vshll.u32 v30, $0x4;
	[tilespmem:v40+s25+$0x0] =	vst.idx.add.f32.msk $0xffff, v2  }
0x691: {  	v34 =	vcvt.f32.s32 v28;
	v25 =	vshll.u32 v33, $0x4;
	v30 =	vcvt.f32.s32 v26;
	[tilespmem:v41+s25+$0x0] =	vst.idx.add.f32.msk $0xffff, v2  }
0x692: {  	v31 =	vcvt.f32.s32 v32;
	v28 =	vcvt.f32.s32 v36;
	v26 =	vshll.u32 v37, $0x4  }
0x693: {  	s0 =	sadd.s32 $0x200, s0;
	v32 =	vcvt.f32.s32 v39;
	v33 =	vshll.u32 v42, $0x4;
	v27 =	vcvt.f32.s32 v43  }
0x694: {  	v23 =	vor.u32 v1, v23  }
0x695: {  	v24 =	vor.u32 v1, v24  }
0x696: {  	v25 =	vor.u32 v1, v25  }
0x697: {  	v26 =	vor.u32 v1, v26  }
0x698: {  	v35 =	vshll.u32 v35, $0x4;
	v33 =	vor.u32 v1, v33;
	v22 =	vcvt.f32.s32 v22  }
0x699: {  	v29 =	vshll.u32 v29, $0x4;
	v21 =	vcvt.f32.s32 v21;
	v35 =	vor.u32 v1, v35;
	[tilespmem:v23+s25+$0x0] =	vst.idx.add.f32.msk $0xffff, v2  }
0x69a: {  	v29 =	vor.u32 v1, v29;
	v22 =	vshll.u32 v22, $0x4;
	[tilespmem:v24+s25+$0x0] =	vst.idx.add.f32.msk $0xffff, v2  }
0x69b: {  	v21 =	vshll.u32 v21, $0x4;
	v22 =	vor.u32 v1, v22;
	[tilespmem:v25+s25+$0x0] =	vst.idx.add.f32.msk $0xffff, v2  }
0x69c: {  	v21 =	vor.u32 v1, v21;
	v23 =	vshll.u32 v34, $0x4;
	[tilespmem:v26+s25+$0x0] =	vst.idx.add.f32.msk $0xffff, v2  }
0x69d: {  	v24 =	vshll.u32 v30, $0x4;
	[tilespmem:v33+s25+$0x0] =	vst.idx.add.f32.msk $0xffff, v2;
	v23 =	vor.u32 v1, v23  }
0x69e: {  	v25 =	vshll.u32 v31, $0x4;
	v24 =	vor.u32 v1, v24;
	[tilespmem:v35+s25+$0x0] =	vst.idx.add.f32.msk $0xffff, v2  }
0x69f: {  	v26 =	vshll.u32 v28, $0x4;
	v25 =	vor.u32 v1, v25;
	[tilespmem:v29+s25+$0x0] =	vst.idx.add.f32.msk $0xffff, v2  }
0x6a0: {  	v28 =	vshll.u32 v32, $0x4;
	v26 =	vor.u32 v1, v26;
	[tilespmem:v22+s25+$0x0] =	vst.idx.add.f32.msk $0xffff, v2  }
0x6a1: {  	v27 =	vshll.u32 v27, $0x4;
	v28 =	vor.u32 v1, v28;
	[tilespmem:v21+s25+$0x0] =	vst.idx.add.f32.msk $0xffff, v2  }
0x6a2: {  	[tilespmem:v23+s25+$0x0] =	vst.idx.add.f32.msk $0xffff, v2;
	v23 =	vor.u32 v1, v27  }
0x6a3: {  	[tilespmem:v24+s25+$0x0] =	vst.idx.add.f32.msk $0xffff, v2  }
0x6a4: {  	[tilespmem:v25+s25+$0x0] =	vst.idx.add.f32.msk $0xffff, v2  }
0x6a5: {  	[tilespmem:v26+s25+$0x0] =	vst.idx.add.f32.msk $0xffff, v2  }
0x6a6: {  	[tilespmem:v28+s25+$0x0] =	vst.idx.add.f32.msk $0xffff, v2  }
0x6a7: {  	[tilespmem:v23+s25+$0x0] =	vst.idx.add.f32.msk $0xffff, v2  }
0x6a8: {  	_ =	swait.ge [sflag:s26], $0x8000  }
0x6a9: {  	[sflag:s26] =	ssyncset.done $0x0  }
0x6aa: {  	s0 =	simm.s32 $0x180;
	[sflag:s26] =	ssyncadd.s32 $0xFFFF8000  }
0x6ab: {  	v21 =	vld [tilespmem:s0+$0x70]  }
0x6ac: {  	v22 =	vld [tilespmem:s0+$0xFFFFFF10]  }
0x6ad: {  	v23 =	vld [tilespmem:s0+$0xFFFFFF20]  }
0x6ae: {  	v24 =	vld [tilespmem:s0+$0xFFFFFF30]  }
0x6af: {  	v25 =	vld [tilespmem:s0+$0xFFFFFF40]  }
0x6b0: {  	v26 =	vld [tilespmem:s0+$0xFFFFFF50]  }
0x6b1: {  	v27 =	vld [tilespmem:s0+$0xFFFFFF60]  }
0x6b2: {  	v28 =	vld [tilespmem:s0+$0xFFFFFF70]  }
0x6b3: {  	v29 =	vld [tilespmem:s0+$0x0]  }
0x6b4: {  	v30 =	vld [tilespmem:s0+$0x10]  }
0x6b5: {  	v31 =	vld [tilespmem:s0+$0x20];
	v21 =	vmul.f32 v21, v19;
	v22 =	vmul.f32 v22, v19  }
0x6b6: {  	v57 =	vld [tilespmem:s0+$0x30];
	v23 =	vmul.f32 v23, v19;
	v24 =	vmul.f32 v24, v19  }
0x6b7: {  	v58 =	vld [tilespmem:s0+$0x40];
	v25 =	vmul.f32 v25, v19;
	v26 =	vmul.f32 v26, v19  }
0x6b8: {  	v59 =	vld [tilespmem:s0+$0xFFFFFF00];
	v27 =	vmul.f32 v27, v19;
	v28 =	vmul.f32 v28, v19  }
0x6b9: {  	v60 =	vld [tilespmem:s0+$0x50];
	v29 =	vmul.f32 v29, v19;
	v30 =	vmul.f32 v30, v19;
	v21 =	vadd.f32 v21, v20  }
0x6ba: {  	v36 =	vld [tilespmem:s0+$0x60];
	v31 =	vmul.f32 v31, v19;
	v22 =	vadd.f32 v22, v20;
	v23 =	vadd.f32 v23, v20  }
0x6bb: {  	v32 =	vmul.f32 v57, v19;
	v24 =	vadd.f32 v24, v20;
	v25 =	vadd.f32 v25, v20  }
0x6bc: {  	v33 =	vmul.f32 v58, v19;
	v26 =	vadd.f32 v26, v20;
	v27 =	vadd.f32 v27, v20  }
0x6bd: {  	v34 =	vmul.f32 v59, v19;
	v28 =	vadd.f32 v28, v20;
	v29 =	vadd.f32 v29, v20  }
0x6be: {  	v35 =	vmul.f32 v60, v19;
	v30 =	vadd.f32 v30, v20;
	v31 =	vadd.f32 v31, v20  }
0x6bf: {  	v36 =	vmul.f32 v36, v19;
	v32 =	vadd.f32 v32, v20;
	v33 =	vadd.f32 v33, v20  }
0x6c0: {  	v34 =	vadd.f32 v34, v20;
	v21 =	vmin.f32 v21, $2.047000000e+03;
	v22 =	vmin.f32 v22, $2.047000000e+03  }
0x6c1: {  	v23 =	vmin.f32 v23, $2.047000000e+03;
	v24 =	vmin.f32 v24, $2.047000000e+03;
	v25 =	vmin.f32 v25, $2.047000000e+03  }
0x6c2: {  	v26 =	vmin.f32 v26, $2.047000000e+03;
	v27 =	vmin.f32 v27, $2.047000000e+03;
	v28 =	vmin.f32 v28, $2.047000000e+03  }
0x6c3: {  	v34 =	vmin.f32 v34, $2.047000000e+03;
	v21 =	vtrunc.f32 v21;
	v37 =	vtrunc.f32 v22  }
0x6c4: {  	v29 =	vmin.f32 v29, $2.047000000e+03;
	v23 =	vtrunc.f32 v23;
	v34 =	vtrunc.f32 v34  }
0x6c5: {  	v30 =	vmin.f32 v30, $2.047000000e+03;
	v24 =	vtrunc.f32 v24;
	v25 =	vtrunc.f32 v25  }
0x6c6: {  	v31 =	vmin.f32 v31, $2.047000000e+03;
	v26 =	vtrunc.f32 v26;
	v27 =	vtrunc.f32 v27  }
0x6c7: {  	v32 =	vmin.f32 v32, $2.047000000e+03;
	v28 =	vtrunc.f32 v28;
	v61 =	vtrunc.f32 v29  }
0x6c8: {  	v33 =	vmin.f32 v33, $2.047000000e+03;
	v38 =	vtrunc.f32 v30;
	v39 =	vtrunc.f32 v31  }
0x6c9: {  	v35 =	vadd.f32 v35, v20;
	v32 =	vtrunc.f32 v32;
	v40 =	vtrunc.f32 v33  }
0x6ca: {  	v22 =	vadd.f32 v36, v20;
	v21 =	vcvt.f32.s32 v21;
	v31 =	vcvt.f32.s32 v34  }
0x6cb: {  	v29 =	vmin.f32 v35, $2.047000000e+03;
	v63 =	vcvt.f32.s32 v25;
	v35 =	vcvt.f32.s32 v26  }
0x6cc: {  	v30 =	vmin.f32 v22, $2.047000000e+03;
	v22 =	vtrunc.f32 v29;
	v29 =	vshll.u32 v21, $0x4  }
0x6cd: {  	v34 =	vcvt.f32.s32 v28;
	v28 =	vcvt.f32.s32 v39;
	v62 =	vor.u32 v1, v29  }
0x6ce: {  	v21 =	vtrunc.f32 v30;
	v30 =	vcvt.f32.s32 v23  }
0x6cf: {  	v32 =	vcvt.f32.s32 v32;
	v23 =	vshll.u32 v31, $0x4;
	v31 =	vcvt.f32.s32 v24  }
0x6d0: {  	v33 =	vshll.u32 v63, $0x4;
	v29 =	vcvt.f32.s32 v37;
	v25 =	vshll.u32 v30, $0x4  }
0x6d1: {  	v30 =	vcvt.f32.s32 v61;
	v26 =	vshll.u32 v31, $0x4;
	v31 =	vcvt.f32.s32 v38  }
0x6d2: {  	s2 =	simm.s32 $0x0;
	s1 =	simm.s32 $0x18010;
	s0 =	simm.s32 $0x380;
	v24 =	vshll.u32 v29, $0x4;
	v29 =	vcvt.f32.s32 v27;
	v27 =	vcvt.f32.s32 v40;
	[tilespmem:v62+s25+$0x0] =	vst.idx.add.f32.msk $0xffff, v2  }
.LBB2_66:
0x6d3: {  	v36 =	vld [tilespmem:s0+$0x70];
	s2 =	sadd.s32 $0x10, s2;
	v35 =	vshll.u32 v35, $0x4;
	v22 =	vcvt.f32.s32 v22;
	v21 =	vcvt.f32.s32 v21  }
0x6d4: {  	v29 =	vshll.u32 v29, $0x4;
	v34 =	vshll.u32 v34, $0x4;
	v30 =	vshll.u32 v30, $0x4;
	v37 =	vld [tilespmem:s0+$0xFFFFFF10];
	p0 =	slt.u32 s2, $0x7F0  }
0x6d5: {  	v31 =	vshll.u32 v31, $0x4;
	v28 =	vshll.u32 v28, $0x4;
	v32 =	vshll.u32 v32, $0x4;
	v38 =	vld [tilespmem:s0+$0xFFFFFF20]  }
0x6d6: {  	v27 =	vshll.u32 v27, $0x4;
	v22 =	vshll.u32 v22, $0x4;
	v21 =	vshll.u32 v21, $0x4;
	v39 =	vld [tilespmem:s0+$0xFFFFFF30]  }
0x6d7: {  	v23 =	vor.u32 v1, v23;
	v24 =	vor.u32 v1, v24;
	v25 =	vor.u32 v1, v25;
	v40 =	vld [tilespmem:s0+$0xFFFFFF40]  }
0x6d8: {  	v26 =	vor.u32 v1, v26;
	v33 =	vor.u32 v1, v33;
	v41 =	vld [tilespmem:s0+$0xFFFFFF50];
	v36 =	vmul.f32 v36, v19  }
0x6d9: {  	v35 =	vor.u32 v1, v35;
	v29 =	vor.u32 v1, v29;
	v37 =	vmul.f32 v37, v19;
	v42 =	vld [tilespmem:s0+$0xFFFFFF60]  }
0x6da: {  	v34 =	vor.u32 v1, v34;
	v38 =	vmul.f32 v38, v19;
	v43 =	vld [tilespmem:s0+$0xFFFFFF70];
	v36 =	vadd.f32 v36, v20  }
0x6db: {  	v30 =	vor.u32 v1, v30;
	v37 =	vadd.f32 v37, v20;
	v39 =	vmul.f32 v39, v19;
	v44 =	vld [tilespmem:s0+$0x0]  }
0x6dc: {  	v38 =	vadd.f32 v38, v20;
	v40 =	vmul.f32 v40, v19;
	v45 =	vld [tilespmem:s0+$0x10];
	v36 =	vmin.f32 v36, $2.047000000e+03  }
0x6dd: {  	v39 =	vadd.f32 v39, v20;
	v41 =	vmul.f32 v41, v19;
	v46 =	vld [tilespmem:s0+$0x20];
	v36 =	vtrunc.f32 v36  }
0x6de: {  	v40 =	vadd.f32 v40, v20;
	v42 =	vmul.f32 v42, v19;
	v47 =	vld [tilespmem:s0+$0x30];
	v36 =	vcvt.f32.s32 v36  }
0x6df: {  	v37 =	vmin.f32 v37, $2.047000000e+03;
	v41 =	vadd.f32 v41, v20;
	v43 =	vmul.f32 v43, v19;
	v48 =	vld [tilespmem:s0+$0x40]  }
0x6e0: {  	v42 =	vadd.f32 v42, v20;
	v44 =	vmul.f32 v44, v19;
	v49 =	vld [tilespmem:s0+$0x50];
	v36 =	vshll.u32 v36, $0x4  }
0x6e1: {  	v43 =	vadd.f32 v43, v20;
	v45 =	vmul.f32 v45, v19;
	v50 =	vld [tilespmem:s0+$0x60];
	v36 =	vor.u32 v1, v36  }
0x6e2: {  	v38 =	vmin.f32 v38, $2.047000000e+03;
	v51 =	vld [tilespmem:s0+$0xFFFFFF00];
	v44 =	vadd.f32 v44, v20;
	v46 =	vmul.f32 v46, v19  }
0x6e3: {  	v39 =	vmin.f32 v39, $2.047000000e+03;
	v45 =	vadd.f32 v45, v20;
	v47 =	vmul.f32 v47, v19;
	[tilespmem:v23+s25+$0x0] =	vst.idx.add.f32.msk $0xffff, v2  }
0x6e4: {  	v23 =	vmin.f32 v40, $2.047000000e+03;
	v40 =	vadd.f32 v46, v20;
	v46 =	vmul.f32 v48, v19;
	[tilespmem:v24+s25+$0x0] =	vst.idx.add.f32.msk $0xffff, v2  }
0x6e5: {  	v24 =	vmin.f32 v41, $2.047000000e+03;
	v41 =	vadd.f32 v47, v20;
	v47 =	vmul.f32 v49, v19;
	[tilespmem:v25+s25+$0x0] =	vst.idx.add.f32.msk $0xffff, v2  }
0x6e6: {  	s22 =	simm.s32 $0x100;
	v25 =	vmin.f32 v42, $2.047000000e+03;
	v42 =	vadd.f32 v46, v20;
	v46 =	vmul.f32 v50, v19;
	[tilespmem:v36+s25+$0x0] =	vst.idx.add.f32.msk $0xffff, v2  }
0x6e7: {  	v43 =	vmin.f32 v43, $2.047000000e+03;
	v36 =	vmul.f32 v51, v19;
	v47 =	vadd.f32 v47, v20;
	[tilespmem:v26+s25+$0x0] =	vst.idx.add.f32.msk $0xffff, v2  }
0x6e8: {  	v26 =	vmin.f32 v44, $2.047000000e+03;
	v44 =	vmin.f32 v45, $2.047000000e+03;
	v45 =	vadd.f32 v46, v20;
	[tilespmem:v33+s25+$0x0] =	vst.idx.add.f32.msk $0xffff, v2  }
0x6e9: {  	v33 =	vadd.f32 v36, v20;
	v36 =	vmin.f32 v40, $2.047000000e+03;
	v40 =	vmin.f32 v41, $2.047000000e+03;
	[tilespmem:v35+s25+$0x0] =	vst.idx.add.f32.msk $0xffff, v2  }
0x6ea: {  	v35 =	vmin.f32 v42, $2.047000000e+03;
	v41 =	vmin.f32 v47, $2.047000000e+03;
	v42 =	vmin.f32 v45, $2.047000000e+03;
	[tilespmem:v29+s25+$0x0] =	vst.idx.add.f32.msk $0xffff, v2  }
0x6eb: {  	v29 =	vmin.f32 v33, $2.047000000e+03;
	v33 =	vtrunc.f32 v37;
	v37 =	vtrunc.f32 v38;
	[tilespmem:v34+s25+$0x0] =	vst.idx.add.f32.msk $0xffff, v2  }
0x6ec: {  	v34 =	vtrunc.f32 v39;
	v29 =	vtrunc.f32 v29;
	[tilespmem:v30+s25+$0x0] =	vst.idx.add.f32.msk $0xffff, v2;
	v30 =	vor.u32 v1, v31  }
0x6ed: {  	v38 =	vtrunc.f32 v24;
	v31 =	vtrunc.f32 v23;
	v23 =	vor.u32 v1, v28  }
0x6ee: {  	v25 =	vtrunc.f32 v25;
	v24 =	vor.u32 v1, v32;
	v28 =	vtrunc.f32 v43  }
0x6ef: {  	v27 =	vor.u32 v1, v27;
	v26 =	vtrunc.f32 v26;
	v32 =	vtrunc.f32 v44  }
0x6f0: {  	v36 =	vtrunc.f32 v36;
	v39 =	vtrunc.f32 v40;
	v40 =	vor.u32 v1, v22  }
0x6f1: {  	v22 =	vtrunc.f32 v41;
	v41 =	vor.u32 v1, v21;
	v43 =	vtrunc.f32 v35;
	[tilespmem:v30+s25+$0x0] =	vst.idx.add.f32.msk $0xffff, v2  }
0x6f2: {  	v21 =	vtrunc.f32 v42;
	v29 =	vcvt.f32.s32 v29;
	[tilespmem:v23+s25+$0x0] =	vst.idx.add.f32.msk $0xffff, v2  }
0x6f3: {  	v30 =	vcvt.f32.s32 v33;
	v33 =	vcvt.f32.s32 v37;
	[tilespmem:v24+s25+$0x0] =	vst.idx.add.f32.msk $0xffff, v2  }
.Ltmp32:
0x6f4: {  	v42 =	vcvt.f32.s32 v31;
	v37 =	vcvt.f32.s32 v34;
	v23 =	vshll.u32 v29, $0x4;
	[tilespmem:v27+s25+$0x0] =	vst.idx.add.f32.msk $0xffff, v2;
	(pc) =	sbr.rel @p0 .LBB2_66-.Ltmp32, $4  }
0x6f5: {  	v35 =	vcvt.f32.s32 v38;
	v29 =	vcvt.f32.s32 v25;
	v24 =	vshll.u32 v30, $0x4;
	[tilespmem:v40+s25+$0x0] =	vst.idx.add.f32.msk $0xffff, v2  }
0x6f6: {  	v34 =	vcvt.f32.s32 v28;
	v25 =	vshll.u32 v33, $0x4;
	v30 =	vcvt.f32.s32 v26;
	[tilespmem:v41+s25+$0x0] =	vst.idx.add.f32.msk $0xffff, v2  }
0x6f7: {  	v31 =	vcvt.f32.s32 v32;
	v28 =	vcvt.f32.s32 v36;
	v26 =	vshll.u32 v37, $0x4  }
0x6f8: {  	s0 =	sadd.s32 $0x200, s0;
	v32 =	vcvt.f32.s32 v39;
	v33 =	vshll.u32 v42, $0x4;
	v27 =	vcvt.f32.s32 v43  }
0x6f9: {  	v19 =	vor.u32 v1, v23  }
0x6fa: {  	v20 =	vor.u32 v1, v24  }
0x6fb: {  	v23 =	vor.u32 v1, v25  }
0x6fc: {  	v24 =	vor.u32 v1, v26  }
0x6fd: {  	v25 =	vshll.u32 v35, $0x4;
	v26 =	vor.u32 v1, v33;
	v21 =	vcvt.f32.s32 v21  }
0x6fe: {  	v29 =	vshll.u32 v29, $0x4;
	v25 =	vor.u32 v1, v25;
	[tilespmem:v19+s25+$0x0] =	vst.idx.add.f32.msk $0xffff, v2  }
0x6ff: {  	v29 =	vor.u32 v1, v29;
	v21 =	vshll.u32 v21, $0x4;
	[tilespmem:v20+s25+$0x0] =	vst.idx.add.f32.msk $0xffff, v2  }
0x700: {  	v21 =	vor.u32 v1, v21;
	v19 =	vshll.u32 v34, $0x4;
	[tilespmem:v23+s25+$0x0] =	vst.idx.add.f32.msk $0xffff, v2  }
0x701: {  	v20 =	vshll.u32 v30, $0x4;
	[tilespmem:v24+s25+$0x0] =	vst.idx.add.f32.msk $0xffff, v2;
	v19 =	vor.u32 v1, v19  }
0x702: {  	v23 =	vshll.u32 v31, $0x4;
	[tilespmem:v26+s25+$0x0] =	vst.idx.add.f32.msk $0xffff, v2;
	v20 =	vor.u32 v1, v20  }
0x703: {  	v24 =	vshll.u32 v28, $0x4;
	v23 =	vor.u32 v1, v23;
	[tilespmem:v25+s25+$0x0] =	vst.idx.add.f32.msk $0xffff, v2  }
0x704: {  	v22 =	vcvt.f32.s32 v22;
	v26 =	vshll.u32 v32, $0x4;
	v24 =	vor.u32 v1, v24;
	[tilespmem:v29+s25+$0x0] =	vst.idx.add.f32.msk $0xffff, v2  }
0x705: {  	v25 =	vshll.u32 v27, $0x4;
	v26 =	vor.u32 v1, v26;
	[tilespmem:v21+s25+$0x0] =	vst.idx.add.f32.msk $0xffff, v2  }
0x706: {  	v22 =	vshll.u32 v22, $0x4;
	[tilespmem:v19+s25+$0x0] =	vst.idx.add.f32.msk $0xffff, v2;
	v19 =	vor.u32 v1, v25  }
0x707: {  	[tilespmem:v20+s25+$0x0] =	vst.idx.add.f32.msk $0xffff, v2;
	v20 =	vor.u32 v1, v22  }
0x708: {  	s0 =	simm.s32 $0x0;
	[tilespmem:v23+s25+$0x0] =	vst.idx.add.f32.msk $0xffff, v2;
	v22 =	vor.u32 s22, v3  }
0x709: {  	[tilespmem:v24+s25+$0x0] =	vst.idx.add.f32.msk $0xffff, v2;
	v23 =	vor.u32 s0, v3  }
0x70a: {  	v21 =	vor.u32 s0, v5;
	[tilespmem:v26+s25+$0x0] =	vst.idx.add.f32.msk $0xffff, v2  }
0x70b: {  	v24 =	vor.u32 s22, v5;
	[tilespmem:v19+s25+$0x0] =	vst.idx.add.f32.msk $0xffff, v2  }
0x70c: {  	v25 =	vor.u32 s0, v6;
	[tilespmem:v20+s25+$0x0] =	vst.idx.add.f32.msk $0xffff, v2  }
0x70d: {  	v26 =	vor.u32 s22, v6;
	v22 =	vld.idx.msk [tilespmem:v22+s25+$0x0], $0xffff  }
0x70e: {  	v27 =	vor.u32 s0, v7;
	v23 =	vld.idx.msk [tilespmem:v23+s25+$0x0], $0xffff  }
0x70f: {  	v28 =	vor.u32 s22, v7;
	v21 =	vld.idx.msk [tilespmem:v21+s25+$0x0], $0xffff  }
0x710: {  	v29 =	vor.u32 s0, v8;
	v24 =	vld.idx.msk [tilespmem:v24+s25+$0x0], $0xffff  }
0x711: {  	v30 =	vor.u32 s22, v8;
	v25 =	vld.idx.msk [tilespmem:v25+s25+$0x0], $0xffff  }
0x712: {  	v31 =	vor.u32 s0, v9;
	v26 =	vld.idx.msk [tilespmem:v26+s25+$0x0], $0xffff  }
0x713: {  	v55 =	vor.u32 s22, v9;
	v27 =	vld.idx.msk [tilespmem:v27+s25+$0x0], $0xffff  }
0x714: {  	v56 =	vor.u32 s0, v10;
	v28 =	vld.idx.msk [tilespmem:v28+s25+$0x0], $0xffff  }
0x715: {  	v57 =	vor.u32 s22, v10;
	v29 =	vld.idx.msk [tilespmem:v29+s25+$0x0], $0xffff  }
0x716: {  	v58 =	vor.u32 s0, v11;
	v30 =	vld.idx.msk [tilespmem:v30+s25+$0x0], $0xffff  }
0x717: {  	v36 =	vor.u32 s22, v11;
	v31 =	vld.idx.msk [tilespmem:v31+s25+$0x0], $0xffff  }
0x718: {  	v37 =	vor.u32 s0, v12;
	v32 =	vld.idx.msk [tilespmem:v55+s25+$0x0], $0xffff  }
0x719: {  	v38 =	vor.u32 s22, v12;
	v33 =	vld.idx.msk [tilespmem:v56+s25+$0x0], $0xffff  }
0x71a: {  	v39 =	vor.u32 s0, v13;
	v34 =	vld.idx.msk [tilespmem:v57+s25+$0x0], $0xffff  }
0x71b: {  	v40 =	vor.u32 s22, v13;
	v35 =	vld.idx.msk [tilespmem:v58+s25+$0x0], $0xffff  }
0x71c: {  	v41 =	vor.u32 s0, v14;
	v36 =	vld.idx.msk [tilespmem:v36+s25+$0x0], $0xffff  }
0x71d: {  	v19 =	vor.u32 s0, v4;
	v37 =	vld.idx.msk [tilespmem:v37+s25+$0x0], $0xffff  }
0x71e: {  	v20 =	vor.u32 s22, v4;
	v38 =	vld.idx.msk [tilespmem:v38+s25+$0x0], $0xffff  }
0x71f: {  	v42 =	vor.u32 s22, v14;
	v39 =	vld.idx.msk [tilespmem:v39+s25+$0x0], $0xffff  }
0x720: {  	v43 =	vor.u32 s0, v15;
	v40 =	vld.idx.msk [tilespmem:v40+s25+$0x0], $0xffff  }
0x721: {  	v44 =	vor.u32 s22, v15;
	v41 =	vld.idx.msk [tilespmem:v41+s25+$0x0], $0xffff  }
0x722: {  	v45 =	vor.u32 s0, v16;
	v19 =	vld.idx.msk [tilespmem:v19+s25+$0x0], $0xffff  }
0x723: {  	v47 =	vor.u32 s0, v17;
	v20 =	vld.idx.msk [tilespmem:v20+s25+$0x0], $0xffff  }
0x724: {  	v49 =	vor.u32 s0, v18;
	v42 =	vld.idx.msk [tilespmem:v42+s25+$0x0], $0xffff  }
0x725: {  	v46 =	vor.u32 s22, v16;
	v48 =	vor.u32 s22, v17;
	v50 =	vor.u32 s22, v18;
	s22 =	simm.s32 $0x300;
	v43 =	vld.idx.msk [tilespmem:v43+s25+$0x0], $0xffff  }
0x726: {  	v44 =	vld.idx.msk [tilespmem:v44+s25+$0x0], $0xffff;
	v61 =	vor.u32 s22, v6  }
0x727: {  	v45 =	vld.idx.msk [tilespmem:v45+s25+$0x0], $0xffff;
	v62 =	vor.u32 s22, v7  }
0x728: {  	v47 =	vld.idx.msk [tilespmem:v47+s25+$0x0], $0xffff;
	v19 =	vadd.f32 v19, v23;
	v20 =	vadd.f32 v20, v22  }
0x729: {  	s2 =	simm.s32 $0x200;
	v49 =	vld.idx.msk [tilespmem:v49+s25+$0x0], $0xffff;
	v22 =	vor.u32 s22, v3  }
0x72a: {  	v59 =	vor.u32 s2, v3;
	v50 =	vld.idx.msk [tilespmem:v50+s25+$0x0], $0xffff;
	v19 =	vadd.f32 v21, v19;
	v20 =	vadd.f32 v24, v20  }
0x72b: {  	v52 =	vld.idx.msk [tilespmem:v61+s25+$0x0], $0xffff;
	v21 =	vor.u32 s2, v4  }
0x72c: {  	v60 =	vor.u32 s22, v4;
	v54 =	vld.idx.msk [tilespmem:v62+s25+$0x0], $0xffff;
	v19 =	vadd.f32 v25, v19;
	v20 =	vadd.f32 v26, v20  }
0x72d: {  	v23 =	vld.idx.msk [tilespmem:v46+s25+$0x0], $0xffff;
	v25 =	vor.u32 s2, v5  }
0x72e: {  	v26 =	vor.u32 s22, v5;
	v22 =	vld.idx.msk [tilespmem:v22+s25+$0x0], $0xffff;
	v19 =	vadd.f32 v27, v19;
	v20 =	vadd.f32 v28, v20  }
0x72f: {  	v27 =	vld.idx.msk [tilespmem:v59+s25+$0x0], $0xffff;
	v28 =	vor.u32 s2, v6  }
0x730: {  	v21 =	vld.idx.msk [tilespmem:v21+s25+$0x0], $0xffff;
	v19 =	vadd.f32 v29, v19;
	v20 =	vadd.f32 v30, v20  }
0x731: {  	v29 =	vor.u32 s2, v7;
	v30 =	vld.idx.msk [tilespmem:v60+s25+$0x0], $0xffff  }
0x732: {  	v55 =	vor.u32 s22, v11;
	v25 =	vld.idx.msk [tilespmem:v25+s25+$0x0], $0xffff;
	v19 =	vadd.f32 v31, v19;
	v20 =	vadd.f32 v32, v20  }
0x733: {  	v26 =	vld.idx.msk [tilespmem:v26+s25+$0x0], $0xffff;
	v31 =	vor.u32 s2, v8  }
0x734: {  	v63 =	vor.u32 s22, v8;
	v28 =	vld.idx.msk [tilespmem:v28+s25+$0x0], $0xffff;
	v19 =	vadd.f32 v33, v19;
	v20 =	vadd.f32 v34, v20  }
0x735: {  	v51 =	vor.u32 s2, v9;
	v24 =	vld.idx.msk [tilespmem:v48+s25+$0x0], $0xffff;
	v21 =	vadd.f32 v21, v27  }
0x736: {  	v27 =	vor.u32 s22, v9;
	v29 =	vld.idx.msk [tilespmem:v29+s25+$0x0], $0xffff;
	v19 =	vadd.f32 v35, v19;
	v20 =	vadd.f32 v36, v20  }
0x737: {  	v53 =	vor.u32 s2, v10;
	v59 =	vld.idx.msk [tilespmem:v55+s25+$0x0], $0xffff;
	v22 =	vadd.f32 v30, v22;
	v21 =	vadd.f32 v25, v21  }
0x738: {  	v25 =	vor.u32 s22, v10;
	v30 =	vld.idx.msk [tilespmem:v31+s25+$0x0], $0xffff;
	v19 =	vadd.f32 v37, v19;
	v20 =	vadd.f32 v38, v20  }
0x739: {  	v32 =	vld.idx.msk [tilespmem:v63+s25+$0x0], $0xffff;
	v31 =	vor.u32 s2, v11;
	v22 =	vadd.f32 v26, v22;
	v21 =	vadd.f32 v28, v21  }
0x73a: {  	v56 =	vor.u32 s22, v12;
	v26 =	vld.idx.msk [tilespmem:v51+s25+$0x0], $0xffff;
	v19 =	vadd.f32 v39, v19;
	v20 =	vadd.f32 v40, v20  }
0x73b: {  	v28 =	vor.u32 s2, v12;
	v27 =	vld.idx.msk [tilespmem:v27+s25+$0x0], $0xffff;
	v22 =	vadd.f32 v52, v22;
	v21 =	vadd.f32 v29, v21  }
0x73c: {  	v57 =	vor.u32 s2, v13;
	v29 =	vld.idx.msk [tilespmem:v53+s25+$0x0], $0xffff;
	v19 =	vadd.f32 v41, v19;
	v20 =	vadd.f32 v42, v20  }
0x73d: {  	v58 =	vor.u32 s22, v13;
	v25 =	vld.idx.msk [tilespmem:v25+s25+$0x0], $0xffff;
	v22 =	vadd.f32 v54, v22;
	v21 =	vadd.f32 v30, v21  }
0x73e: {  	v30 =	vld.idx.msk [tilespmem:v31+s25+$0x0], $0xffff;
	v31 =	vor.u32 s2, v14;
	v19 =	vadd.f32 v43, v19;
	v20 =	vadd.f32 v44, v20  }
0x73f: {  	v60 =	vor.u32 s22, v14;
	v33 =	vld.idx.msk [tilespmem:v56+s25+$0x0], $0xffff;
	v22 =	vadd.f32 v32, v22;
	v21 =	vadd.f32 v26, v21  }
0x740: {  	v61 =	vor.u32 s2, v15;
	v28 =	vld.idx.msk [tilespmem:v28+s25+$0x0], $0xffff;
	v19 =	vadd.f32 v45, v19;
	v20 =	vadd.f32 v23, v20  }
0x741: {  	v62 =	vor.u32 s22, v15;
	v34 =	vld.idx.msk [tilespmem:v57+s25+$0x0], $0xffff;
	v22 =	vadd.f32 v27, v22;
	v21 =	vadd.f32 v29, v21  }
0x742: {  	v63 =	vor.u32 s2, v16;
	v23 =	vld.idx.msk [tilespmem:v58+s25+$0x0], $0xffff;
	v19 =	vadd.f32 v47, v19;
	v20 =	vadd.f32 v24, v20  }
0x743: {  	v26 =	vld.idx.msk [tilespmem:v31+s25+$0x0], $0xffff;
	v24 =	vadd.f32 v25, v22;
	v25 =	vadd.f32 v30, v21;
	v21 =	vor.u32 s22, v16  }
0x744: {  	v22 =	vld.idx.msk [tilespmem:v60+s25+$0x0], $0xffff;
	v30 =	vor.u32 s2, v17;
	v27 =	vadd.f32 v49, v19;
	v29 =	vadd.f32 v50, v20  }
0x745: {  	v31 =	vadd.f32 v59, v24;
	v28 =	vadd.f32 v28, v25;
	v25 =	vld.idx.msk [tilespmem:v61+s25+$0x0], $0xffff;
	v20 =	vor.u32 s22, v17  }
0x746: {  	v24 =	vld.idx.msk [tilespmem:v62+s25+$0x0], $0xffff;
	[tilespmem:s1+$0x0] =	vst v29;
	v29 =	vor.u32 s2, v18  }
0x747: {  	s0 =	simm.s32 $0x2;
	v19 =	vor.u32 s22, v18;
	[tilespmem:s1+$0xFFFFFFF0] =	vst v27;
	v27 =	vadd.f32 v33, v31;
	v31 =	vadd.f32 v34, v28;
	v28 =	vld.idx.msk [tilespmem:v63+s25+$0x0], $0xffff;
	s2 =	simm.s32 $0x500  }
.LBB2_68:
0x748: {  	s22 =	sadd.s32 $0xFFFFFF00, s2;
	v32 =	vor.u32 s2, v3;
	v33 =	vor.u32 s2, v4;
	v34 =	vor.u32 s2, v5;
	v35 =	vld.idx.msk [tilespmem:v21+s25+$0x0], $0xffff  }
0x749: {  	v36 =	vor.u32 s2, v6;
	s0 =	sadd.s32 $0x2, s0;
	v21 =	vor.u32 s22, v3;
	v26 =	vadd.f32 v26, v31;
	v30 =	vld.idx.msk [tilespmem:v30+s25+$0x0], $0xffff  }
0x74a: {  	v37 =	vor.u32 s2, v7;
	v38 =	vor.u32 s2, v8;
	v31 =	vor.u32 s22, v4;
	p0 =	slt.u32 s0, $0x7E;
	v39 =	vld.idx.msk [tilespmem:v20+s25+$0x0], $0xffff  }
0x74b: {  	v40 =	vor.u32 s2, v9;
	v41 =	vor.u32 s2, v10;
	v20 =	vadd.f32 v25, v26;
	v25 =	vld.idx.msk [tilespmem:v29+s25+$0x0], $0xffff  }
0x74c: {  	v42 =	vor.u32 s2, v12;
	v26 =	vor.u32 s22, v5;
	v29 =	vor.u32 s2, v11;
	v43 =	vld.idx.msk [tilespmem:v19+s25+$0x0], $0xffff  }
0x74d: {  	v44 =	vor.u32 s2, v13;
	v45 =	vor.u32 s2, v14;
	v32 =	vld.idx.msk [tilespmem:v32+s25+$0x0], $0xffff;
	v19 =	vadd.f32 v28, v20  }
0x74e: {  	v47 =	vor.u32 s2, v15;
	v23 =	vadd.f32 v23, v27;
	v46 =	vor.u32 s22, v6;
	v28 =	vld.idx.msk [tilespmem:v21+s25+$0x0], $0xffff  }
0x74f: {  	v20 =	vor.u32 s2, v17;
	v21 =	vor.u32 s2, v16;
	v27 =	vld.idx.msk [tilespmem:v31+s25+$0x0], $0xffff;
	v30 =	vadd.f32 v30, v19  }
0x750: {  	v22 =	vadd.f32 v22, v23;
	v31 =	vor.u32 s22, v7;
	v19 =	vor.u32 s2, v18;
	v33 =	vld.idx.msk [tilespmem:v33+s25+$0x0], $0xffff  }
0x751: {  	v23 =	vld.idx.msk [tilespmem:v26+s25+$0x0], $0xffff;
	v25 =	vadd.f32 v25, v30  }
0x752: {  	s1 =	sadd.s32 $0x20, s1;
	v22 =	vadd.f32 v24, v22;
	v26 =	vor.u32 s22, v8;
	v30 =	vld.idx.msk [tilespmem:v34+s25+$0x0], $0xffff  }
0x753: {  	v24 =	vld.idx.msk [tilespmem:v46+s25+$0x0], $0xffff;
	[tilespmem:s1+$0xFFFFFFF0] =	vst v25  }
0x754: {  	v22 =	vadd.f32 v35, v22;
	v25 =	vor.u32 s22, v9;
	v34 =	vld.idx.msk [tilespmem:v36+s25+$0x0], $0xffff  }
0x755: {  	v27 =	vadd.f32 v27, v28;
	v28 =	vld.idx.msk [tilespmem:v31+s25+$0x0], $0xffff  }
0x756: {  	v22 =	vadd.f32 v39, v22;
	v31 =	vor.u32 s22, v10;
	v32 =	vadd.f32 v33, v32;
	v33 =	vld.idx.msk [tilespmem:v37+s25+$0x0], $0xffff  }
0x757: {  	v23 =	vadd.f32 v23, v27;
	v26 =	vld.idx.msk [tilespmem:v26+s25+$0x0], $0xffff  }
0x758: {  	v22 =	vadd.f32 v43, v22;
	v27 =	vor.u32 s22, v11;
	v30 =	vadd.f32 v30, v32;
	v32 =	vld.idx.msk [tilespmem:v38+s25+$0x0], $0xffff  }
0x759: {  	v23 =	vadd.f32 v24, v23;
	v24 =	vld.idx.msk [tilespmem:v25+s25+$0x0], $0xffff  }
0x75a: {  	v25 =	vor.u32 s22, v12;
	v30 =	vadd.f32 v34, v30;
	v34 =	vld.idx.msk [tilespmem:v40+s25+$0x0], $0xffff;
	[tilespmem:s1+$0x0] =	vst v22  }
0x75b: {  	v22 =	vadd.f32 v28, v23;
	v23 =	vld.idx.msk [tilespmem:v31+s25+$0x0], $0xffff  }
0x75c: {  	v28 =	vor.u32 s22, v13;
	v30 =	vadd.f32 v33, v30;
	v31 =	vld.idx.msk [tilespmem:v41+s25+$0x0], $0xffff  }
0x75d: {  	v22 =	vadd.f32 v26, v22;
	v26 =	vld.idx.msk [tilespmem:v27+s25+$0x0], $0xffff  }
0x75e: {  	v27 =	vor.u32 s22, v14;
	v30 =	vadd.f32 v32, v30;
	v29 =	vld.idx.msk [tilespmem:v29+s25+$0x0], $0xffff  }
0x75f: {  	v22 =	vadd.f32 v24, v22;
	v24 =	vld.idx.msk [tilespmem:v25+s25+$0x0], $0xffff  }
0x760: {  	v25 =	vor.u32 s22, v15;
	v30 =	vadd.f32 v34, v30;
	v32 =	vld.idx.msk [tilespmem:v42+s25+$0x0], $0xffff  }
0x761: {  	v22 =	vadd.f32 v23, v22;
	v28 =	vld.idx.msk [tilespmem:v28+s25+$0x0], $0xffff  }
0x762: {  	v33 =	vor.u32 s22, v16;
	v31 =	vadd.f32 v31, v30;
	v23 =	vld.idx.msk [tilespmem:v44+s25+$0x0], $0xffff  }
.Ltmp33:
0x763: {  	v34 =	vadd.f32 v26, v22;
	v26 =	vld.idx.msk [tilespmem:v27+s25+$0x0], $0xffff;
	(pc) =	sbr.rel @p0 .LBB2_68-.Ltmp33, $4  }
0x764: {  	v30 =	vor.u32 s22, v17;
	v27 =	vadd.f32 v29, v31;
	v22 =	vld.idx.msk [tilespmem:v45+s25+$0x0], $0xffff  }
0x765: {  	v31 =	vadd.f32 v24, v34;
	v25 =	vld.idx.msk [tilespmem:v25+s25+$0x0], $0xffff  }
0x766: {  	v29 =	vor.u32 s22, v18;
	v27 =	vadd.f32 v32, v27;
	v24 =	vld.idx.msk [tilespmem:v47+s25+$0x0], $0xffff  }
0x767: {  	s2 =	sadd.s32 $0x200, s2;
	v31 =	vadd.f32 v28, v31;
	v28 =	vld.idx.msk [tilespmem:v33+s25+$0x0], $0xffff  }
0x768: {  	_ =	sdelay $0x2  }
0x769: {  	v23 =	vadd.f32 v23, v27  }
0x76a: {  	v21 =	vld.idx.msk [tilespmem:v21+s25+$0x0], $0xffff;
	v26 =	vadd.f32 v26, v31  }
0x76b: {  	v59 =	vld.idx.msk [tilespmem:v30+s25+$0x0], $0xffff;
	v22 =	vadd.f32 v22, v23  }
0x76c: {  	v20 =	vld.idx.msk [tilespmem:v20+s25+$0x0], $0xffff;
	v60 =	vadd.f32 v25, v26  }
0x76d: {  	v61 =	vld.idx.msk [tilespmem:v29+s25+$0x0], $0xffff;
	v22 =	vadd.f32 v24, v22  }
0x76e: {  	v19 =	vld.idx.msk [tilespmem:v19+s25+$0x0], $0xffff;
	v23 =	vadd.f32 v28, v60  }
0x76f: {  	v21 =	vadd.f32 v21, v22  }
0x770: {  	v62 =	vadd.f32 v59, v23  }
0x771: {  	v20 =	vadd.f32 v20, v21  }
0x772: {  	v63 =	vadd.f32 v61, v62  }
0x773: {  	s0 =	sadd.s32 $0x20, s1;
	s31 =	sadd.s32 $0x1, s31;
	v19 =	vadd.f32 v19, v20  }
0x774: {  	p0 =	sne.s32 s31, s21;
	[tilespmem:s0+$0xFFFFFFF0] =	vst v63  }
.Ltmp34:
0x775: {  	[tilespmem:s0+$0x0] =	vst v19;
	(pc) =	sbr.rel @p0 .LBB2_1-.Ltmp34, $4  }
0x776: {  	[hbm4b:s20+s28] =	stream.strided.scatter [tilespmem:s30], [sflag:$0x3], $0x800, s29, s28, $0x38;
	[tilespmem:$0x18900] =	vst v63  }
0x777: {  	_ =	swait.ge [sflag:s23], $0x800  }
0x778: {  	[sflag:s23] =	ssyncset.done $0x0  }
0x779: {  	[sflag:s23] =	ssyncadd.s32 $0xFFFFF800  }
0x77a: {  	_ =	sfence.sel $0x180000  }
0x77b: {  	[bflag:$0x0] =	sbarrier.arrive $0xFFFF  }
0x77c: {  	_ =	strace $0x90000047  }
0x77d: {  	s0 =	stileid.u32;
	[bflag:$0x2] =	sbarrier.arrive $0xFFFF  }
0x77e: {  	p0 =	sne.s32 s0, $0x0;
	s0 =	rddreg [dreg:$0x3]  }
0x77f: {  	s0 =	sadd.s32 @!p0 $0x100000, s0  }
0x780: {  	[sflag:s0] =	ssyncadd.tile.s32 @!p0 $0x1;
	_ =	shalt  }
.Lfunc_end2:
_tile_overlayer_lowered:
.L_overlay_start_2:
0x781: {  	(tag) =	ssettag $0x2  }
0x782: {  	s0 =	rddreg [dreg:$0x0];
	s2 =	stileid.u32  }
0x783: {  	s1 =	rddreg [dreg:$0x1];
	p0 =	sne.s32 s2, $0x0  }
0x784: {  	s3 =	rddreg [dreg:$0x2];
	[bflag:$0x3] =	sbarrier.arrive $0xFFFF;
	s2 =	simm.s32 @!p0 $0x1C03  }
0x785: {  	[timem:s3], [sflag:s2] =	dma.local @!p0 [hbm:s0], s1  }
0x786: {  	s0 =	simm.s32 @!p0 $0x3  }
0x787: {  	_ =	swait.ge @!p0 [sflag:s0], s1  }
0x788: {  	s1 =	ssub.s32 @!p0 $0x0, s1;
	[sflag:s0] =	ssyncset.done @!p0 $0x0  }
0x789: {  	[sflag:s0] =	ssyncadd.s32 @!p0 s1  }
0x78a: {  	[bflag:$0x3] =	sbarrier.arrive $0xFFFF  }
0x78b: {  	_ =	shalt  }

</sc_bundles>
